<compile_context>
chip_gen: v7x
topology: tpu7x:2x2x1
jax: 0.10.2.dev20260603
libtpu: 0.0.44.dev20260713+nightly
codegen_flags: <defaults>
</compile_context>

<pallas_src>
import functools

import jax
import jax.numpy as jnp
import numpy as np
from jax import lax
from jax.experimental import pallas as pl
from jax.experimental.pallas import tpu as pltpu
from jax.experimental.pallas import tpu_sc as plsc

NUM_FIELDS = 26
EMBED_DIM = 16
BATCH = 16384
FIELD_SIZE = 100000
_OFFSETS_NP = np.arange(NUM_FIELDS, dtype=np.int32) * FIELD_SIZE

NUM_CORES = 2
NUM_SUBCORES = 16
NUM_WORKERS = NUM_CORES * NUM_SUBCORES
B_PER_W = BATCH // NUM_WORKERS
CHUNK_ROWS = 64
NUM_CHUNKS = B_PER_W // CHUNK_ROWS
CHUNK_IDX = CHUNK_ROWS * NUM_FIELDS


DT_COLS = 1024
DT_BLK_ELEMS = DT_COLS * EMBED_DIM
TOTAL_ROWS = 2600000
DT_NFULL = TOTAL_ROWS // DT_COLS
DT_TAIL = TOTAL_ROWS - DT_NFULL * DT_COLS


DT_NBUF = 3


def _detile_body(tab_t_hbm, tail_hbm, out_hbm,
                 slab0, slab1, slab2, obuf0, obuf1, obuf2,
                 sem_i0, sem_i1, sem_i2, sem_o0, sem_o1, sem_o2):
    c = lax.axis_index("c")
    s = lax.axis_index("s")
    wid = s * NUM_CORES + c
    lane = lax.iota(jnp.int32, 16)
    lane16 = lane * 16
    slabs = (slab0, slab1, slab2)
    obufs = (obuf0, obuf1, obuf2)
    sem_is = (sem_i0, sem_i1, sem_i2)
    sem_os = (sem_o0, sem_o1, sem_o2)

    def in_copies(k, bi):
        b = bi * NUM_WORKERS + wid
        return [
            pltpu.make_async_copy(
                tab_t_hbm.at[pl.ds(h * 8, 8), pl.ds(b * DT_COLS, DT_COLS)],
                slabs[k].at[pl.ds(h * 8, 8), :], sem_is[k])
            for h in range(2)
        ]

    def out_copy(k, bi):
        b = bi * NUM_WORKERS + wid
        return pltpu.make_async_copy(
            obufs[k], out_hbm.at[pl.ds(b * DT_COLS * 16, DT_BLK_ELEMS)],
            sem_os[k])

    def transpose_block(k):
        slab_v, outbuf_v = slabs[k], obufs[k]

        @plsc.parallel_loop(0, DT_COLS // 16, unroll=2)
        def _(jg):
            j = jg * 16
            for d in range(EMBED_DIM):
                v = slab_v[d, pl.ds(j, 16)]
                plsc.store_scatter(outbuf_v, [lane16 + (jg * 256 + d)], v)

    nper = (DT_NFULL + NUM_WORKERS - 1) // NUM_WORKERS
    ngrp = (nper + DT_NBUF - 1) // DT_NBUF
    mine = lambda bi: bi * NUM_WORKERS + wid < DT_NFULL

    for k in range(DT_NBUF):
        @pl.when(mine(k))
        def _(k=k):
            for cp in in_copies(k, k):
                cp.start()

    def ring_body(bp, carry):
        for k in range(DT_NBUF):
            bi = bp * DT_NBUF + k

            @pl.when(mine(bi))
            def _(k=k, bi=bi):
                for cp in in_copies(k, bi):
                    cp.wait()

                @pl.when(bi >= DT_NBUF)
                def _():
                    out_copy(k, bi - DT_NBUF).wait()

                transpose_block(k)
                out_copy(k, bi).start()

                @pl.when(mine(bi + DT_NBUF))
                def _():
                    for cp in in_copies(k, bi + DT_NBUF):
                        cp.start()

        return carry

    lax.fori_loop(0, ngrp, ring_body, 0)

    for bi in range(max(0, nper - DT_NBUF - 1), nper):
        @pl.when(jnp.logical_and(mine(bi),
                                 jnp.logical_not(mine(bi + DT_NBUF))))
        def _(bi=bi):
            out_copy(bi % DT_NBUF, bi).wait()

    @pl.when(wid == NUM_WORKERS - 1)
    def _():
        pltpu.sync_copy(tail_hbm, obuf0.at[pl.ds(0, DT_TAIL * EMBED_DIM)])
        pltpu.sync_copy(obuf0.at[pl.ds(0, DT_TAIL * EMBED_DIM)],
                        out_hbm.at[pl.ds(DT_NFULL * DT_BLK_ELEMS,
                                         DT_TAIL * EMBED_DIM)])


def _detile_call(table_t):
    mesh = plsc.VectorSubcoreMesh(
        core_axis_name="c", subcore_axis_name="s",
        num_cores=NUM_CORES, num_subcores=NUM_SUBCORES,
    )
    run = pl.kernel(
        _detile_body,
        out_type=jax.ShapeDtypeStruct((TOTAL_ROWS * EMBED_DIM,), jnp.float32),
        mesh=mesh,
        compiler_params=pltpu.CompilerParams(
            needs_layout_passes=False, use_tc_tiling_on_sc=True),
        scratch_types=(
            [pltpu.VMEM((EMBED_DIM, DT_COLS), jnp.float32)] * DT_NBUF
            + [pltpu.VMEM((DT_BLK_ELEMS,), jnp.float32)] * DT_NBUF
            + [pltpu.SemaphoreType.DMA] * (2 * DT_NBUF)
        ),
    )
    return run(table_t, table_t.T[TOTAL_ROWS - DT_TAIL:, :].reshape(-1))


_GDN = lax.GatherDimensionNumbers(
    offset_dims=(), collapsed_slice_dims=(0,), start_index_map=(0,))


def _lane_perm(v, perm):
    return lax.gather(v, perm, _GDN, (1,),
                      mode=lax.GatherScatterMode.PROMISE_IN_BOUNDS)


def _fm_body(idx_hbm, table_hbm, linw_hbm, out_hbm,
             idx_v, rows_v, lin_v, out_v, sem_e, sem_l):
    c = lax.axis_index("c")
    s = lax.axis_index("s")
    wid = s * NUM_CORES + c
    base = wid * B_PER_W
    lane = lax.iota(jnp.int32, 16)
    tail_mask = lane < (NUM_FIELDS - 16)
    bfly = [(lane ^ (1 << k)).reshape(16, 1) for k in range(4)]

    def chunk_body(g, carry):
        gbase = base + g * CHUNK_ROWS
        pltpu.sync_copy(idx_hbm.at[pl.ds(gbase * NUM_FIELDS, CHUNK_IDX)], idx_v)
        cp_e = pltpu.async_copy(table_hbm.at[idx_v], rows_v, sem_e)
        cp_l = pltpu.async_copy(linw_hbm.at[idx_v], lin_v.at[pl.ds(0, CHUNK_IDX)],
                                sem_l)
        cp_e.wait()
        cp_l.wait()

        @plsc.parallel_loop(0, CHUNK_ROWS // 16)
        def _(gr):
            for j in range(16):
                r = gr * 16 + j
                fbase = r * NUM_FIELDS
                v0 = rows_v[fbase, :]
                s_acc = v0
                q_acc = v0 * v0
                for f in range(1, NUM_FIELDS):
                    v = rows_v[fbase + f, :]
                    s_acc = s_acc + v
                    q_acc = q_acc + v * v
                l1 = lin_v[pl.ds(fbase, 16)]
                l2 = lin_v[pl.ds(fbase + 16, 16)]
                rvec = (0.5 * (s_acc * s_acc - q_acc)
                        + l1 + jnp.where(tail_mask, l2, 0.0))
                for perm in bfly:
                    rvec = rvec + _lane_perm(rvec, perm)
                out_idx = lane * 0 + (g * CHUNK_ROWS + gr * 16 + j)
                plsc.store_scatter(out_v, [out_idx], rvec, mask=lane == j)

        return carry

    lax.fori_loop(0, NUM_CHUNKS, chunk_body, 0)
    pltpu.sync_copy(out_v, out_hbm.at[pl.ds(base, B_PER_W)])


@functools.partial(jax.jit, static_argnames=())
def _fm_call(idx_flat, embed_table, linw_flat):
    mesh = plsc.VectorSubcoreMesh(
        core_axis_name="c", subcore_axis_name="s",
        num_cores=NUM_CORES, num_subcores=NUM_SUBCORES,
    )
    run = pl.kernel(
        _fm_body,
        out_type=jax.ShapeDtypeStruct((BATCH,), jnp.float32),
        mesh=mesh,
        compiler_params=pltpu.CompilerParams(
            needs_layout_passes=False, use_tc_tiling_on_sc=False),
        scratch_types=[
            pltpu.VMEM((CHUNK_IDX,), jnp.int32),
            pltpu.VMEM((CHUNK_IDX, EMBED_DIM), jnp.float32),
            pltpu.VMEM((CHUNK_IDX + 16,), jnp.float32),
            pltpu.VMEM((B_PER_W,), jnp.float32),
            pltpu.SemaphoreType.DMA,
            pltpu.SemaphoreType.DMA,
        ],
    )
    return run(idx_flat, embed_table, linw_flat)


def kernel(x, embed_table, linear_w, bias):
    idx_flat = (x + jnp.asarray(_OFFSETS_NP)[None, :]).reshape(-1)
    table_rm = _detile_call(embed_table.T).reshape(TOTAL_ROWS, EMBED_DIM)
    out = _fm_call(idx_flat, table_rm, linear_w.reshape(-1))
    return out.reshape(BATCH, 1) + bias

# --- scband reference (transcript-rebuilt; emitter-appended) ---
"""Pipeline reference for scband-fm-6305011991190 (READ-ONLY COPY).

The authoritative reference and input builder live on the scoring server;
editing this copy changes nothing except your own understanding.
"""

import jax, jax.numpy as jnp
import numpy as np

FIELD_DIMS = [100000] * 26
EMBED_DIM = 16
BATCH = 16384
TOTAL = sum(FIELD_DIMS)
OFFSETS = jnp.asarray(np.concatenate([[0], np.cumsum(FIELD_DIMS)[:-1]]), dtype=jnp.int32)


def setup_inputs(seed: int = 0) -> dict:
    key = jax.random.key(seed)
    k1, k2, k3 = jax.random.split(key, 3)
    x = jax.random.randint(k1, (BATCH, len(FIELD_DIMS)), 0, 100000, dtype=jnp.int32)
    embed_table = jax.random.normal(k2, (TOTAL, EMBED_DIM), dtype=jnp.float32) * 0.01
    linear_w = jax.random.normal(k3, (TOTAL, 1), dtype=jnp.float32) * 0.01
    bias = jnp.zeros((1,), dtype=jnp.float32)
    return {"x": x, "embed_table": embed_table, "linear_w": linear_w, "bias": bias}


def reference(x, embed_table, linear_w, bias):
    # FeaturesEmbedding: offset each field index into the flattened table, then gather
    idx = x + OFFSETS[None, :]                     # (B, F)
    embed_x = jnp.take(embed_table, idx, axis=0)   # (B, F, D)
    # FeaturesLinear: per-feature scalar weights summed over fields + bias
    lin = jnp.sum(jnp.take(linear_w, idx, axis=0), axis=1) + bias  # (B, 1)
    # PairwiseInteraction: 0.5 * sum_d[(sum_f v)^2 - sum_f v^2]
    square_of_sum = jnp.sum(embed_x, axis=1) ** 2          # (B, D)
    sum_of_square = jnp.sum(embed_x ** 2, axis=1)          # (B, D)
    pairwise = 0.5 * jnp.sum(square_of_sum - sum_of_square, axis=1, keepdims=True)  # (B, 1)
    return lin + pairwise

if __name__ == "__main__":
    import jax
    _d = setup_inputs()
    print(jax.jit(kernel)(*tuple(_d.values())))

</pallas_src>

<mosaic_0001>
#map = affine_map<(d0, d1) -> (0)>
#map1 = affine_map<(d0, d1) -> (0, 0)>
module attributes {stable_mosaic.version = 14 : i64} {
  func.func @_fm_body(%arg0: i32, %arg1: i32, %arg2: memref<425984xi32, #tpu.memory_space<hbm>>, %arg3: memref<2600000x16xf32, #tpu.memory_space<hbm>>, %arg4: memref<2600000xf32, #tpu.memory_space<hbm>>, %arg5: memref<16384xf32, #tpu.memory_space<hbm>>, %arg6: memref<1664xi32, #tpu.memory_space<vmem>>, %arg7: memref<1664x16xf32, #tpu.memory_space<vmem>>, %arg8: memref<1680xf32, #tpu.memory_space<vmem>>, %arg9: memref<512xf32, #tpu.memory_space<vmem>>, %arg10: memref<!tpu.dma_semaphore, #tpu.memory_space<semaphore_mem>>, %arg11: memref<!tpu.dma_semaphore, #tpu.memory_space<semaphore_mem>>) attributes {dimension_semantics = [#tpu.dimension_semantics<core_parallel>, #tpu.dimension_semantics<subcore_parallel>], iteration_bounds = array<i64: 2, 16>, scalar_prefetch = 0 : i64, scratch_operands = 6 : i64, tpu.core_type = #tpu.core_type<sc_vector_subcore>, window_params = [{transform_indices = #map}, {transform_indices = #map1}, {transform_indices = #map}, {transform_indices = #map}]} {
    %mul3A = arith.constant 2 : i32
    %mul3A_0 = arith.muli %arg1, %mul3A : i32
    %add3A = arith.addi %mul3A_0, %arg0 : i32
    %mul3A_1 = arith.constant 512 : i32
    %mul3A_2 = arith.muli %add3A, %mul3A_1 : i32
    %iota3A = tpu.iota {dimensions = array<i32: 0>} : vector<16xi32>
    %lt3A = arith.constant 10 : i32
    %lt3A_3 = vector.broadcast %lt3A : i32 to vector<16xi32>
    %lt3A_4 = arith.cmpi slt, %iota3A, %lt3A_3 : vector<16xi32>
    %xor3A = arith.constant 1 : i32
    %xor3A_5 = vector.broadcast %xor3A : i32 to vector<16xi32>
    %xor3A_6 = arith.xori %iota3A, %xor3A_5 : vector<16xi32>
    %reshape3A = vector.shape_cast %xor3A_6 : vector<16xi32> to vector<16x1xi32>
    %xor3A_7 = arith.constant 2 : i32
    %xor3A_8 = vector.broadcast %xor3A_7 : i32 to vector<16xi32>
    %xor3A_9 = arith.xori %iota3A, %xor3A_8 : vector<16xi32>
    %reshape3A_10 = vector.shape_cast %xor3A_9 : vector<16xi32> to vector<16x1xi32>
    %xor3A_11 = arith.constant 4 : i32
    %xor3A_12 = vector.broadcast %xor3A_11 : i32 to vector<16xi32>
    %xor3A_13 = arith.xori %iota3A, %xor3A_12 : vector<16xi32>
    %reshape3A_14 = vector.shape_cast %xor3A_13 : vector<16xi32> to vector<16x1xi32>
    %xor3A_15 = arith.constant 8 : i32
    %xor3A_16 = vector.broadcast %xor3A_15 : i32 to vector<16xi32>
    %xor3A_17 = arith.xori %iota3A, %xor3A_16 : vector<16xi32>
    %reshape3A_18 = vector.shape_cast %xor3A_17 : vector<16xi32> to vector<16x1xi32>
    %scan3A = arith.constant 0 : i32
    %scan3A_19 = arith.constant 0 : i32
    %scan3A_20 = arith.constant 8 : i32
    %scan3A_21 = arith.addi %scan3A_19, %scan3A_20 : i32
    %scan3A_22 = arith.constant 1 : i32
    scf.for %scan3A_24 = %scan3A_19 to %scan3A_21 step %scan3A_22  : i32 {
      %mul3A_25 = arith.constant 64 : i32
      %mul3A_26 = arith.muli %scan3A_24, %mul3A_25 : i32
      %add3A_27 = arith.addi %mul3A_2, %mul3A_26 : i32
      %mul3A_28 = arith.constant 26 : i32
      %mul3A_29 = arith.muli %add3A_27, %mul3A_28 : i32
      "tpu.region"() ({
        %run_scoped3A = tpu.sem_alloc : memref<!tpu.dma_semaphore, #tpu.memory_space<semaphore_mem>>
        %dma_start3A_44 = tpu.memref_slice %arg2[%mul3A_29] : memref<425984xi32, #tpu.memory_space<hbm>> -> memref<1664xi32, #tpu.memory_space<hbm>>
        %dma_start3A_45 = tpu.memref_slice %arg2[%mul3A_29] : memref<425984xi32, #tpu.memory_space<hbm>> -> memref<1664xi32, #tpu.memory_space<hbm>>
        tpu.enqueue_dma source(%dma_start3A_45 : memref<1664xi32, #tpu.memory_space<hbm>>) target(%arg6 : memref<1664xi32, #tpu.memory_space<vmem>>) target_semaphore(%run_scoped3A : memref<!tpu.dma_semaphore, #tpu.memory_space<semaphore_mem>>)
        %dma_wait3A_46 = tpu.memref_slice %arg2[%mul3A_29] : memref<425984xi32, #tpu.memory_space<hbm>> -> memref<1664xi32, #tpu.memory_space<hbm>>
        %dma_wait3A_47 = tpu.memref_slice %arg2[%mul3A_29] : memref<425984xi32, #tpu.memory_space<hbm>> -> memref<1664xi32, #tpu.memory_space<hbm>>
        tpu.wait_dma2 semaphore(%run_scoped3A : memref<!tpu.dma_semaphore, #tpu.memory_space<semaphore_mem>>) src(%dma_wait3A_47 : memref<1664xi32, #tpu.memory_space<hbm>>) dst(%arg6 : memref<1664xi32, #tpu.memory_space<vmem>>)
        tpu.yield
      }) : () -> ()
      %dma_start3A = arith.constant 0 : i32
      %dma_start3A_30 = arith.constant 0 : i32
      %dma_start3A_31 = tpu.memref_slice %arg3[%dma_start3A, %dma_start3A_30] : memref<2600000x16xf32, #tpu.memory_space<hbm>> -> memref<2600000x16xf32, #tpu.memory_space<hbm>>
      tpu.enqueue_indirect_dma source(%dma_start3A_31 : memref<2600000x16xf32, #tpu.memory_space<hbm>>) target(%arg7 : memref<1664x16xf32, #tpu.memory_space<vmem>>) offsets(%arg6 : memref<1664xi32, #tpu.memory_space<vmem>>) semaphore(%arg10 : memref<!tpu.dma_semaphore, #tpu.memory_space<semaphore_mem>>)
      %dma_start3A_32 = arith.constant 0 : i32
      %dma_start3A_33 = tpu.memref_slice %arg8[%dma_start3A_32] : memref<1680xf32, #tpu.memory_space<vmem>> -> memref<1664xf32, #tpu.memory_space<vmem>>
      %dma_start3A_34 = arith.constant 0 : i32
      %dma_start3A_35 = tpu.memref_slice %arg4[%dma_start3A_34] : memref<2600000xf32, #tpu.memory_space<hbm>> -> memref<2600000xf32, #tpu.memory_space<hbm>>
      tpu.enqueue_indirect_dma source(%dma_start3A_35 : memref<2600000xf32, #tpu.memory_space<hbm>>) target(%dma_start3A_33 : memref<1664xf32, #tpu.memory_space<vmem>>) offsets(%arg6 : memref<1664xi32, #tpu.memory_space<vmem>>) semaphore(%arg11 : memref<!tpu.dma_semaphore, #tpu.memory_space<semaphore_mem>>)
      %dma_wait3A = arith.constant 0 : i32
      %dma_wait3A_36 = arith.constant 0 : i32
      %dma_wait3A_37 = tpu.memref_slice %arg3[%dma_wait3A, %dma_wait3A_36] : memref<2600000x16xf32, #tpu.memory_space<hbm>> -> memref<2600000x16xf32, #tpu.memory_space<hbm>>
      tpu.wait_indirect_dma semaphore(%arg10 : memref<!tpu.dma_semaphore, #tpu.memory_space<semaphore_mem>>) src(%dma_wait3A_37 : memref<2600000x16xf32, #tpu.memory_space<hbm>>) dst(%arg7 : memref<1664x16xf32, #tpu.memory_space<vmem>>)
      %dma_wait3A_38 = arith.constant 0 : i32
      %dma_wait3A_39 = tpu.memref_slice %arg8[%dma_wait3A_38] : memref<1680xf32, #tpu.memory_space<vmem>> -> memref<1664xf32, #tpu.memory_space<vmem>>
      %dma_wait3A_40 = arith.constant 0 : i32
      %dma_wait3A_41 = tpu.memref_slice %arg4[%dma_wait3A_40] : memref<2600000xf32, #tpu.memory_space<hbm>> -> memref<2600000xf32, #tpu.memory_space<hbm>>
      tpu.wait_indirect_dma semaphore(%arg11 : memref<!tpu.dma_semaphore, #tpu.memory_space<semaphore_mem>>) src(%dma_wait3A_41 : memref<2600000xf32, #tpu.memory_space<hbm>>) dst(%dma_wait3A_39 : memref<1664xf32, #tpu.memory_space<vmem>>)
      %parallel_loop3A = arith.constant 0 : i32
      %parallel_loop3A_42 = arith.constant 4 : i32
      %parallel_loop3A_43 = arith.constant 1 : i32
      scf.for %parallel_loop3A_44 = %parallel_loop3A to %parallel_loop3A_42 step %parallel_loop3A_43  : i32 {
        %parallel_loop3A_45 = arith.constant 16 : i32
        %parallel_loop3A_46 = arith.muli %parallel_loop3A_44, %parallel_loop3A_45 : i32
        %parallel_loop3A_47 = arith.constant 0 : i32
        %parallel_loop3A_48 = arith.addi %parallel_loop3A_46, %parallel_loop3A_47 : i32
        %parallel_loop3A_49 = arith.constant 26 : i32
        %parallel_loop3A_50 = arith.muli %parallel_loop3A_48, %parallel_loop3A_49 : i32
        %parallel_loop3A_51 = arith.index_cast %parallel_loop3A_50 : i32 to index
        %parallel_loop3A_52 = arith.constant 0 : index
        %parallel_loop3A_53 = tpu.vector_load %arg7[%parallel_loop3A_51, %parallel_loop3A_52] {strides = array<i32>} : memref<1664x16xf32, #tpu.memory_space<vmem>>, vector<16xf32>,
        %parallel_loop3A_54 = arith.mulf %parallel_loop3A_53, %parallel_loop3A_53 : vector<16xf32>
        %parallel_loop3A_55 = arith.constant 1 : i32
        %parallel_loop3A_56 = arith.addi %parallel_loop3A_50, %parallel_loop3A_55 : i32
        %parallel_loop3A_57 = arith.index_cast %parallel_loop3A_56 : i32 to index
        %parallel_loop3A_58 = arith.constant 0 : index
        %parallel_loop3A_59 = tpu.vector_load %arg7[%parallel_loop3A_57, %parallel_loop3A_58] {strides = array<i32>} : memref<1664x16xf32, #tpu.memory_space<vmem>>, vector<16xf32>,
        %parallel_loop3A_60 = arith.addf %parallel_loop3A_53, %parallel_loop3A_59 : vector<16xf32>
        %parallel_loop3A_61 = arith.mulf %parallel_loop3A_59, %parallel_loop3A_59 : vector<16xf32>
        %parallel_loop3A_62 = arith.addf %parallel_loop3A_54, %parallel_loop3A_61 : vector<16xf32>
        %parallel_loop3A_63 = arith.constant 2 : i32
        %parallel_loop3A_64 = arith.addi %parallel_loop3A_50, %parallel_loop3A_63 : i32
        %parallel_loop3A_65 = arith.index_cast %parallel_loop3A_64 : i32 to index
        %parallel_loop3A_66 = arith.constant 0 : index
        %parallel_loop3A_67 = tpu.vector_load %arg7[%parallel_loop3A_65, %parallel_loop3A_66] {strides = array<i32>} : memref<1664x16xf32, #tpu.memory_space<vmem>>, vector<16xf32>,
        %parallel_loop3A_68 = arith.addf %parallel_loop3A_60, %parallel_loop3A_67 : vector<16xf32>
        %parallel_loop3A_69 = arith.mulf %parallel_loop3A_67, %parallel_loop3A_67 : vector<16xf32>
        %parallel_loop3A_70 = arith.addf %parallel_loop3A_62, %parallel_loop3A_69 : vector<16xf32>
        %parallel_loop3A_71 = arith.constant 3 : i32
        %parallel_loop3A_72 = arith.addi %parallel_loop3A_50, %parallel_loop3A_71 : i32
        %parallel_loop3A_73 = arith.index_cast %parallel_loop3A_72 : i32 to index
        %parallel_loop3A_74 = arith.constant 0 : index
        %parallel_loop3A_75 = tpu.vector_load %arg7[%parallel_loop3A_73, %parallel_loop3A_74] {strides = array<i32>} : memref<1664x16xf32, #tpu.memory_space<vmem>>, vector<16xf32>,
        %parallel_loop3A_76 = arith.addf %parallel_loop3A_68, %parallel_loop3A_75 : vector<16xf32>
        %parallel_loop3A_77 = arith.mulf %parallel_loop3A_75, %parallel_loop3A_75 : vector<16xf32>
        %parallel_loop3A_78 = arith.addf %parallel_loop3A_70, %parallel_loop3A_77 : vector<16xf32>
        %parallel_loop3A_79 = arith.constant 4 : i32
        %parallel_loop3A_80 = arith.addi %parallel_loop3A_50, %parallel_loop3A_79 : i32
        %parallel_loop3A_81 = arith.index_cast %parallel_loop3A_80 : i32 to index
        %parallel_loop3A_82 = arith.constant 0 : index
        %parallel_loop3A_83 = tpu.vector_load %arg7[%parallel_loop3A_81, %parallel_loop3A_82] {strides = array<i32>} : memref<1664x16xf32, #tpu.memory_space<vmem>>, vector<16xf32>,
        %parallel_loop3A_84 = arith.addf %parallel_loop3A_76, %parallel_loop3A_83 : vector<16xf32>
        %parallel_loop3A_85 = arith.mulf %parallel_loop3A_83, %parallel_loop3A_83 : vector<16xf32>
        %parallel_loop3A_86 = arith.addf %parallel_loop3A_78, %parallel_loop3A_85 : vector<16xf32>
        %parallel_loop3A_87 = arith.constant 5 : i32
        %parallel_loop3A_88 = arith.addi %parallel_loop3A_50, %parallel_loop3A_87 : i32
        %parallel_loop3A_89 = arith.index_cast %parallel_loop3A_88 : i32 to index
        %parallel_loop3A_90 = arith.constant 0 : index
        %parallel_loop3A_91 = tpu.vector_load %arg7[%parallel_loop3A_89, %parallel_loop3A_90] {strides = array<i32>} : memref<1664x16xf32, #tpu.memory_space<vmem>>, vector<16xf32>,
        %parallel_loop3A_92 = arith.addf %parallel_loop3A_84, %parallel_loop3A_91 : vector<16xf32>
        %parallel_loop3A_93 = arith.mulf %parallel_loop3A_91, %parallel_loop3A_91 : vector<16xf32>
        %parallel_loop3A_94 = arith.addf %parallel_loop3A_86, %parallel_loop3A_93 : vector<16xf32>
        %parallel_loop3A_95 = arith.constant 6 : i32
        %parallel_loop3A_96 = arith.addi %parallel_loop3A_50, %parallel_loop3A_95 : i32
        %parallel_loop3A_97 = arith.index_cast %parallel_loop3A_96 : i32 to index
        %parallel_loop3A_98 = arith.constant 0 : index
        %parallel_loop3A_99 = tpu.vector_load %arg7[%parallel_loop3A_97, %parallel_loop3A_98] {strides = array<i32>} : memref<1664x16xf32, #tpu.memory_space<vmem>>, vector<16xf32>,
        %parallel_loop3A_100 = arith.addf %parallel_loop3A_92, %parallel_loop3A_99 : vector<16xf32>
        %parallel_loop3A_101 = arith.mulf %parallel_loop3A_99, %parallel_loop3A_99 : vector<16xf32>
        %parallel_loop3A_102 = arith.addf %parallel_loop3A_94, %parallel_loop3A_101 : vector<16xf32>
        %parallel_loop3A_103 = arith.constant 7 : i32
        %parallel_loop3A_104 = arith.addi %parallel_loop3A_50, %parallel_loop3A_103 : i32
        %parallel_loop3A_105 = arith.index_cast %parallel_loop3A_104 : i32 to index
        %parallel_loop3A_106 = arith.constant 0 : index
        %parallel_loop3A_107 = tpu.vector_load %arg7[%parallel_loop3A_105, %parallel_loop3A_106] {strides = array<i32>} : memref<1664x16xf32, #tpu.memory_space<vmem>>, vector<16xf32>,
        %parallel_loop3A_108 = arith.addf %parallel_loop3A_100, %parallel_loop3A_107 : vector<16xf32>
        %parallel_loop3A_109 = arith.mulf %parallel_loop3A_107, %parallel_loop3A_107 : vector<16xf32>
        %parallel_loop3A_110 = arith.addf %parallel_loop3A_102, %parallel_loop3A_109 : vector<16xf32>
        %parallel_loop3A_111 = arith.constant 8 : i32
        %parallel_loop3A_112 = arith.addi %parallel_loop3A_50, %parallel_loop3A_111 : i32
        %parallel_loop3A_113 = arith.index_cast %parallel_loop3A_112 : i32 to index
        %parallel_loop3A_114 = arith.constant 0 : index
        %parallel_loop3A_115 = tpu.vector_load %arg7[%parallel_loop3A_113, %parallel_loop3A_114] {strides = array<i32>} : memref<1664x16xf32, #tpu.memory_space<vmem>>, vector<16xf32>,
        %parallel_loop3A_116 = arith.addf %parallel_loop3A_108, %parallel_loop3A_115 : vector<16xf32>
        %parallel_loop3A_117 = arith.mulf %parallel_loop3A_115, %parallel_loop3A_115 : vector<16xf32>
        %parallel_loop3A_118 = arith.addf %parallel_loop3A_110, %parallel_loop3A_117 : vector<16xf32>
        %parallel_loop3A_119 = arith.constant 9 : i32
        %parallel_loop3A_120 = arith.addi %parallel_loop3A_50, %parallel_loop3A_119 : i32
        %parallel_loop3A_121 = arith.index_cast %parallel_loop3A_120 : i32 to index
        %parallel_loop3A_122 = arith.constant 0 : index
        %parallel_loop3A_123 = tpu.vector_load %arg7[%parallel_loop3A_121, %parallel_loop3A_122] {strides = array<i32>} : memref<1664x16xf32, #tpu.memory_space<vmem>>, vector<16xf32>,
        %parallel_loop3A_124 = arith.addf %parallel_loop3A_116, %parallel_loop3A_123 : vector<16xf32>
        %parallel_loop3A_125 = arith.mulf %parallel_loop3A_123, %parallel_loop3A_123 : vector<16xf32>
        %parallel_loop3A_126 = arith.addf %parallel_loop3A_118, %parallel_loop3A_125 : vector<16xf32>
        %parallel_loop3A_127 = arith.constant 10 : i32
        %parallel_loop3A_128 = arith.addi %parallel_loop3A_50, %parallel_loop3A_127 : i32
        %parallel_loop3A_129 = arith.index_cast %parallel_loop3A_128 : i32 to index
        %parallel_loop3A_130 = arith.constant 0 : index
        %parallel_loop3A_131 = tpu.vector_load %arg7[%parallel_loop3A_129, %parallel_loop3A_130] {strides = array<i32>} : memref<1664x16xf32, #tpu.memory_space<vmem>>, vector<16xf32>,
        %parallel_loop3A_132 = arith.addf %parallel_loop3A_124, %parallel_loop3A_131 : vector<16xf32>
        %parallel_loop3A_133 = arith.mulf %parallel_loop3A_131, %parallel_loop3A_131 : vector<16xf32>
        %parallel_loop3A_134 = arith.addf %parallel_loop3A_126, %parallel_loop3A_133 : vector<16xf32>
        %parallel_loop3A_135 = arith.constant 11 : i32
        %parallel_loop3A_136 = arith.addi %parallel_loop3A_50, %parallel_loop3A_135 : i32
        %parallel_loop3A_137 = arith.index_cast %parallel_loop3A_136 : i32 to index
        %parallel_loop3A_138 = arith.constant 0 : index
        %parallel_loop3A_139 = tpu.vector_load %arg7[%parallel_loop3A_137, %parallel_loop3A_138] {strides = array<i32>} : memref<1664x16xf32, #tpu.memory_space<vmem>>, vector<16xf32>,
        %parallel_loop3A_140 = arith.addf %parallel_loop3A_132, %parallel_loop3A_139 : vector<16xf32>
        %parallel_loop3A_141 = arith.mulf %parallel_loop3A_139, %parallel_loop3A_139 : vector<16xf32>
        %parallel_loop3A_142 = arith.addf %parallel_loop3A_134, %parallel_loop3A_141 : vector<16xf32>
        %parallel_loop3A_143 = arith.constant 12 : i32
        %parallel_loop3A_144 = arith.addi %parallel_loop3A_50, %parallel_loop3A_143 : i32
        %parallel_loop3A_145 = arith.index_cast %parallel_loop3A_144 : i32 to index
        %parallel_loop3A_146 = arith.constant 0 : index
        %parallel_loop3A_147 = tpu.vector_load %arg7[%parallel_loop3A_145, %parallel_loop3A_146] {strides = array<i32>} : memref<1664x16xf32, #tpu.memory_space<vmem>>, vector<16xf32>,
        %parallel_loop3A_148 = arith.addf %parallel_loop3A_140, %parallel_loop3A_147 : vector<16xf32>
        %parallel_loop3A_149 = arith.mulf %parallel_loop3A_147, %parallel_loop3A_147 : vector<16xf32>
        %parallel_loop3A_150 = arith.addf %parallel_loop3A_142, %parallel_loop3A_149 : vector<16xf32>
        %parallel_loop3A_151 = arith.constant 13 : i32
        %parallel_loop3A_152 = arith.addi %parallel_loop3A_50, %parallel_loop3A_151 : i32
        %parallel_loop3A_153 = arith.index_cast %parallel_loop3A_152 : i32 to index
        %parallel_loop3A_154 = arith.constant 0 : index
        %parallel_loop3A_155 = tpu.vector_load %arg7[%parallel_loop3A_153, %parallel_loop3A_154] {strides = array<i32>} : memref<1664x16xf32, #tpu.memory_space<vmem>>, vector<16xf32>,
        %parallel_loop3A_156 = arith.addf %parallel_loop3A_148, %parallel_loop3A_155 : vector<16xf32>
        %parallel_loop3A_157 = arith.mulf %parallel_loop3A_155, %parallel_loop3A_155 : vector<16xf32>
        %parallel_loop3A_158 = arith.addf %parallel_loop3A_150, %parallel_loop3A_157 : vector<16xf32>
        %parallel_loop3A_159 = arith.constant 14 : i32
        %parallel_loop3A_160 = arith.addi %parallel_loop3A_50, %parallel_loop3A_159 : i32
        %parallel_loop3A_161 = arith.index_cast %parallel_loop3A_160 : i32 to index
        %parallel_loop3A_162 = arith.constant 0 : index
        %parallel_loop3A_163 = tpu.vector_load %arg7[%parallel_loop3A_161, %parallel_loop3A_162] {strides = array<i32>} : memref<1664x16xf32, #tpu.memory_space<vmem>>, vector<16xf32>,
        %parallel_loop3A_164 = arith.addf %parallel_loop3A_156, %parallel_loop3A_163 : vector<16xf32>
        %parallel_loop3A_165 = arith.mulf %parallel_loop3A_163, %parallel_loop3A_163 : vector<16xf32>
        %parallel_loop3A_166 = arith.addf %parallel_loop3A_158, %parallel_loop3A_165 : vector<16xf32>
        %parallel_loop3A_167 = arith.constant 15 : i32
        %parallel_loop3A_168 = arith.addi %parallel_loop3A_50, %parallel_loop3A_167 : i32
        %parallel_loop3A_169 = arith.index_cast %parallel_loop3A_168 : i32 to index
        %parallel_loop3A_170 = arith.constant 0 : index
        %parallel_loop3A_171 = tpu.vector_load %arg7[%parallel_loop3A_169, %parallel_loop3A_170] {strides = array<i32>} : memref<1664x16xf32, #tpu.memory_space<vmem>>, vector<16xf32>,
        %parallel_loop3A_172 = arith.addf %parallel_loop3A_164, %parallel_loop3A_171 : vector<16xf32>
        %parallel_loop3A_173 = arith.mulf %parallel_loop3A_171, %parallel_loop3A_171 : vector<16xf32>
        %parallel_loop3A_174 = arith.addf %parallel_loop3A_166, %parallel_loop3A_173 : vector<16xf32>
        %parallel_loop3A_175 = arith.constant 16 : i32
        %parallel_loop3A_176 = arith.addi %parallel_loop3A_50, %parallel_loop3A_175 : i32
        %parallel_loop3A_177 = arith.index_cast %parallel_loop3A_176 : i32 to index
        %parallel_loop3A_178 = arith.constant 0 : index
        %parallel_loop3A_179 = tpu.vector_load %arg7[%parallel_loop3A_177, %parallel_loop3A_178] {strides = array<i32>} : memref<1664x16xf32, #tpu.memory_space<vmem>>, vector<16xf32>,
        %parallel_loop3A_180 = arith.addf %parallel_loop3A_172, %parallel_loop3A_179 : vector<16xf32>
        %parallel_loop3A_181 = arith.mulf %parallel_loop3A_179, %parallel_loop3A_179 : vector<16xf32>
        %parallel_loop3A_182 = arith.addf %parallel_loop3A_174, %parallel_loop3A_181 : vector<16xf32>
        %parallel_loop3A_183 = arith.constant 17 : i32
        %parallel_loop3A_184 = arith.addi %parallel_loop3A_50, %parallel_loop3A_183 : i32
        %parallel_loop3A_185 = arith.index_cast %parallel_loop3A_184 : i32 to index
        %parallel_loop3A_186 = arith.constant 0 : index
        %parallel_loop3A_187 = tpu.vector_load %arg7[%parallel_loop3A_185, %parallel_loop3A_186] {strides = array<i32>} : memref<1664x16xf32, #tpu.memory_space<vmem>>, vector<16xf32>,
        %parallel_loop3A_188 = arith.addf %parallel_loop3A_180, %parallel_loop3A_187 : vector<16xf32>
        %parallel_loop3A_189 = arith.mulf %parallel_loop3A_187, %parallel_loop3A_187 : vector<16xf32>
        %parallel_loop3A_190 = arith.addf %parallel_loop3A_182, %parallel_loop3A_189 : vector<16xf32>
        %parallel_loop3A_191 = arith.constant 18 : i32
        %parallel_loop3A_192 = arith.addi %parallel_loop3A_50, %parallel_loop3A_191 : i32
        %parallel_loop3A_193 = arith.index_cast %parallel_loop3A_192 : i32 to index
        %parallel_loop3A_194 = arith.constant 0 : index
        %parallel_loop3A_195 = tpu.vector_load %arg7[%parallel_loop3A_193, %parallel_loop3A_194] {strides = array<i32>} : memref<1664x16xf32, #tpu.memory_space<vmem>>, vector<16xf32>,
        %parallel_loop3A_196 = arith.addf %parallel_loop3A_188, %parallel_loop3A_195 : vector<16xf32>
        %parallel_loop3A_197 = arith.mulf %parallel_loop3A_195, %parallel_loop3A_195 : vector<16xf32>
        %parallel_loop3A_198 = arith.addf %parallel_loop3A_190, %parallel_loop3A_197 : vector<16xf32>
        %parallel_loop3A_199 = arith.constant 19 : i32
        %parallel_loop3A_200 = arith.addi %parallel_loop3A_50, %parallel_loop3A_199 : i32
        %parallel_loop3A_201 = arith.index_cast %parallel_loop3A_200 : i32 to index
        %parallel_loop3A_202 = arith.constant 0 : index
        %parallel_loop3A_203 = tpu.vector_load %arg7[%parallel_loop3A_201, %parallel_loop3A_202] {strides = array<i32>} : memref<1664x16xf32, #tpu.memory_space<vmem>>, vector<16xf32>,
        %parallel_loop3A_204 = arith.addf %parallel_loop3A_196, %parallel_loop3A_203 : vector<16xf32>
        %parallel_loop3A_205 = arith.mulf %parallel_loop3A_203, %parallel_loop3A_203 : vector<16xf32>
        %parallel_loop3A_206 = arith.addf %parallel_loop3A_198, %parallel_loop3A_205 : vector<16xf32>
        %parallel_loop3A_207 = arith.constant 20 : i32
        %parallel_loop3A_208 = arith.addi %parallel_loop3A_50, %parallel_loop3A_207 : i32
        %parallel_loop3A_209 = arith.index_cast %parallel_loop3A_208 : i32 to index
        %parallel_loop3A_210 = arith.constant 0 : index
        %parallel_loop3A_211 = tpu.vector_load %arg7[%parallel_loop3A_209, %parallel_loop3A_210] {strides = array<i32>} : memref<1664x16xf32, #tpu.memory_space<vmem>>, vector<16xf32>,
        %parallel_loop3A_212 = arith.addf %parallel_loop3A_204, %parallel_loop3A_211 : vector<16xf32>
        %parallel_loop3A_213 = arith.mulf %parallel_loop3A_211, %parallel_loop3A_211 : vector<16xf32>
        %parallel_loop3A_214 = arith.addf %parallel_loop3A_206, %parallel_loop3A_213 : vector<16xf32>
        %parallel_loop3A_215 = arith.constant 21 : i32
        %parallel_loop3A_216 = arith.addi %parallel_loop3A_50, %parallel_loop3A_215 : i32
        %parallel_loop3A_217 = arith.index_cast %parallel_loop3A_216 : i32 to index
        %parallel_loop3A_218 = arith.constant 0 : index
        %parallel_loop3A_219 = tpu.vector_load %arg7[%parallel_loop3A_217, %parallel_loop3A_218] {strides = array<i32>} : memref<1664x16xf32, #tpu.memory_space<vmem>>, vector<16xf32>,
        %parallel_loop3A_220 = arith.addf %parallel_loop3A_212, %parallel_loop3A_219 : vector<16xf32>
        %parallel_loop3A_221 = arith.mulf %parallel_loop3A_219, %parallel_loop3A_219 : vector<16xf32>
        %parallel_loop3A_222 = arith.addf %parallel_loop3A_214, %parallel_loop3A_221 : vector<16xf32>
        %parallel_loop3A_223 = arith.constant 22 : i32
        %parallel_loop3A_224 = arith.addi %parallel_loop3A_50, %parallel_loop3A_223 : i32
        %parallel_loop3A_225 = arith.index_cast %parallel_loop3A_224 : i32 to index
        %parallel_loop3A_226 = arith.constant 0 : index
        %parallel_loop3A_227 = tpu.vector_load %arg7[%parallel_loop3A_225, %parallel_loop3A_226] {strides = array<i32>} : memref<1664x16xf32, #tpu.memory_space<vmem>>, vector<16xf32>,
        %parallel_loop3A_228 = arith.addf %parallel_loop3A_220, %parallel_loop3A_227 : vector<16xf32>
        %parallel_loop3A_229 = arith.mulf %parallel_loop3A_227, %parallel_loop3A_227 : vector<16xf32>
        %parallel_loop3A_230 = arith.addf %parallel_loop3A_222, %parallel_loop3A_229 : vector<16xf32>
        %parallel_loop3A_231 = arith.constant 23 : i32
        %parallel_loop3A_232 = arith.addi %parallel_loop3A_50, %parallel_loop3A_231 : i32
        %parallel_loop3A_233 = arith.index_cast %parallel_loop3A_232 : i32 to index
        %parallel_loop3A_234 = arith.constant 0 : index
        %parallel_loop3A_235 = tpu.vector_load %arg7[%parallel_loop3A_233, %parallel_loop3A_234] {strides = array<i32>} : memref<1664x16xf32, #tpu.memory_space<vmem>>, vector<16xf32>,
        %parallel_loop3A_236 = arith.addf %parallel_loop3A_228, %parallel_loop3A_235 : vector<16xf32>
        %parallel_loop3A_237 = arith.mulf %parallel_loop3A_235, %parallel_loop3A_235 : vector<16xf32>
        %parallel_loop3A_238 = arith.addf %parallel_loop3A_230, %parallel_loop3A_237 : vector<16xf32>
        %parallel_loop3A_239 = arith.constant 24 : i32
        %parallel_loop3A_240 = arith.addi %parallel_loop3A_50, %parallel_loop3A_239 : i32
        %parallel_loop3A_241 = arith.index_cast %parallel_loop3A_240 : i32 to index
        %parallel_loop3A_242 = arith.constant 0 : index
        %parallel_loop3A_243 = tpu.vector_load %arg7[%parallel_loop3A_241, %parallel_loop3A_242] {strides = array<i32>} : memref<1664x16xf32, #tpu.memory_space<vmem>>, vector<16xf32>,
        %parallel_loop3A_244 = arith.addf %parallel_loop3A_236, %parallel_loop3A_243 : vector<16xf32>
        %parallel_loop3A_245 = arith.mulf %parallel_loop3A_243, %parallel_loop3A_243 : vector<16xf32>
        %parallel_loop3A_246 = arith.addf %parallel_loop3A_238, %parallel_loop3A_245 : vector<16xf32>
        %parallel_loop3A_247 = arith.constant 25 : i32
        %parallel_loop3A_248 = arith.addi %parallel_loop3A_50, %parallel_loop3A_247 : i32
        %parallel_loop3A_249 = arith.index_cast %parallel_loop3A_248 : i32 to index
        %parallel_loop3A_250 = arith.constant 0 : index
        %parallel_loop3A_251 = tpu.vector_load %arg7[%parallel_loop3A_249, %parallel_loop3A_250] {strides = array<i32>} : memref<1664x16xf32, #tpu.memory_space<vmem>>, vector<16xf32>,
        %parallel_loop3A_252 = arith.addf %parallel_loop3A_244, %parallel_loop3A_251 : vector<16xf32>
        %parallel_loop3A_253 = arith.mulf %parallel_loop3A_251, %parallel_loop3A_251 : vector<16xf32>
        %parallel_loop3A_254 = arith.addf %parallel_loop3A_246, %parallel_loop3A_253 : vector<16xf32>
        %parallel_loop3A_255 = arith.index_cast %parallel_loop3A_50 : i32 to index
        %parallel_loop3A_256 = tpu.vector_load %arg8[%parallel_loop3A_255] {strides = array<i32>} : memref<1680xf32, #tpu.memory_space<vmem>>, vector<16xf32>,
        %parallel_loop3A_257 = arith.constant 16 : i32
        %parallel_loop3A_258 = arith.addi %parallel_loop3A_50, %parallel_loop3A_257 : i32
        %parallel_loop3A_259 = arith.index_cast %parallel_loop3A_258 : i32 to index
        %parallel_loop3A_260 = tpu.vector_load %arg8[%parallel_loop3A_259] {strides = array<i32>} : memref<1680xf32, #tpu.memory_space<vmem>>, vector<16xf32>,
        %parallel_loop3A_261 = arith.mulf %parallel_loop3A_252, %parallel_loop3A_252 : vector<16xf32>
        %parallel_loop3A_262 = arith.subf %parallel_loop3A_261, %parallel_loop3A_254 : vector<16xf32>
        %parallel_loop3A_263 = arith.constant 5.000000e-01 : f32
        %parallel_loop3A_264 = vector.broadcast %parallel_loop3A_263 : f32 to vector<16xf32>
        %parallel_loop3A_265 = arith.mulf %parallel_loop3A_264, %parallel_loop3A_262 : vector<16xf32>
        %parallel_loop3A_266 = arith.addf %parallel_loop3A_265, %parallel_loop3A_256 : vector<16xf32>
        %parallel_loop3A_267 = arith.constant 0.000000e+00 : f32
        %parallel_loop3A_268 = vector.broadcast %parallel_loop3A_267 : f32 to vector<16xf32>
        %parallel_loop3A_269 = arith.select %lt3A_4, %parallel_loop3A_260, %parallel_loop3A_268 : vector<16xi1>, vector<16xf32>
        %parallel_loop3A_270 = arith.addf %parallel_loop3A_266, %parallel_loop3A_269 : vector<16xf32>
        %parallel_loop3A_271 = vector.shape_cast %reshape3A : vector<16x1xi32> to vector<16xi32>
        %parallel_loop3A_272 = tpu.dynamic_gather %parallel_loop3A_270[%parallel_loop3A_271] in [0] : vector<16xf32>, vector<16xi32> -> vector<16xf32>
        %parallel_loop3A_273 = arith.addf %parallel_loop3A_270, %parallel_loop3A_272 : vector<16xf32>
        %parallel_loop3A_274 = vector.shape_cast %reshape3A_10 : vector<16x1xi32> to vector<16xi32>
        %parallel_loop3A_275 = tpu.dynamic_gather %parallel_loop3A_273[%parallel_loop3A_274] in [0] : vector<16xf32>, vector<16xi32> -> vector<16xf32>
        %parallel_loop3A_276 = arith.addf %parallel_loop3A_273, %parallel_loop3A_275 : vector<16xf32>
        %parallel_loop3A_277 = vector.shape_cast %reshape3A_14 : vector<16x1xi32> to vector<16xi32>
        %parallel_loop3A_278 = tpu.dynamic_gather %parallel_loop3A_276[%parallel_loop3A_277] in [0] : vector<16xf32>, vector<16xi32> -> vector<16xf32>
        %parallel_loop3A_279 = arith.addf %parallel_loop3A_276, %parallel_loop3A_278 : vector<16xf32>
        %parallel_loop3A_280 = vector.shape_cast %reshape3A_18 : vector<16x1xi32> to vector<16xi32>
        %parallel_loop3A_281 = tpu.dynamic_gather %parallel_loop3A_279[%parallel_loop3A_280] in [0] : vector<16xf32>, vector<16xi32> -> vector<16xf32>
        %parallel_loop3A_282 = arith.addf %parallel_loop3A_279, %parallel_loop3A_281 : vector<16xf32>
        %parallel_loop3A_283 = arith.constant 0 : i32
        %parallel_loop3A_284 = vector.broadcast %parallel_loop3A_283 : i32 to vector<16xi32>
        %parallel_loop3A_285 = arith.muli %iota3A, %parallel_loop3A_284 : vector<16xi32>
        %parallel_loop3A_286 = arith.constant 64 : i32
        %parallel_loop3A_287 = arith.muli %scan3A_24, %parallel_loop3A_286 : i32
        %parallel_loop3A_288 = arith.constant 16 : i32
        %parallel_loop3A_289 = arith.muli %parallel_loop3A_44, %parallel_loop3A_288 : i32
        %parallel_loop3A_290 = arith.addi %parallel_loop3A_287, %parallel_loop3A_289 : i32
        %parallel_loop3A_291 = arith.constant 0 : i32
        %parallel_loop3A_292 = arith.addi %parallel_loop3A_290, %parallel_loop3A_291 : i32
        %parallel_loop3A_293 = vector.broadcast %parallel_loop3A_292 : i32 to vector<16xi32>
        %parallel_loop3A_294 = arith.addi %parallel_loop3A_285, %parallel_loop3A_293 : vector<16xi32>
        %parallel_loop3A_295 = arith.constant 0 : i32
        %parallel_loop3A_296 = vector.broadcast %parallel_loop3A_295 : i32 to vector<16xi32>
        %parallel_loop3A_297 = arith.cmpi eq, %iota3A, %parallel_loop3A_296 : vector<16xi32>
        tpu.vector_store_idx %arg9[%parallel_loop3A_294], %parallel_loop3A_282 masked %parallel_loop3A_297 : memref<512xf32, #tpu.memory_space<vmem>>[vector<16xi32>], vector<16xf32>, vector<16xi1>
        %parallel_loop3A_298 = arith.constant 16 : i32
        %parallel_loop3A_299 = arith.muli %parallel_loop3A_44, %parallel_loop3A_298 : i32
        %parallel_loop3A_300 = arith.constant 1 : i32
        %parallel_loop3A_301 = arith.addi %parallel_loop3A_299, %parallel_loop3A_300 : i32
        %parallel_loop3A_302 = arith.constant 26 : i32
        %parallel_loop3A_303 = arith.muli %parallel_loop3A_301, %parallel_loop3A_302 : i32
        %parallel_loop3A_304 = arith.index_cast %parallel_loop3A_303 : i32 to index
        %parallel_loop3A_305 = arith.constant 0 : index
        %parallel_loop3A_306 = tpu.vector_load %arg7[%parallel_loop3A_304, %parallel_loop3A_305] {strides = array<i32>} : memref<1664x16xf32, #tpu.memory_space<vmem>>, vector<16xf32>,
        %parallel_loop3A_307 = arith.mulf %parallel_loop3A_306, %parallel_loop3A_306 : vector<16xf32>
        %parallel_loop3A_308 = arith.constant 1 : i32
        %parallel_loop3A_309 = arith.addi %parallel_loop3A_303, %parallel_loop3A_308 : i32
        %parallel_loop3A_310 = arith.index_cast %parallel_loop3A_309 : i32 to index
        %parallel_loop3A_311 = arith.constant 0 : index
        %parallel_loop3A_312 = tpu.vector_load %arg7[%parallel_loop3A_310, %parallel_loop3A_311] {strides = array<i32>} : memref<1664x16xf32, #tpu.memory_space<vmem>>, vector<16xf32>,
        %parallel_loop3A_313 = arith.addf %parallel_loop3A_306, %parallel_loop3A_312 : vector<16xf32>
        %parallel_loop3A_314 = arith.mulf %parallel_loop3A_312, %parallel_loop3A_312 : vector<16xf32>
        %parallel_loop3A_315 = arith.addf %parallel_loop3A_307, %parallel_loop3A_314 : vector<16xf32>
        %parallel_loop3A_316 = arith.constant 2 : i32
        %parallel_loop3A_317 = arith.addi %parallel_loop3A_303, %parallel_loop3A_316 : i32
        %parallel_loop3A_318 = arith.index_cast %parallel_loop3A_317 : i32 to index
        %parallel_loop3A_319 = arith.constant 0 : index
        %parallel_loop3A_320 = tpu.vector_load %arg7[%parallel_loop3A_318, %parallel_loop3A_319] {strides = array<i32>} : memref<1664x16xf32, #tpu.memory_space<vmem>>, vector<16xf32>,
        %parallel_loop3A_321 = arith.addf %parallel_loop3A_313, %parallel_loop3A_320 : vector<16xf32>
        %parallel_loop3A_322 = arith.mulf %parallel_loop3A_320, %parallel_loop3A_320 : vector<16xf32>
        %parallel_loop3A_323 = arith.addf %parallel_loop3A_315, %parallel_loop3A_322 : vector<16xf32>
        %parallel_loop3A_324 = arith.constant 3 : i32
        %parallel_loop3A_325 = arith.addi %parallel_loop3A_303, %parallel_loop3A_324 : i32
        %parallel_loop3A_326 = arith.index_cast %parallel_loop3A_325 : i32 to index
        %parallel_loop3A_327 = arith.constant 0 : index
        %parallel_loop3A_328 = tpu.vector_load %arg7[%parallel_loop3A_326, %parallel_loop3A_327] {strides = array<i32>} : memref<1664x16xf32, #tpu.memory_space<vmem>>, vector<16xf32>,
        %parallel_loop3A_329 = arith.addf %parallel_loop3A_321, %parallel_loop3A_328 : vector<16xf32>
        %parallel_loop3A_330 = arith.mulf %parallel_loop3A_328, %parallel_loop3A_328 : vector<16xf32>
        %parallel_loop3A_331 = arith.addf %parallel_loop3A_323, %parallel_loop3A_330 : vector<16xf32>
        %parallel_loop3A_332 = arith.constant 4 : i32
        %parallel_loop3A_333 = arith.addi %parallel_loop3A_303, %parallel_loop3A_332 : i32
        %parallel_loop3A_334 = arith.index_cast %parallel_loop3A_333 : i32 to index
        %parallel_loop3A_335 = arith.constant 0 : index
        %parallel_loop3A_336 = tpu.vector_load %arg7[%parallel_loop3A_334, %parallel_loop3A_335] {strides = array<i32>} : memref<1664x16xf32, #tpu.memory_space<vmem>>, vector<16xf32>,
        %parallel_loop3A_337 = arith.addf %parallel_loop3A_329, %parallel_loop3A_336 : vector<16xf32>
        %parallel_loop3A_338 = arith.mulf %parallel_loop3A_336, %parallel_loop3A_336 : vector<16xf32>
        %parallel_loop3A_339 = arith.addf %parallel_loop3A_331, %parallel_loop3A_338 : vector<16xf32>
        %parallel_loop3A_340 = arith.constant 5 : i32
        %parallel_loop3A_341 = arith.addi %parallel_loop3A_303, %parallel_loop3A_340 : i32
        %parallel_loop3A_342 = arith.index_cast %parallel_loop3A_341 : i32 to index
        %parallel_loop3A_343 = arith.constant 0 : index
        %parallel_loop3A_344 = tpu.vector_load %arg7[%parallel_loop3A_342, %parallel_loop3A_343] {strides = array<i32>} : memref<1664x16xf32, #tpu.memory_space<vmem>>, vector<16xf32>,
        %parallel_loop3A_345 = arith.addf %parallel_loop3A_337, %parallel_loop3A_344 : vector<16xf32>
        %parallel_loop3A_346 = arith.mulf %parallel_loop3A_344, %parallel_loop3A_344 : vector<16xf32>
        %parallel_loop3A_347 = arith.addf %parallel_loop3A_339, %parallel_loop3A_346 : vector<16xf32>
        %parallel_loop3A_348 = arith.constant 6 : i32
        %parallel_loop3A_349 = arith.addi %parallel_loop3A_303, %parallel_loop3A_348 : i32
        %parallel_loop3A_350 = arith.index_cast %parallel_loop3A_349 : i32 to index
        %parallel_loop3A_351 = arith.constant 0 : index
        %parallel_loop3A_352 = tpu.vector_load %arg7[%parallel_loop3A_350, %parallel_loop3A_351] {strides = array<i32>} : memref<1664x16xf32, #tpu.memory_space<vmem>>, vector<16xf32>,
        %parallel_loop3A_353 = arith.addf %parallel_loop3A_345, %parallel_loop3A_352 : vector<16xf32>
        %parallel_loop3A_354 = arith.mulf %parallel_loop3A_352, %parallel_loop3A_352 : vector<16xf32>
        %parallel_loop3A_355 = arith.addf %parallel_loop3A_347, %parallel_loop3A_354 : vector<16xf32>
        %parallel_loop3A_356 = arith.constant 7 : i32
        %parallel_loop3A_357 = arith.addi %parallel_loop3A_303, %parallel_loop3A_356 : i32
        %parallel_loop3A_358 = arith.index_cast %parallel_loop3A_357 : i32 to index
        %parallel_loop3A_359 = arith.constant 0 : index
        %parallel_loop3A_360 = tpu.vector_load %arg7[%parallel_loop3A_358, %parallel_loop3A_359] {strides = array<i32>} : memref<1664x16xf32, #tpu.memory_space<vmem>>, vector<16xf32>,
        %parallel_loop3A_361 = arith.addf %parallel_loop3A_353, %parallel_loop3A_360 : vector<16xf32>
        %parallel_loop3A_362 = arith.mulf %parallel_loop3A_360, %parallel_loop3A_360 : vector<16xf32>
        %parallel_loop3A_363 = arith.addf %parallel_loop3A_355, %parallel_loop3A_362 : vector<16xf32>
        %parallel_loop3A_364 = arith.constant 8 : i32
        %parallel_loop3A_365 = arith.addi %parallel_loop3A_303, %parallel_loop3A_364 : i32
        %parallel_loop3A_366 = arith.index_cast %parallel_loop3A_365 : i32 to index
        %parallel_loop3A_367 = arith.constant 0 : index
        %parallel_loop3A_368 = tpu.vector_load %arg7[%parallel_loop3A_366, %parallel_loop3A_367] {strides = array<i32>} : memref<1664x16xf32, #tpu.memory_space<vmem>>, vector<16xf32>,
        %parallel_loop3A_369 = arith.addf %parallel_loop3A_361, %parallel_loop3A_368 : vector<16xf32>
        %parallel_loop3A_370 = arith.mulf %parallel_loop3A_368, %parallel_loop3A_368 : vector<16xf32>
        %parallel_loop3A_371 = arith.addf %parallel_loop3A_363, %parallel_loop3A_370 : vector<16xf32>
        %parallel_loop3A_372 = arith.constant 9 : i32
        %parallel_loop3A_373 = arith.addi %parallel_loop3A_303, %parallel_loop3A_372 : i32
        %parallel_loop3A_374 = arith.index_cast %parallel_loop3A_373 : i32 to index
        %parallel_loop3A_375 = arith.constant 0 : index
        %parallel_loop3A_376 = tpu.vector_load %arg7[%parallel_loop3A_374, %parallel_loop3A_375] {strides = array<i32>} : memref<1664x16xf32, #tpu.memory_space<vmem>>, vector<16xf32>,
        %parallel_loop3A_377 = arith.addf %parallel_loop3A_369, %parallel_loop3A_376 : vector<16xf32>
        %parallel_loop3A_378 = arith.mulf %parallel_loop3A_376, %parallel_loop3A_376 : vector<16xf32>
        %parallel_loop3A_379 = arith.addf %parallel_loop3A_371, %parallel_loop3A_378 : vector<16xf32>
        %parallel_loop3A_380 = arith.constant 10 : i32
        %parallel_loop3A_381 = arith.addi %parallel_loop3A_303, %parallel_loop3A_380 : i32
        %parallel_loop3A_382 = arith.index_cast %parallel_loop3A_381 : i32 to index
        %parallel_loop3A_383 = arith.constant 0 : index
        %parallel_loop3A_384 = tpu.vector_load %arg7[%parallel_loop3A_382, %parallel_loop3A_383] {strides = array<i32>} : memref<1664x16xf32, #tpu.memory_space<vmem>>, vector<16xf32>,
        %parallel_loop3A_385 = arith.addf %parallel_loop3A_377, %parallel_loop3A_384 : vector<16xf32>
        %parallel_loop3A_386 = arith.mulf %parallel_loop3A_384, %parallel_loop3A_384 : vector<16xf32>
        %parallel_loop3A_387 = arith.addf %parallel_loop3A_379, %parallel_loop3A_386 : vector<16xf32>
        %parallel_loop3A_388 = arith.constant 11 : i32
        %parallel_loop3A_389 = arith.addi %parallel_loop3A_303, %parallel_loop3A_388 : i32
        %parallel_loop3A_390 = arith.index_cast %parallel_loop3A_389 : i32 to index
        %parallel_loop3A_391 = arith.constant 0 : index
        %parallel_loop3A_392 = tpu.vector_load %arg7[%parallel_loop3A_390, %parallel_loop3A_391] {strides = array<i32>} : memref<1664x16xf32, #tpu.memory_space<vmem>>, vector<16xf32>,
        %parallel_loop3A_393 = arith.addf %parallel_loop3A_385, %parallel_loop3A_392 : vector<16xf32>
        %parallel_loop3A_394 = arith.mulf %parallel_loop3A_392, %parallel_loop3A_392 : vector<16xf32>
        %parallel_loop3A_395 = arith.addf %parallel_loop3A_387, %parallel_loop3A_394 : vector<16xf32>
        %parallel_loop3A_396 = arith.constant 12 : i32
        %parallel_loop3A_397 = arith.addi %parallel_loop3A_303, %parallel_loop3A_396 : i32
        %parallel_loop3A_398 = arith.index_cast %parallel_loop3A_397 : i32 to index
        %parallel_loop3A_399 = arith.constant 0 : index
        %parallel_loop3A_400 = tpu.vector_load %arg7[%parallel_loop3A_398, %parallel_loop3A_399] {strides = array<i32>} : memref<1664x16xf32, #tpu.memory_space<vmem>>, vector<16xf32>,
        %parallel_loop3A_401 = arith.addf %parallel_loop3A_393, %parallel_loop3A_400 : vector<16xf32>
        %parallel_loop3A_402 = arith.mulf %parallel_loop3A_400, %parallel_loop3A_400 : vector<16xf32>
        %parallel_loop3A_403 = arith.addf %parallel_loop3A_395, %parallel_loop3A_402 : vector<16xf32>
        %parallel_loop3A_404 = arith.constant 13 : i32
        %parallel_loop3A_405 = arith.addi %parallel_loop3A_303, %parallel_loop3A_404 : i32
        %parallel_loop3A_406 = arith.index_cast %parallel_loop3A_405 : i32 to index
        %parallel_loop3A_407 = arith.constant 0 : index
        %parallel_loop3A_408 = tpu.vector_load %arg7[%parallel_loop3A_406, %parallel_loop3A_407] {strides = array<i32>} : memref<1664x16xf32, #tpu.memory_space<vmem>>, vector<16xf32>,
        %parallel_loop3A_409 = arith.addf %parallel_loop3A_401, %parallel_loop3A_408 : vector<16xf32>
        %parallel_loop3A_410 = arith.mulf %parallel_loop3A_408, %parallel_loop3A_408 : vector<16xf32>
        %parallel_loop3A_411 = arith.addf %parallel_loop3A_403, %parallel_loop3A_410 : vector<16xf32>
        %parallel_loop3A_412 = arith.constant 14 : i32
        %parallel_loop3A_413 = arith.addi %parallel_loop3A_303, %parallel_loop3A_412 : i32
        %parallel_loop3A_414 = arith.index_cast %parallel_loop3A_413 : i32 to index
        %parallel_loop3A_415 = arith.constant 0 : index
        %parallel_loop3A_416 = tpu.vector_load %arg7[%parallel_loop3A_414, %parallel_loop3A_415] {strides = array<i32>} : memref<1664x16xf32, #tpu.memory_space<vmem>>, vector<16xf32>,
        %parallel_loop3A_417 = arith.addf %parallel_loop3A_409, %parallel_loop3A_416 : vector<16xf32>
        %parallel_loop3A_418 = arith.mulf %parallel_loop3A_416, %parallel_loop3A_416 : vector<16xf32>
        %parallel_loop3A_419 = arith.addf %parallel_loop3A_411, %parallel_loop3A_418 : vector<16xf32>
        %parallel_loop3A_420 = arith.constant 15 : i32
        %parallel_loop3A_421 = arith.addi %parallel_loop3A_303, %parallel_loop3A_420 : i32
        %parallel_loop3A_422 = arith.index_cast %parallel_loop3A_421 : i32 to index
        %parallel_loop3A_423 = arith.constant 0 : index
        %parallel_loop3A_424 = tpu.vector_load %arg7[%parallel_loop3A_422, %parallel_loop3A_423] {strides = array<i32>} : memref<1664x16xf32, #tpu.memory_space<vmem>>, vector<16xf32>,
        %parallel_loop3A_425 = arith.addf %parallel_loop3A_417, %parallel_loop3A_424 : vector<16xf32>
        %parallel_loop3A_426 = arith.mulf %parallel_loop3A_424, %parallel_loop3A_424 : vector<16xf32>
        %parallel_loop3A_427 = arith.addf %parallel_loop3A_419, %parallel_loop3A_426 : vector<16xf32>
        %parallel_loop3A_428 = arith.constant 16 : i32
        %parallel_loop3A_429 = arith.addi %parallel_loop3A_303, %parallel_loop3A_428 : i32
        %parallel_loop3A_430 = arith.index_cast %parallel_loop3A_429 : i32 to index
        %parallel_loop3A_431 = arith.constant 0 : index
        %parallel_loop3A_432 = tpu.vector_load %arg7[%parallel_loop3A_430, %parallel_loop3A_431] {strides = array<i32>} : memref<1664x16xf32, #tpu.memory_space<vmem>>, vector<16xf32>,
        %parallel_loop3A_433 = arith.addf %parallel_loop3A_425, %parallel_loop3A_432 : vector<16xf32>
        %parallel_loop3A_434 = arith.mulf %parallel_loop3A_432, %parallel_loop3A_432 : vector<16xf32>
        %parallel_loop3A_435 = arith.addf %parallel_loop3A_427, %parallel_loop3A_434 : vector<16xf32>
        %parallel_loop3A_436 = arith.constant 17 : i32
        %parallel_loop3A_437 = arith.addi %parallel_loop3A_303, %parallel_loop3A_436 : i32
        %parallel_loop3A_438 = arith.index_cast %parallel_loop3A_437 : i32 to index
        %parallel_loop3A_439 = arith.constant 0 : index
        %parallel_loop3A_440 = tpu.vector_load %arg7[%parallel_loop3A_438, %parallel_loop3A_439] {strides = array<i32>} : memref<1664x16xf32, #tpu.memory_space<vmem>>, vector<16xf32>,
        %parallel_loop3A_441 = arith.addf %parallel_loop3A_433, %parallel_loop3A_440 : vector<16xf32>
        %parallel_loop3A_442 = arith.mulf %parallel_loop3A_440, %parallel_loop3A_440 : vector<16xf32>
        %parallel_loop3A_443 = arith.addf %parallel_loop3A_435, %parallel_loop3A_442 : vector<16xf32>
        %parallel_loop3A_444 = arith.constant 18 : i32
        %parallel_loop3A_445 = arith.addi %parallel_loop3A_303, %parallel_loop3A_444 : i32
        %parallel_loop3A_446 = arith.index_cast %parallel_loop3A_445 : i32 to index
        %parallel_loop3A_447 = arith.constant 0 : index
        %parallel_loop3A_448 = tpu.vector_load %arg7[%parallel_loop3A_446, %parallel_loop3A_447] {strides = array<i32>} : memref<1664x16xf32, #tpu.memory_space<vmem>>, vector<16xf32>,
        %parallel_loop3A_449 = arith.addf %parallel_loop3A_441, %parallel_loop3A_448 : vector<16xf32>
        %parallel_loop3A_450 = arith.mulf %parallel_loop3A_448, %parallel_loop3A_448 : vector<16xf32>
        %parallel_loop3A_451 = arith.addf %parallel_loop3A_443, %parallel_loop3A_450 : vector<16xf32>
        %parallel_loop3A_452 = arith.constant 19 : i32
        %parallel_loop3A_453 = arith.addi %parallel_loop3A_303, %parallel_loop3A_452 : i32
        %parallel_loop3A_454 = arith.index_cast %parallel_loop3A_453 : i32 to index
        %parallel_loop3A_455 = arith.constant 0 : index
        %parallel_loop3A_456 = tpu.vector_load %arg7[%parallel_loop3A_454, %parallel_loop3A_455] {strides = array<i32>} : memref<1664x16xf32, #tpu.memory_space<vmem>>, vector<16xf32>,
        %parallel_loop3A_457 = arith.addf %parallel_loop3A_449, %parallel_loop3A_456 : vector<16xf32>
        %parallel_loop3A_458 = arith.mulf %parallel_loop3A_456, %parallel_loop3A_456 : vector<16xf32>
        %parallel_loop3A_459 = arith.addf %parallel_loop3A_451, %parallel_loop3A_458 : vector<16xf32>
        %parallel_loop3A_460 = arith.constant 20 : i32
        %parallel_loop3A_461 = arith.addi %parallel_loop3A_303, %parallel_loop3A_460 : i32
        %parallel_loop3A_462 = arith.index_cast %parallel_loop3A_461 : i32 to index
        %parallel_loop3A_463 = arith.constant 0 : index
        %parallel_loop3A_464 = tpu.vector_load %arg7[%parallel_loop3A_462, %parallel_loop3A_463] {strides = array<i32>} : memref<1664x16xf32, #tpu.memory_space<vmem>>, vector<16xf32>,
        %parallel_loop3A_465 = arith.addf %parallel_loop3A_457, %parallel_loop3A_464 : vector<16xf32>
        %parallel_loop3A_466 = arith.mulf %parallel_loop3A_464, %parallel_loop3A_464 : vector<16xf32>
        %parallel_loop3A_467 = arith.addf %parallel_loop3A_459, %parallel_loop3A_466 : vector<16xf32>
        %parallel_loop3A_468 = arith.constant 21 : i32
        %parallel_loop3A_469 = arith.addi %parallel_loop3A_303, %parallel_loop3A_468 : i32
        %parallel_loop3A_470 = arith.index_cast %parallel_loop3A_469 : i32 to index
        %parallel_loop3A_471 = arith.constant 0 : index
        %parallel_loop3A_472 = tpu.vector_load %arg7[%parallel_loop3A_470, %parallel_loop3A_471] {strides = array<i32>} : memref<1664x16xf32, #tpu.memory_space<vmem>>, vector<16xf32>,
        %parallel_loop3A_473 = arith.addf %parallel_loop3A_465, %parallel_loop3A_472 : vector<16xf32>
        %parallel_loop3A_474 = arith.mulf %parallel_loop3A_472, %parallel_loop3A_472 : vector<16xf32>
        %parallel_loop3A_475 = arith.addf %parallel_loop3A_467, %parallel_loop3A_474 : vector<16xf32>
        %parallel_loop3A_476 = arith.constant 22 : i32
        %parallel_loop3A_477 = arith.addi %parallel_loop3A_303, %parallel_loop3A_476 : i32
        %parallel_loop3A_478 = arith.index_cast %parallel_loop3A_477 : i32 to index
        %parallel_loop3A_479 = arith.constant 0 : index
        %parallel_loop3A_480 = tpu.vector_load %arg7[%parallel_loop3A_478, %parallel_loop3A_479] {strides = array<i32>} : memref<1664x16xf32, #tpu.memory_space<vmem>>, vector<16xf32>,
        %parallel_loop3A_481 = arith.addf %parallel_loop3A_473, %parallel_loop3A_480 : vector<16xf32>
        %parallel_loop3A_482 = arith.mulf %parallel_loop3A_480, %parallel_loop3A_480 : vector<16xf32>
        %parallel_loop3A_483 = arith.addf %parallel_loop3A_475, %parallel_loop3A_482 : vector<16xf32>
        %parallel_loop3A_484 = arith.constant 23 : i32
        %parallel_loop3A_485 = arith.addi %parallel_loop3A_303, %parallel_loop3A_484 : i32
        %parallel_loop3A_486 = arith.index_cast %parallel_loop3A_485 : i32 to index
        %parallel_loop3A_487 = arith.constant 0 : index
        %parallel_loop3A_488 = tpu.vector_load %arg7[%parallel_loop3A_486, %parallel_loop3A_487] {strides = array<i32>} : memref<1664x16xf32, #tpu.memory_space<vmem>>, vector<16xf32>,
        %parallel_loop3A_489 = arith.addf %parallel_loop3A_481, %parallel_loop3A_488 : vector<16xf32>
        %parallel_loop3A_490 = arith.mulf %parallel_loop3A_488, %parallel_loop3A_488 : vector<16xf32>
        %parallel_loop3A_491 = arith.addf %parallel_loop3A_483, %parallel_loop3A_490 : vector<16xf32>
        %parallel_loop3A_492 = arith.constant 24 : i32
        %parallel_loop3A_493 = arith.addi %parallel_loop3A_303, %parallel_loop3A_492 : i32
        %parallel_loop3A_494 = arith.index_cast %parallel_loop3A_493 : i32 to index
        %parallel_loop3A_495 = arith.constant 0 : index
        %parallel_loop3A_496 = tpu.vector_load %arg7[%parallel_loop3A_494, %parallel_loop3A_495] {strides = array<i32>} : memref<1664x16xf32, #tpu.memory_space<vmem>>, vector<16xf32>,
        %parallel_loop3A_497 = arith.addf %parallel_loop3A_489, %parallel_loop3A_496 : vector<16xf32>
        %parallel_loop3A_498 = arith.mulf %parallel_loop3A_496, %parallel_loop3A_496 : vector<16xf32>
        %parallel_loop3A_499 = arith.addf %parallel_loop3A_491, %parallel_loop3A_498 : vector<16xf32>
        %parallel_loop3A_500 = arith.constant 25 : i32
        %parallel_loop3A_501 = arith.addi %parallel_loop3A_303, %parallel_loop3A_500 : i32
        %parallel_loop3A_502 = arith.index_cast %parallel_loop3A_501 : i32 to index
        %parallel_loop3A_503 = arith.constant 0 : index
        %parallel_loop3A_504 = tpu.vector_load %arg7[%parallel_loop3A_502, %parallel_loop3A_503] {strides = array<i32>} : memref<1664x16xf32, #tpu.memory_space<vmem>>, vector<16xf32>,
        %parallel_loop3A_505 = arith.addf %parallel_loop3A_497, %parallel_loop3A_504 : vector<16xf32>
        %parallel_loop3A_506 = arith.mulf %parallel_loop3A_504, %parallel_loop3A_504 : vector<16xf32>
        %parallel_loop3A_507 = arith.addf %parallel_loop3A_499, %parallel_loop3A_506 : vector<16xf32>
        %parallel_loop3A_508 = arith.index_cast %parallel_loop3A_303 : i32 to index
        %parallel_loop3A_509 = tpu.vector_load %arg8[%parallel_loop3A_508] {strides = array<i32>} : memref<1680xf32, #tpu.memory_space<vmem>>, vector<16xf32>,
        %parallel_loop3A_510 = arith.constant 16 : i32
        %parallel_loop3A_511 = arith.addi %parallel_loop3A_303, %parallel_loop3A_510 : i32
        %parallel_loop3A_512 = arith.index_cast %parallel_loop3A_511 : i32 to index
        %parallel_loop3A_513 = tpu.vector_load %arg8[%parallel_loop3A_512] {strides = array<i32>} : memref<1680xf32, #tpu.memory_space<vmem>>, vector<16xf32>,
        %parallel_loop3A_514 = arith.mulf %parallel_loop3A_505, %parallel_loop3A_505 : vector<16xf32>
        %parallel_loop3A_515 = arith.subf %parallel_loop3A_514, %parallel_loop3A_507 : vector<16xf32>
        %parallel_loop3A_516 = arith.constant 5.000000e-01 : f32
        %parallel_loop3A_517 = vector.broadcast %parallel_loop3A_516 : f32 to vector<16xf32>
        %parallel_loop3A_518 = arith.mulf %parallel_loop3A_517, %parallel_loop3A_515 : vector<16xf32>
        %parallel_loop3A_519 = arith.addf %parallel_loop3A_518, %parallel_loop3A_509 : vector<16xf32>
        %parallel_loop3A_520 = arith.constant 0.000000e+00 : f32
        %parallel_loop3A_521 = vector.broadcast %parallel_loop3A_520 : f32 to vector<16xf32>
        %parallel_loop3A_522 = arith.select %lt3A_4, %parallel_loop3A_513, %parallel_loop3A_521 : vector<16xi1>, vector<16xf32>
        %parallel_loop3A_523 = arith.addf %parallel_loop3A_519, %parallel_loop3A_522 : vector<16xf32>
        %parallel_loop3A_524 = vector.shape_cast %reshape3A : vector<16x1xi32> to vector<16xi32>
        %parallel_loop3A_525 = tpu.dynamic_gather %parallel_loop3A_523[%parallel_loop3A_524] in [0] : vector<16xf32>, vector<16xi32> -> vector<16xf32>
        %parallel_loop3A_526 = arith.addf %parallel_loop3A_523, %parallel_loop3A_525 : vector<16xf32>
        %parallel_loop3A_527 = vector.shape_cast %reshape3A_10 : vector<16x1xi32> to vector<16xi32>
        %parallel_loop3A_528 = tpu.dynamic_gather %parallel_loop3A_526[%parallel_loop3A_527] in [0] : vector<16xf32>, vector<16xi32> -> vector<16xf32>
        %parallel_loop3A_529 = arith.addf %parallel_loop3A_526, %parallel_loop3A_528 : vector<16xf32>
        %parallel_loop3A_530 = vector.shape_cast %reshape3A_14 : vector<16x1xi32> to vector<16xi32>
        %parallel_loop3A_531 = tpu.dynamic_gather %parallel_loop3A_529[%parallel_loop3A_530] in [0] : vector<16xf32>, vector<16xi32> -> vector<16xf32>
        %parallel_loop3A_532 = arith.addf %parallel_loop3A_529, %parallel_loop3A_531 : vector<16xf32>
        %parallel_loop3A_533 = vector.shape_cast %reshape3A_18 : vector<16x1xi32> to vector<16xi32>
        %parallel_loop3A_534 = tpu.dynamic_gather %parallel_loop3A_532[%parallel_loop3A_533] in [0] : vector<16xf32>, vector<16xi32> -> vector<16xf32>
        %parallel_loop3A_535 = arith.addf %parallel_loop3A_532, %parallel_loop3A_534 : vector<16xf32>
        %parallel_loop3A_536 = arith.constant 0 : i32
        %parallel_loop3A_537 = vector.broadcast %parallel_loop3A_536 : i32 to vector<16xi32>
        %parallel_loop3A_538 = arith.muli %iota3A, %parallel_loop3A_537 : vector<16xi32>
        %parallel_loop3A_539 = arith.constant 64 : i32
        %parallel_loop3A_540 = arith.muli %scan3A_24, %parallel_loop3A_539 : i32
        %parallel_loop3A_541 = arith.constant 16 : i32
        %parallel_loop3A_542 = arith.muli %parallel_loop3A_44, %parallel_loop3A_541 : i32
        %parallel_loop3A_543 = arith.addi %parallel_loop3A_540, %parallel_loop3A_542 : i32
        %parallel_loop3A_544 = arith.constant 1 : i32
        %parallel_loop3A_545 = arith.addi %parallel_loop3A_543, %parallel_loop3A_544 : i32
        %parallel_loop3A_546 = vector.broadcast %parallel_loop3A_545 : i32 to vector<16xi32>
        %parallel_loop3A_547 = arith.addi %parallel_loop3A_538, %parallel_loop3A_546 : vector<16xi32>
        %parallel_loop3A_548 = arith.constant 1 : i32
        %parallel_loop3A_549 = vector.broadcast %parallel_loop3A_548 : i32 to vector<16xi32>
        %parallel_loop3A_550 = arith.cmpi eq, %iota3A, %parallel_loop3A_549 : vector<16xi32>
        tpu.vector_store_idx %arg9[%parallel_loop3A_547], %parallel_loop3A_535 masked %parallel_loop3A_550 : memref<512xf32, #tpu.memory_space<vmem>>[vector<16xi32>], vector<16xf32>, vector<16xi1>
        %parallel_loop3A_551 = arith.constant 16 : i32
        %parallel_loop3A_552 = arith.muli %parallel_loop3A_44, %parallel_loop3A_551 : i32
        %parallel_loop3A_553 = arith.constant 2 : i32
        %parallel_loop3A_554 = arith.addi %parallel_loop3A_552, %parallel_loop3A_553 : i32
        %parallel_loop3A_555 = arith.constant 26 : i32
        %parallel_loop3A_556 = arith.muli %parallel_loop3A_554, %parallel_loop3A_555 : i32
        %parallel_loop3A_557 = arith.index_cast %parallel_loop3A_556 : i32 to index
        %parallel_loop3A_558 = arith.constant 0 : index
        %parallel_loop3A_559 = tpu.vector_load %arg7[%parallel_loop3A_557, %parallel_loop3A_558] {strides = array<i32>} : memref<1664x16xf32, #tpu.memory_space<vmem>>, vector<16xf32>,
        %parallel_loop3A_560 = arith.mulf %parallel_loop3A_559, %parallel_loop3A_559 : vector<16xf32>
        %parallel_loop3A_561 = arith.constant 1 : i32
        %parallel_loop3A_562 = arith.addi %parallel_loop3A_556, %parallel_loop3A_561 : i32
        %parallel_loop3A_563 = arith.index_cast %parallel_loop3A_562 : i32 to index
        %parallel_loop3A_564 = arith.constant 0 : index
        %parallel_loop3A_565 = tpu.vector_load %arg7[%parallel_loop3A_563, %parallel_loop3A_564] {strides = array<i32>} : memref<1664x16xf32, #tpu.memory_space<vmem>>, vector<16xf32>,
        %parallel_loop3A_566 = arith.addf %parallel_loop3A_559, %parallel_loop3A_565 : vector<16xf32>
        %parallel_loop3A_567 = arith.mulf %parallel_loop3A_565, %parallel_loop3A_565 : vector<16xf32>
        %parallel_loop3A_568 = arith.addf %parallel_loop3A_560, %parallel_loop3A_567 : vector<16xf32>
        %parallel_loop3A_569 = arith.constant 2 : i32
        %parallel_loop3A_570 = arith.addi %parallel_loop3A_556, %parallel_loop3A_569 : i32
        %parallel_loop3A_571 = arith.index_cast %parallel_loop3A_570 : i32 to index
        %parallel_loop3A_572 = arith.constant 0 : index
        %parallel_loop3A_573 = tpu.vector_load %arg7[%parallel_loop3A_571, %parallel_loop3A_572] {strides = array<i32>} : memref<1664x16xf32, #tpu.memory_space<vmem>>, vector<16xf32>,
        %parallel_loop3A_574 = arith.addf %parallel_loop3A_566, %parallel_loop3A_573 : vector<16xf32>
        %parallel_loop3A_575 = arith.mulf %parallel_loop3A_573, %parallel_loop3A_573 : vector<16xf32>
        %parallel_loop3A_576 = arith.addf %parallel_loop3A_568, %parallel_loop3A_575 : vector<16xf32>
        %parallel_loop3A_577 = arith.constant 3 : i32
        %parallel_loop3A_578 = arith.addi %parallel_loop3A_556, %parallel_loop3A_577 : i32
        %parallel_loop3A_579 = arith.index_cast %parallel_loop3A_578 : i32 to index
        %parallel_loop3A_580 = arith.constant 0 : index
        %parallel_loop3A_581 = tpu.vector_load %arg7[%parallel_loop3A_579, %parallel_loop3A_580] {strides = array<i32>} : memref<1664x16xf32, #tpu.memory_space<vmem>>, vector<16xf32>,
        %parallel_loop3A_582 = arith.addf %parallel_loop3A_574, %parallel_loop3A_581 : vector<16xf32>
        %parallel_loop3A_583 = arith.mulf %parallel_loop3A_581, %parallel_loop3A_581 : vector<16xf32>
        %parallel_loop3A_584 = arith.addf %parallel_loop3A_576, %parallel_loop3A_583 : vector<16xf32>
        %parallel_loop3A_585 = arith.constant 4 : i32
        %parallel_loop3A_586 = arith.addi %parallel_loop3A_556, %parallel_loop3A_585 : i32
        %parallel_loop3A_587 = arith.index_cast %parallel_loop3A_586 : i32 to index
        %parallel_loop3A_588 = arith.constant 0 : index
        %parallel_loop3A_589 = tpu.vector_load %arg7[%parallel_loop3A_587, %parallel_loop3A_588] {strides = array<i32>} : memref<1664x16xf32, #tpu.memory_space<vmem>>, vector<16xf32>,
        %parallel_loop3A_590 = arith.addf %parallel_loop3A_582, %parallel_loop3A_589 : vector<16xf32>
        %parallel_loop3A_591 = arith.mulf %parallel_loop3A_589, %parallel_loop3A_589 : vector<16xf32>
        %parallel_loop3A_592 = arith.addf %parallel_loop3A_584, %parallel_loop3A_591 : vector<16xf32>
        %parallel_loop3A_593 = arith.constant 5 : i32
        %parallel_loop3A_594 = arith.addi %parallel_loop3A_556, %parallel_loop3A_593 : i32
        %parallel_loop3A_595 = arith.index_cast %parallel_loop3A_594 : i32 to index
        %parallel_loop3A_596 = arith.constant 0 : index
        %parallel_loop3A_597 = tpu.vector_load %arg7[%parallel_loop3A_595, %parallel_loop3A_596] {strides = array<i32>} : memref<1664x16xf32, #tpu.memory_space<vmem>>, vector<16xf32>,
        %parallel_loop3A_598 = arith.addf %parallel_loop3A_590, %parallel_loop3A_597 : vector<16xf32>
        %parallel_loop3A_599 = arith.mulf %parallel_loop3A_597, %parallel_loop3A_597 : vector<16xf32>
        %parallel_loop3A_600 = arith.addf %parallel_loop3A_592, %parallel_loop3A_599 : vector<16xf32>
        %parallel_loop3A_601 = arith.constant 6 : i32
        %parallel_loop3A_602 = arith.addi %parallel_loop3A_556, %parallel_loop3A_601 : i32
        %parallel_loop3A_603 = arith.index_cast %parallel_loop3A_602 : i32 to index
        %parallel_loop3A_604 = arith.constant 0 : index
        %parallel_loop3A_605 = tpu.vector_load %arg7[%parallel_loop3A_603, %parallel_loop3A_604] {strides = array<i32>} : memref<1664x16xf32, #tpu.memory_space<vmem>>, vector<16xf32>,
        %parallel_loop3A_606 = arith.addf %parallel_loop3A_598, %parallel_loop3A_605 : vector<16xf32>
        %parallel_loop3A_607 = arith.mulf %parallel_loop3A_605, %parallel_loop3A_605 : vector<16xf32>
        %parallel_loop3A_608 = arith.addf %parallel_loop3A_600, %parallel_loop3A_607 : vector<16xf32>
        %parallel_loop3A_609 = arith.constant 7 : i32
        %parallel_loop3A_610 = arith.addi %parallel_loop3A_556, %parallel_loop3A_609 : i32
        %parallel_loop3A_611 = arith.index_cast %parallel_loop3A_610 : i32 to index
        %parallel_loop3A_612 = arith.constant 0 : index
        %parallel_loop3A_613 = tpu.vector_load %arg7[%parallel_loop3A_611, %parallel_loop3A_612] {strides = array<i32>} : memref<1664x16xf32, #tpu.memory_space<vmem>>, vector<16xf32>,
        %parallel_loop3A_614 = arith.addf %parallel_loop3A_606, %parallel_loop3A_613 : vector<16xf32>
        %parallel_loop3A_615 = arith.mulf %parallel_loop3A_613, %parallel_loop3A_613 : vector<16xf32>
        %parallel_loop3A_616 = arith.addf %parallel_loop3A_608, %parallel_loop3A_615 : vector<16xf32>
        %parallel_loop3A_617 = arith.constant 8 : i32
        %parallel_loop3A_618 = arith.addi %parallel_loop3A_556, %parallel_loop3A_617 : i32
        %parallel_loop3A_619 = arith.index_cast %parallel_loop3A_618 : i32 to index
        %parallel_loop3A_620 = arith.constant 0 : index
        %parallel_loop3A_621 = tpu.vector_load %arg7[%parallel_loop3A_619, %parallel_loop3A_620] {strides = array<i32>} : memref<1664x16xf32, #tpu.memory_space<vmem>>, vector<16xf32>,
        %parallel_loop3A_622 = arith.addf %parallel_loop3A_614, %parallel_loop3A_621 : vector<16xf32>
        %parallel_loop3A_623 = arith.mulf %parallel_loop3A_621, %parallel_loop3A_621 : vector<16xf32>
        %parallel_loop3A_624 = arith.addf %parallel_loop3A_616, %parallel_loop3A_623 : vector<16xf32>
        %parallel_loop3A_625 = arith.constant 9 : i32
        %parallel_loop3A_626 = arith.addi %parallel_loop3A_556, %parallel_loop3A_625 : i32
        %parallel_loop3A_627 = arith.index_cast %parallel_loop3A_626 : i32 to index
        %parallel_loop3A_628 = arith.constant 0 : index
        %parallel_loop3A_629 = tpu.vector_load %arg7[%parallel_loop3A_627, %parallel_loop3A_628] {strides = array<i32>} : memref<1664x16xf32, #tpu.memory_space<vmem>>, vector<16xf32>,
        %parallel_loop3A_630 = arith.addf %parallel_loop3A_622, %parallel_loop3A_629 : vector<16xf32>
        %parallel_loop3A_631 = arith.mulf %parallel_loop3A_629, %parallel_loop3A_629 : vector<16xf32>
        %parallel_loop3A_632 = arith.addf %parallel_loop3A_624, %parallel_loop3A_631 : vector<16xf32>
        %parallel_loop3A_633 = arith.constant 10 : i32
        %parallel_loop3A_634 = arith.addi %parallel_loop3A_556, %parallel_loop3A_633 : i32
        %parallel_loop3A_635 = arith.index_cast %parallel_loop3A_634 : i32 to index
        %parallel_loop3A_636 = arith.constant 0 : index
        %parallel_loop3A_637 = tpu.vector_load %arg7[%parallel_loop3A_635, %parallel_loop3A_636] {strides = array<i32>} : memref<1664x16xf32, #tpu.memory_space<vmem>>, vector<16xf32>,
        %parallel_loop3A_638 = arith.addf %parallel_loop3A_630, %parallel_loop3A_637 : vector<16xf32>
        %parallel_loop3A_639 = arith.mulf %parallel_loop3A_637, %parallel_loop3A_637 : vector<16xf32>
        %parallel_loop3A_640 = arith.addf %parallel_loop3A_632, %parallel_loop3A_639 : vector<16xf32>
        %parallel_loop3A_641 = arith.constant 11 : i32
        %parallel_loop3A_642 = arith.addi %parallel_loop3A_556, %parallel_loop3A_641 : i32
        %parallel_loop3A_643 = arith.index_cast %parallel_loop3A_642 : i32 to index
        %parallel_loop3A_644 = arith.constant 0 : index
        %parallel_loop3A_645 = tpu.vector_load %arg7[%parallel_loop3A_643, %parallel_loop3A_644] {strides = array<i32>} : memref<1664x16xf32, #tpu.memory_space<vmem>>, vector<16xf32>,
        %parallel_loop3A_646 = arith.addf %parallel_loop3A_638, %parallel_loop3A_645 : vector<16xf32>
        %parallel_loop3A_647 = arith.mulf %parallel_loop3A_645, %parallel_loop3A_645 : vector<16xf32>
        %parallel_loop3A_648 = arith.addf %parallel_loop3A_640, %parallel_loop3A_647 : vector<16xf32>
        %parallel_loop3A_649 = arith.constant 12 : i32
        %parallel_loop3A_650 = arith.addi %parallel_loop3A_556, %parallel_loop3A_649 : i32
        %parallel_loop3A_651 = arith.index_cast %parallel_loop3A_650 : i32 to index
        %parallel_loop3A_652 = arith.constant 0 : index
        %parallel_loop3A_653 = tpu.vector_load %arg7[%parallel_loop3A_651, %parallel_loop3A_652] {strides = array<i32>} : memref<1664x16xf32, #tpu.memory_space<vmem>>, vector<16xf32>,
        %parallel_loop3A_654 = arith.addf %parallel_loop3A_646, %parallel_loop3A_653 : vector<16xf32>
        %parallel_loop3A_655 = arith.mulf %parallel_loop3A_653, %parallel_loop3A_653 : vector<16xf32>
        %parallel_loop3A_656 = arith.addf %parallel_loop3A_648, %parallel_loop3A_655 : vector<16xf32>
        %parallel_loop3A_657 = arith.constant 13 : i32
        %parallel_loop3A_658 = arith.addi %parallel_loop3A_556, %parallel_loop3A_657 : i32
        %parallel_loop3A_659 = arith.index_cast %parallel_loop3A_658 : i32 to index
        %parallel_loop3A_660 = arith.constant 0 : index
        %parallel_loop3A_661 = tpu.vector_load %arg7[%parallel_loop3A_659, %parallel_loop3A_660] {strides = array<i32>} : memref<1664x16xf32, #tpu.memory_space<vmem>>, vector<16xf32>,
        %parallel_loop3A_662 = arith.addf %parallel_loop3A_654, %parallel_loop3A_661 : vector<16xf32>
        %parallel_loop3A_663 = arith.mulf %parallel_loop3A_661, %parallel_loop3A_661 : vector<16xf32>
        %parallel_loop3A_664 = arith.addf %parallel_loop3A_656, %parallel_loop3A_663 : vector<16xf32>
        %parallel_loop3A_665 = arith.constant 14 : i32
        %parallel_loop3A_666 = arith.addi %parallel_loop3A_556, %parallel_loop3A_665 : i32
        %parallel_loop3A_667 = arith.index_cast %parallel_loop3A_666 : i32 to index
        %parallel_loop3A_668 = arith.constant 0 : index
        %parallel_loop3A_669 = tpu.vector_load %arg7[%parallel_loop3A_667, %parallel_loop3A_668] {strides = array<i32>} : memref<1664x16xf32, #tpu.memory_space<vmem>>, vector<16xf32>,
        %parallel_loop3A_670 = arith.addf %parallel_loop3A_662, %parallel_loop3A_669 : vector<16xf32>
        %parallel_loop3A_671 = arith.mulf %parallel_loop3A_669, %parallel_loop3A_669 : vector<16xf32>
        %parallel_loop3A_672 = arith.addf %parallel_loop3A_664, %parallel_loop3A_671 : vector<16xf32>
        %parallel_loop3A_673 = arith.constant 15 : i32
        %parallel_loop3A_674 = arith.addi %parallel_loop3A_556, %parallel_loop3A_673 : i32
        %parallel_loop3A_675 = arith.index_cast %parallel_loop3A_674 : i32 to index
        %parallel_loop3A_676 = arith.constant 0 : index
        %parallel_loop3A_677 = tpu.vector_load %arg7[%parallel_loop3A_675, %parallel_loop3A_676] {strides = array<i32>} : memref<1664x16xf32, #tpu.memory_space<vmem>>, vector<16xf32>,
        %parallel_loop3A_678 = arith.addf %parallel_loop3A_670, %parallel_loop3A_677 : vector<16xf32>
        %parallel_loop3A_679 = arith.mulf %parallel_loop3A_677, %parallel_loop3A_677 : vector<16xf32>
        %parallel_loop3A_680 = arith.addf %parallel_loop3A_672, %parallel_loop3A_679 : vector<16xf32>
        %parallel_loop3A_681 = arith.constant 16 : i32
        %parallel_loop3A_682 = arith.addi %parallel_loop3A_556, %parallel_loop3A_681 : i32
        %parallel_loop3A_683 = arith.index_cast %parallel_loop3A_682 : i32 to index
        %parallel_loop3A_684 = arith.constant 0 : index
        %parallel_loop3A_685 = tpu.vector_load %arg7[%parallel_loop3A_683, %parallel_loop3A_684] {strides = array<i32>} : memref<1664x16xf32, #tpu.memory_space<vmem>>, vector<16xf32>,
        %parallel_loop3A_686 = arith.addf %parallel_loop3A_678, %parallel_loop3A_685 : vector<16xf32>
        %parallel_loop3A_687 = arith.mulf %parallel_loop3A_685, %parallel_loop3A_685 : vector<16xf32>
        %parallel_loop3A_688 = arith.addf %parallel_loop3A_680, %parallel_loop3A_687 : vector<16xf32>
        %parallel_loop3A_689 = arith.constant 17 : i32
        %parallel_loop3A_690 = arith.addi %parallel_loop3A_556, %parallel_loop3A_689 : i32
        %parallel_loop3A_691 = arith.index_cast %parallel_loop3A_690 : i32 to index
        %parallel_loop3A_692 = arith.constant 0 : index
        %parallel_loop3A_693 = tpu.vector_load %arg7[%parallel_loop3A_691, %parallel_loop3A_692] {strides = array<i32>} : memref<1664x16xf32, #tpu.memory_space<vmem>>, vector<16xf32>,
        %parallel_loop3A_694 = arith.addf %parallel_loop3A_686, %parallel_loop3A_693 : vector<16xf32>
        %parallel_loop3A_695 = arith.mulf %parallel_loop3A_693, %parallel_loop3A_693 : vector<16xf32>
        %parallel_loop3A_696 = arith.addf %parallel_loop3A_688, %parallel_loop3A_695 : vector<16xf32>
        %parallel_loop3A_697 = arith.constant 18 : i32
        %parallel_loop3A_698 = arith.addi %parallel_loop3A_556, %parallel_loop3A_697 : i32
        %parallel_loop3A_699 = arith.index_cast %parallel_loop3A_698 : i32 to index
        %parallel_loop3A_700 = arith.constant 0 : index
        %parallel_loop3A_701 = tpu.vector_load %arg7[%parallel_loop3A_699, %parallel_loop3A_700] {strides = array<i32>} : memref<1664x16xf32, #tpu.memory_space<vmem>>, vector<16xf32>,
        %parallel_loop3A_702 = arith.addf %parallel_loop3A_694, %parallel_loop3A_701 : vector<16xf32>
        %parallel_loop3A_703 = arith.mulf %parallel_loop3A_701, %parallel_loop3A_701 : vector<16xf32>
        %parallel_loop3A_704 = arith.addf %parallel_loop3A_696, %parallel_loop3A_703 : vector<16xf32>
        %parallel_loop3A_705 = arith.constant 19 : i32
        %parallel_loop3A_706 = arith.addi %parallel_loop3A_556, %parallel_loop3A_705 : i32
        %parallel_loop3A_707 = arith.index_cast %parallel_loop3A_706 : i32 to index
        %parallel_loop3A_708 = arith.constant 0 : index
        %parallel_loop3A_709 = tpu.vector_load %arg7[%parallel_loop3A_707, %parallel_loop3A_708] {strides = array<i32>} : memref<1664x16xf32, #tpu.memory_space<vmem>>, vector<16xf32>,
        %parallel_loop3A_710 = arith.addf %parallel_loop3A_702, %parallel_loop3A_709 : vector<16xf32>
        %parallel_loop3A_711 = arith.mulf %parallel_loop3A_709, %parallel_loop3A_709 : vector<16xf32>
        %parallel_loop3A_712 = arith.addf %parallel_loop3A_704, %parallel_loop3A_711 : vector<16xf32>
        %parallel_loop3A_713 = arith.constant 20 : i32
        %parallel_loop3A_714 = arith.addi %parallel_loop3A_556, %parallel_loop3A_713 : i32
        %parallel_loop3A_715 = arith.index_cast %parallel_loop3A_714 : i32 to index
        %parallel_loop3A_716 = arith.constant 0 : index
        %parallel_loop3A_717 = tpu.vector_load %arg7[%parallel_loop3A_715, %parallel_loop3A_716] {strides = array<i32>} : memref<1664x16xf32, #tpu.memory_space<vmem>>, vector<16xf32>,
        %parallel_loop3A_718 = arith.addf %parallel_loop3A_710, %parallel_loop3A_717 : vector<16xf32>
        %parallel_loop3A_719 = arith.mulf %parallel_loop3A_717, %parallel_loop3A_717 : vector<16xf32>
        %parallel_loop3A_720 = arith.addf %parallel_loop3A_712, %parallel_loop3A_719 : vector<16xf32>
        %parallel_loop3A_721 = arith.constant 21 : i32
        %parallel_loop3A_722 = arith.addi %parallel_loop3A_556, %parallel_loop3A_721 : i32
        %parallel_loop3A_723 = arith.index_cast %parallel_loop3A_722 : i32 to index
        %parallel_loop3A_724 = arith.constant 0 : index
        %parallel_loop3A_725 = tpu.vector_load %arg7[%parallel_loop3A_723, %parallel_loop3A_724] {strides = array<i32>} : memref<1664x16xf32, #tpu.memory_space<vmem>>, vector<16xf32>,
        %parallel_loop3A_726 = arith.addf %parallel_loop3A_718, %parallel_loop3A_725 : vector<16xf32>
        %parallel_loop3A_727 = arith.mulf %parallel_loop3A_725, %parallel_loop3A_725 : vector<16xf32>
        %parallel_loop3A_728 = arith.addf %parallel_loop3A_720, %parallel_loop3A_727 : vector<16xf32>
        %parallel_loop3A_729 = arith.constant 22 : i32
        %parallel_loop3A_730 = arith.addi %parallel_loop3A_556, %parallel_loop3A_729 : i32
        %parallel_loop3A_731 = arith.index_cast %parallel_loop3A_730 : i32 to index
        %parallel_loop3A_732 = arith.constant 0 : index
        %parallel_loop3A_733 = tpu.vector_load %arg7[%parallel_loop3A_731, %parallel_loop3A_732] {strides = array<i32>} : memref<1664x16xf32, #tpu.memory_space<vmem>>, vector<16xf32>,
        %parallel_loop3A_734 = arith.addf %parallel_loop3A_726, %parallel_loop3A_733 : vector<16xf32>
        %parallel_loop3A_735 = arith.mulf %parallel_loop3A_733, %parallel_loop3A_733 : vector<16xf32>
        %parallel_loop3A_736 = arith.addf %parallel_loop3A_728, %parallel_loop3A_735 : vector<16xf32>
        %parallel_loop3A_737 = arith.constant 23 : i32
        %parallel_loop3A_738 = arith.addi %parallel_loop3A_556, %parallel_loop3A_737 : i32
        %parallel_loop3A_739 = arith.index_cast %parallel_loop3A_738 : i32 to index
        %parallel_loop3A_740 = arith.constant 0 : index
        %parallel_loop3A_741 = tpu.vector_load %arg7[%parallel_loop3A_739, %parallel_loop3A_740] {strides = array<i32>} : memref<1664x16xf32, #tpu.memory_space<vmem>>, vector<16xf32>,
        %parallel_loop3A_742 = arith.addf %parallel_loop3A_734, %parallel_loop3A_741 : vector<16xf32>
        %parallel_loop3A_743 = arith.mulf %parallel_loop3A_741, %parallel_loop3A_741 : vector<16xf32>
        %parallel_loop3A_744 = arith.addf %parallel_loop3A_736, %parallel_loop3A_743 : vector<16xf32>
        %parallel_loop3A_745 = arith.constant 24 : i32
        %parallel_loop3A_746 = arith.addi %parallel_loop3A_556, %parallel_loop3A_745 : i32
        %parallel_loop3A_747 = arith.index_cast %parallel_loop3A_746 : i32 to index
        %parallel_loop3A_748 = arith.constant 0 : index
        %parallel_loop3A_749 = tpu.vector_load %arg7[%parallel_loop3A_747, %parallel_loop3A_748] {strides = array<i32>} : memref<1664x16xf32, #tpu.memory_space<vmem>>, vector<16xf32>,
        %parallel_loop3A_750 = arith.addf %parallel_loop3A_742, %parallel_loop3A_749 : vector<16xf32>
        %parallel_loop3A_751 = arith.mulf %parallel_loop3A_749, %parallel_loop3A_749 : vector<16xf32>
        %parallel_loop3A_752 = arith.addf %parallel_loop3A_744, %parallel_loop3A_751 : vector<16xf32>
        %parallel_loop3A_753 = arith.constant 25 : i32
        %parallel_loop3A_754 = arith.addi %parallel_loop3A_556, %parallel_loop3A_753 : i32
        %parallel_loop3A_755 = arith.index_cast %parallel_loop3A_754 : i32 to index
        %parallel_loop3A_756 = arith.constant 0 : index
        %parallel_loop3A_757 = tpu.vector_load %arg7[%parallel_loop3A_755, %parallel_loop3A_756] {strides = array<i32>} : memref<1664x16xf32, #tpu.memory_space<vmem>>, vector<16xf32>,
        %parallel_loop3A_758 = arith.addf %parallel_loop3A_750, %parallel_loop3A_757 : vector<16xf32>
        %parallel_loop3A_759 = arith.mulf %parallel_loop3A_757, %parallel_loop3A_757 : vector<16xf32>
        %parallel_loop3A_760 = arith.addf %parallel_loop3A_752, %parallel_loop3A_759 : vector<16xf32>
        %parallel_loop3A_761 = arith.index_cast %parallel_loop3A_556 : i32 to index
        %parallel_loop3A_762 = tpu.vector_load %arg8[%parallel_loop3A_761] {strides = array<i32>} : memref<1680xf32, #tpu.memory_space<vmem>>, vector<16xf32>,
        %parallel_loop3A_763 = arith.constant 16 : i32
        %parallel_loop3A_764 = arith.addi %parallel_loop3A_556, %parallel_loop3A_763 : i32
        %parallel_loop3A_765 = arith.index_cast %parallel_loop3A_764 : i32 to index
        %parallel_loop3A_766 = tpu.vector_load %arg8[%parallel_loop3A_765] {strides = array<i32>} : memref<1680xf32, #tpu.memory_space<vmem>>, vector<16xf32>,
        %parallel_loop3A_767 = arith.mulf %parallel_loop3A_758, %parallel_loop3A_758 : vector<16xf32>
        %parallel_loop3A_768 = arith.subf %parallel_loop3A_767, %parallel_loop3A_760 : vector<16xf32>
        %parallel_loop3A_769 = arith.constant 5.000000e-01 : f32
        %parallel_loop3A_770 = vector.broadcast %parallel_loop3A_769 : f32 to vector<16xf32>
        %parallel_loop3A_771 = arith.mulf %parallel_loop3A_770, %parallel_loop3A_768 : vector<16xf32>
        %parallel_loop3A_772 = arith.addf %parallel_loop3A_771, %parallel_loop3A_762 : vector<16xf32>
        %parallel_loop3A_773 = arith.constant 0.000000e+00 : f32
        %parallel_loop3A_774 = vector.broadcast %parallel_loop3A_773 : f32 to vector<16xf32>
        %parallel_loop3A_775 = arith.select %lt3A_4, %parallel_loop3A_766, %parallel_loop3A_774 : vector<16xi1>, vector<16xf32>
        %parallel_loop3A_776 = arith.addf %parallel_loop3A_772, %parallel_loop3A_775 : vector<16xf32>
        %parallel_loop3A_777 = vector.shape_cast %reshape3A : vector<16x1xi32> to vector<16xi32>
        %parallel_loop3A_778 = tpu.dynamic_gather %parallel_loop3A_776[%parallel_loop3A_777] in [0] : vector<16xf32>, vector<16xi32> -> vector<16xf32>
        %parallel_loop3A_779 = arith.addf %parallel_loop3A_776, %parallel_loop3A_778 : vector<16xf32>
        %parallel_loop3A_780 = vector.shape_cast %reshape3A_10 : vector<16x1xi32> to vector<16xi32>
        %parallel_loop3A_781 = tpu.dynamic_gather %parallel_loop3A_779[%parallel_loop3A_780] in [0] : vector<16xf32>, vector<16xi32> -> vector<16xf32>
        %parallel_loop3A_782 = arith.addf %parallel_loop3A_779, %parallel_loop3A_781 : vector<16xf32>
        %parallel_loop3A_783 = vector.shape_cast %reshape3A_14 : vector<16x1xi32> to vector<16xi32>
        %parallel_loop3A_784 = tpu.dynamic_gather %parallel_loop3A_782[%parallel_loop3A_783] in [0] : vector<16xf32>, vector<16xi32> -> vector<16xf32>
        %parallel_loop3A_785 = arith.addf %parallel_loop3A_782, %parallel_loop3A_784 : vector<16xf32>
        %parallel_loop3A_786 = vector.shape_cast %reshape3A_18 : vector<16x1xi32> to vector<16xi32>
        %parallel_loop3A_787 = tpu.dynamic_gather %parallel_loop3A_785[%parallel_loop3A_786] in [0] : vector<16xf32>, vector<16xi32> -> vector<16xf32>
        %parallel_loop3A_788 = arith.addf %parallel_loop3A_785, %parallel_loop3A_787 : vector<16xf32>
        %parallel_loop3A_789 = arith.constant 0 : i32
        %parallel_loop3A_790 = vector.broadcast %parallel_loop3A_789 : i32 to vector<16xi32>
        %parallel_loop3A_791 = arith.muli %iota3A, %parallel_loop3A_790 : vector<16xi32>
        %parallel_loop3A_792 = arith.constant 64 : i32
        %parallel_loop3A_793 = arith.muli %scan3A_24, %parallel_loop3A_792 : i32
        %parallel_loop3A_794 = arith.constant 16 : i32
        %parallel_loop3A_795 = arith.muli %parallel_loop3A_44, %parallel_loop3A_794 : i32
        %parallel_loop3A_796 = arith.addi %parallel_loop3A_793, %parallel_loop3A_795 : i32
        %parallel_loop3A_797 = arith.constant 2 : i32
        %parallel_loop3A_798 = arith.addi %parallel_loop3A_796, %parallel_loop3A_797 : i32
        %parallel_loop3A_799 = vector.broadcast %parallel_loop3A_798 : i32 to vector<16xi32>
        %parallel_loop3A_800 = arith.addi %parallel_loop3A_791, %parallel_loop3A_799 : vector<16xi32>
        %parallel_loop3A_801 = arith.constant 2 : i32
        %parallel_loop3A_802 = vector.broadcast %parallel_loop3A_801 : i32 to vector<16xi32>
        %parallel_loop3A_803 = arith.cmpi eq, %iota3A, %parallel_loop3A_802 : vector<16xi32>
        tpu.vector_store_idx %arg9[%parallel_loop3A_800], %parallel_loop3A_788 masked %parallel_loop3A_803 : memref<512xf32, #tpu.memory_space<vmem>>[vector<16xi32>], vector<16xf32>, vector<16xi1>
        %parallel_loop3A_804 = arith.constant 16 : i32
        %parallel_loop3A_805 = arith.muli %parallel_loop3A_44, %parallel_loop3A_804 : i32
        %parallel_loop3A_806 = arith.constant 3 : i32
        %parallel_loop3A_807 = arith.addi %parallel_loop3A_805, %parallel_loop3A_806 : i32
        %parallel_loop3A_808 = arith.constant 26 : i32
        %parallel_loop3A_809 = arith.muli %parallel_loop3A_807, %parallel_loop3A_808 : i32
        %parallel_loop3A_810 = arith.index_cast %parallel_loop3A_809 : i32 to index
        %parallel_loop3A_811 = arith.constant 0 : index
        %parallel_loop3A_812 = tpu.vector_load %arg7[%parallel_loop3A_810, %parallel_loop3A_811] {strides = array<i32>} : memref<1664x16xf32, #tpu.memory_space<vmem>>, vector<16xf32>,
        %parallel_loop3A_813 = arith.mulf %parallel_loop3A_812, %parallel_loop3A_812 : vector<16xf32>
        %parallel_loop3A_814 = arith.constant 1 : i32
        %parallel_loop3A_815 = arith.addi %parallel_loop3A_809, %parallel_loop3A_814 : i32
        %parallel_loop3A_816 = arith.index_cast %parallel_loop3A_815 : i32 to index
        %parallel_loop3A_817 = arith.constant 0 : index
        %parallel_loop3A_818 = tpu.vector_load %arg7[%parallel_loop3A_816, %parallel_loop3A_817] {strides = array<i32>} : memref<1664x16xf32, #tpu.memory_space<vmem>>, vector<16xf32>,
        %parallel_loop3A_819 = arith.addf %parallel_loop3A_812, %parallel_loop3A_818 : vector<16xf32>
        %parallel_loop3A_820 = arith.mulf %parallel_loop3A_818, %parallel_loop3A_818 : vector<16xf32>
        %parallel_loop3A_821 = arith.addf %parallel_loop3A_813, %parallel_loop3A_820 : vector<16xf32>
        %parallel_loop3A_822 = arith.constant 2 : i32
        %parallel_loop3A_823 = arith.addi %parallel_loop3A_809, %parallel_loop3A_822 : i32
        %parallel_loop3A_824 = arith.index_cast %parallel_loop3A_823 : i32 to index
        %parallel_loop3A_825 = arith.constant 0 : index
        %parallel_loop3A_826 = tpu.vector_load %arg7[%parallel_loop3A_824, %parallel_loop3A_825] {strides = array<i32>} : memref<1664x16xf32, #tpu.memory_space<vmem>>, vector<16xf32>,
        %parallel_loop3A_827 = arith.addf %parallel_loop3A_819, %parallel_loop3A_826 : vector<16xf32>
        %parallel_loop3A_828 = arith.mulf %parallel_loop3A_826, %parallel_loop3A_826 : vector<16xf32>
        %parallel_loop3A_829 = arith.addf %parallel_loop3A_821, %parallel_loop3A_828 : vector<16xf32>
        %parallel_loop3A_830 = arith.constant 3 : i32
        %parallel_loop3A_831 = arith.addi %parallel_loop3A_809, %parallel_loop3A_830 : i32
        %parallel_loop3A_832 = arith.index_cast %parallel_loop3A_831 : i32 to index
        %parallel_loop3A_833 = arith.constant 0 : index
        %parallel_loop3A_834 = tpu.vector_load %arg7[%parallel_loop3A_832, %parallel_loop3A_833] {strides = array<i32>} : memref<1664x16xf32, #tpu.memory_space<vmem>>, vector<16xf32>,
        %parallel_loop3A_835 = arith.addf %parallel_loop3A_827, %parallel_loop3A_834 : vector<16xf32>
        %parallel_loop3A_836 = arith.mulf %parallel_loop3A_834, %parallel_loop3A_834 : vector<16xf32>
        %parallel_loop3A_837 = arith.addf %parallel_loop3A_829, %parallel_loop3A_836 : vector<16xf32>
        %parallel_loop3A_838 = arith.constant 4 : i32
        %parallel_loop3A_839 = arith.addi %parallel_loop3A_809, %parallel_loop3A_838 : i32
        %parallel_loop3A_840 = arith.index_cast %parallel_loop3A_839 : i32 to index
        %parallel_loop3A_841 = arith.constant 0 : index
        %parallel_loop3A_842 = tpu.vector_load %arg7[%parallel_loop3A_840, %parallel_loop3A_841] {strides = array<i32>} : memref<1664x16xf32, #tpu.memory_space<vmem>>, vector<16xf32>,
        %parallel_loop3A_843 = arith.addf %parallel_loop3A_835, %parallel_loop3A_842 : vector<16xf32>
        %parallel_loop3A_844 = arith.mulf %parallel_loop3A_842, %parallel_loop3A_842 : vector<16xf32>
        %parallel_loop3A_845 = arith.addf %parallel_loop3A_837, %parallel_loop3A_844 : vector<16xf32>
        %parallel_loop3A_846 = arith.constant 5 : i32
        %parallel_loop3A_847 = arith.addi %parallel_loop3A_809, %parallel_loop3A_846 : i32
        %parallel_loop3A_848 = arith.index_cast %parallel_loop3A_847 : i32 to index
        %parallel_loop3A_849 = arith.constant 0 : index
        %parallel_loop3A_850 = tpu.vector_load %arg7[%parallel_loop3A_848, %parallel_loop3A_849] {strides = array<i32>} : memref<1664x16xf32, #tpu.memory_space<vmem>>, vector<16xf32>,
        %parallel_loop3A_851 = arith.addf %parallel_loop3A_843, %parallel_loop3A_850 : vector<16xf32>
        %parallel_loop3A_852 = arith.mulf %parallel_loop3A_850, %parallel_loop3A_850 : vector<16xf32>
        %parallel_loop3A_853 = arith.addf %parallel_loop3A_845, %parallel_loop3A_852 : vector<16xf32>
        %parallel_loop3A_854 = arith.constant 6 : i32
        %parallel_loop3A_855 = arith.addi %parallel_loop3A_809, %parallel_loop3A_854 : i32
        %parallel_loop3A_856 = arith.index_cast %parallel_loop3A_855 : i32 to index
        %parallel_loop3A_857 = arith.constant 0 : index
        %parallel_loop3A_858 = tpu.vector_load %arg7[%parallel_loop3A_856, %parallel_loop3A_857] {strides = array<i32>} : memref<1664x16xf32, #tpu.memory_space<vmem>>, vector<16xf32>,
        %parallel_loop3A_859 = arith.addf %parallel_loop3A_851, %parallel_loop3A_858 : vector<16xf32>
        %parallel_loop3A_860 = arith.mulf %parallel_loop3A_858, %parallel_loop3A_858 : vector<16xf32>
        %parallel_loop3A_861 = arith.addf %parallel_loop3A_853, %parallel_loop3A_860 : vector<16xf32>
        %parallel_loop3A_862 = arith.constant 7 : i32
        %parallel_loop3A_863 = arith.addi %parallel_loop3A_809, %parallel_loop3A_862 : i32
        %parallel_loop3A_864 = arith.index_cast %parallel_loop3A_863 : i32 to index
        %parallel_loop3A_865 = arith.constant 0 : index
        %parallel_loop3A_866 = tpu.vector_load %arg7[%parallel_loop3A_864, %parallel_loop3A_865] {strides = array<i32>} : memref<1664x16xf32, #tpu.memory_space<vmem>>, vector<16xf32>,
        %parallel_loop3A_867 = arith.addf %parallel_loop3A_859, %parallel_loop3A_866 : vector<16xf32>
        %parallel_loop3A_868 = arith.mulf %parallel_loop3A_866, %parallel_loop3A_866 : vector<16xf32>
        %parallel_loop3A_869 = arith.addf %parallel_loop3A_861, %parallel_loop3A_868 : vector<16xf32>
        %parallel_loop3A_870 = arith.constant 8 : i32
        %parallel_loop3A_871 = arith.addi %parallel_loop3A_809, %parallel_loop3A_870 : i32
        %parallel_loop3A_872 = arith.index_cast %parallel_loop3A_871 : i32 to index
        %parallel_loop3A_873 = arith.constant 0 : index
        %parallel_loop3A_874 = tpu.vector_load %arg7[%parallel_loop3A_872, %parallel_loop3A_873] {strides = array<i32>} : memref<1664x16xf32, #tpu.memory_space<vmem>>, vector<16xf32>,
        %parallel_loop3A_875 = arith.addf %parallel_loop3A_867, %parallel_loop3A_874 : vector<16xf32>
        %parallel_loop3A_876 = arith.mulf %parallel_loop3A_874, %parallel_loop3A_874 : vector<16xf32>
        %parallel_loop3A_877 = arith.addf %parallel_loop3A_869, %parallel_loop3A_876 : vector<16xf32>
        %parallel_loop3A_878 = arith.constant 9 : i32
        %parallel_loop3A_879 = arith.addi %parallel_loop3A_809, %parallel_loop3A_878 : i32
        %parallel_loop3A_880 = arith.index_cast %parallel_loop3A_879 : i32 to index
        %parallel_loop3A_881 = arith.constant 0 : index
        %parallel_loop3A_882 = tpu.vector_load %arg7[%parallel_loop3A_880, %parallel_loop3A_881] {strides = array<i32>} : memref<1664x16xf32, #tpu.memory_space<vmem>>, vector<16xf32>,
        %parallel_loop3A_883 = arith.addf %parallel_loop3A_875, %parallel_loop3A_882 : vector<16xf32>
        %parallel_loop3A_884 = arith.mulf %parallel_loop3A_882, %parallel_loop3A_882 : vector<16xf32>
        %parallel_loop3A_885 = arith.addf %parallel_loop3A_877, %parallel_loop3A_884 : vector<16xf32>
        %parallel_loop3A_886 = arith.constant 10 : i32
        %parallel_loop3A_887 = arith.addi %parallel_loop3A_809, %parallel_loop3A_886 : i32
        %parallel_loop3A_888 = arith.index_cast %parallel_loop3A_887 : i32 to index
        %parallel_loop3A_889 = arith.constant 0 : index
        %parallel_loop3A_890 = tpu.vector_load %arg7[%parallel_loop3A_888, %parallel_loop3A_889] {strides = array<i32>} : memref<1664x16xf32, #tpu.memory_space<vmem>>, vector<16xf32>,
        %parallel_loop3A_891 = arith.addf %parallel_loop3A_883, %parallel_loop3A_890 : vector<16xf32>
        %parallel_loop3A_892 = arith.mulf %parallel_loop3A_890, %parallel_loop3A_890 : vector<16xf32>
        %parallel_loop3A_893 = arith.addf %parallel_loop3A_885, %parallel_loop3A_892 : vector<16xf32>
        %parallel_loop3A_894 = arith.constant 11 : i32
        %parallel_loop3A_895 = arith.addi %parallel_loop3A_809, %parallel_loop3A_894 : i32
        %parallel_loop3A_896 = arith.index_cast %parallel_loop3A_895 : i32 to index
        %parallel_loop3A_897 = arith.constant 0 : index
        %parallel_loop3A_898 = tpu.vector_load %arg7[%parallel_loop3A_896, %parallel_loop3A_897] {strides = array<i32>} : memref<1664x16xf32, #tpu.memory_space<vmem>>, vector<16xf32>,
        %parallel_loop3A_899 = arith.addf %parallel_loop3A_891, %parallel_loop3A_898 : vector<16xf32>
        %parallel_loop3A_900 = arith.mulf %parallel_loop3A_898, %parallel_loop3A_898 : vector<16xf32>
        %parallel_loop3A_901 = arith.addf %parallel_loop3A_893, %parallel_loop3A_900 : vector<16xf32>
        %parallel_loop3A_902 = arith.constant 12 : i32
        %parallel_loop3A_903 = arith.addi %parallel_loop3A_809, %parallel_loop3A_902 : i32
        %parallel_loop3A_904 = arith.index_cast %parallel_loop3A_903 : i32 to index
        %parallel_loop3A_905 = arith.constant 0 : index
        %parallel_loop3A_906 = tpu.vector_load %arg7[%parallel_loop3A_904, %parallel_loop3A_905] {strides = array<i32>} : memref<1664x16xf32, #tpu.memory_space<vmem>>, vector<16xf32>,
        %parallel_loop3A_907 = arith.addf %parallel_loop3A_899, %parallel_loop3A_906 : vector<16xf32>
        %parallel_loop3A_908 = arith.mulf %parallel_loop3A_906, %parallel_loop3A_906 : vector<16xf32>
        %parallel_loop3A_909 = arith.addf %parallel_loop3A_901, %parallel_loop3A_908 : vector<16xf32>
        %parallel_loop3A_910 = arith.constant 13 : i32
        %parallel_loop3A_911 = arith.addi %parallel_loop3A_809, %parallel_loop3A_910 : i32
        %parallel_loop3A_912 = arith.index_cast %parallel_loop3A_911 : i32 to index
        %parallel_loop3A_913 = arith.constant 0 : index
        %parallel_loop3A_914 = tpu.vector_load %arg7[%parallel_loop3A_912, %parallel_loop3A_913] {strides = array<i32>} : memref<1664x16xf32, #tpu.memory_space<vmem>>, vector<16xf32>,
        %parallel_loop3A_915 = arith.addf %parallel_loop3A_907, %parallel_loop3A_914 : vector<16xf32>
        %parallel_loop3A_916 = arith.mulf %parallel_loop3A_914, %parallel_loop3A_914 : vector<16xf32>
        %parallel_loop3A_917 = arith.addf %parallel_loop3A_909, %parallel_loop3A_916 : vector<16xf32>
        %parallel_loop3A_918 = arith.constant 14 : i32
        %parallel_loop3A_919 = arith.addi %parallel_loop3A_809, %parallel_loop3A_918 : i32
        %parallel_loop3A_920 = arith.index_cast %parallel_loop3A_919 : i32 to index
        %parallel_loop3A_921 = arith.constant 0 : index
        %parallel_loop3A_922 = tpu.vector_load %arg7[%parallel_loop3A_920, %parallel_loop3A_921] {strides = array<i32>} : memref<1664x16xf32, #tpu.memory_space<vmem>>, vector<16xf32>,
        %parallel_loop3A_923 = arith.addf %parallel_loop3A_915, %parallel_loop3A_922 : vector<16xf32>
        %parallel_loop3A_924 = arith.mulf %parallel_loop3A_922, %parallel_loop3A_922 : vector<16xf32>
        %parallel_loop3A_925 = arith.addf %parallel_loop3A_917, %parallel_loop3A_924 : vector<16xf32>
        %parallel_loop3A_926 = arith.constant 15 : i32
        %parallel_loop3A_927 = arith.addi %parallel_loop3A_809, %parallel_loop3A_926 : i32
        %parallel_loop3A_928 = arith.index_cast %parallel_loop3A_927 : i32 to index
        %parallel_loop3A_929 = arith.constant 0 : index
        %parallel_loop3A_930 = tpu.vector_load %arg7[%parallel_loop3A_928, %parallel_loop3A_929] {strides = array<i32>} : memref<1664x16xf32, #tpu.memory_space<vmem>>, vector<16xf32>,
        %parallel_loop3A_931 = arith.addf %parallel_loop3A_923, %parallel_loop3A_930 : vector<16xf32>
        %parallel_loop3A_932 = arith.mulf %parallel_loop3A_930, %parallel_loop3A_930 : vector<16xf32>
        %parallel_loop3A_933 = arith.addf %parallel_loop3A_925, %parallel_loop3A_932 : vector<16xf32>
        %parallel_loop3A_934 = arith.constant 16 : i32
        %parallel_loop3A_935 = arith.addi %parallel_loop3A_809, %parallel_loop3A_934 : i32
        %parallel_loop3A_936 = arith.index_cast %parallel_loop3A_935 : i32 to index
        %parallel_loop3A_937 = arith.constant 0 : index
        %parallel_loop3A_938 = tpu.vector_load %arg7[%parallel_loop3A_936, %parallel_loop3A_937] {strides = array<i32>} : memref<1664x16xf32, #tpu.memory_space<vmem>>, vector<16xf32>,
        %parallel_loop3A_939 = arith.addf %parallel_loop3A_931, %parallel_loop3A_938 : vector<16xf32>
        %parallel_loop3A_940 = arith.mulf %parallel_loop3A_938, %parallel_loop3A_938 : vector<16xf32>
        %parallel_loop3A_941 = arith.addf %parallel_loop3A_933, %parallel_loop3A_940 : vector<16xf32>
        %parallel_loop3A_942 = arith.constant 17 : i32
        %parallel_loop3A_943 = arith.addi %parallel_loop3A_809, %parallel_loop3A_942 : i32
        %parallel_loop3A_944 = arith.index_cast %parallel_loop3A_943 : i32 to index
        %parallel_loop3A_945 = arith.constant 0 : index
        %parallel_loop3A_946 = tpu.vector_load %arg7[%parallel_loop3A_944, %parallel_loop3A_945] {strides = array<i32>} : memref<1664x16xf32, #tpu.memory_space<vmem>>, vector<16xf32>,
        %parallel_loop3A_947 = arith.addf %parallel_loop3A_939, %parallel_loop3A_946 : vector<16xf32>
        %parallel_loop3A_948 = arith.mulf %parallel_loop3A_946, %parallel_loop3A_946 : vector<16xf32>
        %parallel_loop3A_949 = arith.addf %parallel_loop3A_941, %parallel_loop3A_948 : vector<16xf32>
        %parallel_loop3A_950 = arith.constant 18 : i32
        %parallel_loop3A_951 = arith.addi %parallel_loop3A_809, %parallel_loop3A_950 : i32
        %parallel_loop3A_952 = arith.index_cast %parallel_loop3A_951 : i32 to index
        %parallel_loop3A_953 = arith.constant 0 : index
        %parallel_loop3A_954 = tpu.vector_load %arg7[%parallel_loop3A_952, %parallel_loop3A_953] {strides = array<i32>} : memref<1664x16xf32, #tpu.memory_space<vmem>>, vector<16xf32>,
        %parallel_loop3A_955 = arith.addf %parallel_loop3A_947, %parallel_loop3A_954 : vector<16xf32>
        %parallel_loop3A_956 = arith.mulf %parallel_loop3A_954, %parallel_loop3A_954 : vector<16xf32>
        %parallel_loop3A_957 = arith.addf %parallel_loop3A_949, %parallel_loop3A_956 : vector<16xf32>
        %parallel_loop3A_958 = arith.constant 19 : i32
        %parallel_loop3A_959 = arith.addi %parallel_loop3A_809, %parallel_loop3A_958 : i32
        %parallel_loop3A_960 = arith.index_cast %parallel_loop3A_959 : i32 to index
        %parallel_loop3A_961 = arith.constant 0 : index
        %parallel_loop3A_962 = tpu.vector_load %arg7[%parallel_loop3A_960, %parallel_loop3A_961] {strides = array<i32>} : memref<1664x16xf32, #tpu.memory_space<vmem>>, vector<16xf32>,
        %parallel_loop3A_963 = arith.addf %parallel_loop3A_955, %parallel_loop3A_962 : vector<16xf32>
        %parallel_loop3A_964 = arith.mulf %parallel_loop3A_962, %parallel_loop3A_962 : vector<16xf32>
        %parallel_loop3A_965 = arith.addf %parallel_loop3A_957, %parallel_loop3A_964 : vector<16xf32>
        %parallel_loop3A_966 = arith.constant 20 : i32
        %parallel_loop3A_967 = arith.addi %parallel_loop3A_809, %parallel_loop3A_966 : i32
        %parallel_loop3A_968 = arith.index_cast %parallel_loop3A_967 : i32 to index
        %parallel_loop3A_969 = arith.constant 0 : index
        %parallel_loop3A_970 = tpu.vector_load %arg7[%parallel_loop3A_968, %parallel_loop3A_969] {strides = array<i32>} : memref<1664x16xf32, #tpu.memory_space<vmem>>, vector<16xf32>,
        %parallel_loop3A_971 = arith.addf %parallel_loop3A_963, %parallel_loop3A_970 : vector<16xf32>
        %parallel_loop3A_972 = arith.mulf %parallel_loop3A_970, %parallel_loop3A_970 : vector<16xf32>
        %parallel_loop3A_973 = arith.addf %parallel_loop3A_965, %parallel_loop3A_972 : vector<16xf32>
        %parallel_loop3A_974 = arith.constant 21 : i32
        %parallel_loop3A_975 = arith.addi %parallel_loop3A_809, %parallel_loop3A_974 : i32
        %parallel_loop3A_976 = arith.index_cast %parallel_loop3A_975 : i32 to index
        %parallel_loop3A_977 = arith.constant 0 : index
        %parallel_loop3A_978 = tpu.vector_load %arg7[%parallel_loop3A_976, %parallel_loop3A_977] {strides = array<i32>} : memref<1664x16xf32, #tpu.memory_space<vmem>>, vector<16xf32>,
        %parallel_loop3A_979 = arith.addf %parallel_loop3A_971, %parallel_loop3A_978 : vector<16xf32>
        %parallel_loop3A_980 = arith.mulf %parallel_loop3A_978, %parallel_loop3A_978 : vector<16xf32>
        %parallel_loop3A_981 = arith.addf %parallel_loop3A_973, %parallel_loop3A_980 : vector<16xf32>
        %parallel_loop3A_982 = arith.constant 22 : i32
        %parallel_loop3A_983 = arith.addi %parallel_loop3A_809, %parallel_loop3A_982 : i32
        %parallel_loop3A_984 = arith.index_cast %parallel_loop3A_983 : i32 to index
        %parallel_loop3A_985 = arith.constant 0 : index
        %parallel_loop3A_986 = tpu.vector_load %arg7[%parallel_loop3A_984, %parallel_loop3A_985] {strides = array<i32>} : memref<1664x16xf32, #tpu.memory_space<vmem>>, vector<16xf32>,
        %parallel_loop3A_987 = arith.addf %parallel_loop3A_979, %parallel_loop3A_986 : vector<16xf32>
        %parallel_loop3A_988 = arith.mulf %parallel_loop3A_986, %parallel_loop3A_986 : vector<16xf32>
        %parallel_loop3A_989 = arith.addf %parallel_loop3A_981, %parallel_loop3A_988 : vector<16xf32>
        %parallel_loop3A_990 = arith.constant 23 : i32
        %parallel_loop3A_991 = arith.addi %parallel_loop3A_809, %parallel_loop3A_990 : i32
        %parallel_loop3A_992 = arith.index_cast %parallel_loop3A_991 : i32 to index
        %parallel_loop3A_993 = arith.constant 0 : index
        %parallel_loop3A_994 = tpu.vector_load %arg7[%parallel_loop3A_992, %parallel_loop3A_993] {strides = array<i32>} : memref<1664x16xf32, #tpu.memory_space<vmem>>, vector<16xf32>,
        %parallel_loop3A_995 = arith.addf %parallel_loop3A_987, %parallel_loop3A_994 : vector<16xf32>
        %parallel_loop3A_996 = arith.mulf %parallel_loop3A_994, %parallel_loop3A_994 : vector<16xf32>
        %parallel_loop3A_997 = arith.addf %parallel_loop3A_989, %parallel_loop3A_996 : vector<16xf32>
        %parallel_loop3A_998 = arith.constant 24 : i32
        %parallel_loop3A_999 = arith.addi %parallel_loop3A_809, %parallel_loop3A_998 : i32
        %parallel_loop3A_1000 = arith.index_cast %parallel_loop3A_999 : i32 to index
        %parallel_loop3A_1001 = arith.constant 0 : index
        %parallel_loop3A_1002 = tpu.vector_load %arg7[%parallel_loop3A_1000, %parallel_loop3A_1001] {strides = array<i32>} : memref<1664x16xf32, #tpu.memory_space<vmem>>, vector<16xf32>,
        %parallel_loop3A_1003 = arith.addf %parallel_loop3A_995, %parallel_loop3A_1002 : vector<16xf32>
        %parallel_loop3A_1004 = arith.mulf %parallel_loop3A_1002, %parallel_loop3A_1002 : vector<16xf32>
        %parallel_loop3A_1005 = arith.addf %parallel_loop3A_997, %parallel_loop3A_1004 : vector<16xf32>
        %parallel_loop3A_1006 = arith.constant 25 : i32
        %parallel_loop3A_1007 = arith.addi %parallel_loop3A_809, %parallel_loop3A_1006 : i32
        %parallel_loop3A_1008 = arith.index_cast %parallel_loop3A_1007 : i32 to index
        %parallel_loop3A_1009 = arith.constant 0 : index
        %parallel_loop3A_1010 = tpu.vector_load %arg7[%parallel_loop3A_1008, %parallel_loop3A_1009] {strides = array<i32>} : memref<1664x16xf32, #tpu.memory_space<vmem>>, vector<16xf32>,
        %parallel_loop3A_1011 = arith.addf %parallel_loop3A_1003, %parallel_loop3A_1010 : vector<16xf32>
        %parallel_loop3A_1012 = arith.mulf %parallel_loop3A_1010, %parallel_loop3A_1010 : vector<16xf32>
        %parallel_loop3A_1013 = arith.addf %parallel_loop3A_1005, %parallel_loop3A_1012 : vector<16xf32>
        %parallel_loop3A_1014 = arith.index_cast %parallel_loop3A_809 : i32 to index
        %parallel_loop3A_1015 = tpu.vector_load %arg8[%parallel_loop3A_1014] {strides = array<i32>} : memref<1680xf32, #tpu.memory_space<vmem>>, vector<16xf32>,
        %parallel_loop3A_1016 = arith.constant 16 : i32
        %parallel_loop3A_1017 = arith.addi %parallel_loop3A_809, %parallel_loop3A_1016 : i32
        %parallel_loop3A_1018 = arith.index_cast %parallel_loop3A_1017 : i32 to index
        %parallel_loop3A_1019 = tpu.vector_load %arg8[%parallel_loop3A_1018] {strides = array<i32>} : memref<1680xf32, #tpu.memory_space<vmem>>, vector<16xf32>,
        %parallel_loop3A_1020 = arith.mulf %parallel_loop3A_1011, %parallel_loop3A_1011 : vector<16xf32>
        %parallel_loop3A_1021 = arith.subf %parallel_loop3A_1020, %parallel_loop3A_1013 : vector<16xf32>
        %parallel_loop3A_1022 = arith.constant 5.000000e-01 : f32
        %parallel_loop3A_1023 = vector.broadcast %parallel_loop3A_1022 : f32 to vector<16xf32>
        %parallel_loop3A_1024 = arith.mulf %parallel_loop3A_1023, %parallel_loop3A_1021 : vector<16xf32>
        %parallel_loop3A_1025 = arith.addf %parallel_loop3A_1024, %parallel_loop3A_1015 : vector<16xf32>
        %parallel_loop3A_1026 = arith.constant 0.000000e+00 : f32
        %parallel_loop3A_1027 = vector.broadcast %parallel_loop3A_1026 : f32 to vector<16xf32>
        %parallel_loop3A_1028 = arith.select %lt3A_4, %parallel_loop3A_1019, %parallel_loop3A_1027 : vector<16xi1>, vector<16xf32>
        %parallel_loop3A_1029 = arith.addf %parallel_loop3A_1025, %parallel_loop3A_1028 : vector<16xf32>
        %parallel_loop3A_1030 = vector.shape_cast %reshape3A : vector<16x1xi32> to vector<16xi32>
        %parallel_loop3A_1031 = tpu.dynamic_gather %parallel_loop3A_1029[%parallel_loop3A_1030] in [0] : vector<16xf32>, vector<16xi32> -> vector<16xf32>
        %parallel_loop3A_1032 = arith.addf %parallel_loop3A_1029, %parallel_loop3A_1031 : vector<16xf32>
        %parallel_loop3A_1033 = vector.shape_cast %reshape3A_10 : vector<16x1xi32> to vector<16xi32>
        %parallel_loop3A_1034 = tpu.dynamic_gather %parallel_loop3A_1032[%parallel_loop3A_1033] in [0] : vector<16xf32>, vector<16xi32> -> vector<16xf32>
        %parallel_loop3A_1035 = arith.addf %parallel_loop3A_1032, %parallel_loop3A_1034 : vector<16xf32>
        %parallel_loop3A_1036 = vector.shape_cast %reshape3A_14 : vector<16x1xi32> to vector<16xi32>
        %parallel_loop3A_1037 = tpu.dynamic_gather %parallel_loop3A_1035[%parallel_loop3A_1036] in [0] : vector<16xf32>, vector<16xi32> -> vector<16xf32>
        %parallel_loop3A_1038 = arith.addf %parallel_loop3A_1035, %parallel_loop3A_1037 : vector<16xf32>
        %parallel_loop3A_1039 = vector.shape_cast %reshape3A_18 : vector<16x1xi32> to vector<16xi32>
        %parallel_loop3A_1040 = tpu.dynamic_gather %parallel_loop3A_1038[%parallel_loop3A_1039] in [0] : vector<16xf32>, vector<16xi32> -> vector<16xf32>
        %parallel_loop3A_1041 = arith.addf %parallel_loop3A_1038, %parallel_loop3A_1040 : vector<16xf32>
        %parallel_loop3A_1042 = arith.constant 0 : i32
        %parallel_loop3A_1043 = vector.broadcast %parallel_loop3A_1042 : i32 to vector<16xi32>
        %parallel_loop3A_1044 = arith.muli %iota3A, %parallel_loop3A_1043 : vector<16xi32>
        %parallel_loop3A_1045 = arith.constant 64 : i32
        %parallel_loop3A_1046 = arith.muli %scan3A_24, %parallel_loop3A_1045 : i32
        %parallel_loop3A_1047 = arith.constant 16 : i32
        %parallel_loop3A_1048 = arith.muli %parallel_loop3A_44, %parallel_loop3A_1047 : i32
        %parallel_loop3A_1049 = arith.addi %parallel_loop3A_1046, %parallel_loop3A_1048 : i32
        %parallel_loop3A_1050 = arith.constant 3 : i32
        %parallel_loop3A_1051 = arith.addi %parallel_loop3A_1049, %parallel_loop3A_1050 : i32
        %parallel_loop3A_1052 = vector.broadcast %parallel_loop3A_1051 : i32 to vector<16xi32>
        %parallel_loop3A_1053 = arith.addi %parallel_loop3A_1044, %parallel_loop3A_1052 : vector<16xi32>
        %parallel_loop3A_1054 = arith.constant 3 : i32
        %parallel_loop3A_1055 = vector.broadcast %parallel_loop3A_1054 : i32 to vector<16xi32>
        %parallel_loop3A_1056 = arith.cmpi eq, %iota3A, %parallel_loop3A_1055 : vector<16xi32>
        tpu.vector_store_idx %arg9[%parallel_loop3A_1053], %parallel_loop3A_1041 masked %parallel_loop3A_1056 : memref<512xf32, #tpu.memory_space<vmem>>[vector<16xi32>], vector<16xf32>, vector<16xi1>
        %parallel_loop3A_1057 = arith.constant 16 : i32
        %parallel_loop3A_1058 = arith.muli %parallel_loop3A_44, %parallel_loop3A_1057 : i32
        %parallel_loop3A_1059 = arith.constant 4 : i32
        %parallel_loop3A_1060 = arith.addi %parallel_loop3A_1058, %parallel_loop3A_1059 : i32
        %parallel_loop3A_1061 = arith.constant 26 : i32
        %parallel_loop3A_1062 = arith.muli %parallel_loop3A_1060, %parallel_loop3A_1061 : i32
        %parallel_loop3A_1063 = arith.index_cast %parallel_loop3A_1062 : i32 to index
        %parallel_loop3A_1064 = arith.constant 0 : index
        %parallel_loop3A_1065 = tpu.vector_load %arg7[%parallel_loop3A_1063, %parallel_loop3A_1064] {strides = array<i32>} : memref<1664x16xf32, #tpu.memory_space<vmem>>, vector<16xf32>,
        %parallel_loop3A_1066 = arith.mulf %parallel_loop3A_1065, %parallel_loop3A_1065 : vector<16xf32>
        %parallel_loop3A_1067 = arith.constant 1 : i32
        %parallel_loop3A_1068 = arith.addi %parallel_loop3A_1062, %parallel_loop3A_1067 : i32
        %parallel_loop3A_1069 = arith.index_cast %parallel_loop3A_1068 : i32 to index
        %parallel_loop3A_1070 = arith.constant 0 : index
        %parallel_loop3A_1071 = tpu.vector_load %arg7[%parallel_loop3A_1069, %parallel_loop3A_1070] {strides = array<i32>} : memref<1664x16xf32, #tpu.memory_space<vmem>>, vector<16xf32>,
        %parallel_loop3A_1072 = arith.addf %parallel_loop3A_1065, %parallel_loop3A_1071 : vector<16xf32>
        %parallel_loop3A_1073 = arith.mulf %parallel_loop3A_1071, %parallel_loop3A_1071 : vector<16xf32>
        %parallel_loop3A_1074 = arith.addf %parallel_loop3A_1066, %parallel_loop3A_1073 : vector<16xf32>
        %parallel_loop3A_1075 = arith.constant 2 : i32
        %parallel_loop3A_1076 = arith.addi %parallel_loop3A_1062, %parallel_loop3A_1075 : i32
        %parallel_loop3A_1077 = arith.index_cast %parallel_loop3A_1076 : i32 to index
        %parallel_loop3A_1078 = arith.constant 0 : index
        %parallel_loop3A_1079 = tpu.vector_load %arg7[%parallel_loop3A_1077, %parallel_loop3A_1078] {strides = array<i32>} : memref<1664x16xf32, #tpu.memory_space<vmem>>, vector<16xf32>,
        %parallel_loop3A_1080 = arith.addf %parallel_loop3A_1072, %parallel_loop3A_1079 : vector<16xf32>
        %parallel_loop3A_1081 = arith.mulf %parallel_loop3A_1079, %parallel_loop3A_1079 : vector<16xf32>
        %parallel_loop3A_1082 = arith.addf %parallel_loop3A_1074, %parallel_loop3A_1081 : vector<16xf32>
        %parallel_loop3A_1083 = arith.constant 3 : i32
        %parallel_loop3A_1084 = arith.addi %parallel_loop3A_1062, %parallel_loop3A_1083 : i32
        %parallel_loop3A_1085 = arith.index_cast %parallel_loop3A_1084 : i32 to index
        %parallel_loop3A_1086 = arith.constant 0 : index
        %parallel_loop3A_1087 = tpu.vector_load %arg7[%parallel_loop3A_1085, %parallel_loop3A_1086] {strides = array<i32>} : memref<1664x16xf32, #tpu.memory_space<vmem>>, vector<16xf32>,
        %parallel_loop3A_1088 = arith.addf %parallel_loop3A_1080, %parallel_loop3A_1087 : vector<16xf32>
        %parallel_loop3A_1089 = arith.mulf %parallel_loop3A_1087, %parallel_loop3A_1087 : vector<16xf32>
        %parallel_loop3A_1090 = arith.addf %parallel_loop3A_1082, %parallel_loop3A_1089 : vector<16xf32>
        %parallel_loop3A_1091 = arith.constant 4 : i32
        %parallel_loop3A_1092 = arith.addi %parallel_loop3A_1062, %parallel_loop3A_1091 : i32
        %parallel_loop3A_1093 = arith.index_cast %parallel_loop3A_1092 : i32 to index
        %parallel_loop3A_1094 = arith.constant 0 : index
        %parallel_loop3A_1095 = tpu.vector_load %arg7[%parallel_loop3A_1093, %parallel_loop3A_1094] {strides = array<i32>} : memref<1664x16xf32, #tpu.memory_space<vmem>>, vector<16xf32>,
        %parallel_loop3A_1096 = arith.addf %parallel_loop3A_1088, %parallel_loop3A_1095 : vector<16xf32>
        %parallel_loop3A_1097 = arith.mulf %parallel_loop3A_1095, %parallel_loop3A_1095 : vector<16xf32>
        %parallel_loop3A_1098 = arith.addf %parallel_loop3A_1090, %parallel_loop3A_1097 : vector<16xf32>
        %parallel_loop3A_1099 = arith.constant 5 : i32
        %parallel_loop3A_1100 = arith.addi %parallel_loop3A_1062, %parallel_loop3A_1099 : i32
        %parallel_loop3A_1101 = arith.index_cast %parallel_loop3A_1100 : i32 to index
        %parallel_loop3A_1102 = arith.constant 0 : index
        %parallel_loop3A_1103 = tpu.vector_load %arg7[%parallel_loop3A_1101, %parallel_loop3A_1102] {strides = array<i32>} : memref<1664x16xf32, #tpu.memory_space<vmem>>, vector<16xf32>,
        %parallel_loop3A_1104 = arith.addf %parallel_loop3A_1096, %parallel_loop3A_1103 : vector<16xf32>
        %parallel_loop3A_1105 = arith.mulf %parallel_loop3A_1103, %parallel_loop3A_1103 : vector<16xf32>
        %parallel_loop3A_1106 = arith.addf %parallel_loop3A_1098, %parallel_loop3A_1105 : vector<16xf32>
        %parallel_loop3A_1107 = arith.constant 6 : i32
        %parallel_loop3A_1108 = arith.addi %parallel_loop3A_1062, %parallel_loop3A_1107 : i32
        %parallel_loop3A_1109 = arith.index_cast %parallel_loop3A_1108 : i32 to index
        %parallel_loop3A_1110 = arith.constant 0 : index
        %parallel_loop3A_1111 = tpu.vector_load %arg7[%parallel_loop3A_1109, %parallel_loop3A_1110] {strides = array<i32>} : memref<1664x16xf32, #tpu.memory_space<vmem>>, vector<16xf32>,
        %parallel_loop3A_1112 = arith.addf %parallel_loop3A_1104, %parallel_loop3A_1111 : vector<16xf32>
        %parallel_loop3A_1113 = arith.mulf %parallel_loop3A_1111, %parallel_loop3A_1111 : vector<16xf32>
        %parallel_loop3A_1114 = arith.addf %parallel_loop3A_1106, %parallel_loop3A_1113 : vector<16xf32>
        %parallel_loop3A_1115 = arith.constant 7 : i32
        %parallel_loop3A_1116 = arith.addi %parallel_loop3A_1062, %parallel_loop3A_1115 : i32
        %parallel_loop3A_1117 = arith.index_cast %parallel_loop3A_1116 : i32 to index
        %parallel_loop3A_1118 = arith.constant 0 : index
        %parallel_loop3A_1119 = tpu.vector_load %arg7[%parallel_loop3A_1117, %parallel_loop3A_1118] {strides = array<i32>} : memref<1664x16xf32, #tpu.memory_space<vmem>>, vector<16xf32>,
        %parallel_loop3A_1120 = arith.addf %parallel_loop3A_1112, %parallel_loop3A_1119 : vector<16xf32>
        %parallel_loop3A_1121 = arith.mulf %parallel_loop3A_1119, %parallel_loop3A_1119 : vector<16xf32>
        %parallel_loop3A_1122 = arith.addf %parallel_loop3A_1114, %parallel_loop3A_1121 : vector<16xf32>
        %parallel_loop3A_1123 = arith.constant 8 : i32
        %parallel_loop3A_1124 = arith.addi %parallel_loop3A_1062, %parallel_loop3A_1123 : i32
        %parallel_loop3A_1125 = arith.index_cast %parallel_loop3A_1124 : i32 to index
        %parallel_loop3A_1126 = arith.constant 0 : index
        %parallel_loop3A_1127 = tpu.vector_load %arg7[%parallel_loop3A_1125, %parallel_loop3A_1126] {strides = array<i32>} : memref<1664x16xf32, #tpu.memory_space<vmem>>, vector<16xf32>,
        %parallel_loop3A_1128 = arith.addf %parallel_loop3A_1120, %parallel_loop3A_1127 : vector<16xf32>
        %parallel_loop3A_1129 = arith.mulf %parallel_loop3A_1127, %parallel_loop3A_1127 : vector<16xf32>
        %parallel_loop3A_1130 = arith.addf %parallel_loop3A_1122, %parallel_loop3A_1129 : vector<16xf32>
        %parallel_loop3A_1131 = arith.constant 9 : i32
        %parallel_loop3A_1132 = arith.addi %parallel_loop3A_1062, %parallel_loop3A_1131 : i32
        %parallel_loop3A_1133 = arith.index_cast %parallel_loop3A_1132 : i32 to index
        %parallel_loop3A_1134 = arith.constant 0 : index
        %parallel_loop3A_1135 = tpu.vector_load %arg7[%parallel_loop3A_1133, %parallel_loop3A_1134] {strides = array<i32>} : memref<1664x16xf32, #tpu.memory_space<vmem>>, vector<16xf32>,
        %parallel_loop3A_1136 = arith.addf %parallel_loop3A_1128, %parallel_loop3A_1135 : vector<16xf32>
        %parallel_loop3A_1137 = arith.mulf %parallel_loop3A_1135, %parallel_loop3A_1135 : vector<16xf32>
        %parallel_loop3A_1138 = arith.addf %parallel_loop3A_1130, %parallel_loop3A_1137 : vector<16xf32>
        %parallel_loop3A_1139 = arith.constant 10 : i32
        %parallel_loop3A_1140 = arith.addi %parallel_loop3A_1062, %parallel_loop3A_1139 : i32
        %parallel_loop3A_1141 = arith.index_cast %parallel_loop3A_1140 : i32 to index
        %parallel_loop3A_1142 = arith.constant 0 : index
        %parallel_loop3A_1143 = tpu.vector_load %arg7[%parallel_loop3A_1141, %parallel_loop3A_1142] {strides = array<i32>} : memref<1664x16xf32, #tpu.memory_space<vmem>>, vector<16xf32>,
        %parallel_loop3A_1144 = arith.addf %parallel_loop3A_1136, %parallel_loop3A_1143 : vector<16xf32>
        %parallel_loop3A_1145 = arith.mulf %parallel_loop3A_1143, %parallel_loop3A_1143 : vector<16xf32>
        %parallel_loop3A_1146 = arith.addf %parallel_loop3A_1138, %parallel_loop3A_1145 : vector<16xf32>
        %parallel_loop3A_1147 = arith.constant 11 : i32
        %parallel_loop3A_1148 = arith.addi %parallel_loop3A_1062, %parallel_loop3A_1147 : i32
        %parallel_loop3A_1149 = arith.index_cast %parallel_loop3A_1148 : i32 to index
        %parallel_loop3A_1150 = arith.constant 0 : index
        %parallel_loop3A_1151 = tpu.vector_load %arg7[%parallel_loop3A_1149, %parallel_loop3A_1150] {strides = array<i32>} : memref<1664x16xf32, #tpu.memory_space<vmem>>, vector<16xf32>,
        %parallel_loop3A_1152 = arith.addf %parallel_loop3A_1144, %parallel_loop3A_1151 : vector<16xf32>
        %parallel_loop3A_1153 = arith.mulf %parallel_loop3A_1151, %parallel_loop3A_1151 : vector<16xf32>
        %parallel_loop3A_1154 = arith.addf %parallel_loop3A_1146, %parallel_loop3A_1153 : vector<16xf32>
        %parallel_loop3A_1155 = arith.constant 12 : i32
        %parallel_loop3A_1156 = arith.addi %parallel_loop3A_1062, %parallel_loop3A_1155 : i32
        %parallel_loop3A_1157 = arith.index_cast %parallel_loop3A_1156 : i32 to index
        %parallel_loop3A_1158 = arith.constant 0 : index
        %parallel_loop3A_1159 = tpu.vector_load %arg7[%parallel_loop3A_1157, %parallel_loop3A_1158] {strides = array<i32>} : memref<1664x16xf32, #tpu.memory_space<vmem>>, vector<16xf32>,
        %parallel_loop3A_1160 = arith.addf %parallel_loop3A_1152, %parallel_loop3A_1159 : vector<16xf32>
        %parallel_loop3A_1161 = arith.mulf %parallel_loop3A_1159, %parallel_loop3A_1159 : vector<16xf32>
        %parallel_loop3A_1162 = arith.addf %parallel_loop3A_1154, %parallel_loop3A_1161 : vector<16xf32>
        %parallel_loop3A_1163 = arith.constant 13 : i32
        %parallel_loop3A_1164 = arith.addi %parallel_loop3A_1062, %parallel_loop3A_1163 : i32
        %parallel_loop3A_1165 = arith.index_cast %parallel_loop3A_1164 : i32 to index
        %parallel_loop3A_1166 = arith.constant 0 : index
        %parallel_loop3A_1167 = tpu.vector_load %arg7[%parallel_loop3A_1165, %parallel_loop3A_1166] {strides = array<i32>} : memref<1664x16xf32, #tpu.memory_space<vmem>>, vector<16xf32>,
        %parallel_loop3A_1168 = arith.addf %parallel_loop3A_1160, %parallel_loop3A_1167 : vector<16xf32>
        %parallel_loop3A_1169 = arith.mulf %parallel_loop3A_1167, %parallel_loop3A_1167 : vector<16xf32>
        %parallel_loop3A_1170 = arith.addf %parallel_loop3A_1162, %parallel_loop3A_1169 : vector<16xf32>
        %parallel_loop3A_1171 = arith.constant 14 : i32
        %parallel_loop3A_1172 = arith.addi %parallel_loop3A_1062, %parallel_loop3A_1171 : i32
        %parallel_loop3A_1173 = arith.index_cast %parallel_loop3A_1172 : i32 to index
        %parallel_loop3A_1174 = arith.constant 0 : index
        %parallel_loop3A_1175 = tpu.vector_load %arg7[%parallel_loop3A_1173, %parallel_loop3A_1174] {strides = array<i32>} : memref<1664x16xf32, #tpu.memory_space<vmem>>, vector<16xf32>,
        %parallel_loop3A_1176 = arith.addf %parallel_loop3A_1168, %parallel_loop3A_1175 : vector<16xf32>
        %parallel_loop3A_1177 = arith.mulf %parallel_loop3A_1175, %parallel_loop3A_1175 : vector<16xf32>
        %parallel_loop3A_1178 = arith.addf %parallel_loop3A_1170, %parallel_loop3A_1177 : vector<16xf32>
        %parallel_loop3A_1179 = arith.constant 15 : i32
        %parallel_loop3A_1180 = arith.addi %parallel_loop3A_1062, %parallel_loop3A_1179 : i32
        %parallel_loop3A_1181 = arith.index_cast %parallel_loop3A_1180 : i32 to index
        %parallel_loop3A_1182 = arith.constant 0 : index
        %parallel_loop3A_1183 = tpu.vector_load %arg7[%parallel_loop3A_1181, %parallel_loop3A_1182] {strides = array<i32>} : memref<1664x16xf32, #tpu.memory_space<vmem>>, vector<16xf32>,
        %parallel_loop3A_1184 = arith.addf %parallel_loop3A_1176, %parallel_loop3A_1183 : vector<16xf32>
        %parallel_loop3A_1185 = arith.mulf %parallel_loop3A_1183, %parallel_loop3A_1183 : vector<16xf32>
        %parallel_loop3A_1186 = arith.addf %parallel_loop3A_1178, %parallel_loop3A_1185 : vector<16xf32>
        %parallel_loop3A_1187 = arith.constant 16 : i32
        %parallel_loop3A_1188 = arith.addi %parallel_loop3A_1062, %parallel_loop3A_1187 : i32
        %parallel_loop3A_1189 = arith.index_cast %parallel_loop3A_1188 : i32 to index
        %parallel_loop3A_1190 = arith.constant 0 : index
        %parallel_loop3A_1191 = tpu.vector_load %arg7[%parallel_loop3A_1189, %parallel_loop3A_1190] {strides = array<i32>} : memref<1664x16xf32, #tpu.memory_space<vmem>>, vector<16xf32>,
        %parallel_loop3A_1192 = arith.addf %parallel_loop3A_1184, %parallel_loop3A_1191 : vector<16xf32>
        %parallel_loop3A_1193 = arith.mulf %parallel_loop3A_1191, %parallel_loop3A_1191 : vector<16xf32>
        %parallel_loop3A_1194 = arith.addf %parallel_loop3A_1186, %parallel_loop3A_1193 : vector<16xf32>
        %parallel_loop3A_1195 = arith.constant 17 : i32
        %parallel_loop3A_1196 = arith.addi %parallel_loop3A_1062, %parallel_loop3A_1195 : i32
        %parallel_loop3A_1197 = arith.index_cast %parallel_loop3A_1196 : i32 to index
        %parallel_loop3A_1198 = arith.constant 0 : index
        %parallel_loop3A_1199 = tpu.vector_load %arg7[%parallel_loop3A_1197, %parallel_loop3A_1198] {strides = array<i32>} : memref<1664x16xf32, #tpu.memory_space<vmem>>, vector<16xf32>,
        %parallel_loop3A_1200 = arith.addf %parallel_loop3A_1192, %parallel_loop3A_1199 : vector<16xf32>
        %parallel_loop3A_1201 = arith.mulf %parallel_loop3A_1199, %parallel_loop3A_1199 : vector<16xf32>
        %parallel_loop3A_1202 = arith.addf %parallel_loop3A_1194, %parallel_loop3A_1201 : vector<16xf32>
        %parallel_loop3A_1203 = arith.constant 18 : i32
        %parallel_loop3A_1204 = arith.addi %parallel_loop3A_1062, %parallel_loop3A_1203 : i32
        %parallel_loop3A_1205 = arith.index_cast %parallel_loop3A_1204 : i32 to index
        %parallel_loop3A_1206 = arith.constant 0 : index
        %parallel_loop3A_1207 = tpu.vector_load %arg7[%parallel_loop3A_1205, %parallel_loop3A_1206] {strides = array<i32>} : memref<1664x16xf32, #tpu.memory_space<vmem>>, vector<16xf32>,
        %parallel_loop3A_1208 = arith.addf %parallel_loop3A_1200, %parallel_loop3A_1207 : vector<16xf32>
        %parallel_loop3A_1209 = arith.mulf %parallel_loop3A_1207, %parallel_loop3A_1207 : vector<16xf32>
        %parallel_loop3A_1210 = arith.addf %parallel_loop3A_1202, %parallel_loop3A_1209 : vector<16xf32>
        %parallel_loop3A_1211 = arith.constant 19 : i32
        %parallel_loop3A_1212 = arith.addi %parallel_loop3A_1062, %parallel_loop3A_1211 : i32
        %parallel_loop3A_1213 = arith.index_cast %parallel_loop3A_1212 : i32 to index
        %parallel_loop3A_1214 = arith.constant 0 : index
        %parallel_loop3A_1215 = tpu.vector_load %arg7[%parallel_loop3A_1213, %parallel_loop3A_1214] {strides = array<i32>} : memref<1664x16xf32, #tpu.memory_space<vmem>>, vector<16xf32>,
        %parallel_loop3A_1216 = arith.addf %parallel_loop3A_1208, %parallel_loop3A_1215 : vector<16xf32>
        %parallel_loop3A_1217 = arith.mulf %parallel_loop3A_1215, %parallel_loop3A_1215 : vector<16xf32>
        %parallel_loop3A_1218 = arith.addf %parallel_loop3A_1210, %parallel_loop3A_1217 : vector<16xf32>
        %parallel_loop3A_1219 = arith.constant 20 : i32
        %parallel_loop3A_1220 = arith.addi %parallel_loop3A_1062, %parallel_loop3A_1219 : i32
        %parallel_loop3A_1221 = arith.index_cast %parallel_loop3A_1220 : i32 to index
        %parallel_loop3A_1222 = arith.constant 0 : index
        %parallel_loop3A_1223 = tpu.vector_load %arg7[%parallel_loop3A_1221, %parallel_loop3A_1222] {strides = array<i32>} : memref<1664x16xf32, #tpu.memory_space<vmem>>, vector<16xf32>,
        %parallel_loop3A_1224 = arith.addf %parallel_loop3A_1216, %parallel_loop3A_1223 : vector<16xf32>
        %parallel_loop3A_1225 = arith.mulf %parallel_loop3A_1223, %parallel_loop3A_1223 : vector<16xf32>
        %parallel_loop3A_1226 = arith.addf %parallel_loop3A_1218, %parallel_loop3A_1225 : vector<16xf32>
        %parallel_loop3A_1227 = arith.constant 21 : i32
        %parallel_loop3A_1228 = arith.addi %parallel_loop3A_1062, %parallel_loop3A_1227 : i32
        %parallel_loop3A_1229 = arith.index_cast %parallel_loop3A_1228 : i32 to index
        %parallel_loop3A_1230 = arith.constant 0 : index
        %parallel_loop3A_1231 = tpu.vector_load %arg7[%parallel_loop3A_1229, %parallel_loop3A_1230] {strides = array<i32>} : memref<1664x16xf32, #tpu.memory_space<vmem>>, vector<16xf32>,
        %parallel_loop3A_1232 = arith.addf %parallel_loop3A_1224, %parallel_loop3A_1231 : vector<16xf32>
        %parallel_loop3A_1233 = arith.mulf %parallel_loop3A_1231, %parallel_loop3A_1231 : vector<16xf32>
        %parallel_loop3A_1234 = arith.addf %parallel_loop3A_1226, %parallel_loop3A_1233 : vector<16xf32>
        %parallel_loop3A_1235 = arith.constant 22 : i32
        %parallel_loop3A_1236 = arith.addi %parallel_loop3A_1062, %parallel_loop3A_1235 : i32
        %parallel_loop3A_1237 = arith.index_cast %parallel_loop3A_1236 : i32 to index
        %parallel_loop3A_1238 = arith.constant 0 : index
        %parallel_loop3A_1239 = tpu.vector_load %arg7[%parallel_loop3A_1237, %parallel_loop3A_1238] {strides = array<i32>} : memref<1664x16xf32, #tpu.memory_space<vmem>>, vector<16xf32>,
        %parallel_loop3A_1240 = arith.addf %parallel_loop3A_1232, %parallel_loop3A_1239 : vector<16xf32>
        %parallel_loop3A_1241 = arith.mulf %parallel_loop3A_1239, %parallel_loop3A_1239 : vector<16xf32>
        %parallel_loop3A_1242 = arith.addf %parallel_loop3A_1234, %parallel_loop3A_1241 : vector<16xf32>
        %parallel_loop3A_1243 = arith.constant 23 : i32
        %parallel_loop3A_1244 = arith.addi %parallel_loop3A_1062, %parallel_loop3A_1243 : i32
        %parallel_loop3A_1245 = arith.index_cast %parallel_loop3A_1244 : i32 to index
        %parallel_loop3A_1246 = arith.constant 0 : index
        %parallel_loop3A_1247 = tpu.vector_load %arg7[%parallel_loop3A_1245, %parallel_loop3A_1246] {strides = array<i32>} : memref<1664x16xf32, #tpu.memory_space<vmem>>, vector<16xf32>,
        %parallel_loop3A_1248 = arith.addf %parallel_loop3A_1240, %parallel_loop3A_1247 : vector<16xf32>
        %parallel_loop3A_1249 = arith.mulf %parallel_loop3A_1247, %parallel_loop3A_1247 : vector<16xf32>
        %parallel_loop3A_1250 = arith.addf %parallel_loop3A_1242, %parallel_loop3A_1249 : vector<16xf32>
        %parallel_loop3A_1251 = arith.constant 24 : i32
        %parallel_loop3A_1252 = arith.addi %parallel_loop3A_1062, %parallel_loop3A_1251 : i32
        %parallel_loop3A_1253 = arith.index_cast %parallel_loop3A_1252 : i32 to index
        %parallel_loop3A_1254 = arith.constant 0 : index
        %parallel_loop3A_1255 = tpu.vector_load %arg7[%parallel_loop3A_1253, %parallel_loop3A_1254] {strides = array<i32>} : memref<1664x16xf32, #tpu.memory_space<vmem>>, vector<16xf32>,
        %parallel_loop3A_1256 = arith.addf %parallel_loop3A_1248, %parallel_loop3A_1255 : vector<16xf32>
        %parallel_loop3A_1257 = arith.mulf %parallel_loop3A_1255, %parallel_loop3A_1255 : vector<16xf32>
        %parallel_loop3A_1258 = arith.addf %parallel_loop3A_1250, %parallel_loop3A_1257 : vector<16xf32>
        %parallel_loop3A_1259 = arith.constant 25 : i32
        %parallel_loop3A_1260 = arith.addi %parallel_loop3A_1062, %parallel_loop3A_1259 : i32
        %parallel_loop3A_1261 = arith.index_cast %parallel_loop3A_1260 : i32 to index
        %parallel_loop3A_1262 = arith.constant 0 : index
        %parallel_loop3A_1263 = tpu.vector_load %arg7[%parallel_loop3A_1261, %parallel_loop3A_1262] {strides = array<i32>} : memref<1664x16xf32, #tpu.memory_space<vmem>>, vector<16xf32>,
        %parallel_loop3A_1264 = arith.addf %parallel_loop3A_1256, %parallel_loop3A_1263 : vector<16xf32>
        %parallel_loop3A_1265 = arith.mulf %parallel_loop3A_1263, %parallel_loop3A_1263 : vector<16xf32>
        %parallel_loop3A_1266 = arith.addf %parallel_loop3A_1258, %parallel_loop3A_1265 : vector<16xf32>
        %parallel_loop3A_1267 = arith.index_cast %parallel_loop3A_1062 : i32 to index
        %parallel_loop3A_1268 = tpu.vector_load %arg8[%parallel_loop3A_1267] {strides = array<i32>} : memref<1680xf32, #tpu.memory_space<vmem>>, vector<16xf32>,
        %parallel_loop3A_1269 = arith.constant 16 : i32
        %parallel_loop3A_1270 = arith.addi %parallel_loop3A_1062, %parallel_loop3A_1269 : i32
        %parallel_loop3A_1271 = arith.index_cast %parallel_loop3A_1270 : i32 to index
        %parallel_loop3A_1272 = tpu.vector_load %arg8[%parallel_loop3A_1271] {strides = array<i32>} : memref<1680xf32, #tpu.memory_space<vmem>>, vector<16xf32>,
        %parallel_loop3A_1273 = arith.mulf %parallel_loop3A_1264, %parallel_loop3A_1264 : vector<16xf32>
        %parallel_loop3A_1274 = arith.subf %parallel_loop3A_1273, %parallel_loop3A_1266 : vector<16xf32>
        %parallel_loop3A_1275 = arith.constant 5.000000e-01 : f32
        %parallel_loop3A_1276 = vector.broadcast %parallel_loop3A_1275 : f32 to vector<16xf32>
        %parallel_loop3A_1277 = arith.mulf %parallel_loop3A_1276, %parallel_loop3A_1274 : vector<16xf32>
        %parallel_loop3A_1278 = arith.addf %parallel_loop3A_1277, %parallel_loop3A_1268 : vector<16xf32>
        %parallel_loop3A_1279 = arith.constant 0.000000e+00 : f32
        %parallel_loop3A_1280 = vector.broadcast %parallel_loop3A_1279 : f32 to vector<16xf32>
        %parallel_loop3A_1281 = arith.select %lt3A_4, %parallel_loop3A_1272, %parallel_loop3A_1280 : vector<16xi1>, vector<16xf32>
        %parallel_loop3A_1282 = arith.addf %parallel_loop3A_1278, %parallel_loop3A_1281 : vector<16xf32>
        %parallel_loop3A_1283 = vector.shape_cast %reshape3A : vector<16x1xi32> to vector<16xi32>
        %parallel_loop3A_1284 = tpu.dynamic_gather %parallel_loop3A_1282[%parallel_loop3A_1283] in [0] : vector<16xf32>, vector<16xi32> -> vector<16xf32>
        %parallel_loop3A_1285 = arith.addf %parallel_loop3A_1282, %parallel_loop3A_1284 : vector<16xf32>
        %parallel_loop3A_1286 = vector.shape_cast %reshape3A_10 : vector<16x1xi32> to vector<16xi32>
        %parallel_loop3A_1287 = tpu.dynamic_gather %parallel_loop3A_1285[%parallel_loop3A_1286] in [0] : vector<16xf32>, vector<16xi32> -> vector<16xf32>
        %parallel_loop3A_1288 = arith.addf %parallel_loop3A_1285, %parallel_loop3A_1287 : vector<16xf32>
        %parallel_loop3A_1289 = vector.shape_cast %reshape3A_14 : vector<16x1xi32> to vector<16xi32>
        %parallel_loop3A_1290 = tpu.dynamic_gather %parallel_loop3A_1288[%parallel_loop3A_1289] in [0] : vector<16xf32>, vector<16xi32> -> vector<16xf32>
        %parallel_loop3A_1291 = arith.addf %parallel_loop3A_1288, %parallel_loop3A_1290 : vector<16xf32>
        %parallel_loop3A_1292 = vector.shape_cast %reshape3A_18 : vector<16x1xi32> to vector<16xi32>
        %parallel_loop3A_1293 = tpu.dynamic_gather %parallel_loop3A_1291[%parallel_loop3A_1292] in [0] : vector<16xf32>, vector<16xi32> -> vector<16xf32>
        %parallel_loop3A_1294 = arith.addf %parallel_loop3A_1291, %parallel_loop3A_1293 : vector<16xf32>
        %parallel_loop3A_1295 = arith.constant 0 : i32
        %parallel_loop3A_1296 = vector.broadcast %parallel_loop3A_1295 : i32 to vector<16xi32>
        %parallel_loop3A_1297 = arith.muli %iota3A, %parallel_loop3A_1296 : vector<16xi32>
        %parallel_loop3A_1298 = arith.constant 64 : i32
        %parallel_loop3A_1299 = arith.muli %scan3A_24, %parallel_loop3A_1298 : i32
        %parallel_loop3A_1300 = arith.constant 16 : i32
        %parallel_loop3A_1301 = arith.muli %parallel_loop3A_44, %parallel_loop3A_1300 : i32
        %parallel_loop3A_1302 = arith.addi %parallel_loop3A_1299, %parallel_loop3A_1301 : i32
        %parallel_loop3A_1303 = arith.constant 4 : i32
        %parallel_loop3A_1304 = arith.addi %parallel_loop3A_1302, %parallel_loop3A_1303 : i32
        %parallel_loop3A_1305 = vector.broadcast %parallel_loop3A_1304 : i32 to vector<16xi32>
        %parallel_loop3A_1306 = arith.addi %parallel_loop3A_1297, %parallel_loop3A_1305 : vector<16xi32>
        %parallel_loop3A_1307 = arith.constant 4 : i32
        %parallel_loop3A_1308 = vector.broadcast %parallel_loop3A_1307 : i32 to vector<16xi32>
        %parallel_loop3A_1309 = arith.cmpi eq, %iota3A, %parallel_loop3A_1308 : vector<16xi32>
        tpu.vector_store_idx %arg9[%parallel_loop3A_1306], %parallel_loop3A_1294 masked %parallel_loop3A_1309 : memref<512xf32, #tpu.memory_space<vmem>>[vector<16xi32>], vector<16xf32>, vector<16xi1>
        %parallel_loop3A_1310 = arith.constant 16 : i32
        %parallel_loop3A_1311 = arith.muli %parallel_loop3A_44, %parallel_loop3A_1310 : i32
        %parallel_loop3A_1312 = arith.constant 5 : i32
        %parallel_loop3A_1313 = arith.addi %parallel_loop3A_1311, %parallel_loop3A_1312 : i32
        %parallel_loop3A_1314 = arith.constant 26 : i32
        %parallel_loop3A_1315 = arith.muli %parallel_loop3A_1313, %parallel_loop3A_1314 : i32
        %parallel_loop3A_1316 = arith.index_cast %parallel_loop3A_1315 : i32 to index
        %parallel_loop3A_1317 = arith.constant 0 : index
        %parallel_loop3A_1318 = tpu.vector_load %arg7[%parallel_loop3A_1316, %parallel_loop3A_1317] {strides = array<i32>} : memref<1664x16xf32, #tpu.memory_space<vmem>>, vector<16xf32>,
        %parallel_loop3A_1319 = arith.mulf %parallel_loop3A_1318, %parallel_loop3A_1318 : vector<16xf32>
        %parallel_loop3A_1320 = arith.constant 1 : i32
        %parallel_loop3A_1321 = arith.addi %parallel_loop3A_1315, %parallel_loop3A_1320 : i32
        %parallel_loop3A_1322 = arith.index_cast %parallel_loop3A_1321 : i32 to index
        %parallel_loop3A_1323 = arith.constant 0 : index
        %parallel_loop3A_1324 = tpu.vector_load %arg7[%parallel_loop3A_1322, %parallel_loop3A_1323] {strides = array<i32>} : memref<1664x16xf32, #tpu.memory_space<vmem>>, vector<16xf32>,
        %parallel_loop3A_1325 = arith.addf %parallel_loop3A_1318, %parallel_loop3A_1324 : vector<16xf32>
        %parallel_loop3A_1326 = arith.mulf %parallel_loop3A_1324, %parallel_loop3A_1324 : vector<16xf32>
        %parallel_loop3A_1327 = arith.addf %parallel_loop3A_1319, %parallel_loop3A_1326 : vector<16xf32>
        %parallel_loop3A_1328 = arith.constant 2 : i32
        %parallel_loop3A_1329 = arith.addi %parallel_loop3A_1315, %parallel_loop3A_1328 : i32
        %parallel_loop3A_1330 = arith.index_cast %parallel_loop3A_1329 : i32 to index
        %parallel_loop3A_1331 = arith.constant 0 : index
        %parallel_loop3A_1332 = tpu.vector_load %arg7[%parallel_loop3A_1330, %parallel_loop3A_1331] {strides = array<i32>} : memref<1664x16xf32, #tpu.memory_space<vmem>>, vector<16xf32>,
        %parallel_loop3A_1333 = arith.addf %parallel_loop3A_1325, %parallel_loop3A_1332 : vector<16xf32>
        %parallel_loop3A_1334 = arith.mulf %parallel_loop3A_1332, %parallel_loop3A_1332 : vector<16xf32>
        %parallel_loop3A_1335 = arith.addf %parallel_loop3A_1327, %parallel_loop3A_1334 : vector<16xf32>
        %parallel_loop3A_1336 = arith.constant 3 : i32
        %parallel_loop3A_1337 = arith.addi %parallel_loop3A_1315, %parallel_loop3A_1336 : i32
        %parallel_loop3A_1338 = arith.index_cast %parallel_loop3A_1337 : i32 to index
        %parallel_loop3A_1339 = arith.constant 0 : index
        %parallel_loop3A_1340 = tpu.vector_load %arg7[%parallel_loop3A_1338, %parallel_loop3A_1339] {strides = array<i32>} : memref<1664x16xf32, #tpu.memory_space<vmem>>, vector<16xf32>,
        %parallel_loop3A_1341 = arith.addf %parallel_loop3A_1333, %parallel_loop3A_1340 : vector<16xf32>
        %parallel_loop3A_1342 = arith.mulf %parallel_loop3A_1340, %parallel_loop3A_1340 : vector<16xf32>
        %parallel_loop3A_1343 = arith.addf %parallel_loop3A_1335, %parallel_loop3A_1342 : vector<16xf32>
        %parallel_loop3A_1344 = arith.constant 4 : i32
        %parallel_loop3A_1345 = arith.addi %parallel_loop3A_1315, %parallel_loop3A_1344 : i32
        %parallel_loop3A_1346 = arith.index_cast %parallel_loop3A_1345 : i32 to index
        %parallel_loop3A_1347 = arith.constant 0 : index
        %parallel_loop3A_1348 = tpu.vector_load %arg7[%parallel_loop3A_1346, %parallel_loop3A_1347] {strides = array<i32>} : memref<1664x16xf32, #tpu.memory_space<vmem>>, vector<16xf32>,
        %parallel_loop3A_1349 = arith.addf %parallel_loop3A_1341, %parallel_loop3A_1348 : vector<16xf32>
        %parallel_loop3A_1350 = arith.mulf %parallel_loop3A_1348, %parallel_loop3A_1348 : vector<16xf32>
        %parallel_loop3A_1351 = arith.addf %parallel_loop3A_1343, %parallel_loop3A_1350 : vector<16xf32>
        %parallel_loop3A_1352 = arith.constant 5 : i32
        %parallel_loop3A_1353 = arith.addi %parallel_loop3A_1315, %parallel_loop3A_1352 : i32
        %parallel_loop3A_1354 = arith.index_cast %parallel_loop3A_1353 : i32 to index
        %parallel_loop3A_1355 = arith.constant 0 : index
        %parallel_loop3A_1356 = tpu.vector_load %arg7[%parallel_loop3A_1354, %parallel_loop3A_1355] {strides = array<i32>} : memref<1664x16xf32, #tpu.memory_space<vmem>>, vector<16xf32>,
        %parallel_loop3A_1357 = arith.addf %parallel_loop3A_1349, %parallel_loop3A_1356 : vector<16xf32>
        %parallel_loop3A_1358 = arith.mulf %parallel_loop3A_1356, %parallel_loop3A_1356 : vector<16xf32>
        %parallel_loop3A_1359 = arith.addf %parallel_loop3A_1351, %parallel_loop3A_1358 : vector<16xf32>
        %parallel_loop3A_1360 = arith.constant 6 : i32
        %parallel_loop3A_1361 = arith.addi %parallel_loop3A_1315, %parallel_loop3A_1360 : i32
        %parallel_loop3A_1362 = arith.index_cast %parallel_loop3A_1361 : i32 to index
        %parallel_loop3A_1363 = arith.constant 0 : index
        %parallel_loop3A_1364 = tpu.vector_load %arg7[%parallel_loop3A_1362, %parallel_loop3A_1363] {strides = array<i32>} : memref<1664x16xf32, #tpu.memory_space<vmem>>, vector<16xf32>,
        %parallel_loop3A_1365 = arith.addf %parallel_loop3A_1357, %parallel_loop3A_1364 : vector<16xf32>
        %parallel_loop3A_1366 = arith.mulf %parallel_loop3A_1364, %parallel_loop3A_1364 : vector<16xf32>
        %parallel_loop3A_1367 = arith.addf %parallel_loop3A_1359, %parallel_loop3A_1366 : vector<16xf32>
        %parallel_loop3A_1368 = arith.constant 7 : i32
        %parallel_loop3A_1369 = arith.addi %parallel_loop3A_1315, %parallel_loop3A_1368 : i32
        %parallel_loop3A_1370 = arith.index_cast %parallel_loop3A_1369 : i32 to index
        %parallel_loop3A_1371 = arith.constant 0 : index
        %parallel_loop3A_1372 = tpu.vector_load %arg7[%parallel_loop3A_1370, %parallel_loop3A_1371] {strides = array<i32>} : memref<1664x16xf32, #tpu.memory_space<vmem>>, vector<16xf32>,
        %parallel_loop3A_1373 = arith.addf %parallel_loop3A_1365, %parallel_loop3A_1372 : vector<16xf32>
        %parallel_loop3A_1374 = arith.mulf %parallel_loop3A_1372, %parallel_loop3A_1372 : vector<16xf32>
        %parallel_loop3A_1375 = arith.addf %parallel_loop3A_1367, %parallel_loop3A_1374 : vector<16xf32>
        %parallel_loop3A_1376 = arith.constant 8 : i32
        %parallel_loop3A_1377 = arith.addi %parallel_loop3A_1315, %parallel_loop3A_1376 : i32
        %parallel_loop3A_1378 = arith.index_cast %parallel_loop3A_1377 : i32 to index
        %parallel_loop3A_1379 = arith.constant 0 : index
        %parallel_loop3A_1380 = tpu.vector_load %arg7[%parallel_loop3A_1378, %parallel_loop3A_1379] {strides = array<i32>} : memref<1664x16xf32, #tpu.memory_space<vmem>>, vector<16xf32>,
        %parallel_loop3A_1381 = arith.addf %parallel_loop3A_1373, %parallel_loop3A_1380 : vector<16xf32>
        %parallel_loop3A_1382 = arith.mulf %parallel_loop3A_1380, %parallel_loop3A_1380 : vector<16xf32>
        %parallel_loop3A_1383 = arith.addf %parallel_loop3A_1375, %parallel_loop3A_1382 : vector<16xf32>
        %parallel_loop3A_1384 = arith.constant 9 : i32
        %parallel_loop3A_1385 = arith.addi %parallel_loop3A_1315, %parallel_loop3A_1384 : i32
        %parallel_loop3A_1386 = arith.index_cast %parallel_loop3A_1385 : i32 to index
        %parallel_loop3A_1387 = arith.constant 0 : index
        %parallel_loop3A_1388 = tpu.vector_load %arg7[%parallel_loop3A_1386, %parallel_loop3A_1387] {strides = array<i32>} : memref<1664x16xf32, #tpu.memory_space<vmem>>, vector<16xf32>,
        %parallel_loop3A_1389 = arith.addf %parallel_loop3A_1381, %parallel_loop3A_1388 : vector<16xf32>
        %parallel_loop3A_1390 = arith.mulf %parallel_loop3A_1388, %parallel_loop3A_1388 : vector<16xf32>
        %parallel_loop3A_1391 = arith.addf %parallel_loop3A_1383, %parallel_loop3A_1390 : vector<16xf32>
        %parallel_loop3A_1392 = arith.constant 10 : i32
        %parallel_loop3A_1393 = arith.addi %parallel_loop3A_1315, %parallel_loop3A_1392 : i32
        %parallel_loop3A_1394 = arith.index_cast %parallel_loop3A_1393 : i32 to index
        %parallel_loop3A_1395 = arith.constant 0 : index
        %parallel_loop3A_1396 = tpu.vector_load %arg7[%parallel_loop3A_1394, %parallel_loop3A_1395] {strides = array<i32>} : memref<1664x16xf32, #tpu.memory_space<vmem>>, vector<16xf32>,
        %parallel_loop3A_1397 = arith.addf %parallel_loop3A_1389, %parallel_loop3A_1396 : vector<16xf32>
        %parallel_loop3A_1398 = arith.mulf %parallel_loop3A_1396, %parallel_loop3A_1396 : vector<16xf32>
        %parallel_loop3A_1399 = arith.addf %parallel_loop3A_1391, %parallel_loop3A_1398 : vector<16xf32>
        %parallel_loop3A_1400 = arith.constant 11 : i32
        %parallel_loop3A_1401 = arith.addi %parallel_loop3A_1315, %parallel_loop3A_1400 : i32
        %parallel_loop3A_1402 = arith.index_cast %parallel_loop3A_1401 : i32 to index
        %parallel_loop3A_1403 = arith.constant 0 : index
        %parallel_loop3A_1404 = tpu.vector_load %arg7[%parallel_loop3A_1402, %parallel_loop3A_1403] {strides = array<i32>} : memref<1664x16xf32, #tpu.memory_space<vmem>>, vector<16xf32>,
        %parallel_loop3A_1405 = arith.addf %parallel_loop3A_1397, %parallel_loop3A_1404 : vector<16xf32>
        %parallel_loop3A_1406 = arith.mulf %parallel_loop3A_1404, %parallel_loop3A_1404 : vector<16xf32>
        %parallel_loop3A_1407 = arith.addf %parallel_loop3A_1399, %parallel_loop3A_1406 : vector<16xf32>
        %parallel_loop3A_1408 = arith.constant 12 : i32
        %parallel_loop3A_1409 = arith.addi %parallel_loop3A_1315, %parallel_loop3A_1408 : i32
        %parallel_loop3A_1410 = arith.index_cast %parallel_loop3A_1409 : i32 to index
        %parallel_loop3A_1411 = arith.constant 0 : index
        %parallel_loop3A_1412 = tpu.vector_load %arg7[%parallel_loop3A_1410, %parallel_loop3A_1411] {strides = array<i32>} : memref<1664x16xf32, #tpu.memory_space<vmem>>, vector<16xf32>,
        %parallel_loop3A_1413 = arith.addf %parallel_loop3A_1405, %parallel_loop3A_1412 : vector<16xf32>
        %parallel_loop3A_1414 = arith.mulf %parallel_loop3A_1412, %parallel_loop3A_1412 : vector<16xf32>
        %parallel_loop3A_1415 = arith.addf %parallel_loop3A_1407, %parallel_loop3A_1414 : vector<16xf32>
        %parallel_loop3A_1416 = arith.constant 13 : i32
        %parallel_loop3A_1417 = arith.addi %parallel_loop3A_1315, %parallel_loop3A_1416 : i32
        %parallel_loop3A_1418 = arith.index_cast %parallel_loop3A_1417 : i32 to index
        %parallel_loop3A_1419 = arith.constant 0 : index
        %parallel_loop3A_1420 = tpu.vector_load %arg7[%parallel_loop3A_1418, %parallel_loop3A_1419] {strides = array<i32>} : memref<1664x16xf32, #tpu.memory_space<vmem>>, vector<16xf32>,
        %parallel_loop3A_1421 = arith.addf %parallel_loop3A_1413, %parallel_loop3A_1420 : vector<16xf32>
        %parallel_loop3A_1422 = arith.mulf %parallel_loop3A_1420, %parallel_loop3A_1420 : vector<16xf32>
        %parallel_loop3A_1423 = arith.addf %parallel_loop3A_1415, %parallel_loop3A_1422 : vector<16xf32>
        %parallel_loop3A_1424 = arith.constant 14 : i32
        %parallel_loop3A_1425 = arith.addi %parallel_loop3A_1315, %parallel_loop3A_1424 : i32
        %parallel_loop3A_1426 = arith.index_cast %parallel_loop3A_1425 : i32 to index
        %parallel_loop3A_1427 = arith.constant 0 : index
        %parallel_loop3A_1428 = tpu.vector_load %arg7[%parallel_loop3A_1426, %parallel_loop3A_1427] {strides = array<i32>} : memref<1664x16xf32, #tpu.memory_space<vmem>>, vector<16xf32>,
        %parallel_loop3A_1429 = arith.addf %parallel_loop3A_1421, %parallel_loop3A_1428 : vector<16xf32>
        %parallel_loop3A_1430 = arith.mulf %parallel_loop3A_1428, %parallel_loop3A_1428 : vector<16xf32>
        %parallel_loop3A_1431 = arith.addf %parallel_loop3A_1423, %parallel_loop3A_1430 : vector<16xf32>
        %parallel_loop3A_1432 = arith.constant 15 : i32
        %parallel_loop3A_1433 = arith.addi %parallel_loop3A_1315, %parallel_loop3A_1432 : i32
        %parallel_loop3A_1434 = arith.index_cast %parallel_loop3A_1433 : i32 to index
        %parallel_loop3A_1435 = arith.constant 0 : index
        %parallel_loop3A_1436 = tpu.vector_load %arg7[%parallel_loop3A_1434, %parallel_loop3A_1435] {strides = array<i32>} : memref<1664x16xf32, #tpu.memory_space<vmem>>, vector<16xf32>,
        %parallel_loop3A_1437 = arith.addf %parallel_loop3A_1429, %parallel_loop3A_1436 : vector<16xf32>
        %parallel_loop3A_1438 = arith.mulf %parallel_loop3A_1436, %parallel_loop3A_1436 : vector<16xf32>
        %parallel_loop3A_1439 = arith.addf %parallel_loop3A_1431, %parallel_loop3A_1438 : vector<16xf32>
        %parallel_loop3A_1440 = arith.constant 16 : i32
        %parallel_loop3A_1441 = arith.addi %parallel_loop3A_1315, %parallel_loop3A_1440 : i32
        %parallel_loop3A_1442 = arith.index_cast %parallel_loop3A_1441 : i32 to index
        %parallel_loop3A_1443 = arith.constant 0 : index
        %parallel_loop3A_1444 = tpu.vector_load %arg7[%parallel_loop3A_1442, %parallel_loop3A_1443] {strides = array<i32>} : memref<1664x16xf32, #tpu.memory_space<vmem>>, vector<16xf32>,
        %parallel_loop3A_1445 = arith.addf %parallel_loop3A_1437, %parallel_loop3A_1444 : vector<16xf32>
        %parallel_loop3A_1446 = arith.mulf %parallel_loop3A_1444, %parallel_loop3A_1444 : vector<16xf32>
        %parallel_loop3A_1447 = arith.addf %parallel_loop3A_1439, %parallel_loop3A_1446 : vector<16xf32>
        %parallel_loop3A_1448 = arith.constant 17 : i32
        %parallel_loop3A_1449 = arith.addi %parallel_loop3A_1315, %parallel_loop3A_1448 : i32
        %parallel_loop3A_1450 = arith.index_cast %parallel_loop3A_1449 : i32 to index
        %parallel_loop3A_1451 = arith.constant 0 : index
        %parallel_loop3A_1452 = tpu.vector_load %arg7[%parallel_loop3A_1450, %parallel_loop3A_1451] {strides = array<i32>} : memref<1664x16xf32, #tpu.memory_space<vmem>>, vector<16xf32>,
        %parallel_loop3A_1453 = arith.addf %parallel_loop3A_1445, %parallel_loop3A_1452 : vector<16xf32>
        %parallel_loop3A_1454 = arith.mulf %parallel_loop3A_1452, %parallel_loop3A_1452 : vector<16xf32>
        %parallel_loop3A_1455 = arith.addf %parallel_loop3A_1447, %parallel_loop3A_1454 : vector<16xf32>
        %parallel_loop3A_1456 = arith.constant 18 : i32
        %parallel_loop3A_1457 = arith.addi %parallel_loop3A_1315, %parallel_loop3A_1456 : i32
        %parallel_loop3A_1458 = arith.index_cast %parallel_loop3A_1457 : i32 to index
        %parallel_loop3A_1459 = arith.constant 0 : index
        %parallel_loop3A_1460 = tpu.vector_load %arg7[%parallel_loop3A_1458, %parallel_loop3A_1459] {strides = array<i32>} : memref<1664x16xf32, #tpu.memory_space<vmem>>, vector<16xf32>,
        %parallel_loop3A_1461 = arith.addf %parallel_loop3A_1453, %parallel_loop3A_1460 : vector<16xf32>
        %parallel_loop3A_1462 = arith.mulf %parallel_loop3A_1460, %parallel_loop3A_1460 : vector<16xf32>
        %parallel_loop3A_1463 = arith.addf %parallel_loop3A_1455, %parallel_loop3A_1462 : vector<16xf32>
        %parallel_loop3A_1464 = arith.constant 19 : i32
        %parallel_loop3A_1465 = arith.addi %parallel_loop3A_1315, %parallel_loop3A_1464 : i32
        %parallel_loop3A_1466 = arith.index_cast %parallel_loop3A_1465 : i32 to index
        %parallel_loop3A_1467 = arith.constant 0 : index
        %parallel_loop3A_1468 = tpu.vector_load %arg7[%parallel_loop3A_1466, %parallel_loop3A_1467] {strides = array<i32>} : memref<1664x16xf32, #tpu.memory_space<vmem>>, vector<16xf32>,
        %parallel_loop3A_1469 = arith.addf %parallel_loop3A_1461, %parallel_loop3A_1468 : vector<16xf32>
        %parallel_loop3A_1470 = arith.mulf %parallel_loop3A_1468, %parallel_loop3A_1468 : vector<16xf32>
        %parallel_loop3A_1471 = arith.addf %parallel_loop3A_1463, %parallel_loop3A_1470 : vector<16xf32>
        %parallel_loop3A_1472 = arith.constant 20 : i32
        %parallel_loop3A_1473 = arith.addi %parallel_loop3A_1315, %parallel_loop3A_1472 : i32
        %parallel_loop3A_1474 = arith.index_cast %parallel_loop3A_1473 : i32 to index
        %parallel_loop3A_1475 = arith.constant 0 : index
        %parallel_loop3A_1476 = tpu.vector_load %arg7[%parallel_loop3A_1474, %parallel_loop3A_1475] {strides = array<i32>} : memref<1664x16xf32, #tpu.memory_space<vmem>>, vector<16xf32>,
        %parallel_loop3A_1477 = arith.addf %parallel_loop3A_1469, %parallel_loop3A_1476 : vector<16xf32>
        %parallel_loop3A_1478 = arith.mulf %parallel_loop3A_1476, %parallel_loop3A_1476 : vector<16xf32>
        %parallel_loop3A_1479 = arith.addf %parallel_loop3A_1471, %parallel_loop3A_1478 : vector<16xf32>
        %parallel_loop3A_1480 = arith.constant 21 : i32
        %parallel_loop3A_1481 = arith.addi %parallel_loop3A_1315, %parallel_loop3A_1480 : i32
        %parallel_loop3A_1482 = arith.index_cast %parallel_loop3A_1481 : i32 to index
        %parallel_loop3A_1483 = arith.constant 0 : index
        %parallel_loop3A_1484 = tpu.vector_load %arg7[%parallel_loop3A_1482, %parallel_loop3A_1483] {strides = array<i32>} : memref<1664x16xf32, #tpu.memory_space<vmem>>, vector<16xf32>,
        %parallel_loop3A_1485 = arith.addf %parallel_loop3A_1477, %parallel_loop3A_1484 : vector<16xf32>
        %parallel_loop3A_1486 = arith.mulf %parallel_loop3A_1484, %parallel_loop3A_1484 : vector<16xf32>
        %parallel_loop3A_1487 = arith.addf %parallel_loop3A_1479, %parallel_loop3A_1486 : vector<16xf32>
        %parallel_loop3A_1488 = arith.constant 22 : i32
        %parallel_loop3A_1489 = arith.addi %parallel_loop3A_1315, %parallel_loop3A_1488 : i32
        %parallel_loop3A_1490 = arith.index_cast %parallel_loop3A_1489 : i32 to index
        %parallel_loop3A_1491 = arith.constant 0 : index
        %parallel_loop3A_1492 = tpu.vector_load %arg7[%parallel_loop3A_1490, %parallel_loop3A_1491] {strides = array<i32>} : memref<1664x16xf32, #tpu.memory_space<vmem>>, vector<16xf32>,
        %parallel_loop3A_1493 = arith.addf %parallel_loop3A_1485, %parallel_loop3A_1492 : vector<16xf32>
        %parallel_loop3A_1494 = arith.mulf %parallel_loop3A_1492, %parallel_loop3A_1492 : vector<16xf32>
        %parallel_loop3A_1495 = arith.addf %parallel_loop3A_1487, %parallel_loop3A_1494 : vector<16xf32>
        %parallel_loop3A_1496 = arith.constant 23 : i32
        %parallel_loop3A_1497 = arith.addi %parallel_loop3A_1315, %parallel_loop3A_1496 : i32
        %parallel_loop3A_1498 = arith.index_cast %parallel_loop3A_1497 : i32 to index
        %parallel_loop3A_1499 = arith.constant 0 : index
        %parallel_loop3A_1500 = tpu.vector_load %arg7[%parallel_loop3A_1498, %parallel_loop3A_1499] {strides = array<i32>} : memref<1664x16xf32, #tpu.memory_space<vmem>>, vector<16xf32>,
        %parallel_loop3A_1501 = arith.addf %parallel_loop3A_1493, %parallel_loop3A_1500 : vector<16xf32>
        %parallel_loop3A_1502 = arith.mulf %parallel_loop3A_1500, %parallel_loop3A_1500 : vector<16xf32>
        %parallel_loop3A_1503 = arith.addf %parallel_loop3A_1495, %parallel_loop3A_1502 : vector<16xf32>
        %parallel_loop3A_1504 = arith.constant 24 : i32
        %parallel_loop3A_1505 = arith.addi %parallel_loop3A_1315, %parallel_loop3A_1504 : i32
        %parallel_loop3A_1506 = arith.index_cast %parallel_loop3A_1505 : i32 to index
        %parallel_loop3A_1507 = arith.constant 0 : index
        %parallel_loop3A_1508 = tpu.vector_load %arg7[%parallel_loop3A_1506, %parallel_loop3A_1507] {strides = array<i32>} : memref<1664x16xf32, #tpu.memory_space<vmem>>, vector<16xf32>,
        %parallel_loop3A_1509 = arith.addf %parallel_loop3A_1501, %parallel_loop3A_1508 : vector<16xf32>
        %parallel_loop3A_1510 = arith.mulf %parallel_loop3A_1508, %parallel_loop3A_1508 : vector<16xf32>
        %parallel_loop3A_1511 = arith.addf %parallel_loop3A_1503, %parallel_loop3A_1510 : vector<16xf32>
        %parallel_loop3A_1512 = arith.constant 25 : i32
        %parallel_loop3A_1513 = arith.addi %parallel_loop3A_1315, %parallel_loop3A_1512 : i32
        %parallel_loop3A_1514 = arith.index_cast %parallel_loop3A_1513 : i32 to index
        %parallel_loop3A_1515 = arith.constant 0 : index
        %parallel_loop3A_1516 = tpu.vector_load %arg7[%parallel_loop3A_1514, %parallel_loop3A_1515] {strides = array<i32>} : memref<1664x16xf32, #tpu.memory_space<vmem>>, vector<16xf32>,
        %parallel_loop3A_1517 = arith.addf %parallel_loop3A_1509, %parallel_loop3A_1516 : vector<16xf32>
        %parallel_loop3A_1518 = arith.mulf %parallel_loop3A_1516, %parallel_loop3A_1516 : vector<16xf32>
        %parallel_loop3A_1519 = arith.addf %parallel_loop3A_1511, %parallel_loop3A_1518 : vector<16xf32>
        %parallel_loop3A_1520 = arith.index_cast %parallel_loop3A_1315 : i32 to index
        %parallel_loop3A_1521 = tpu.vector_load %arg8[%parallel_loop3A_1520] {strides = array<i32>} : memref<1680xf32, #tpu.memory_space<vmem>>, vector<16xf32>,
        %parallel_loop3A_1522 = arith.constant 16 : i32
        %parallel_loop3A_1523 = arith.addi %parallel_loop3A_1315, %parallel_loop3A_1522 : i32
        %parallel_loop3A_1524 = arith.index_cast %parallel_loop3A_1523 : i32 to index
        %parallel_loop3A_1525 = tpu.vector_load %arg8[%parallel_loop3A_1524] {strides = array<i32>} : memref<1680xf32, #tpu.memory_space<vmem>>, vector<16xf32>,
        %parallel_loop3A_1526 = arith.mulf %parallel_loop3A_1517, %parallel_loop3A_1517 : vector<16xf32>
        %parallel_loop3A_1527 = arith.subf %parallel_loop3A_1526, %parallel_loop3A_1519 : vector<16xf32>
        %parallel_loop3A_1528 = arith.constant 5.000000e-01 : f32
        %parallel_loop3A_1529 = vector.broadcast %parallel_loop3A_1528 : f32 to vector<16xf32>
        %parallel_loop3A_1530 = arith.mulf %parallel_loop3A_1529, %parallel_loop3A_1527 : vector<16xf32>
        %parallel_loop3A_1531 = arith.addf %parallel_loop3A_1530, %parallel_loop3A_1521 : vector<16xf32>
        %parallel_loop3A_1532 = arith.constant 0.000000e+00 : f32
        %parallel_loop3A_1533 = vector.broadcast %parallel_loop3A_1532 : f32 to vector<16xf32>
        %parallel_loop3A_1534 = arith.select %lt3A_4, %parallel_loop3A_1525, %parallel_loop3A_1533 : vector<16xi1>, vector<16xf32>
        %parallel_loop3A_1535 = arith.addf %parallel_loop3A_1531, %parallel_loop3A_1534 : vector<16xf32>
        %parallel_loop3A_1536 = vector.shape_cast %reshape3A : vector<16x1xi32> to vector<16xi32>
        %parallel_loop3A_1537 = tpu.dynamic_gather %parallel_loop3A_1535[%parallel_loop3A_1536] in [0] : vector<16xf32>, vector<16xi32> -> vector<16xf32>
        %parallel_loop3A_1538 = arith.addf %parallel_loop3A_1535, %parallel_loop3A_1537 : vector<16xf32>
        %parallel_loop3A_1539 = vector.shape_cast %reshape3A_10 : vector<16x1xi32> to vector<16xi32>
        %parallel_loop3A_1540 = tpu.dynamic_gather %parallel_loop3A_1538[%parallel_loop3A_1539] in [0] : vector<16xf32>, vector<16xi32> -> vector<16xf32>
        %parallel_loop3A_1541 = arith.addf %parallel_loop3A_1538, %parallel_loop3A_1540 : vector<16xf32>
        %parallel_loop3A_1542 = vector.shape_cast %reshape3A_14 : vector<16x1xi32> to vector<16xi32>
        %parallel_loop3A_1543 = tpu.dynamic_gather %parallel_loop3A_1541[%parallel_loop3A_1542] in [0] : vector<16xf32>, vector<16xi32> -> vector<16xf32>
        %parallel_loop3A_1544 = arith.addf %parallel_loop3A_1541, %parallel_loop3A_1543 : vector<16xf32>
        %parallel_loop3A_1545 = vector.shape_cast %reshape3A_18 : vector<16x1xi32> to vector<16xi32>
        %parallel_loop3A_1546 = tpu.dynamic_gather %parallel_loop3A_1544[%parallel_loop3A_1545] in [0] : vector<16xf32>, vector<16xi32> -> vector<16xf32>
        %parallel_loop3A_1547 = arith.addf %parallel_loop3A_1544, %parallel_loop3A_1546 : vector<16xf32>
        %parallel_loop3A_1548 = arith.constant 0 : i32
        %parallel_loop3A_1549 = vector.broadcast %parallel_loop3A_1548 : i32 to vector<16xi32>
        %parallel_loop3A_1550 = arith.muli %iota3A, %parallel_loop3A_1549 : vector<16xi32>
        %parallel_loop3A_1551 = arith.constant 64 : i32
        %parallel_loop3A_1552 = arith.muli %scan3A_24, %parallel_loop3A_1551 : i32
        %parallel_loop3A_1553 = arith.constant 16 : i32
        %parallel_loop3A_1554 = arith.muli %parallel_loop3A_44, %parallel_loop3A_1553 : i32
        %parallel_loop3A_1555 = arith.addi %parallel_loop3A_1552, %parallel_loop3A_1554 : i32
        %parallel_loop3A_1556 = arith.constant 5 : i32
        %parallel_loop3A_1557 = arith.addi %parallel_loop3A_1555, %parallel_loop3A_1556 : i32
        %parallel_loop3A_1558 = vector.broadcast %parallel_loop3A_1557 : i32 to vector<16xi32>
        %parallel_loop3A_1559 = arith.addi %parallel_loop3A_1550, %parallel_loop3A_1558 : vector<16xi32>
        %parallel_loop3A_1560 = arith.constant 5 : i32
        %parallel_loop3A_1561 = vector.broadcast %parallel_loop3A_1560 : i32 to vector<16xi32>
        %parallel_loop3A_1562 = arith.cmpi eq, %iota3A, %parallel_loop3A_1561 : vector<16xi32>
        tpu.vector_store_idx %arg9[%parallel_loop3A_1559], %parallel_loop3A_1547 masked %parallel_loop3A_1562 : memref<512xf32, #tpu.memory_space<vmem>>[vector<16xi32>], vector<16xf32>, vector<16xi1>
        %parallel_loop3A_1563 = arith.constant 16 : i32
        %parallel_loop3A_1564 = arith.muli %parallel_loop3A_44, %parallel_loop3A_1563 : i32
        %parallel_loop3A_1565 = arith.constant 6 : i32
        %parallel_loop3A_1566 = arith.addi %parallel_loop3A_1564, %parallel_loop3A_1565 : i32
        %parallel_loop3A_1567 = arith.constant 26 : i32
        %parallel_loop3A_1568 = arith.muli %parallel_loop3A_1566, %parallel_loop3A_1567 : i32
        %parallel_loop3A_1569 = arith.index_cast %parallel_loop3A_1568 : i32 to index
        %parallel_loop3A_1570 = arith.constant 0 : index
        %parallel_loop3A_1571 = tpu.vector_load %arg7[%parallel_loop3A_1569, %parallel_loop3A_1570] {strides = array<i32>} : memref<1664x16xf32, #tpu.memory_space<vmem>>, vector<16xf32>,
        %parallel_loop3A_1572 = arith.mulf %parallel_loop3A_1571, %parallel_loop3A_1571 : vector<16xf32>
        %parallel_loop3A_1573 = arith.constant 1 : i32
        %parallel_loop3A_1574 = arith.addi %parallel_loop3A_1568, %parallel_loop3A_1573 : i32
        %parallel_loop3A_1575 = arith.index_cast %parallel_loop3A_1574 : i32 to index
        %parallel_loop3A_1576 = arith.constant 0 : index
        %parallel_loop3A_1577 = tpu.vector_load %arg7[%parallel_loop3A_1575, %parallel_loop3A_1576] {strides = array<i32>} : memref<1664x16xf32, #tpu.memory_space<vmem>>, vector<16xf32>,
        %parallel_loop3A_1578 = arith.addf %parallel_loop3A_1571, %parallel_loop3A_1577 : vector<16xf32>
        %parallel_loop3A_1579 = arith.mulf %parallel_loop3A_1577, %parallel_loop3A_1577 : vector<16xf32>
        %parallel_loop3A_1580 = arith.addf %parallel_loop3A_1572, %parallel_loop3A_1579 : vector<16xf32>
        %parallel_loop3A_1581 = arith.constant 2 : i32
        %parallel_loop3A_1582 = arith.addi %parallel_loop3A_1568, %parallel_loop3A_1581 : i32
        %parallel_loop3A_1583 = arith.index_cast %parallel_loop3A_1582 : i32 to index
        %parallel_loop3A_1584 = arith.constant 0 : index
        %parallel_loop3A_1585 = tpu.vector_load %arg7[%parallel_loop3A_1583, %parallel_loop3A_1584] {strides = array<i32>} : memref<1664x16xf32, #tpu.memory_space<vmem>>, vector<16xf32>,
        %parallel_loop3A_1586 = arith.addf %parallel_loop3A_1578, %parallel_loop3A_1585 : vector<16xf32>
        %parallel_loop3A_1587 = arith.mulf %parallel_loop3A_1585, %parallel_loop3A_1585 : vector<16xf32>
        %parallel_loop3A_1588 = arith.addf %parallel_loop3A_1580, %parallel_loop3A_1587 : vector<16xf32>
        %parallel_loop3A_1589 = arith.constant 3 : i32
        %parallel_loop3A_1590 = arith.addi %parallel_loop3A_1568, %parallel_loop3A_1589 : i32
        %parallel_loop3A_1591 = arith.index_cast %parallel_loop3A_1590 : i32 to index
        %parallel_loop3A_1592 = arith.constant 0 : index
        %parallel_loop3A_1593 = tpu.vector_load %arg7[%parallel_loop3A_1591, %parallel_loop3A_1592] {strides = array<i32>} : memref<1664x16xf32, #tpu.memory_space<vmem>>, vector<16xf32>,
        %parallel_loop3A_1594 = arith.addf %parallel_loop3A_1586, %parallel_loop3A_1593 : vector<16xf32>
        %parallel_loop3A_1595 = arith.mulf %parallel_loop3A_1593, %parallel_loop3A_1593 : vector<16xf32>
        %parallel_loop3A_1596 = arith.addf %parallel_loop3A_1588, %parallel_loop3A_1595 : vector<16xf32>
        %parallel_loop3A_1597 = arith.constant 4 : i32
        %parallel_loop3A_1598 = arith.addi %parallel_loop3A_1568, %parallel_loop3A_1597 : i32
        %parallel_loop3A_1599 = arith.index_cast %parallel_loop3A_1598 : i32 to index
        %parallel_loop3A_1600 = arith.constant 0 : index
        %parallel_loop3A_1601 = tpu.vector_load %arg7[%parallel_loop3A_1599, %parallel_loop3A_1600] {strides = array<i32>} : memref<1664x16xf32, #tpu.memory_space<vmem>>, vector<16xf32>,
        %parallel_loop3A_1602 = arith.addf %parallel_loop3A_1594, %parallel_loop3A_1601 : vector<16xf32>
        %parallel_loop3A_1603 = arith.mulf %parallel_loop3A_1601, %parallel_loop3A_1601 : vector<16xf32>
        %parallel_loop3A_1604 = arith.addf %parallel_loop3A_1596, %parallel_loop3A_1603 : vector<16xf32>
        %parallel_loop3A_1605 = arith.constant 5 : i32
        %parallel_loop3A_1606 = arith.addi %parallel_loop3A_1568, %parallel_loop3A_1605 : i32
        %parallel_loop3A_1607 = arith.index_cast %parallel_loop3A_1606 : i32 to index
        %parallel_loop3A_1608 = arith.constant 0 : index
        %parallel_loop3A_1609 = tpu.vector_load %arg7[%parallel_loop3A_1607, %parallel_loop3A_1608] {strides = array<i32>} : memref<1664x16xf32, #tpu.memory_space<vmem>>, vector<16xf32>,
        %parallel_loop3A_1610 = arith.addf %parallel_loop3A_1602, %parallel_loop3A_1609 : vector<16xf32>
        %parallel_loop3A_1611 = arith.mulf %parallel_loop3A_1609, %parallel_loop3A_1609 : vector<16xf32>
        %parallel_loop3A_1612 = arith.addf %parallel_loop3A_1604, %parallel_loop3A_1611 : vector<16xf32>
        %parallel_loop3A_1613 = arith.constant 6 : i32
        %parallel_loop3A_1614 = arith.addi %parallel_loop3A_1568, %parallel_loop3A_1613 : i32
        %parallel_loop3A_1615 = arith.index_cast %parallel_loop3A_1614 : i32 to index
        %parallel_loop3A_1616 = arith.constant 0 : index
        %parallel_loop3A_1617 = tpu.vector_load %arg7[%parallel_loop3A_1615, %parallel_loop3A_1616] {strides = array<i32>} : memref<1664x16xf32, #tpu.memory_space<vmem>>, vector<16xf32>,
        %parallel_loop3A_1618 = arith.addf %parallel_loop3A_1610, %parallel_loop3A_1617 : vector<16xf32>
        %parallel_loop3A_1619 = arith.mulf %parallel_loop3A_1617, %parallel_loop3A_1617 : vector<16xf32>
        %parallel_loop3A_1620 = arith.addf %parallel_loop3A_1612, %parallel_loop3A_1619 : vector<16xf32>
        %parallel_loop3A_1621 = arith.constant 7 : i32
        %parallel_loop3A_1622 = arith.addi %parallel_loop3A_1568, %parallel_loop3A_1621 : i32
        %parallel_loop3A_1623 = arith.index_cast %parallel_loop3A_1622 : i32 to index
        %parallel_loop3A_1624 = arith.constant 0 : index
        %parallel_loop3A_1625 = tpu.vector_load %arg7[%parallel_loop3A_1623, %parallel_loop3A_1624] {strides = array<i32>} : memref<1664x16xf32, #tpu.memory_space<vmem>>, vector<16xf32>,
        %parallel_loop3A_1626 = arith.addf %parallel_loop3A_1618, %parallel_loop3A_1625 : vector<16xf32>
        %parallel_loop3A_1627 = arith.mulf %parallel_loop3A_1625, %parallel_loop3A_1625 : vector<16xf32>
        %parallel_loop3A_1628 = arith.addf %parallel_loop3A_1620, %parallel_loop3A_1627 : vector<16xf32>
        %parallel_loop3A_1629 = arith.constant 8 : i32
        %parallel_loop3A_1630 = arith.addi %parallel_loop3A_1568, %parallel_loop3A_1629 : i32
        %parallel_loop3A_1631 = arith.index_cast %parallel_loop3A_1630 : i32 to index
        %parallel_loop3A_1632 = arith.constant 0 : index
        %parallel_loop3A_1633 = tpu.vector_load %arg7[%parallel_loop3A_1631, %parallel_loop3A_1632] {strides = array<i32>} : memref<1664x16xf32, #tpu.memory_space<vmem>>, vector<16xf32>,
        %parallel_loop3A_1634 = arith.addf %parallel_loop3A_1626, %parallel_loop3A_1633 : vector<16xf32>
        %parallel_loop3A_1635 = arith.mulf %parallel_loop3A_1633, %parallel_loop3A_1633 : vector<16xf32>
        %parallel_loop3A_1636 = arith.addf %parallel_loop3A_1628, %parallel_loop3A_1635 : vector<16xf32>
        %parallel_loop3A_1637 = arith.constant 9 : i32
        %parallel_loop3A_1638 = arith.addi %parallel_loop3A_1568, %parallel_loop3A_1637 : i32
        %parallel_loop3A_1639 = arith.index_cast %parallel_loop3A_1638 : i32 to index
        %parallel_loop3A_1640 = arith.constant 0 : index
        %parallel_loop3A_1641 = tpu.vector_load %arg7[%parallel_loop3A_1639, %parallel_loop3A_1640] {strides = array<i32>} : memref<1664x16xf32, #tpu.memory_space<vmem>>, vector<16xf32>,
        %parallel_loop3A_1642 = arith.addf %parallel_loop3A_1634, %parallel_loop3A_1641 : vector<16xf32>
        %parallel_loop3A_1643 = arith.mulf %parallel_loop3A_1641, %parallel_loop3A_1641 : vector<16xf32>
        %parallel_loop3A_1644 = arith.addf %parallel_loop3A_1636, %parallel_loop3A_1643 : vector<16xf32>
        %parallel_loop3A_1645 = arith.constant 10 : i32
        %parallel_loop3A_1646 = arith.addi %parallel_loop3A_1568, %parallel_loop3A_1645 : i32
        %parallel_loop3A_1647 = arith.index_cast %parallel_loop3A_1646 : i32 to index
        %parallel_loop3A_1648 = arith.constant 0 : index
        %parallel_loop3A_1649 = tpu.vector_load %arg7[%parallel_loop3A_1647, %parallel_loop3A_1648] {strides = array<i32>} : memref<1664x16xf32, #tpu.memory_space<vmem>>, vector<16xf32>,
        %parallel_loop3A_1650 = arith.addf %parallel_loop3A_1642, %parallel_loop3A_1649 : vector<16xf32>
        %parallel_loop3A_1651 = arith.mulf %parallel_loop3A_1649, %parallel_loop3A_1649 : vector<16xf32>
        %parallel_loop3A_1652 = arith.addf %parallel_loop3A_1644, %parallel_loop3A_1651 : vector<16xf32>
        %parallel_loop3A_1653 = arith.constant 11 : i32
        %parallel_loop3A_1654 = arith.addi %parallel_loop3A_1568, %parallel_loop3A_1653 : i32
        %parallel_loop3A_1655 = arith.index_cast %parallel_loop3A_1654 : i32 to index
        %parallel_loop3A_1656 = arith.constant 0 : index
        %parallel_loop3A_1657 = tpu.vector_load %arg7[%parallel_loop3A_1655, %parallel_loop3A_1656] {strides = array<i32>} : memref<1664x16xf32, #tpu.memory_space<vmem>>, vector<16xf32>,
        %parallel_loop3A_1658 = arith.addf %parallel_loop3A_1650, %parallel_loop3A_1657 : vector<16xf32>
        %parallel_loop3A_1659 = arith.mulf %parallel_loop3A_1657, %parallel_loop3A_1657 : vector<16xf32>
        %parallel_loop3A_1660 = arith.addf %parallel_loop3A_1652, %parallel_loop3A_1659 : vector<16xf32>
        %parallel_loop3A_1661 = arith.constant 12 : i32
        %parallel_loop3A_1662 = arith.addi %parallel_loop3A_1568, %parallel_loop3A_1661 : i32
        %parallel_loop3A_1663 = arith.index_cast %parallel_loop3A_1662 : i32 to index
        %parallel_loop3A_1664 = arith.constant 0 : index
        %parallel_loop3A_1665 = tpu.vector_load %arg7[%parallel_loop3A_1663, %parallel_loop3A_1664] {strides = array<i32>} : memref<1664x16xf32, #tpu.memory_space<vmem>>, vector<16xf32>,
        %parallel_loop3A_1666 = arith.addf %parallel_loop3A_1658, %parallel_loop3A_1665 : vector<16xf32>
        %parallel_loop3A_1667 = arith.mulf %parallel_loop3A_1665, %parallel_loop3A_1665 : vector<16xf32>
        %parallel_loop3A_1668 = arith.addf %parallel_loop3A_1660, %parallel_loop3A_1667 : vector<16xf32>
        %parallel_loop3A_1669 = arith.constant 13 : i32
        %parallel_loop3A_1670 = arith.addi %parallel_loop3A_1568, %parallel_loop3A_1669 : i32
        %parallel_loop3A_1671 = arith.index_cast %parallel_loop3A_1670 : i32 to index
        %parallel_loop3A_1672 = arith.constant 0 : index
        %parallel_loop3A_1673 = tpu.vector_load %arg7[%parallel_loop3A_1671, %parallel_loop3A_1672] {strides = array<i32>} : memref<1664x16xf32, #tpu.memory_space<vmem>>, vector<16xf32>,
        %parallel_loop3A_1674 = arith.addf %parallel_loop3A_1666, %parallel_loop3A_1673 : vector<16xf32>
        %parallel_loop3A_1675 = arith.mulf %parallel_loop3A_1673, %parallel_loop3A_1673 : vector<16xf32>
        %parallel_loop3A_1676 = arith.addf %parallel_loop3A_1668, %parallel_loop3A_1675 : vector<16xf32>
        %parallel_loop3A_1677 = arith.constant 14 : i32
        %parallel_loop3A_1678 = arith.addi %parallel_loop3A_1568, %parallel_loop3A_1677 : i32
        %parallel_loop3A_1679 = arith.index_cast %parallel_loop3A_1678 : i32 to index
        %parallel_loop3A_1680 = arith.constant 0 : index
        %parallel_loop3A_1681 = tpu.vector_load %arg7[%parallel_loop3A_1679, %parallel_loop3A_1680] {strides = array<i32>} : memref<1664x16xf32, #tpu.memory_space<vmem>>, vector<16xf32>,
        %parallel_loop3A_1682 = arith.addf %parallel_loop3A_1674, %parallel_loop3A_1681 : vector<16xf32>
        %parallel_loop3A_1683 = arith.mulf %parallel_loop3A_1681, %parallel_loop3A_1681 : vector<16xf32>
        %parallel_loop3A_1684 = arith.addf %parallel_loop3A_1676, %parallel_loop3A_1683 : vector<16xf32>
        %parallel_loop3A_1685 = arith.constant 15 : i32
        %parallel_loop3A_1686 = arith.addi %parallel_loop3A_1568, %parallel_loop3A_1685 : i32
        %parallel_loop3A_1687 = arith.index_cast %parallel_loop3A_1686 : i32 to index
        %parallel_loop3A_1688 = arith.constant 0 : index
        %parallel_loop3A_1689 = tpu.vector_load %arg7[%parallel_loop3A_1687, %parallel_loop3A_1688] {strides = array<i32>} : memref<1664x16xf32, #tpu.memory_space<vmem>>, vector<16xf32>,
        %parallel_loop3A_1690 = arith.addf %parallel_loop3A_1682, %parallel_loop3A_1689 : vector<16xf32>
        %parallel_loop3A_1691 = arith.mulf %parallel_loop3A_1689, %parallel_loop3A_1689 : vector<16xf32>
        %parallel_loop3A_1692 = arith.addf %parallel_loop3A_1684, %parallel_loop3A_1691 : vector<16xf32>
        %parallel_loop3A_1693 = arith.constant 16 : i32
        %parallel_loop3A_1694 = arith.addi %parallel_loop3A_1568, %parallel_loop3A_1693 : i32
        %parallel_loop3A_1695 = arith.index_cast %parallel_loop3A_1694 : i32 to index
        %parallel_loop3A_1696 = arith.constant 0 : index
        %parallel_loop3A_1697 = tpu.vector_load %arg7[%parallel_loop3A_1695, %parallel_loop3A_1696] {strides = array<i32>} : memref<1664x16xf32, #tpu.memory_space<vmem>>, vector<16xf32>,
        %parallel_loop3A_1698 = arith.addf %parallel_loop3A_1690, %parallel_loop3A_1697 : vector<16xf32>
        %parallel_loop3A_1699 = arith.mulf %parallel_loop3A_1697, %parallel_loop3A_1697 : vector<16xf32>
        %parallel_loop3A_1700 = arith.addf %parallel_loop3A_1692, %parallel_loop3A_1699 : vector<16xf32>
        %parallel_loop3A_1701 = arith.constant 17 : i32
        %parallel_loop3A_1702 = arith.addi %parallel_loop3A_1568, %parallel_loop3A_1701 : i32
        %parallel_loop3A_1703 = arith.index_cast %parallel_loop3A_1702 : i32 to index
        %parallel_loop3A_1704 = arith.constant 0 : index
        %parallel_loop3A_1705 = tpu.vector_load %arg7[%parallel_loop3A_1703, %parallel_loop3A_1704] {strides = array<i32>} : memref<1664x16xf32, #tpu.memory_space<vmem>>, vector<16xf32>,
        %parallel_loop3A_1706 = arith.addf %parallel_loop3A_1698, %parallel_loop3A_1705 : vector<16xf32>
        %parallel_loop3A_1707 = arith.mulf %parallel_loop3A_1705, %parallel_loop3A_1705 : vector<16xf32>
        %parallel_loop3A_1708 = arith.addf %parallel_loop3A_1700, %parallel_loop3A_1707 : vector<16xf32>
        %parallel_loop3A_1709 = arith.constant 18 : i32
        %parallel_loop3A_1710 = arith.addi %parallel_loop3A_1568, %parallel_loop3A_1709 : i32
        %parallel_loop3A_1711 = arith.index_cast %parallel_loop3A_1710 : i32 to index
        %parallel_loop3A_1712 = arith.constant 0 : index
        %parallel_loop3A_1713 = tpu.vector_load %arg7[%parallel_loop3A_1711, %parallel_loop3A_1712] {strides = array<i32>} : memref<1664x16xf32, #tpu.memory_space<vmem>>, vector<16xf32>,
        %parallel_loop3A_1714 = arith.addf %parallel_loop3A_1706, %parallel_loop3A_1713 : vector<16xf32>
        %parallel_loop3A_1715 = arith.mulf %parallel_loop3A_1713, %parallel_loop3A_1713 : vector<16xf32>
        %parallel_loop3A_1716 = arith.addf %parallel_loop3A_1708, %parallel_loop3A_1715 : vector<16xf32>
        %parallel_loop3A_1717 = arith.constant 19 : i32
        %parallel_loop3A_1718 = arith.addi %parallel_loop3A_1568, %parallel_loop3A_1717 : i32
        %parallel_loop3A_1719 = arith.index_cast %parallel_loop3A_1718 : i32 to index
        %parallel_loop3A_1720 = arith.constant 0 : index
        %parallel_loop3A_1721 = tpu.vector_load %arg7[%parallel_loop3A_1719, %parallel_loop3A_1720] {strides = array<i32>} : memref<1664x16xf32, #tpu.memory_space<vmem>>, vector<16xf32>,
        %parallel_loop3A_1722 = arith.addf %parallel_loop3A_1714, %parallel_loop3A_1721 : vector<16xf32>
        %parallel_loop3A_1723 = arith.mulf %parallel_loop3A_1721, %parallel_loop3A_1721 : vector<16xf32>
        %parallel_loop3A_1724 = arith.addf %parallel_loop3A_1716, %parallel_loop3A_1723 : vector<16xf32>
        %parallel_loop3A_1725 = arith.constant 20 : i32
        %parallel_loop3A_1726 = arith.addi %parallel_loop3A_1568, %parallel_loop3A_1725 : i32
        %parallel_loop3A_1727 = arith.index_cast %parallel_loop3A_1726 : i32 to index
        %parallel_loop3A_1728 = arith.constant 0 : index
        %parallel_loop3A_1729 = tpu.vector_load %arg7[%parallel_loop3A_1727, %parallel_loop3A_1728] {strides = array<i32>} : memref<1664x16xf32, #tpu.memory_space<vmem>>, vector<16xf32>,
        %parallel_loop3A_1730 = arith.addf %parallel_loop3A_1722, %parallel_loop3A_1729 : vector<16xf32>
        %parallel_loop3A_1731 = arith.mulf %parallel_loop3A_1729, %parallel_loop3A_1729 : vector<16xf32>
        %parallel_loop3A_1732 = arith.addf %parallel_loop3A_1724, %parallel_loop3A_1731 : vector<16xf32>
        %parallel_loop3A_1733 = arith.constant 21 : i32
        %parallel_loop3A_1734 = arith.addi %parallel_loop3A_1568, %parallel_loop3A_1733 : i32
        %parallel_loop3A_1735 = arith.index_cast %parallel_loop3A_1734 : i32 to index
        %parallel_loop3A_1736 = arith.constant 0 : index
        %parallel_loop3A_1737 = tpu.vector_load %arg7[%parallel_loop3A_1735, %parallel_loop3A_1736] {strides = array<i32>} : memref<1664x16xf32, #tpu.memory_space<vmem>>, vector<16xf32>,
        %parallel_loop3A_1738 = arith.addf %parallel_loop3A_1730, %parallel_loop3A_1737 : vector<16xf32>
        %parallel_loop3A_1739 = arith.mulf %parallel_loop3A_1737, %parallel_loop3A_1737 : vector<16xf32>
        %parallel_loop3A_1740 = arith.addf %parallel_loop3A_1732, %parallel_loop3A_1739 : vector<16xf32>
        %parallel_loop3A_1741 = arith.constant 22 : i32
        %parallel_loop3A_1742 = arith.addi %parallel_loop3A_1568, %parallel_loop3A_1741 : i32
        %parallel_loop3A_1743 = arith.index_cast %parallel_loop3A_1742 : i32 to index
        %parallel_loop3A_1744 = arith.constant 0 : index
        %parallel_loop3A_1745 = tpu.vector_load %arg7[%parallel_loop3A_1743, %parallel_loop3A_1744] {strides = array<i32>} : memref<1664x16xf32, #tpu.memory_space<vmem>>, vector<16xf32>,
        %parallel_loop3A_1746 = arith.addf %parallel_loop3A_1738, %parallel_loop3A_1745 : vector<16xf32>
        %parallel_loop3A_1747 = arith.mulf %parallel_loop3A_1745, %parallel_loop3A_1745 : vector<16xf32>
        %parallel_loop3A_1748 = arith.addf %parallel_loop3A_1740, %parallel_loop3A_1747 : vector<16xf32>
        %parallel_loop3A_1749 = arith.constant 23 : i32
        %parallel_loop3A_1750 = arith.addi %parallel_loop3A_1568, %parallel_loop3A_1749 : i32
        %parallel_loop3A_1751 = arith.index_cast %parallel_loop3A_1750 : i32 to index
        %parallel_loop3A_1752 = arith.constant 0 : index
        %parallel_loop3A_1753 = tpu.vector_load %arg7[%parallel_loop3A_1751, %parallel_loop3A_1752] {strides = array<i32>} : memref<1664x16xf32, #tpu.memory_space<vmem>>, vector<16xf32>,
        %parallel_loop3A_1754 = arith.addf %parallel_loop3A_1746, %parallel_loop3A_1753 : vector<16xf32>
        %parallel_loop3A_1755 = arith.mulf %parallel_loop3A_1753, %parallel_loop3A_1753 : vector<16xf32>
        %parallel_loop3A_1756 = arith.addf %parallel_loop3A_1748, %parallel_loop3A_1755 : vector<16xf32>
        %parallel_loop3A_1757 = arith.constant 24 : i32
        %parallel_loop3A_1758 = arith.addi %parallel_loop3A_1568, %parallel_loop3A_1757 : i32
        %parallel_loop3A_1759 = arith.index_cast %parallel_loop3A_1758 : i32 to index
        %parallel_loop3A_1760 = arith.constant 0 : index
        %parallel_loop3A_1761 = tpu.vector_load %arg7[%parallel_loop3A_1759, %parallel_loop3A_1760] {strides = array<i32>} : memref<1664x16xf32, #tpu.memory_space<vmem>>, vector<16xf32>,
        %parallel_loop3A_1762 = arith.addf %parallel_loop3A_1754, %parallel_loop3A_1761 : vector<16xf32>
        %parallel_loop3A_1763 = arith.mulf %parallel_loop3A_1761, %parallel_loop3A_1761 : vector<16xf32>
        %parallel_loop3A_1764 = arith.addf %parallel_loop3A_1756, %parallel_loop3A_1763 : vector<16xf32>
        %parallel_loop3A_1765 = arith.constant 25 : i32
        %parallel_loop3A_1766 = arith.addi %parallel_loop3A_1568, %parallel_loop3A_1765 : i32
        %parallel_loop3A_1767 = arith.index_cast %parallel_loop3A_1766 : i32 to index
        %parallel_loop3A_1768 = arith.constant 0 : index
        %parallel_loop3A_1769 = tpu.vector_load %arg7[%parallel_loop3A_1767, %parallel_loop3A_1768] {strides = array<i32>} : memref<1664x16xf32, #tpu.memory_space<vmem>>, vector<16xf32>,
        %parallel_loop3A_1770 = arith.addf %parallel_loop3A_1762, %parallel_loop3A_1769 : vector<16xf32>
        %parallel_loop3A_1771 = arith.mulf %parallel_loop3A_1769, %parallel_loop3A_1769 : vector<16xf32>
        %parallel_loop3A_1772 = arith.addf %parallel_loop3A_1764, %parallel_loop3A_1771 : vector<16xf32>
        %parallel_loop3A_1773 = arith.index_cast %parallel_loop3A_1568 : i32 to index
        %parallel_loop3A_1774 = tpu.vector_load %arg8[%parallel_loop3A_1773] {strides = array<i32>} : memref<1680xf32, #tpu.memory_space<vmem>>, vector<16xf32>,
        %parallel_loop3A_1775 = arith.constant 16 : i32
        %parallel_loop3A_1776 = arith.addi %parallel_loop3A_1568, %parallel_loop3A_1775 : i32
        %parallel_loop3A_1777 = arith.index_cast %parallel_loop3A_1776 : i32 to index
        %parallel_loop3A_1778 = tpu.vector_load %arg8[%parallel_loop3A_1777] {strides = array<i32>} : memref<1680xf32, #tpu.memory_space<vmem>>, vector<16xf32>,
        %parallel_loop3A_1779 = arith.mulf %parallel_loop3A_1770, %parallel_loop3A_1770 : vector<16xf32>
        %parallel_loop3A_1780 = arith.subf %parallel_loop3A_1779, %parallel_loop3A_1772 : vector<16xf32>
        %parallel_loop3A_1781 = arith.constant 5.000000e-01 : f32
        %parallel_loop3A_1782 = vector.broadcast %parallel_loop3A_1781 : f32 to vector<16xf32>
        %parallel_loop3A_1783 = arith.mulf %parallel_loop3A_1782, %parallel_loop3A_1780 : vector<16xf32>
        %parallel_loop3A_1784 = arith.addf %parallel_loop3A_1783, %parallel_loop3A_1774 : vector<16xf32>
        %parallel_loop3A_1785 = arith.constant 0.000000e+00 : f32
        %parallel_loop3A_1786 = vector.broadcast %parallel_loop3A_1785 : f32 to vector<16xf32>
        %parallel_loop3A_1787 = arith.select %lt3A_4, %parallel_loop3A_1778, %parallel_loop3A_1786 : vector<16xi1>, vector<16xf32>
        %parallel_loop3A_1788 = arith.addf %parallel_loop3A_1784, %parallel_loop3A_1787 : vector<16xf32>
        %parallel_loop3A_1789 = vector.shape_cast %reshape3A : vector<16x1xi32> to vector<16xi32>
        %parallel_loop3A_1790 = tpu.dynamic_gather %parallel_loop3A_1788[%parallel_loop3A_1789] in [0] : vector<16xf32>, vector<16xi32> -> vector<16xf32>
        %parallel_loop3A_1791 = arith.addf %parallel_loop3A_1788, %parallel_loop3A_1790 : vector<16xf32>
        %parallel_loop3A_1792 = vector.shape_cast %reshape3A_10 : vector<16x1xi32> to vector<16xi32>
        %parallel_loop3A_1793 = tpu.dynamic_gather %parallel_loop3A_1791[%parallel_loop3A_1792] in [0] : vector<16xf32>, vector<16xi32> -> vector<16xf32>
        %parallel_loop3A_1794 = arith.addf %parallel_loop3A_1791, %parallel_loop3A_1793 : vector<16xf32>
        %parallel_loop3A_1795 = vector.shape_cast %reshape3A_14 : vector<16x1xi32> to vector<16xi32>
        %parallel_loop3A_1796 = tpu.dynamic_gather %parallel_loop3A_1794[%parallel_loop3A_1795] in [0] : vector<16xf32>, vector<16xi32> -> vector<16xf32>
        %parallel_loop3A_1797 = arith.addf %parallel_loop3A_1794, %parallel_loop3A_1796 : vector<16xf32>
        %parallel_loop3A_1798 = vector.shape_cast %reshape3A_18 : vector<16x1xi32> to vector<16xi32>
        %parallel_loop3A_1799 = tpu.dynamic_gather %parallel_loop3A_1797[%parallel_loop3A_1798] in [0] : vector<16xf32>, vector<16xi32> -> vector<16xf32>
        %parallel_loop3A_1800 = arith.addf %parallel_loop3A_1797, %parallel_loop3A_1799 : vector<16xf32>
        %parallel_loop3A_1801 = arith.constant 0 : i32
        %parallel_loop3A_1802 = vector.broadcast %parallel_loop3A_1801 : i32 to vector<16xi32>
        %parallel_loop3A_1803 = arith.muli %iota3A, %parallel_loop3A_1802 : vector<16xi32>
        %parallel_loop3A_1804 = arith.constant 64 : i32
        %parallel_loop3A_1805 = arith.muli %scan3A_24, %parallel_loop3A_1804 : i32
        %parallel_loop3A_1806 = arith.constant 16 : i32
        %parallel_loop3A_1807 = arith.muli %parallel_loop3A_44, %parallel_loop3A_1806 : i32
        %parallel_loop3A_1808 = arith.addi %parallel_loop3A_1805, %parallel_loop3A_1807 : i32
        %parallel_loop3A_1809 = arith.constant 6 : i32
        %parallel_loop3A_1810 = arith.addi %parallel_loop3A_1808, %parallel_loop3A_1809 : i32
        %parallel_loop3A_1811 = vector.broadcast %parallel_loop3A_1810 : i32 to vector<16xi32>
        %parallel_loop3A_1812 = arith.addi %parallel_loop3A_1803, %parallel_loop3A_1811 : vector<16xi32>
        %parallel_loop3A_1813 = arith.constant 6 : i32
        %parallel_loop3A_1814 = vector.broadcast %parallel_loop3A_1813 : i32 to vector<16xi32>
        %parallel_loop3A_1815 = arith.cmpi eq, %iota3A, %parallel_loop3A_1814 : vector<16xi32>
        tpu.vector_store_idx %arg9[%parallel_loop3A_1812], %parallel_loop3A_1800 masked %parallel_loop3A_1815 : memref<512xf32, #tpu.memory_space<vmem>>[vector<16xi32>], vector<16xf32>, vector<16xi1>
        %parallel_loop3A_1816 = arith.constant 16 : i32
        %parallel_loop3A_1817 = arith.muli %parallel_loop3A_44, %parallel_loop3A_1816 : i32
        %parallel_loop3A_1818 = arith.constant 7 : i32
        %parallel_loop3A_1819 = arith.addi %parallel_loop3A_1817, %parallel_loop3A_1818 : i32
        %parallel_loop3A_1820 = arith.constant 26 : i32
        %parallel_loop3A_1821 = arith.muli %parallel_loop3A_1819, %parallel_loop3A_1820 : i32
        %parallel_loop3A_1822 = arith.index_cast %parallel_loop3A_1821 : i32 to index
        %parallel_loop3A_1823 = arith.constant 0 : index
        %parallel_loop3A_1824 = tpu.vector_load %arg7[%parallel_loop3A_1822, %parallel_loop3A_1823] {strides = array<i32>} : memref<1664x16xf32, #tpu.memory_space<vmem>>, vector<16xf32>,
        %parallel_loop3A_1825 = arith.mulf %parallel_loop3A_1824, %parallel_loop3A_1824 : vector<16xf32>
        %parallel_loop3A_1826 = arith.constant 1 : i32
        %parallel_loop3A_1827 = arith.addi %parallel_loop3A_1821, %parallel_loop3A_1826 : i32
        %parallel_loop3A_1828 = arith.index_cast %parallel_loop3A_1827 : i32 to index
        %parallel_loop3A_1829 = arith.constant 0 : index
        %parallel_loop3A_1830 = tpu.vector_load %arg7[%parallel_loop3A_1828, %parallel_loop3A_1829] {strides = array<i32>} : memref<1664x16xf32, #tpu.memory_space<vmem>>, vector<16xf32>,
        %parallel_loop3A_1831 = arith.addf %parallel_loop3A_1824, %parallel_loop3A_1830 : vector<16xf32>
        %parallel_loop3A_1832 = arith.mulf %parallel_loop3A_1830, %parallel_loop3A_1830 : vector<16xf32>
        %parallel_loop3A_1833 = arith.addf %parallel_loop3A_1825, %parallel_loop3A_1832 : vector<16xf32>
        %parallel_loop3A_1834 = arith.constant 2 : i32
        %parallel_loop3A_1835 = arith.addi %parallel_loop3A_1821, %parallel_loop3A_1834 : i32
        %parallel_loop3A_1836 = arith.index_cast %parallel_loop3A_1835 : i32 to index
        %parallel_loop3A_1837 = arith.constant 0 : index
        %parallel_loop3A_1838 = tpu.vector_load %arg7[%parallel_loop3A_1836, %parallel_loop3A_1837] {strides = array<i32>} : memref<1664x16xf32, #tpu.memory_space<vmem>>, vector<16xf32>,
        %parallel_loop3A_1839 = arith.addf %parallel_loop3A_1831, %parallel_loop3A_1838 : vector<16xf32>
        %parallel_loop3A_1840 = arith.mulf %parallel_loop3A_1838, %parallel_loop3A_1838 : vector<16xf32>
        %parallel_loop3A_1841 = arith.addf %parallel_loop3A_1833, %parallel_loop3A_1840 : vector<16xf32>
        %parallel_loop3A_1842 = arith.constant 3 : i32
        %parallel_loop3A_1843 = arith.addi %parallel_loop3A_1821, %parallel_loop3A_1842 : i32
        %parallel_loop3A_1844 = arith.index_cast %parallel_loop3A_1843 : i32 to index
        %parallel_loop3A_1845 = arith.constant 0 : index
        %parallel_loop3A_1846 = tpu.vector_load %arg7[%parallel_loop3A_1844, %parallel_loop3A_1845] {strides = array<i32>} : memref<1664x16xf32, #tpu.memory_space<vmem>>, vector<16xf32>,
        %parallel_loop3A_1847 = arith.addf %parallel_loop3A_1839, %parallel_loop3A_1846 : vector<16xf32>
        %parallel_loop3A_1848 = arith.mulf %parallel_loop3A_1846, %parallel_loop3A_1846 : vector<16xf32>
        %parallel_loop3A_1849 = arith.addf %parallel_loop3A_1841, %parallel_loop3A_1848 : vector<16xf32>
        %parallel_loop3A_1850 = arith.constant 4 : i32
        %parallel_loop3A_1851 = arith.addi %parallel_loop3A_1821, %parallel_loop3A_1850 : i32
        %parallel_loop3A_1852 = arith.index_cast %parallel_loop3A_1851 : i32 to index
        %parallel_loop3A_1853 = arith.constant 0 : index
        %parallel_loop3A_1854 = tpu.vector_load %arg7[%parallel_loop3A_1852, %parallel_loop3A_1853] {strides = array<i32>} : memref<1664x16xf32, #tpu.memory_space<vmem>>, vector<16xf32>,
        %parallel_loop3A_1855 = arith.addf %parallel_loop3A_1847, %parallel_loop3A_1854 : vector<16xf32>
        %parallel_loop3A_1856 = arith.mulf %parallel_loop3A_1854, %parallel_loop3A_1854 : vector<16xf32>
        %parallel_loop3A_1857 = arith.addf %parallel_loop3A_1849, %parallel_loop3A_1856 : vector<16xf32>
        %parallel_loop3A_1858 = arith.constant 5 : i32
        %parallel_loop3A_1859 = arith.addi %parallel_loop3A_1821, %parallel_loop3A_1858 : i32
        %parallel_loop3A_1860 = arith.index_cast %parallel_loop3A_1859 : i32 to index
        %parallel_loop3A_1861 = arith.constant 0 : index
        %parallel_loop3A_1862 = tpu.vector_load %arg7[%parallel_loop3A_1860, %parallel_loop3A_1861] {strides = array<i32>} : memref<1664x16xf32, #tpu.memory_space<vmem>>, vector<16xf32>,
        %parallel_loop3A_1863 = arith.addf %parallel_loop3A_1855, %parallel_loop3A_1862 : vector<16xf32>
        %parallel_loop3A_1864 = arith.mulf %parallel_loop3A_1862, %parallel_loop3A_1862 : vector<16xf32>
        %parallel_loop3A_1865 = arith.addf %parallel_loop3A_1857, %parallel_loop3A_1864 : vector<16xf32>
        %parallel_loop3A_1866 = arith.constant 6 : i32
        %parallel_loop3A_1867 = arith.addi %parallel_loop3A_1821, %parallel_loop3A_1866 : i32
        %parallel_loop3A_1868 = arith.index_cast %parallel_loop3A_1867 : i32 to index
        %parallel_loop3A_1869 = arith.constant 0 : index
        %parallel_loop3A_1870 = tpu.vector_load %arg7[%parallel_loop3A_1868, %parallel_loop3A_1869] {strides = array<i32>} : memref<1664x16xf32, #tpu.memory_space<vmem>>, vector<16xf32>,
        %parallel_loop3A_1871 = arith.addf %parallel_loop3A_1863, %parallel_loop3A_1870 : vector<16xf32>
        %parallel_loop3A_1872 = arith.mulf %parallel_loop3A_1870, %parallel_loop3A_1870 : vector<16xf32>
        %parallel_loop3A_1873 = arith.addf %parallel_loop3A_1865, %parallel_loop3A_1872 : vector<16xf32>
        %parallel_loop3A_1874 = arith.constant 7 : i32
        %parallel_loop3A_1875 = arith.addi %parallel_loop3A_1821, %parallel_loop3A_1874 : i32
        %parallel_loop3A_1876 = arith.index_cast %parallel_loop3A_1875 : i32 to index
        %parallel_loop3A_1877 = arith.constant 0 : index
        %parallel_loop3A_1878 = tpu.vector_load %arg7[%parallel_loop3A_1876, %parallel_loop3A_1877] {strides = array<i32>} : memref<1664x16xf32, #tpu.memory_space<vmem>>, vector<16xf32>,
        %parallel_loop3A_1879 = arith.addf %parallel_loop3A_1871, %parallel_loop3A_1878 : vector<16xf32>
        %parallel_loop3A_1880 = arith.mulf %parallel_loop3A_1878, %parallel_loop3A_1878 : vector<16xf32>
        %parallel_loop3A_1881 = arith.addf %parallel_loop3A_1873, %parallel_loop3A_1880 : vector<16xf32>
        %parallel_loop3A_1882 = arith.constant 8 : i32
        %parallel_loop3A_1883 = arith.addi %parallel_loop3A_1821, %parallel_loop3A_1882 : i32
        %parallel_loop3A_1884 = arith.index_cast %parallel_loop3A_1883 : i32 to index
        %parallel_loop3A_1885 = arith.constant 0 : index
        %parallel_loop3A_1886 = tpu.vector_load %arg7[%parallel_loop3A_1884, %parallel_loop3A_1885] {strides = array<i32>} : memref<1664x16xf32, #tpu.memory_space<vmem>>, vector<16xf32>,
        %parallel_loop3A_1887 = arith.addf %parallel_loop3A_1879, %parallel_loop3A_1886 : vector<16xf32>
        %parallel_loop3A_1888 = arith.mulf %parallel_loop3A_1886, %parallel_loop3A_1886 : vector<16xf32>
        %parallel_loop3A_1889 = arith.addf %parallel_loop3A_1881, %parallel_loop3A_1888 : vector<16xf32>
        %parallel_loop3A_1890 = arith.constant 9 : i32
        %parallel_loop3A_1891 = arith.addi %parallel_loop3A_1821, %parallel_loop3A_1890 : i32
        %parallel_loop3A_1892 = arith.index_cast %parallel_loop3A_1891 : i32 to index
        %parallel_loop3A_1893 = arith.constant 0 : index
        %parallel_loop3A_1894 = tpu.vector_load %arg7[%parallel_loop3A_1892, %parallel_loop3A_1893] {strides = array<i32>} : memref<1664x16xf32, #tpu.memory_space<vmem>>, vector<16xf32>,
        %parallel_loop3A_1895 = arith.addf %parallel_loop3A_1887, %parallel_loop3A_1894 : vector<16xf32>
        %parallel_loop3A_1896 = arith.mulf %parallel_loop3A_1894, %parallel_loop3A_1894 : vector<16xf32>
        %parallel_loop3A_1897 = arith.addf %parallel_loop3A_1889, %parallel_loop3A_1896 : vector<16xf32>
        %parallel_loop3A_1898 = arith.constant 10 : i32
        %parallel_loop3A_1899 = arith.addi %parallel_loop3A_1821, %parallel_loop3A_1898 : i32
        %parallel_loop3A_1900 = arith.index_cast %parallel_loop3A_1899 : i32 to index
        %parallel_loop3A_1901 = arith.constant 0 : index
        %parallel_loop3A_1902 = tpu.vector_load %arg7[%parallel_loop3A_1900, %parallel_loop3A_1901] {strides = array<i32>} : memref<1664x16xf32, #tpu.memory_space<vmem>>, vector<16xf32>,
        %parallel_loop3A_1903 = arith.addf %parallel_loop3A_1895, %parallel_loop3A_1902 : vector<16xf32>
        %parallel_loop3A_1904 = arith.mulf %parallel_loop3A_1902, %parallel_loop3A_1902 : vector<16xf32>
        %parallel_loop3A_1905 = arith.addf %parallel_loop3A_1897, %parallel_loop3A_1904 : vector<16xf32>
        %parallel_loop3A_1906 = arith.constant 11 : i32
        %parallel_loop3A_1907 = arith.addi %parallel_loop3A_1821, %parallel_loop3A_1906 : i32
        %parallel_loop3A_1908 = arith.index_cast %parallel_loop3A_1907 : i32 to index
        %parallel_loop3A_1909 = arith.constant 0 : index
        %parallel_loop3A_1910 = tpu.vector_load %arg7[%parallel_loop3A_1908, %parallel_loop3A_1909] {strides = array<i32>} : memref<1664x16xf32, #tpu.memory_space<vmem>>, vector<16xf32>,
        %parallel_loop3A_1911 = arith.addf %parallel_loop3A_1903, %parallel_loop3A_1910 : vector<16xf32>
        %parallel_loop3A_1912 = arith.mulf %parallel_loop3A_1910, %parallel_loop3A_1910 : vector<16xf32>
        %parallel_loop3A_1913 = arith.addf %parallel_loop3A_1905, %parallel_loop3A_1912 : vector<16xf32>
        %parallel_loop3A_1914 = arith.constant 12 : i32
        %parallel_loop3A_1915 = arith.addi %parallel_loop3A_1821, %parallel_loop3A_1914 : i32
        %parallel_loop3A_1916 = arith.index_cast %parallel_loop3A_1915 : i32 to index
        %parallel_loop3A_1917 = arith.constant 0 : index
        %parallel_loop3A_1918 = tpu.vector_load %arg7[%parallel_loop3A_1916, %parallel_loop3A_1917] {strides = array<i32>} : memref<1664x16xf32, #tpu.memory_space<vmem>>, vector<16xf32>,
        %parallel_loop3A_1919 = arith.addf %parallel_loop3A_1911, %parallel_loop3A_1918 : vector<16xf32>
        %parallel_loop3A_1920 = arith.mulf %parallel_loop3A_1918, %parallel_loop3A_1918 : vector<16xf32>
        %parallel_loop3A_1921 = arith.addf %parallel_loop3A_1913, %parallel_loop3A_1920 : vector<16xf32>
        %parallel_loop3A_1922 = arith.constant 13 : i32
        %parallel_loop3A_1923 = arith.addi %parallel_loop3A_1821, %parallel_loop3A_1922 : i32
        %parallel_loop3A_1924 = arith.index_cast %parallel_loop3A_1923 : i32 to index
        %parallel_loop3A_1925 = arith.constant 0 : index
        %parallel_loop3A_1926 = tpu.vector_load %arg7[%parallel_loop3A_1924, %parallel_loop3A_1925] {strides = array<i32>} : memref<1664x16xf32, #tpu.memory_space<vmem>>, vector<16xf32>,
        %parallel_loop3A_1927 = arith.addf %parallel_loop3A_1919, %parallel_loop3A_1926 : vector<16xf32>
        %parallel_loop3A_1928 = arith.mulf %parallel_loop3A_1926, %parallel_loop3A_1926 : vector<16xf32>
        %parallel_loop3A_1929 = arith.addf %parallel_loop3A_1921, %parallel_loop3A_1928 : vector<16xf32>
        %parallel_loop3A_1930 = arith.constant 14 : i32
        %parallel_loop3A_1931 = arith.addi %parallel_loop3A_1821, %parallel_loop3A_1930 : i32
        %parallel_loop3A_1932 = arith.index_cast %parallel_loop3A_1931 : i32 to index
        %parallel_loop3A_1933 = arith.constant 0 : index
        %parallel_loop3A_1934 = tpu.vector_load %arg7[%parallel_loop3A_1932, %parallel_loop3A_1933] {strides = array<i32>} : memref<1664x16xf32, #tpu.memory_space<vmem>>, vector<16xf32>,
        %parallel_loop3A_1935 = arith.addf %parallel_loop3A_1927, %parallel_loop3A_1934 : vector<16xf32>
        %parallel_loop3A_1936 = arith.mulf %parallel_loop3A_1934, %parallel_loop3A_1934 : vector<16xf32>
        %parallel_loop3A_1937 = arith.addf %parallel_loop3A_1929, %parallel_loop3A_1936 : vector<16xf32>
        %parallel_loop3A_1938 = arith.constant 15 : i32
        %parallel_loop3A_1939 = arith.addi %parallel_loop3A_1821, %parallel_loop3A_1938 : i32
        %parallel_loop3A_1940 = arith.index_cast %parallel_loop3A_1939 : i32 to index
        %parallel_loop3A_1941 = arith.constant 0 : index
        %parallel_loop3A_1942 = tpu.vector_load %arg7[%parallel_loop3A_1940, %parallel_loop3A_1941] {strides = array<i32>} : memref<1664x16xf32, #tpu.memory_space<vmem>>, vector<16xf32>,
        %parallel_loop3A_1943 = arith.addf %parallel_loop3A_1935, %parallel_loop3A_1942 : vector<16xf32>
        %parallel_loop3A_1944 = arith.mulf %parallel_loop3A_1942, %parallel_loop3A_1942 : vector<16xf32>
        %parallel_loop3A_1945 = arith.addf %parallel_loop3A_1937, %parallel_loop3A_1944 : vector<16xf32>
        %parallel_loop3A_1946 = arith.constant 16 : i32
        %parallel_loop3A_1947 = arith.addi %parallel_loop3A_1821, %parallel_loop3A_1946 : i32
        %parallel_loop3A_1948 = arith.index_cast %parallel_loop3A_1947 : i32 to index
        %parallel_loop3A_1949 = arith.constant 0 : index
        %parallel_loop3A_1950 = tpu.vector_load %arg7[%parallel_loop3A_1948, %parallel_loop3A_1949] {strides = array<i32>} : memref<1664x16xf32, #tpu.memory_space<vmem>>, vector<16xf32>,
        %parallel_loop3A_1951 = arith.addf %parallel_loop3A_1943, %parallel_loop3A_1950 : vector<16xf32>
        %parallel_loop3A_1952 = arith.mulf %parallel_loop3A_1950, %parallel_loop3A_1950 : vector<16xf32>
        %parallel_loop3A_1953 = arith.addf %parallel_loop3A_1945, %parallel_loop3A_1952 : vector<16xf32>
        %parallel_loop3A_1954 = arith.constant 17 : i32
        %parallel_loop3A_1955 = arith.addi %parallel_loop3A_1821, %parallel_loop3A_1954 : i32
        %parallel_loop3A_1956 = arith.index_cast %parallel_loop3A_1955 : i32 to index
        %parallel_loop3A_1957 = arith.constant 0 : index
        %parallel_loop3A_1958 = tpu.vector_load %arg7[%parallel_loop3A_1956, %parallel_loop3A_1957] {strides = array<i32>} : memref<1664x16xf32, #tpu.memory_space<vmem>>, vector<16xf32>,
        %parallel_loop3A_1959 = arith.addf %parallel_loop3A_1951, %parallel_loop3A_1958 : vector<16xf32>
        %parallel_loop3A_1960 = arith.mulf %parallel_loop3A_1958, %parallel_loop3A_1958 : vector<16xf32>
        %parallel_loop3A_1961 = arith.addf %parallel_loop3A_1953, %parallel_loop3A_1960 : vector<16xf32>
        %parallel_loop3A_1962 = arith.constant 18 : i32
        %parallel_loop3A_1963 = arith.addi %parallel_loop3A_1821, %parallel_loop3A_1962 : i32
        %parallel_loop3A_1964 = arith.index_cast %parallel_loop3A_1963 : i32 to index
        %parallel_loop3A_1965 = arith.constant 0 : index
        %parallel_loop3A_1966 = tpu.vector_load %arg7[%parallel_loop3A_1964, %parallel_loop3A_1965] {strides = array<i32>} : memref<1664x16xf32, #tpu.memory_space<vmem>>, vector<16xf32>,
        %parallel_loop3A_1967 = arith.addf %parallel_loop3A_1959, %parallel_loop3A_1966 : vector<16xf32>
        %parallel_loop3A_1968 = arith.mulf %parallel_loop3A_1966, %parallel_loop3A_1966 : vector<16xf32>
        %parallel_loop3A_1969 = arith.addf %parallel_loop3A_1961, %parallel_loop3A_1968 : vector<16xf32>
        %parallel_loop3A_1970 = arith.constant 19 : i32
        %parallel_loop3A_1971 = arith.addi %parallel_loop3A_1821, %parallel_loop3A_1970 : i32
        %parallel_loop3A_1972 = arith.index_cast %parallel_loop3A_1971 : i32 to index
        %parallel_loop3A_1973 = arith.constant 0 : index
        %parallel_loop3A_1974 = tpu.vector_load %arg7[%parallel_loop3A_1972, %parallel_loop3A_1973] {strides = array<i32>} : memref<1664x16xf32, #tpu.memory_space<vmem>>, vector<16xf32>,
        %parallel_loop3A_1975 = arith.addf %parallel_loop3A_1967, %parallel_loop3A_1974 : vector<16xf32>
        %parallel_loop3A_1976 = arith.mulf %parallel_loop3A_1974, %parallel_loop3A_1974 : vector<16xf32>
        %parallel_loop3A_1977 = arith.addf %parallel_loop3A_1969, %parallel_loop3A_1976 : vector<16xf32>
        %parallel_loop3A_1978 = arith.constant 20 : i32
        %parallel_loop3A_1979 = arith.addi %parallel_loop3A_1821, %parallel_loop3A_1978 : i32
        %parallel_loop3A_1980 = arith.index_cast %parallel_loop3A_1979 : i32 to index
        %parallel_loop3A_1981 = arith.constant 0 : index
        %parallel_loop3A_1982 = tpu.vector_load %arg7[%parallel_loop3A_1980, %parallel_loop3A_1981] {strides = array<i32>} : memref<1664x16xf32, #tpu.memory_space<vmem>>, vector<16xf32>,
        %parallel_loop3A_1983 = arith.addf %parallel_loop3A_1975, %parallel_loop3A_1982 : vector<16xf32>
        %parallel_loop3A_1984 = arith.mulf %parallel_loop3A_1982, %parallel_loop3A_1982 : vector<16xf32>
        %parallel_loop3A_1985 = arith.addf %parallel_loop3A_1977, %parallel_loop3A_1984 : vector<16xf32>
        %parallel_loop3A_1986 = arith.constant 21 : i32
        %parallel_loop3A_1987 = arith.addi %parallel_loop3A_1821, %parallel_loop3A_1986 : i32
        %parallel_loop3A_1988 = arith.index_cast %parallel_loop3A_1987 : i32 to index
        %parallel_loop3A_1989 = arith.constant 0 : index
        %parallel_loop3A_1990 = tpu.vector_load %arg7[%parallel_loop3A_1988, %parallel_loop3A_1989] {strides = array<i32>} : memref<1664x16xf32, #tpu.memory_space<vmem>>, vector<16xf32>,
        %parallel_loop3A_1991 = arith.addf %parallel_loop3A_1983, %parallel_loop3A_1990 : vector<16xf32>
        %parallel_loop3A_1992 = arith.mulf %parallel_loop3A_1990, %parallel_loop3A_1990 : vector<16xf32>
        %parallel_loop3A_1993 = arith.addf %parallel_loop3A_1985, %parallel_loop3A_1992 : vector<16xf32>
        %parallel_loop3A_1994 = arith.constant 22 : i32
        %parallel_loop3A_1995 = arith.addi %parallel_loop3A_1821, %parallel_loop3A_1994 : i32
        %parallel_loop3A_1996 = arith.index_cast %parallel_loop3A_1995 : i32 to index
        %parallel_loop3A_1997 = arith.constant 0 : index
        %parallel_loop3A_1998 = tpu.vector_load %arg7[%parallel_loop3A_1996, %parallel_loop3A_1997] {strides = array<i32>} : memref<1664x16xf32, #tpu.memory_space<vmem>>, vector<16xf32>,
        %parallel_loop3A_1999 = arith.addf %parallel_loop3A_1991, %parallel_loop3A_1998 : vector<16xf32>
        %parallel_loop3A_2000 = arith.mulf %parallel_loop3A_1998, %parallel_loop3A_1998 : vector<16xf32>
        %parallel_loop3A_2001 = arith.addf %parallel_loop3A_1993, %parallel_loop3A_2000 : vector<16xf32>
        %parallel_loop3A_2002 = arith.constant 23 : i32
        %parallel_loop3A_2003 = arith.addi %parallel_loop3A_1821, %parallel_loop3A_2002 : i32
        %parallel_loop3A_2004 = arith.index_cast %parallel_loop3A_2003 : i32 to index
        %parallel_loop3A_2005 = arith.constant 0 : index
        %parallel_loop3A_2006 = tpu.vector_load %arg7[%parallel_loop3A_2004, %parallel_loop3A_2005] {strides = array<i32>} : memref<1664x16xf32, #tpu.memory_space<vmem>>, vector<16xf32>,
        %parallel_loop3A_2007 = arith.addf %parallel_loop3A_1999, %parallel_loop3A_2006 : vector<16xf32>
        %parallel_loop3A_2008 = arith.mulf %parallel_loop3A_2006, %parallel_loop3A_2006 : vector<16xf32>
        %parallel_loop3A_2009 = arith.addf %parallel_loop3A_2001, %parallel_loop3A_2008 : vector<16xf32>
        %parallel_loop3A_2010 = arith.constant 24 : i32
        %parallel_loop3A_2011 = arith.addi %parallel_loop3A_1821, %parallel_loop3A_2010 : i32
        %parallel_loop3A_2012 = arith.index_cast %parallel_loop3A_2011 : i32 to index
        %parallel_loop3A_2013 = arith.constant 0 : index
        %parallel_loop3A_2014 = tpu.vector_load %arg7[%parallel_loop3A_2012, %parallel_loop3A_2013] {strides = array<i32>} : memref<1664x16xf32, #tpu.memory_space<vmem>>, vector<16xf32>,
        %parallel_loop3A_2015 = arith.addf %parallel_loop3A_2007, %parallel_loop3A_2014 : vector<16xf32>
        %parallel_loop3A_2016 = arith.mulf %parallel_loop3A_2014, %parallel_loop3A_2014 : vector<16xf32>
        %parallel_loop3A_2017 = arith.addf %parallel_loop3A_2009, %parallel_loop3A_2016 : vector<16xf32>
        %parallel_loop3A_2018 = arith.constant 25 : i32
        %parallel_loop3A_2019 = arith.addi %parallel_loop3A_1821, %parallel_loop3A_2018 : i32
        %parallel_loop3A_2020 = arith.index_cast %parallel_loop3A_2019 : i32 to index
        %parallel_loop3A_2021 = arith.constant 0 : index
        %parallel_loop3A_2022 = tpu.vector_load %arg7[%parallel_loop3A_2020, %parallel_loop3A_2021] {strides = array<i32>} : memref<1664x16xf32, #tpu.memory_space<vmem>>, vector<16xf32>,
        %parallel_loop3A_2023 = arith.addf %parallel_loop3A_2015, %parallel_loop3A_2022 : vector<16xf32>
        %parallel_loop3A_2024 = arith.mulf %parallel_loop3A_2022, %parallel_loop3A_2022 : vector<16xf32>
        %parallel_loop3A_2025 = arith.addf %parallel_loop3A_2017, %parallel_loop3A_2024 : vector<16xf32>
        %parallel_loop3A_2026 = arith.index_cast %parallel_loop3A_1821 : i32 to index
        %parallel_loop3A_2027 = tpu.vector_load %arg8[%parallel_loop3A_2026] {strides = array<i32>} : memref<1680xf32, #tpu.memory_space<vmem>>, vector<16xf32>,
        %parallel_loop3A_2028 = arith.constant 16 : i32
        %parallel_loop3A_2029 = arith.addi %parallel_loop3A_1821, %parallel_loop3A_2028 : i32
        %parallel_loop3A_2030 = arith.index_cast %parallel_loop3A_2029 : i32 to index
        %parallel_loop3A_2031 = tpu.vector_load %arg8[%parallel_loop3A_2030] {strides = array<i32>} : memref<1680xf32, #tpu.memory_space<vmem>>, vector<16xf32>,
        %parallel_loop3A_2032 = arith.mulf %parallel_loop3A_2023, %parallel_loop3A_2023 : vector<16xf32>
        %parallel_loop3A_2033 = arith.subf %parallel_loop3A_2032, %parallel_loop3A_2025 : vector<16xf32>
        %parallel_loop3A_2034 = arith.constant 5.000000e-01 : f32
        %parallel_loop3A_2035 = vector.broadcast %parallel_loop3A_2034 : f32 to vector<16xf32>
        %parallel_loop3A_2036 = arith.mulf %parallel_loop3A_2035, %parallel_loop3A_2033 : vector<16xf32>
        %parallel_loop3A_2037 = arith.addf %parallel_loop3A_2036, %parallel_loop3A_2027 : vector<16xf32>
        %parallel_loop3A_2038 = arith.constant 0.000000e+00 : f32
        %parallel_loop3A_2039 = vector.broadcast %parallel_loop3A_2038 : f32 to vector<16xf32>
        %parallel_loop3A_2040 = arith.select %lt3A_4, %parallel_loop3A_2031, %parallel_loop3A_2039 : vector<16xi1>, vector<16xf32>
        %parallel_loop3A_2041 = arith.addf %parallel_loop3A_2037, %parallel_loop3A_2040 : vector<16xf32>
        %parallel_loop3A_2042 = vector.shape_cast %reshape3A : vector<16x1xi32> to vector<16xi32>
        %parallel_loop3A_2043 = tpu.dynamic_gather %parallel_loop3A_2041[%parallel_loop3A_2042] in [0] : vector<16xf32>, vector<16xi32> -> vector<16xf32>
        %parallel_loop3A_2044 = arith.addf %parallel_loop3A_2041, %parallel_loop3A_2043 : vector<16xf32>
        %parallel_loop3A_2045 = vector.shape_cast %reshape3A_10 : vector<16x1xi32> to vector<16xi32>
        %parallel_loop3A_2046 = tpu.dynamic_gather %parallel_loop3A_2044[%parallel_loop3A_2045] in [0] : vector<16xf32>, vector<16xi32> -> vector<16xf32>
        %parallel_loop3A_2047 = arith.addf %parallel_loop3A_2044, %parallel_loop3A_2046 : vector<16xf32>
        %parallel_loop3A_2048 = vector.shape_cast %reshape3A_14 : vector<16x1xi32> to vector<16xi32>
        %parallel_loop3A_2049 = tpu.dynamic_gather %parallel_loop3A_2047[%parallel_loop3A_2048] in [0] : vector<16xf32>, vector<16xi32> -> vector<16xf32>
        %parallel_loop3A_2050 = arith.addf %parallel_loop3A_2047, %parallel_loop3A_2049 : vector<16xf32>
        %parallel_loop3A_2051 = vector.shape_cast %reshape3A_18 : vector<16x1xi32> to vector<16xi32>
        %parallel_loop3A_2052 = tpu.dynamic_gather %parallel_loop3A_2050[%parallel_loop3A_2051] in [0] : vector<16xf32>, vector<16xi32> -> vector<16xf32>
        %parallel_loop3A_2053 = arith.addf %parallel_loop3A_2050, %parallel_loop3A_2052 : vector<16xf32>
        %parallel_loop3A_2054 = arith.constant 0 : i32
        %parallel_loop3A_2055 = vector.broadcast %parallel_loop3A_2054 : i32 to vector<16xi32>
        %parallel_loop3A_2056 = arith.muli %iota3A, %parallel_loop3A_2055 : vector<16xi32>
        %parallel_loop3A_2057 = arith.constant 64 : i32
        %parallel_loop3A_2058 = arith.muli %scan3A_24, %parallel_loop3A_2057 : i32
        %parallel_loop3A_2059 = arith.constant 16 : i32
        %parallel_loop3A_2060 = arith.muli %parallel_loop3A_44, %parallel_loop3A_2059 : i32
        %parallel_loop3A_2061 = arith.addi %parallel_loop3A_2058, %parallel_loop3A_2060 : i32
        %parallel_loop3A_2062 = arith.constant 7 : i32
        %parallel_loop3A_2063 = arith.addi %parallel_loop3A_2061, %parallel_loop3A_2062 : i32
        %parallel_loop3A_2064 = vector.broadcast %parallel_loop3A_2063 : i32 to vector<16xi32>
        %parallel_loop3A_2065 = arith.addi %parallel_loop3A_2056, %parallel_loop3A_2064 : vector<16xi32>
        %parallel_loop3A_2066 = arith.constant 7 : i32
        %parallel_loop3A_2067 = vector.broadcast %parallel_loop3A_2066 : i32 to vector<16xi32>
        %parallel_loop3A_2068 = arith.cmpi eq, %iota3A, %parallel_loop3A_2067 : vector<16xi32>
        tpu.vector_store_idx %arg9[%parallel_loop3A_2065], %parallel_loop3A_2053 masked %parallel_loop3A_2068 : memref<512xf32, #tpu.memory_space<vmem>>[vector<16xi32>], vector<16xf32>, vector<16xi1>
        %parallel_loop3A_2069 = arith.constant 16 : i32
        %parallel_loop3A_2070 = arith.muli %parallel_loop3A_44, %parallel_loop3A_2069 : i32
        %parallel_loop3A_2071 = arith.constant 8 : i32
        %parallel_loop3A_2072 = arith.addi %parallel_loop3A_2070, %parallel_loop3A_2071 : i32
        %parallel_loop3A_2073 = arith.constant 26 : i32
        %parallel_loop3A_2074 = arith.muli %parallel_loop3A_2072, %parallel_loop3A_2073 : i32
        %parallel_loop3A_2075 = arith.index_cast %parallel_loop3A_2074 : i32 to index
        %parallel_loop3A_2076 = arith.constant 0 : index
        %parallel_loop3A_2077 = tpu.vector_load %arg7[%parallel_loop3A_2075, %parallel_loop3A_2076] {strides = array<i32>} : memref<1664x16xf32, #tpu.memory_space<vmem>>, vector<16xf32>,
        %parallel_loop3A_2078 = arith.mulf %parallel_loop3A_2077, %parallel_loop3A_2077 : vector<16xf32>
        %parallel_loop3A_2079 = arith.constant 1 : i32
        %parallel_loop3A_2080 = arith.addi %parallel_loop3A_2074, %parallel_loop3A_2079 : i32
        %parallel_loop3A_2081 = arith.index_cast %parallel_loop3A_2080 : i32 to index
        %parallel_loop3A_2082 = arith.constant 0 : index
        %parallel_loop3A_2083 = tpu.vector_load %arg7[%parallel_loop3A_2081, %parallel_loop3A_2082] {strides = array<i32>} : memref<1664x16xf32, #tpu.memory_space<vmem>>, vector<16xf32>,
        %parallel_loop3A_2084 = arith.addf %parallel_loop3A_2077, %parallel_loop3A_2083 : vector<16xf32>
        %parallel_loop3A_2085 = arith.mulf %parallel_loop3A_2083, %parallel_loop3A_2083 : vector<16xf32>
        %parallel_loop3A_2086 = arith.addf %parallel_loop3A_2078, %parallel_loop3A_2085 : vector<16xf32>
        %parallel_loop3A_2087 = arith.constant 2 : i32
        %parallel_loop3A_2088 = arith.addi %parallel_loop3A_2074, %parallel_loop3A_2087 : i32
        %parallel_loop3A_2089 = arith.index_cast %parallel_loop3A_2088 : i32 to index
        %parallel_loop3A_2090 = arith.constant 0 : index
        %parallel_loop3A_2091 = tpu.vector_load %arg7[%parallel_loop3A_2089, %parallel_loop3A_2090] {strides = array<i32>} : memref<1664x16xf32, #tpu.memory_space<vmem>>, vector<16xf32>,
        %parallel_loop3A_2092 = arith.addf %parallel_loop3A_2084, %parallel_loop3A_2091 : vector<16xf32>
        %parallel_loop3A_2093 = arith.mulf %parallel_loop3A_2091, %parallel_loop3A_2091 : vector<16xf32>
        %parallel_loop3A_2094 = arith.addf %parallel_loop3A_2086, %parallel_loop3A_2093 : vector<16xf32>
        %parallel_loop3A_2095 = arith.constant 3 : i32
        %parallel_loop3A_2096 = arith.addi %parallel_loop3A_2074, %parallel_loop3A_2095 : i32
        %parallel_loop3A_2097 = arith.index_cast %parallel_loop3A_2096 : i32 to index
        %parallel_loop3A_2098 = arith.constant 0 : index
        %parallel_loop3A_2099 = tpu.vector_load %arg7[%parallel_loop3A_2097, %parallel_loop3A_2098] {strides = array<i32>} : memref<1664x16xf32, #tpu.memory_space<vmem>>, vector<16xf32>,
        %parallel_loop3A_2100 = arith.addf %parallel_loop3A_2092, %parallel_loop3A_2099 : vector<16xf32>
        %parallel_loop3A_2101 = arith.mulf %parallel_loop3A_2099, %parallel_loop3A_2099 : vector<16xf32>
        %parallel_loop3A_2102 = arith.addf %parallel_loop3A_2094, %parallel_loop3A_2101 : vector<16xf32>
        %parallel_loop3A_2103 = arith.constant 4 : i32
        %parallel_loop3A_2104 = arith.addi %parallel_loop3A_2074, %parallel_loop3A_2103 : i32
        %parallel_loop3A_2105 = arith.index_cast %parallel_loop3A_2104 : i32 to index
        %parallel_loop3A_2106 = arith.constant 0 : index
        %parallel_loop3A_2107 = tpu.vector_load %arg7[%parallel_loop3A_2105, %parallel_loop3A_2106] {strides = array<i32>} : memref<1664x16xf32, #tpu.memory_space<vmem>>, vector<16xf32>,
        %parallel_loop3A_2108 = arith.addf %parallel_loop3A_2100, %parallel_loop3A_2107 : vector<16xf32>
        %parallel_loop3A_2109 = arith.mulf %parallel_loop3A_2107, %parallel_loop3A_2107 : vector<16xf32>
        %parallel_loop3A_2110 = arith.addf %parallel_loop3A_2102, %parallel_loop3A_2109 : vector<16xf32>
        %parallel_loop3A_2111 = arith.constant 5 : i32
        %parallel_loop3A_2112 = arith.addi %parallel_loop3A_2074, %parallel_loop3A_2111 : i32
        %parallel_loop3A_2113 = arith.index_cast %parallel_loop3A_2112 : i32 to index
        %parallel_loop3A_2114 = arith.constant 0 : index
        %parallel_loop3A_2115 = tpu.vector_load %arg7[%parallel_loop3A_2113, %parallel_loop3A_2114] {strides = array<i32>} : memref<1664x16xf32, #tpu.memory_space<vmem>>, vector<16xf32>,
        %parallel_loop3A_2116 = arith.addf %parallel_loop3A_2108, %parallel_loop3A_2115 : vector<16xf32>
        %parallel_loop3A_2117 = arith.mulf %parallel_loop3A_2115, %parallel_loop3A_2115 : vector<16xf32>
        %parallel_loop3A_2118 = arith.addf %parallel_loop3A_2110, %parallel_loop3A_2117 : vector<16xf32>
        %parallel_loop3A_2119 = arith.constant 6 : i32
        %parallel_loop3A_2120 = arith.addi %parallel_loop3A_2074, %parallel_loop3A_2119 : i32
        %parallel_loop3A_2121 = arith.index_cast %parallel_loop3A_2120 : i32 to index
        %parallel_loop3A_2122 = arith.constant 0 : index
        %parallel_loop3A_2123 = tpu.vector_load %arg7[%parallel_loop3A_2121, %parallel_loop3A_2122] {strides = array<i32>} : memref<1664x16xf32, #tpu.memory_space<vmem>>, vector<16xf32>,
        %parallel_loop3A_2124 = arith.addf %parallel_loop3A_2116, %parallel_loop3A_2123 : vector<16xf32>
        %parallel_loop3A_2125 = arith.mulf %parallel_loop3A_2123, %parallel_loop3A_2123 : vector<16xf32>
        %parallel_loop3A_2126 = arith.addf %parallel_loop3A_2118, %parallel_loop3A_2125 : vector<16xf32>
        %parallel_loop3A_2127 = arith.constant 7 : i32
        %parallel_loop3A_2128 = arith.addi %parallel_loop3A_2074, %parallel_loop3A_2127 : i32
        %parallel_loop3A_2129 = arith.index_cast %parallel_loop3A_2128 : i32 to index
        %parallel_loop3A_2130 = arith.constant 0 : index
        %parallel_loop3A_2131 = tpu.vector_load %arg7[%parallel_loop3A_2129, %parallel_loop3A_2130] {strides = array<i32>} : memref<1664x16xf32, #tpu.memory_space<vmem>>, vector<16xf32>,
        %parallel_loop3A_2132 = arith.addf %parallel_loop3A_2124, %parallel_loop3A_2131 : vector<16xf32>
        %parallel_loop3A_2133 = arith.mulf %parallel_loop3A_2131, %parallel_loop3A_2131 : vector<16xf32>
        %parallel_loop3A_2134 = arith.addf %parallel_loop3A_2126, %parallel_loop3A_2133 : vector<16xf32>
        %parallel_loop3A_2135 = arith.constant 8 : i32
        %parallel_loop3A_2136 = arith.addi %parallel_loop3A_2074, %parallel_loop3A_2135 : i32
        %parallel_loop3A_2137 = arith.index_cast %parallel_loop3A_2136 : i32 to index
        %parallel_loop3A_2138 = arith.constant 0 : index
        %parallel_loop3A_2139 = tpu.vector_load %arg7[%parallel_loop3A_2137, %parallel_loop3A_2138] {strides = array<i32>} : memref<1664x16xf32, #tpu.memory_space<vmem>>, vector<16xf32>,
        %parallel_loop3A_2140 = arith.addf %parallel_loop3A_2132, %parallel_loop3A_2139 : vector<16xf32>
        %parallel_loop3A_2141 = arith.mulf %parallel_loop3A_2139, %parallel_loop3A_2139 : vector<16xf32>
        %parallel_loop3A_2142 = arith.addf %parallel_loop3A_2134, %parallel_loop3A_2141 : vector<16xf32>
        %parallel_loop3A_2143 = arith.constant 9 : i32
        %parallel_loop3A_2144 = arith.addi %parallel_loop3A_2074, %parallel_loop3A_2143 : i32
        %parallel_loop3A_2145 = arith.index_cast %parallel_loop3A_2144 : i32 to index
        %parallel_loop3A_2146 = arith.constant 0 : index
        %parallel_loop3A_2147 = tpu.vector_load %arg7[%parallel_loop3A_2145, %parallel_loop3A_2146] {strides = array<i32>} : memref<1664x16xf32, #tpu.memory_space<vmem>>, vector<16xf32>,
        %parallel_loop3A_2148 = arith.addf %parallel_loop3A_2140, %parallel_loop3A_2147 : vector<16xf32>
        %parallel_loop3A_2149 = arith.mulf %parallel_loop3A_2147, %parallel_loop3A_2147 : vector<16xf32>
        %parallel_loop3A_2150 = arith.addf %parallel_loop3A_2142, %parallel_loop3A_2149 : vector<16xf32>
        %parallel_loop3A_2151 = arith.constant 10 : i32
        %parallel_loop3A_2152 = arith.addi %parallel_loop3A_2074, %parallel_loop3A_2151 : i32
        %parallel_loop3A_2153 = arith.index_cast %parallel_loop3A_2152 : i32 to index
        %parallel_loop3A_2154 = arith.constant 0 : index
        %parallel_loop3A_2155 = tpu.vector_load %arg7[%parallel_loop3A_2153, %parallel_loop3A_2154] {strides = array<i32>} : memref<1664x16xf32, #tpu.memory_space<vmem>>, vector<16xf32>,
        %parallel_loop3A_2156 = arith.addf %parallel_loop3A_2148, %parallel_loop3A_2155 : vector<16xf32>
        %parallel_loop3A_2157 = arith.mulf %parallel_loop3A_2155, %parallel_loop3A_2155 : vector<16xf32>
        %parallel_loop3A_2158 = arith.addf %parallel_loop3A_2150, %parallel_loop3A_2157 : vector<16xf32>
        %parallel_loop3A_2159 = arith.constant 11 : i32
        %parallel_loop3A_2160 = arith.addi %parallel_loop3A_2074, %parallel_loop3A_2159 : i32
        %parallel_loop3A_2161 = arith.index_cast %parallel_loop3A_2160 : i32 to index
        %parallel_loop3A_2162 = arith.constant 0 : index
        %parallel_loop3A_2163 = tpu.vector_load %arg7[%parallel_loop3A_2161, %parallel_loop3A_2162] {strides = array<i32>} : memref<1664x16xf32, #tpu.memory_space<vmem>>, vector<16xf32>,
        %parallel_loop3A_2164 = arith.addf %parallel_loop3A_2156, %parallel_loop3A_2163 : vector<16xf32>
        %parallel_loop3A_2165 = arith.mulf %parallel_loop3A_2163, %parallel_loop3A_2163 : vector<16xf32>
        %parallel_loop3A_2166 = arith.addf %parallel_loop3A_2158, %parallel_loop3A_2165 : vector<16xf32>
        %parallel_loop3A_2167 = arith.constant 12 : i32
        %parallel_loop3A_2168 = arith.addi %parallel_loop3A_2074, %parallel_loop3A_2167 : i32
        %parallel_loop3A_2169 = arith.index_cast %parallel_loop3A_2168 : i32 to index
        %parallel_loop3A_2170 = arith.constant 0 : index
        %parallel_loop3A_2171 = tpu.vector_load %arg7[%parallel_loop3A_2169, %parallel_loop3A_2170] {strides = array<i32>} : memref<1664x16xf32, #tpu.memory_space<vmem>>, vector<16xf32>,
        %parallel_loop3A_2172 = arith.addf %parallel_loop3A_2164, %parallel_loop3A_2171 : vector<16xf32>
        %parallel_loop3A_2173 = arith.mulf %parallel_loop3A_2171, %parallel_loop3A_2171 : vector<16xf32>
        %parallel_loop3A_2174 = arith.addf %parallel_loop3A_2166, %parallel_loop3A_2173 : vector<16xf32>
        %parallel_loop3A_2175 = arith.constant 13 : i32
        %parallel_loop3A_2176 = arith.addi %parallel_loop3A_2074, %parallel_loop3A_2175 : i32
        %parallel_loop3A_2177 = arith.index_cast %parallel_loop3A_2176 : i32 to index
        %parallel_loop3A_2178 = arith.constant 0 : index
        %parallel_loop3A_2179 = tpu.vector_load %arg7[%parallel_loop3A_2177, %parallel_loop3A_2178] {strides = array<i32>} : memref<1664x16xf32, #tpu.memory_space<vmem>>, vector<16xf32>,
        %parallel_loop3A_2180 = arith.addf %parallel_loop3A_2172, %parallel_loop3A_2179 : vector<16xf32>
        %parallel_loop3A_2181 = arith.mulf %parallel_loop3A_2179, %parallel_loop3A_2179 : vector<16xf32>
        %parallel_loop3A_2182 = arith.addf %parallel_loop3A_2174, %parallel_loop3A_2181 : vector<16xf32>
        %parallel_loop3A_2183 = arith.constant 14 : i32
        %parallel_loop3A_2184 = arith.addi %parallel_loop3A_2074, %parallel_loop3A_2183 : i32
        %parallel_loop3A_2185 = arith.index_cast %parallel_loop3A_2184 : i32 to index
        %parallel_loop3A_2186 = arith.constant 0 : index
        %parallel_loop3A_2187 = tpu.vector_load %arg7[%parallel_loop3A_2185, %parallel_loop3A_2186] {strides = array<i32>} : memref<1664x16xf32, #tpu.memory_space<vmem>>, vector<16xf32>,
        %parallel_loop3A_2188 = arith.addf %parallel_loop3A_2180, %parallel_loop3A_2187 : vector<16xf32>
        %parallel_loop3A_2189 = arith.mulf %parallel_loop3A_2187, %parallel_loop3A_2187 : vector<16xf32>
        %parallel_loop3A_2190 = arith.addf %parallel_loop3A_2182, %parallel_loop3A_2189 : vector<16xf32>
        %parallel_loop3A_2191 = arith.constant 15 : i32
        %parallel_loop3A_2192 = arith.addi %parallel_loop3A_2074, %parallel_loop3A_2191 : i32
        %parallel_loop3A_2193 = arith.index_cast %parallel_loop3A_2192 : i32 to index
        %parallel_loop3A_2194 = arith.constant 0 : index
        %parallel_loop3A_2195 = tpu.vector_load %arg7[%parallel_loop3A_2193, %parallel_loop3A_2194] {strides = array<i32>} : memref<1664x16xf32, #tpu.memory_space<vmem>>, vector<16xf32>,
        %parallel_loop3A_2196 = arith.addf %parallel_loop3A_2188, %parallel_loop3A_2195 : vector<16xf32>
        %parallel_loop3A_2197 = arith.mulf %parallel_loop3A_2195, %parallel_loop3A_2195 : vector<16xf32>
        %parallel_loop3A_2198 = arith.addf %parallel_loop3A_2190, %parallel_loop3A_2197 : vector<16xf32>
        %parallel_loop3A_2199 = arith.constant 16 : i32
        %parallel_loop3A_2200 = arith.addi %parallel_loop3A_2074, %parallel_loop3A_2199 : i32
        %parallel_loop3A_2201 = arith.index_cast %parallel_loop3A_2200 : i32 to index
        %parallel_loop3A_2202 = arith.constant 0 : index
        %parallel_loop3A_2203 = tpu.vector_load %arg7[%parallel_loop3A_2201, %parallel_loop3A_2202] {strides = array<i32>} : memref<1664x16xf32, #tpu.memory_space<vmem>>, vector<16xf32>,
        %parallel_loop3A_2204 = arith.addf %parallel_loop3A_2196, %parallel_loop3A_2203 : vector<16xf32>
        %parallel_loop3A_2205 = arith.mulf %parallel_loop3A_2203, %parallel_loop3A_2203 : vector<16xf32>
        %parallel_loop3A_2206 = arith.addf %parallel_loop3A_2198, %parallel_loop3A_2205 : vector<16xf32>
        %parallel_loop3A_2207 = arith.constant 17 : i32
        %parallel_loop3A_2208 = arith.addi %parallel_loop3A_2074, %parallel_loop3A_2207 : i32
        %parallel_loop3A_2209 = arith.index_cast %parallel_loop3A_2208 : i32 to index
        %parallel_loop3A_2210 = arith.constant 0 : index
        %parallel_loop3A_2211 = tpu.vector_load %arg7[%parallel_loop3A_2209, %parallel_loop3A_2210] {strides = array<i32>} : memref<1664x16xf32, #tpu.memory_space<vmem>>, vector<16xf32>,
        %parallel_loop3A_2212 = arith.addf %parallel_loop3A_2204, %parallel_loop3A_2211 : vector<16xf32>
        %parallel_loop3A_2213 = arith.mulf %parallel_loop3A_2211, %parallel_loop3A_2211 : vector<16xf32>
        %parallel_loop3A_2214 = arith.addf %parallel_loop3A_2206, %parallel_loop3A_2213 : vector<16xf32>
        %parallel_loop3A_2215 = arith.constant 18 : i32
        %parallel_loop3A_2216 = arith.addi %parallel_loop3A_2074, %parallel_loop3A_2215 : i32
        %parallel_loop3A_2217 = arith.index_cast %parallel_loop3A_2216 : i32 to index
        %parallel_loop3A_2218 = arith.constant 0 : index
        %parallel_loop3A_2219 = tpu.vector_load %arg7[%parallel_loop3A_2217, %parallel_loop3A_2218] {strides = array<i32>} : memref<1664x16xf32, #tpu.memory_space<vmem>>, vector<16xf32>,
        %parallel_loop3A_2220 = arith.addf %parallel_loop3A_2212, %parallel_loop3A_2219 : vector<16xf32>
        %parallel_loop3A_2221 = arith.mulf %parallel_loop3A_2219, %parallel_loop3A_2219 : vector<16xf32>
        %parallel_loop3A_2222 = arith.addf %parallel_loop3A_2214, %parallel_loop3A_2221 : vector<16xf32>
        %parallel_loop3A_2223 = arith.constant 19 : i32
        %parallel_loop3A_2224 = arith.addi %parallel_loop3A_2074, %parallel_loop3A_2223 : i32
        %parallel_loop3A_2225 = arith.index_cast %parallel_loop3A_2224 : i32 to index
        %parallel_loop3A_2226 = arith.constant 0 : index
        %parallel_loop3A_2227 = tpu.vector_load %arg7[%parallel_loop3A_2225, %parallel_loop3A_2226] {strides = array<i32>} : memref<1664x16xf32, #tpu.memory_space<vmem>>, vector<16xf32>,
        %parallel_loop3A_2228 = arith.addf %parallel_loop3A_2220, %parallel_loop3A_2227 : vector<16xf32>
        %parallel_loop3A_2229 = arith.mulf %parallel_loop3A_2227, %parallel_loop3A_2227 : vector<16xf32>
        %parallel_loop3A_2230 = arith.addf %parallel_loop3A_2222, %parallel_loop3A_2229 : vector<16xf32>
        %parallel_loop3A_2231 = arith.constant 20 : i32
        %parallel_loop3A_2232 = arith.addi %parallel_loop3A_2074, %parallel_loop3A_2231 : i32
        %parallel_loop3A_2233 = arith.index_cast %parallel_loop3A_2232 : i32 to index
        %parallel_loop3A_2234 = arith.constant 0 : index
        %parallel_loop3A_2235 = tpu.vector_load %arg7[%parallel_loop3A_2233, %parallel_loop3A_2234] {strides = array<i32>} : memref<1664x16xf32, #tpu.memory_space<vmem>>, vector<16xf32>,
        %parallel_loop3A_2236 = arith.addf %parallel_loop3A_2228, %parallel_loop3A_2235 : vector<16xf32>
        %parallel_loop3A_2237 = arith.mulf %parallel_loop3A_2235, %parallel_loop3A_2235 : vector<16xf32>
        %parallel_loop3A_2238 = arith.addf %parallel_loop3A_2230, %parallel_loop3A_2237 : vector<16xf32>
        %parallel_loop3A_2239 = arith.constant 21 : i32
        %parallel_loop3A_2240 = arith.addi %parallel_loop3A_2074, %parallel_loop3A_2239 : i32
        %parallel_loop3A_2241 = arith.index_cast %parallel_loop3A_2240 : i32 to index
        %parallel_loop3A_2242 = arith.constant 0 : index
        %parallel_loop3A_2243 = tpu.vector_load %arg7[%parallel_loop3A_2241, %parallel_loop3A_2242] {strides = array<i32>} : memref<1664x16xf32, #tpu.memory_space<vmem>>, vector<16xf32>,
        %parallel_loop3A_2244 = arith.addf %parallel_loop3A_2236, %parallel_loop3A_2243 : vector<16xf32>
        %parallel_loop3A_2245 = arith.mulf %parallel_loop3A_2243, %parallel_loop3A_2243 : vector<16xf32>
        %parallel_loop3A_2246 = arith.addf %parallel_loop3A_2238, %parallel_loop3A_2245 : vector<16xf32>
        %parallel_loop3A_2247 = arith.constant 22 : i32
        %parallel_loop3A_2248 = arith.addi %parallel_loop3A_2074, %parallel_loop3A_2247 : i32
        %parallel_loop3A_2249 = arith.index_cast %parallel_loop3A_2248 : i32 to index
        %parallel_loop3A_2250 = arith.constant 0 : index
        %parallel_loop3A_2251 = tpu.vector_load %arg7[%parallel_loop3A_2249, %parallel_loop3A_2250] {strides = array<i32>} : memref<1664x16xf32, #tpu.memory_space<vmem>>, vector<16xf32>,
        %parallel_loop3A_2252 = arith.addf %parallel_loop3A_2244, %parallel_loop3A_2251 : vector<16xf32>
        %parallel_loop3A_2253 = arith.mulf %parallel_loop3A_2251, %parallel_loop3A_2251 : vector<16xf32>
        %parallel_loop3A_2254 = arith.addf %parallel_loop3A_2246, %parallel_loop3A_2253 : vector<16xf32>
        %parallel_loop3A_2255 = arith.constant 23 : i32
        %parallel_loop3A_2256 = arith.addi %parallel_loop3A_2074, %parallel_loop3A_2255 : i32
        %parallel_loop3A_2257 = arith.index_cast %parallel_loop3A_2256 : i32 to index
        %parallel_loop3A_2258 = arith.constant 0 : index
        %parallel_loop3A_2259 = tpu.vector_load %arg7[%parallel_loop3A_2257, %parallel_loop3A_2258] {strides = array<i32>} : memref<1664x16xf32, #tpu.memory_space<vmem>>, vector<16xf32>,
        %parallel_loop3A_2260 = arith.addf %parallel_loop3A_2252, %parallel_loop3A_2259 : vector<16xf32>
        %parallel_loop3A_2261 = arith.mulf %parallel_loop3A_2259, %parallel_loop3A_2259 : vector<16xf32>
        %parallel_loop3A_2262 = arith.addf %parallel_loop3A_2254, %parallel_loop3A_2261 : vector<16xf32>
        %parallel_loop3A_2263 = arith.constant 24 : i32
        %parallel_loop3A_2264 = arith.addi %parallel_loop3A_2074, %parallel_loop3A_2263 : i32
        %parallel_loop3A_2265 = arith.index_cast %parallel_loop3A_2264 : i32 to index
        %parallel_loop3A_2266 = arith.constant 0 : index
        %parallel_loop3A_2267 = tpu.vector_load %arg7[%parallel_loop3A_2265, %parallel_loop3A_2266] {strides = array<i32>} : memref<1664x16xf32, #tpu.memory_space<vmem>>, vector<16xf32>,
        %parallel_loop3A_2268 = arith.addf %parallel_loop3A_2260, %parallel_loop3A_2267 : vector<16xf32>
        %parallel_loop3A_2269 = arith.mulf %parallel_loop3A_2267, %parallel_loop3A_2267 : vector<16xf32>
        %parallel_loop3A_2270 = arith.addf %parallel_loop3A_2262, %parallel_loop3A_2269 : vector<16xf32>
        %parallel_loop3A_2271 = arith.constant 25 : i32
        %parallel_loop3A_2272 = arith.addi %parallel_loop3A_2074, %parallel_loop3A_2271 : i32
        %parallel_loop3A_2273 = arith.index_cast %parallel_loop3A_2272 : i32 to index
        %parallel_loop3A_2274 = arith.constant 0 : index
        %parallel_loop3A_2275 = tpu.vector_load %arg7[%parallel_loop3A_2273, %parallel_loop3A_2274] {strides = array<i32>} : memref<1664x16xf32, #tpu.memory_space<vmem>>, vector<16xf32>,
        %parallel_loop3A_2276 = arith.addf %parallel_loop3A_2268, %parallel_loop3A_2275 : vector<16xf32>
        %parallel_loop3A_2277 = arith.mulf %parallel_loop3A_2275, %parallel_loop3A_2275 : vector<16xf32>
        %parallel_loop3A_2278 = arith.addf %parallel_loop3A_2270, %parallel_loop3A_2277 : vector<16xf32>
        %parallel_loop3A_2279 = arith.index_cast %parallel_loop3A_2074 : i32 to index
        %parallel_loop3A_2280 = tpu.vector_load %arg8[%parallel_loop3A_2279] {strides = array<i32>} : memref<1680xf32, #tpu.memory_space<vmem>>, vector<16xf32>,
        %parallel_loop3A_2281 = arith.constant 16 : i32
        %parallel_loop3A_2282 = arith.addi %parallel_loop3A_2074, %parallel_loop3A_2281 : i32
        %parallel_loop3A_2283 = arith.index_cast %parallel_loop3A_2282 : i32 to index
        %parallel_loop3A_2284 = tpu.vector_load %arg8[%parallel_loop3A_2283] {strides = array<i32>} : memref<1680xf32, #tpu.memory_space<vmem>>, vector<16xf32>,
        %parallel_loop3A_2285 = arith.mulf %parallel_loop3A_2276, %parallel_loop3A_2276 : vector<16xf32>
        %parallel_loop3A_2286 = arith.subf %parallel_loop3A_2285, %parallel_loop3A_2278 : vector<16xf32>
        %parallel_loop3A_2287 = arith.constant 5.000000e-01 : f32
        %parallel_loop3A_2288 = vector.broadcast %parallel_loop3A_2287 : f32 to vector<16xf32>
        %parallel_loop3A_2289 = arith.mulf %parallel_loop3A_2288, %parallel_loop3A_2286 : vector<16xf32>
        %parallel_loop3A_2290 = arith.addf %parallel_loop3A_2289, %parallel_loop3A_2280 : vector<16xf32>
        %parallel_loop3A_2291 = arith.constant 0.000000e+00 : f32
        %parallel_loop3A_2292 = vector.broadcast %parallel_loop3A_2291 : f32 to vector<16xf32>
        %parallel_loop3A_2293 = arith.select %lt3A_4, %parallel_loop3A_2284, %parallel_loop3A_2292 : vector<16xi1>, vector<16xf32>
        %parallel_loop3A_2294 = arith.addf %parallel_loop3A_2290, %parallel_loop3A_2293 : vector<16xf32>
        %parallel_loop3A_2295 = vector.shape_cast %reshape3A : vector<16x1xi32> to vector<16xi32>
        %parallel_loop3A_2296 = tpu.dynamic_gather %parallel_loop3A_2294[%parallel_loop3A_2295] in [0] : vector<16xf32>, vector<16xi32> -> vector<16xf32>
        %parallel_loop3A_2297 = arith.addf %parallel_loop3A_2294, %parallel_loop3A_2296 : vector<16xf32>
        %parallel_loop3A_2298 = vector.shape_cast %reshape3A_10 : vector<16x1xi32> to vector<16xi32>
        %parallel_loop3A_2299 = tpu.dynamic_gather %parallel_loop3A_2297[%parallel_loop3A_2298] in [0] : vector<16xf32>, vector<16xi32> -> vector<16xf32>
        %parallel_loop3A_2300 = arith.addf %parallel_loop3A_2297, %parallel_loop3A_2299 : vector<16xf32>
        %parallel_loop3A_2301 = vector.shape_cast %reshape3A_14 : vector<16x1xi32> to vector<16xi32>
        %parallel_loop3A_2302 = tpu.dynamic_gather %parallel_loop3A_2300[%parallel_loop3A_2301] in [0] : vector<16xf32>, vector<16xi32> -> vector<16xf32>
        %parallel_loop3A_2303 = arith.addf %parallel_loop3A_2300, %parallel_loop3A_2302 : vector<16xf32>
        %parallel_loop3A_2304 = vector.shape_cast %reshape3A_18 : vector<16x1xi32> to vector<16xi32>
        %parallel_loop3A_2305 = tpu.dynamic_gather %parallel_loop3A_2303[%parallel_loop3A_2304] in [0] : vector<16xf32>, vector<16xi32> -> vector<16xf32>
        %parallel_loop3A_2306 = arith.addf %parallel_loop3A_2303, %parallel_loop3A_2305 : vector<16xf32>
        %parallel_loop3A_2307 = arith.constant 0 : i32
        %parallel_loop3A_2308 = vector.broadcast %parallel_loop3A_2307 : i32 to vector<16xi32>
        %parallel_loop3A_2309 = arith.muli %iota3A, %parallel_loop3A_2308 : vector<16xi32>
        %parallel_loop3A_2310 = arith.constant 64 : i32
        %parallel_loop3A_2311 = arith.muli %scan3A_24, %parallel_loop3A_2310 : i32
        %parallel_loop3A_2312 = arith.constant 16 : i32
        %parallel_loop3A_2313 = arith.muli %parallel_loop3A_44, %parallel_loop3A_2312 : i32
        %parallel_loop3A_2314 = arith.addi %parallel_loop3A_2311, %parallel_loop3A_2313 : i32
        %parallel_loop3A_2315 = arith.constant 8 : i32
        %parallel_loop3A_2316 = arith.addi %parallel_loop3A_2314, %parallel_loop3A_2315 : i32
        %parallel_loop3A_2317 = vector.broadcast %parallel_loop3A_2316 : i32 to vector<16xi32>
        %parallel_loop3A_2318 = arith.addi %parallel_loop3A_2309, %parallel_loop3A_2317 : vector<16xi32>
        %parallel_loop3A_2319 = arith.constant 8 : i32
        %parallel_loop3A_2320 = vector.broadcast %parallel_loop3A_2319 : i32 to vector<16xi32>
        %parallel_loop3A_2321 = arith.cmpi eq, %iota3A, %parallel_loop3A_2320 : vector<16xi32>
        tpu.vector_store_idx %arg9[%parallel_loop3A_2318], %parallel_loop3A_2306 masked %parallel_loop3A_2321 : memref<512xf32, #tpu.memory_space<vmem>>[vector<16xi32>], vector<16xf32>, vector<16xi1>
        %parallel_loop3A_2322 = arith.constant 16 : i32
        %parallel_loop3A_2323 = arith.muli %parallel_loop3A_44, %parallel_loop3A_2322 : i32
        %parallel_loop3A_2324 = arith.constant 9 : i32
        %parallel_loop3A_2325 = arith.addi %parallel_loop3A_2323, %parallel_loop3A_2324 : i32
        %parallel_loop3A_2326 = arith.constant 26 : i32
        %parallel_loop3A_2327 = arith.muli %parallel_loop3A_2325, %parallel_loop3A_2326 : i32
        %parallel_loop3A_2328 = arith.index_cast %parallel_loop3A_2327 : i32 to index
        %parallel_loop3A_2329 = arith.constant 0 : index
        %parallel_loop3A_2330 = tpu.vector_load %arg7[%parallel_loop3A_2328, %parallel_loop3A_2329] {strides = array<i32>} : memref<1664x16xf32, #tpu.memory_space<vmem>>, vector<16xf32>,
        %parallel_loop3A_2331 = arith.mulf %parallel_loop3A_2330, %parallel_loop3A_2330 : vector<16xf32>
        %parallel_loop3A_2332 = arith.constant 1 : i32
        %parallel_loop3A_2333 = arith.addi %parallel_loop3A_2327, %parallel_loop3A_2332 : i32
        %parallel_loop3A_2334 = arith.index_cast %parallel_loop3A_2333 : i32 to index
        %parallel_loop3A_2335 = arith.constant 0 : index
        %parallel_loop3A_2336 = tpu.vector_load %arg7[%parallel_loop3A_2334, %parallel_loop3A_2335] {strides = array<i32>} : memref<1664x16xf32, #tpu.memory_space<vmem>>, vector<16xf32>,
        %parallel_loop3A_2337 = arith.addf %parallel_loop3A_2330, %parallel_loop3A_2336 : vector<16xf32>
        %parallel_loop3A_2338 = arith.mulf %parallel_loop3A_2336, %parallel_loop3A_2336 : vector<16xf32>
        %parallel_loop3A_2339 = arith.addf %parallel_loop3A_2331, %parallel_loop3A_2338 : vector<16xf32>
        %parallel_loop3A_2340 = arith.constant 2 : i32
        %parallel_loop3A_2341 = arith.addi %parallel_loop3A_2327, %parallel_loop3A_2340 : i32
        %parallel_loop3A_2342 = arith.index_cast %parallel_loop3A_2341 : i32 to index
        %parallel_loop3A_2343 = arith.constant 0 : index
        %parallel_loop3A_2344 = tpu.vector_load %arg7[%parallel_loop3A_2342, %parallel_loop3A_2343] {strides = array<i32>} : memref<1664x16xf32, #tpu.memory_space<vmem>>, vector<16xf32>,
        %parallel_loop3A_2345 = arith.addf %parallel_loop3A_2337, %parallel_loop3A_2344 : vector<16xf32>
        %parallel_loop3A_2346 = arith.mulf %parallel_loop3A_2344, %parallel_loop3A_2344 : vector<16xf32>
        %parallel_loop3A_2347 = arith.addf %parallel_loop3A_2339, %parallel_loop3A_2346 : vector<16xf32>
        %parallel_loop3A_2348 = arith.constant 3 : i32
        %parallel_loop3A_2349 = arith.addi %parallel_loop3A_2327, %parallel_loop3A_2348 : i32
        %parallel_loop3A_2350 = arith.index_cast %parallel_loop3A_2349 : i32 to index
        %parallel_loop3A_2351 = arith.constant 0 : index
        %parallel_loop3A_2352 = tpu.vector_load %arg7[%parallel_loop3A_2350, %parallel_loop3A_2351] {strides = array<i32>} : memref<1664x16xf32, #tpu.memory_space<vmem>>, vector<16xf32>,
        %parallel_loop3A_2353 = arith.addf %parallel_loop3A_2345, %parallel_loop3A_2352 : vector<16xf32>
        %parallel_loop3A_2354 = arith.mulf %parallel_loop3A_2352, %parallel_loop3A_2352 : vector<16xf32>
        %parallel_loop3A_2355 = arith.addf %parallel_loop3A_2347, %parallel_loop3A_2354 : vector<16xf32>
        %parallel_loop3A_2356 = arith.constant 4 : i32
        %parallel_loop3A_2357 = arith.addi %parallel_loop3A_2327, %parallel_loop3A_2356 : i32
        %parallel_loop3A_2358 = arith.index_cast %parallel_loop3A_2357 : i32 to index
        %parallel_loop3A_2359 = arith.constant 0 : index
        %parallel_loop3A_2360 = tpu.vector_load %arg7[%parallel_loop3A_2358, %parallel_loop3A_2359] {strides = array<i32>} : memref<1664x16xf32, #tpu.memory_space<vmem>>, vector<16xf32>,
        %parallel_loop3A_2361 = arith.addf %parallel_loop3A_2353, %parallel_loop3A_2360 : vector<16xf32>
        %parallel_loop3A_2362 = arith.mulf %parallel_loop3A_2360, %parallel_loop3A_2360 : vector<16xf32>
        %parallel_loop3A_2363 = arith.addf %parallel_loop3A_2355, %parallel_loop3A_2362 : vector<16xf32>
        %parallel_loop3A_2364 = arith.constant 5 : i32
        %parallel_loop3A_2365 = arith.addi %parallel_loop3A_2327, %parallel_loop3A_2364 : i32
        %parallel_loop3A_2366 = arith.index_cast %parallel_loop3A_2365 : i32 to index
        %parallel_loop3A_2367 = arith.constant 0 : index
        %parallel_loop3A_2368 = tpu.vector_load %arg7[%parallel_loop3A_2366, %parallel_loop3A_2367] {strides = array<i32>} : memref<1664x16xf32, #tpu.memory_space<vmem>>, vector<16xf32>,
        %parallel_loop3A_2369 = arith.addf %parallel_loop3A_2361, %parallel_loop3A_2368 : vector<16xf32>
        %parallel_loop3A_2370 = arith.mulf %parallel_loop3A_2368, %parallel_loop3A_2368 : vector<16xf32>
        %parallel_loop3A_2371 = arith.addf %parallel_loop3A_2363, %parallel_loop3A_2370 : vector<16xf32>
        %parallel_loop3A_2372 = arith.constant 6 : i32
        %parallel_loop3A_2373 = arith.addi %parallel_loop3A_2327, %parallel_loop3A_2372 : i32
        %parallel_loop3A_2374 = arith.index_cast %parallel_loop3A_2373 : i32 to index
        %parallel_loop3A_2375 = arith.constant 0 : index
        %parallel_loop3A_2376 = tpu.vector_load %arg7[%parallel_loop3A_2374, %parallel_loop3A_2375] {strides = array<i32>} : memref<1664x16xf32, #tpu.memory_space<vmem>>, vector<16xf32>,
        %parallel_loop3A_2377 = arith.addf %parallel_loop3A_2369, %parallel_loop3A_2376 : vector<16xf32>
        %parallel_loop3A_2378 = arith.mulf %parallel_loop3A_2376, %parallel_loop3A_2376 : vector<16xf32>
        %parallel_loop3A_2379 = arith.addf %parallel_loop3A_2371, %parallel_loop3A_2378 : vector<16xf32>
        %parallel_loop3A_2380 = arith.constant 7 : i32
        %parallel_loop3A_2381 = arith.addi %parallel_loop3A_2327, %parallel_loop3A_2380 : i32
        %parallel_loop3A_2382 = arith.index_cast %parallel_loop3A_2381 : i32 to index
        %parallel_loop3A_2383 = arith.constant 0 : index
        %parallel_loop3A_2384 = tpu.vector_load %arg7[%parallel_loop3A_2382, %parallel_loop3A_2383] {strides = array<i32>} : memref<1664x16xf32, #tpu.memory_space<vmem>>, vector<16xf32>,
        %parallel_loop3A_2385 = arith.addf %parallel_loop3A_2377, %parallel_loop3A_2384 : vector<16xf32>
        %parallel_loop3A_2386 = arith.mulf %parallel_loop3A_2384, %parallel_loop3A_2384 : vector<16xf32>
        %parallel_loop3A_2387 = arith.addf %parallel_loop3A_2379, %parallel_loop3A_2386 : vector<16xf32>
        %parallel_loop3A_2388 = arith.constant 8 : i32
        %parallel_loop3A_2389 = arith.addi %parallel_loop3A_2327, %parallel_loop3A_2388 : i32
        %parallel_loop3A_2390 = arith.index_cast %parallel_loop3A_2389 : i32 to index
        %parallel_loop3A_2391 = arith.constant 0 : index
        %parallel_loop3A_2392 = tpu.vector_load %arg7[%parallel_loop3A_2390, %parallel_loop3A_2391] {strides = array<i32>} : memref<1664x16xf32, #tpu.memory_space<vmem>>, vector<16xf32>,
        %parallel_loop3A_2393 = arith.addf %parallel_loop3A_2385, %parallel_loop3A_2392 : vector<16xf32>
        %parallel_loop3A_2394 = arith.mulf %parallel_loop3A_2392, %parallel_loop3A_2392 : vector<16xf32>
        %parallel_loop3A_2395 = arith.addf %parallel_loop3A_2387, %parallel_loop3A_2394 : vector<16xf32>
        %parallel_loop3A_2396 = arith.constant 9 : i32
        %parallel_loop3A_2397 = arith.addi %parallel_loop3A_2327, %parallel_loop3A_2396 : i32
        %parallel_loop3A_2398 = arith.index_cast %parallel_loop3A_2397 : i32 to index
        %parallel_loop3A_2399 = arith.constant 0 : index
        %parallel_loop3A_2400 = tpu.vector_load %arg7[%parallel_loop3A_2398, %parallel_loop3A_2399] {strides = array<i32>} : memref<1664x16xf32, #tpu.memory_space<vmem>>, vector<16xf32>,
        %parallel_loop3A_2401 = arith.addf %parallel_loop3A_2393, %parallel_loop3A_2400 : vector<16xf32>
        %parallel_loop3A_2402 = arith.mulf %parallel_loop3A_2400, %parallel_loop3A_2400 : vector<16xf32>
        %parallel_loop3A_2403 = arith.addf %parallel_loop3A_2395, %parallel_loop3A_2402 : vector<16xf32>
        %parallel_loop3A_2404 = arith.constant 10 : i32
        %parallel_loop3A_2405 = arith.addi %parallel_loop3A_2327, %parallel_loop3A_2404 : i32
        %parallel_loop3A_2406 = arith.index_cast %parallel_loop3A_2405 : i32 to index
        %parallel_loop3A_2407 = arith.constant 0 : index
        %parallel_loop3A_2408 = tpu.vector_load %arg7[%parallel_loop3A_2406, %parallel_loop3A_2407] {strides = array<i32>} : memref<1664x16xf32, #tpu.memory_space<vmem>>, vector<16xf32>,
        %parallel_loop3A_2409 = arith.addf %parallel_loop3A_2401, %parallel_loop3A_2408 : vector<16xf32>
        %parallel_loop3A_2410 = arith.mulf %parallel_loop3A_2408, %parallel_loop3A_2408 : vector<16xf32>
        %parallel_loop3A_2411 = arith.addf %parallel_loop3A_2403, %parallel_loop3A_2410 : vector<16xf32>
        %parallel_loop3A_2412 = arith.constant 11 : i32
        %parallel_loop3A_2413 = arith.addi %parallel_loop3A_2327, %parallel_loop3A_2412 : i32
        %parallel_loop3A_2414 = arith.index_cast %parallel_loop3A_2413 : i32 to index
        %parallel_loop3A_2415 = arith.constant 0 : index
        %parallel_loop3A_2416 = tpu.vector_load %arg7[%parallel_loop3A_2414, %parallel_loop3A_2415] {strides = array<i32>} : memref<1664x16xf32, #tpu.memory_space<vmem>>, vector<16xf32>,
        %parallel_loop3A_2417 = arith.addf %parallel_loop3A_2409, %parallel_loop3A_2416 : vector<16xf32>
        %parallel_loop3A_2418 = arith.mulf %parallel_loop3A_2416, %parallel_loop3A_2416 : vector<16xf32>
        %parallel_loop3A_2419 = arith.addf %parallel_loop3A_2411, %parallel_loop3A_2418 : vector<16xf32>
        %parallel_loop3A_2420 = arith.constant 12 : i32
        %parallel_loop3A_2421 = arith.addi %parallel_loop3A_2327, %parallel_loop3A_2420 : i32
        %parallel_loop3A_2422 = arith.index_cast %parallel_loop3A_2421 : i32 to index
        %parallel_loop3A_2423 = arith.constant 0 : index
        %parallel_loop3A_2424 = tpu.vector_load %arg7[%parallel_loop3A_2422, %parallel_loop3A_2423] {strides = array<i32>} : memref<1664x16xf32, #tpu.memory_space<vmem>>, vector<16xf32>,
        %parallel_loop3A_2425 = arith.addf %parallel_loop3A_2417, %parallel_loop3A_2424 : vector<16xf32>
        %parallel_loop3A_2426 = arith.mulf %parallel_loop3A_2424, %parallel_loop3A_2424 : vector<16xf32>
        %parallel_loop3A_2427 = arith.addf %parallel_loop3A_2419, %parallel_loop3A_2426 : vector<16xf32>
        %parallel_loop3A_2428 = arith.constant 13 : i32
        %parallel_loop3A_2429 = arith.addi %parallel_loop3A_2327, %parallel_loop3A_2428 : i32
        %parallel_loop3A_2430 = arith.index_cast %parallel_loop3A_2429 : i32 to index
        %parallel_loop3A_2431 = arith.constant 0 : index
        %parallel_loop3A_2432 = tpu.vector_load %arg7[%parallel_loop3A_2430, %parallel_loop3A_2431] {strides = array<i32>} : memref<1664x16xf32, #tpu.memory_space<vmem>>, vector<16xf32>,
        %parallel_loop3A_2433 = arith.addf %parallel_loop3A_2425, %parallel_loop3A_2432 : vector<16xf32>
        %parallel_loop3A_2434 = arith.mulf %parallel_loop3A_2432, %parallel_loop3A_2432 : vector<16xf32>
        %parallel_loop3A_2435 = arith.addf %parallel_loop3A_2427, %parallel_loop3A_2434 : vector<16xf32>
        %parallel_loop3A_2436 = arith.constant 14 : i32
        %parallel_loop3A_2437 = arith.addi %parallel_loop3A_2327, %parallel_loop3A_2436 : i32
        %parallel_loop3A_2438 = arith.index_cast %parallel_loop3A_2437 : i32 to index
        %parallel_loop3A_2439 = arith.constant 0 : index
        %parallel_loop3A_2440 = tpu.vector_load %arg7[%parallel_loop3A_2438, %parallel_loop3A_2439] {strides = array<i32>} : memref<1664x16xf32, #tpu.memory_space<vmem>>, vector<16xf32>,
        %parallel_loop3A_2441 = arith.addf %parallel_loop3A_2433, %parallel_loop3A_2440 : vector<16xf32>
        %parallel_loop3A_2442 = arith.mulf %parallel_loop3A_2440, %parallel_loop3A_2440 : vector<16xf32>
        %parallel_loop3A_2443 = arith.addf %parallel_loop3A_2435, %parallel_loop3A_2442 : vector<16xf32>
        %parallel_loop3A_2444 = arith.constant 15 : i32
        %parallel_loop3A_2445 = arith.addi %parallel_loop3A_2327, %parallel_loop3A_2444 : i32
        %parallel_loop3A_2446 = arith.index_cast %parallel_loop3A_2445 : i32 to index
        %parallel_loop3A_2447 = arith.constant 0 : index
        %parallel_loop3A_2448 = tpu.vector_load %arg7[%parallel_loop3A_2446, %parallel_loop3A_2447] {strides = array<i32>} : memref<1664x16xf32, #tpu.memory_space<vmem>>, vector<16xf32>,
        %parallel_loop3A_2449 = arith.addf %parallel_loop3A_2441, %parallel_loop3A_2448 : vector<16xf32>
        %parallel_loop3A_2450 = arith.mulf %parallel_loop3A_2448, %parallel_loop3A_2448 : vector<16xf32>
        %parallel_loop3A_2451 = arith.addf %parallel_loop3A_2443, %parallel_loop3A_2450 : vector<16xf32>
        %parallel_loop3A_2452 = arith.constant 16 : i32
        %parallel_loop3A_2453 = arith.addi %parallel_loop3A_2327, %parallel_loop3A_2452 : i32
        %parallel_loop3A_2454 = arith.index_cast %parallel_loop3A_2453 : i32 to index
        %parallel_loop3A_2455 = arith.constant 0 : index
        %parallel_loop3A_2456 = tpu.vector_load %arg7[%parallel_loop3A_2454, %parallel_loop3A_2455] {strides = array<i32>} : memref<1664x16xf32, #tpu.memory_space<vmem>>, vector<16xf32>,
        %parallel_loop3A_2457 = arith.addf %parallel_loop3A_2449, %parallel_loop3A_2456 : vector<16xf32>
        %parallel_loop3A_2458 = arith.mulf %parallel_loop3A_2456, %parallel_loop3A_2456 : vector<16xf32>
        %parallel_loop3A_2459 = arith.addf %parallel_loop3A_2451, %parallel_loop3A_2458 : vector<16xf32>
        %parallel_loop3A_2460 = arith.constant 17 : i32
        %parallel_loop3A_2461 = arith.addi %parallel_loop3A_2327, %parallel_loop3A_2460 : i32
        %parallel_loop3A_2462 = arith.index_cast %parallel_loop3A_2461 : i32 to index
        %parallel_loop3A_2463 = arith.constant 0 : index
        %parallel_loop3A_2464 = tpu.vector_load %arg7[%parallel_loop3A_2462, %parallel_loop3A_2463] {strides = array<i32>} : memref<1664x16xf32, #tpu.memory_space<vmem>>, vector<16xf32>,
        %parallel_loop3A_2465 = arith.addf %parallel_loop3A_2457, %parallel_loop3A_2464 : vector<16xf32>
        %parallel_loop3A_2466 = arith.mulf %parallel_loop3A_2464, %parallel_loop3A_2464 : vector<16xf32>
        %parallel_loop3A_2467 = arith.addf %parallel_loop3A_2459, %parallel_loop3A_2466 : vector<16xf32>
        %parallel_loop3A_2468 = arith.constant 18 : i32
        %parallel_loop3A_2469 = arith.addi %parallel_loop3A_2327, %parallel_loop3A_2468 : i32
        %parallel_loop3A_2470 = arith.index_cast %parallel_loop3A_2469 : i32 to index
        %parallel_loop3A_2471 = arith.constant 0 : index
        %parallel_loop3A_2472 = tpu.vector_load %arg7[%parallel_loop3A_2470, %parallel_loop3A_2471] {strides = array<i32>} : memref<1664x16xf32, #tpu.memory_space<vmem>>, vector<16xf32>,
        %parallel_loop3A_2473 = arith.addf %parallel_loop3A_2465, %parallel_loop3A_2472 : vector<16xf32>
        %parallel_loop3A_2474 = arith.mulf %parallel_loop3A_2472, %parallel_loop3A_2472 : vector<16xf32>
        %parallel_loop3A_2475 = arith.addf %parallel_loop3A_2467, %parallel_loop3A_2474 : vector<16xf32>
        %parallel_loop3A_2476 = arith.constant 19 : i32
        %parallel_loop3A_2477 = arith.addi %parallel_loop3A_2327, %parallel_loop3A_2476 : i32
        %parallel_loop3A_2478 = arith.index_cast %parallel_loop3A_2477 : i32 to index
        %parallel_loop3A_2479 = arith.constant 0 : index
        %parallel_loop3A_2480 = tpu.vector_load %arg7[%parallel_loop3A_2478, %parallel_loop3A_2479] {strides = array<i32>} : memref<1664x16xf32, #tpu.memory_space<vmem>>, vector<16xf32>,
        %parallel_loop3A_2481 = arith.addf %parallel_loop3A_2473, %parallel_loop3A_2480 : vector<16xf32>
        %parallel_loop3A_2482 = arith.mulf %parallel_loop3A_2480, %parallel_loop3A_2480 : vector<16xf32>
        %parallel_loop3A_2483 = arith.addf %parallel_loop3A_2475, %parallel_loop3A_2482 : vector<16xf32>
        %parallel_loop3A_2484 = arith.constant 20 : i32
        %parallel_loop3A_2485 = arith.addi %parallel_loop3A_2327, %parallel_loop3A_2484 : i32
        %parallel_loop3A_2486 = arith.index_cast %parallel_loop3A_2485 : i32 to index
        %parallel_loop3A_2487 = arith.constant 0 : index
        %parallel_loop3A_2488 = tpu.vector_load %arg7[%parallel_loop3A_2486, %parallel_loop3A_2487] {strides = array<i32>} : memref<1664x16xf32, #tpu.memory_space<vmem>>, vector<16xf32>,
        %parallel_loop3A_2489 = arith.addf %parallel_loop3A_2481, %parallel_loop3A_2488 : vector<16xf32>
        %parallel_loop3A_2490 = arith.mulf %parallel_loop3A_2488, %parallel_loop3A_2488 : vector<16xf32>
        %parallel_loop3A_2491 = arith.addf %parallel_loop3A_2483, %parallel_loop3A_2490 : vector<16xf32>
        %parallel_loop3A_2492 = arith.constant 21 : i32
        %parallel_loop3A_2493 = arith.addi %parallel_loop3A_2327, %parallel_loop3A_2492 : i32
        %parallel_loop3A_2494 = arith.index_cast %parallel_loop3A_2493 : i32 to index
        %parallel_loop3A_2495 = arith.constant 0 : index
        %parallel_loop3A_2496 = tpu.vector_load %arg7[%parallel_loop3A_2494, %parallel_loop3A_2495] {strides = array<i32>} : memref<1664x16xf32, #tpu.memory_space<vmem>>, vector<16xf32>,
        %parallel_loop3A_2497 = arith.addf %parallel_loop3A_2489, %parallel_loop3A_2496 : vector<16xf32>
        %parallel_loop3A_2498 = arith.mulf %parallel_loop3A_2496, %parallel_loop3A_2496 : vector<16xf32>
        %parallel_loop3A_2499 = arith.addf %parallel_loop3A_2491, %parallel_loop3A_2498 : vector<16xf32>
        %parallel_loop3A_2500 = arith.constant 22 : i32
        %parallel_loop3A_2501 = arith.addi %parallel_loop3A_2327, %parallel_loop3A_2500 : i32
        %parallel_loop3A_2502 = arith.index_cast %parallel_loop3A_2501 : i32 to index
        %parallel_loop3A_2503 = arith.constant 0 : index
        %parallel_loop3A_2504 = tpu.vector_load %arg7[%parallel_loop3A_2502, %parallel_loop3A_2503] {strides = array<i32>} : memref<1664x16xf32, #tpu.memory_space<vmem>>, vector<16xf32>,
        %parallel_loop3A_2505 = arith.addf %parallel_loop3A_2497, %parallel_loop3A_2504 : vector<16xf32>
        %parallel_loop3A_2506 = arith.mulf %parallel_loop3A_2504, %parallel_loop3A_2504 : vector<16xf32>
        %parallel_loop3A_2507 = arith.addf %parallel_loop3A_2499, %parallel_loop3A_2506 : vector<16xf32>
        %parallel_loop3A_2508 = arith.constant 23 : i32
        %parallel_loop3A_2509 = arith.addi %parallel_loop3A_2327, %parallel_loop3A_2508 : i32
        %parallel_loop3A_2510 = arith.index_cast %parallel_loop3A_2509 : i32 to index
        %parallel_loop3A_2511 = arith.constant 0 : index
        %parallel_loop3A_2512 = tpu.vector_load %arg7[%parallel_loop3A_2510, %parallel_loop3A_2511] {strides = array<i32>} : memref<1664x16xf32, #tpu.memory_space<vmem>>, vector<16xf32>,
        %parallel_loop3A_2513 = arith.addf %parallel_loop3A_2505, %parallel_loop3A_2512 : vector<16xf32>
        %parallel_loop3A_2514 = arith.mulf %parallel_loop3A_2512, %parallel_loop3A_2512 : vector<16xf32>
        %parallel_loop3A_2515 = arith.addf %parallel_loop3A_2507, %parallel_loop3A_2514 : vector<16xf32>
        %parallel_loop3A_2516 = arith.constant 24 : i32
        %parallel_loop3A_2517 = arith.addi %parallel_loop3A_2327, %parallel_loop3A_2516 : i32
        %parallel_loop3A_2518 = arith.index_cast %parallel_loop3A_2517 : i32 to index
        %parallel_loop3A_2519 = arith.constant 0 : index
        %parallel_loop3A_2520 = tpu.vector_load %arg7[%parallel_loop3A_2518, %parallel_loop3A_2519] {strides = array<i32>} : memref<1664x16xf32, #tpu.memory_space<vmem>>, vector<16xf32>,
        %parallel_loop3A_2521 = arith.addf %parallel_loop3A_2513, %parallel_loop3A_2520 : vector<16xf32>
        %parallel_loop3A_2522 = arith.mulf %parallel_loop3A_2520, %parallel_loop3A_2520 : vector<16xf32>
        %parallel_loop3A_2523 = arith.addf %parallel_loop3A_2515, %parallel_loop3A_2522 : vector<16xf32>
        %parallel_loop3A_2524 = arith.constant 25 : i32
        %parallel_loop3A_2525 = arith.addi %parallel_loop3A_2327, %parallel_loop3A_2524 : i32
        %parallel_loop3A_2526 = arith.index_cast %parallel_loop3A_2525 : i32 to index
        %parallel_loop3A_2527 = arith.constant 0 : index
        %parallel_loop3A_2528 = tpu.vector_load %arg7[%parallel_loop3A_2526, %parallel_loop3A_2527] {strides = array<i32>} : memref<1664x16xf32, #tpu.memory_space<vmem>>, vector<16xf32>,
        %parallel_loop3A_2529 = arith.addf %parallel_loop3A_2521, %parallel_loop3A_2528 : vector<16xf32>
        %parallel_loop3A_2530 = arith.mulf %parallel_loop3A_2528, %parallel_loop3A_2528 : vector<16xf32>
        %parallel_loop3A_2531 = arith.addf %parallel_loop3A_2523, %parallel_loop3A_2530 : vector<16xf32>
        %parallel_loop3A_2532 = arith.index_cast %parallel_loop3A_2327 : i32 to index
        %parallel_loop3A_2533 = tpu.vector_load %arg8[%parallel_loop3A_2532] {strides = array<i32>} : memref<1680xf32, #tpu.memory_space<vmem>>, vector<16xf32>,
        %parallel_loop3A_2534 = arith.constant 16 : i32
        %parallel_loop3A_2535 = arith.addi %parallel_loop3A_2327, %parallel_loop3A_2534 : i32
        %parallel_loop3A_2536 = arith.index_cast %parallel_loop3A_2535 : i32 to index
        %parallel_loop3A_2537 = tpu.vector_load %arg8[%parallel_loop3A_2536] {strides = array<i32>} : memref<1680xf32, #tpu.memory_space<vmem>>, vector<16xf32>,
        %parallel_loop3A_2538 = arith.mulf %parallel_loop3A_2529, %parallel_loop3A_2529 : vector<16xf32>
        %parallel_loop3A_2539 = arith.subf %parallel_loop3A_2538, %parallel_loop3A_2531 : vector<16xf32>
        %parallel_loop3A_2540 = arith.constant 5.000000e-01 : f32
        %parallel_loop3A_2541 = vector.broadcast %parallel_loop3A_2540 : f32 to vector<16xf32>
        %parallel_loop3A_2542 = arith.mulf %parallel_loop3A_2541, %parallel_loop3A_2539 : vector<16xf32>
        %parallel_loop3A_2543 = arith.addf %parallel_loop3A_2542, %parallel_loop3A_2533 : vector<16xf32>
        %parallel_loop3A_2544 = arith.constant 0.000000e+00 : f32
        %parallel_loop3A_2545 = vector.broadcast %parallel_loop3A_2544 : f32 to vector<16xf32>
        %parallel_loop3A_2546 = arith.select %lt3A_4, %parallel_loop3A_2537, %parallel_loop3A_2545 : vector<16xi1>, vector<16xf32>
        %parallel_loop3A_2547 = arith.addf %parallel_loop3A_2543, %parallel_loop3A_2546 : vector<16xf32>
        %parallel_loop3A_2548 = vector.shape_cast %reshape3A : vector<16x1xi32> to vector<16xi32>
        %parallel_loop3A_2549 = tpu.dynamic_gather %parallel_loop3A_2547[%parallel_loop3A_2548] in [0] : vector<16xf32>, vector<16xi32> -> vector<16xf32>
        %parallel_loop3A_2550 = arith.addf %parallel_loop3A_2547, %parallel_loop3A_2549 : vector<16xf32>
        %parallel_loop3A_2551 = vector.shape_cast %reshape3A_10 : vector<16x1xi32> to vector<16xi32>
        %parallel_loop3A_2552 = tpu.dynamic_gather %parallel_loop3A_2550[%parallel_loop3A_2551] in [0] : vector<16xf32>, vector<16xi32> -> vector<16xf32>
        %parallel_loop3A_2553 = arith.addf %parallel_loop3A_2550, %parallel_loop3A_2552 : vector<16xf32>
        %parallel_loop3A_2554 = vector.shape_cast %reshape3A_14 : vector<16x1xi32> to vector<16xi32>
        %parallel_loop3A_2555 = tpu.dynamic_gather %parallel_loop3A_2553[%parallel_loop3A_2554] in [0] : vector<16xf32>, vector<16xi32> -> vector<16xf32>
        %parallel_loop3A_2556 = arith.addf %parallel_loop3A_2553, %parallel_loop3A_2555 : vector<16xf32>
        %parallel_loop3A_2557 = vector.shape_cast %reshape3A_18 : vector<16x1xi32> to vector<16xi32>
        %parallel_loop3A_2558 = tpu.dynamic_gather %parallel_loop3A_2556[%parallel_loop3A_2557] in [0] : vector<16xf32>, vector<16xi32> -> vector<16xf32>
        %parallel_loop3A_2559 = arith.addf %parallel_loop3A_2556, %parallel_loop3A_2558 : vector<16xf32>
        %parallel_loop3A_2560 = arith.constant 0 : i32
        %parallel_loop3A_2561 = vector.broadcast %parallel_loop3A_2560 : i32 to vector<16xi32>
        %parallel_loop3A_2562 = arith.muli %iota3A, %parallel_loop3A_2561 : vector<16xi32>
        %parallel_loop3A_2563 = arith.constant 64 : i32
        %parallel_loop3A_2564 = arith.muli %scan3A_24, %parallel_loop3A_2563 : i32
        %parallel_loop3A_2565 = arith.constant 16 : i32
        %parallel_loop3A_2566 = arith.muli %parallel_loop3A_44, %parallel_loop3A_2565 : i32
        %parallel_loop3A_2567 = arith.addi %parallel_loop3A_2564, %parallel_loop3A_2566 : i32
        %parallel_loop3A_2568 = arith.constant 9 : i32
        %parallel_loop3A_2569 = arith.addi %parallel_loop3A_2567, %parallel_loop3A_2568 : i32
        %parallel_loop3A_2570 = vector.broadcast %parallel_loop3A_2569 : i32 to vector<16xi32>
        %parallel_loop3A_2571 = arith.addi %parallel_loop3A_2562, %parallel_loop3A_2570 : vector<16xi32>
        %parallel_loop3A_2572 = arith.constant 9 : i32
        %parallel_loop3A_2573 = vector.broadcast %parallel_loop3A_2572 : i32 to vector<16xi32>
        %parallel_loop3A_2574 = arith.cmpi eq, %iota3A, %parallel_loop3A_2573 : vector<16xi32>
        tpu.vector_store_idx %arg9[%parallel_loop3A_2571], %parallel_loop3A_2559 masked %parallel_loop3A_2574 : memref<512xf32, #tpu.memory_space<vmem>>[vector<16xi32>], vector<16xf32>, vector<16xi1>
        %parallel_loop3A_2575 = arith.constant 16 : i32
        %parallel_loop3A_2576 = arith.muli %parallel_loop3A_44, %parallel_loop3A_2575 : i32
        %parallel_loop3A_2577 = arith.constant 10 : i32
        %parallel_loop3A_2578 = arith.addi %parallel_loop3A_2576, %parallel_loop3A_2577 : i32
        %parallel_loop3A_2579 = arith.constant 26 : i32
        %parallel_loop3A_2580 = arith.muli %parallel_loop3A_2578, %parallel_loop3A_2579 : i32
        %parallel_loop3A_2581 = arith.index_cast %parallel_loop3A_2580 : i32 to index
        %parallel_loop3A_2582 = arith.constant 0 : index
        %parallel_loop3A_2583 = tpu.vector_load %arg7[%parallel_loop3A_2581, %parallel_loop3A_2582] {strides = array<i32>} : memref<1664x16xf32, #tpu.memory_space<vmem>>, vector<16xf32>,
        %parallel_loop3A_2584 = arith.mulf %parallel_loop3A_2583, %parallel_loop3A_2583 : vector<16xf32>
        %parallel_loop3A_2585 = arith.constant 1 : i32
        %parallel_loop3A_2586 = arith.addi %parallel_loop3A_2580, %parallel_loop3A_2585 : i32
        %parallel_loop3A_2587 = arith.index_cast %parallel_loop3A_2586 : i32 to index
        %parallel_loop3A_2588 = arith.constant 0 : index
        %parallel_loop3A_2589 = tpu.vector_load %arg7[%parallel_loop3A_2587, %parallel_loop3A_2588] {strides = array<i32>} : memref<1664x16xf32, #tpu.memory_space<vmem>>, vector<16xf32>,
        %parallel_loop3A_2590 = arith.addf %parallel_loop3A_2583, %parallel_loop3A_2589 : vector<16xf32>
        %parallel_loop3A_2591 = arith.mulf %parallel_loop3A_2589, %parallel_loop3A_2589 : vector<16xf32>
        %parallel_loop3A_2592 = arith.addf %parallel_loop3A_2584, %parallel_loop3A_2591 : vector<16xf32>
        %parallel_loop3A_2593 = arith.constant 2 : i32
        %parallel_loop3A_2594 = arith.addi %parallel_loop3A_2580, %parallel_loop3A_2593 : i32
        %parallel_loop3A_2595 = arith.index_cast %parallel_loop3A_2594 : i32 to index
        %parallel_loop3A_2596 = arith.constant 0 : index
        %parallel_loop3A_2597 = tpu.vector_load %arg7[%parallel_loop3A_2595, %parallel_loop3A_2596] {strides = array<i32>} : memref<1664x16xf32, #tpu.memory_space<vmem>>, vector<16xf32>,
        %parallel_loop3A_2598 = arith.addf %parallel_loop3A_2590, %parallel_loop3A_2597 : vector<16xf32>
        %parallel_loop3A_2599 = arith.mulf %parallel_loop3A_2597, %parallel_loop3A_2597 : vector<16xf32>
        %parallel_loop3A_2600 = arith.addf %parallel_loop3A_2592, %parallel_loop3A_2599 : vector<16xf32>
        %parallel_loop3A_2601 = arith.constant 3 : i32
        %parallel_loop3A_2602 = arith.addi %parallel_loop3A_2580, %parallel_loop3A_2601 : i32
        %parallel_loop3A_2603 = arith.index_cast %parallel_loop3A_2602 : i32 to index
        %parallel_loop3A_2604 = arith.constant 0 : index
        %parallel_loop3A_2605 = tpu.vector_load %arg7[%parallel_loop3A_2603, %parallel_loop3A_2604] {strides = array<i32>} : memref<1664x16xf32, #tpu.memory_space<vmem>>, vector<16xf32>,
        %parallel_loop3A_2606 = arith.addf %parallel_loop3A_2598, %parallel_loop3A_2605 : vector<16xf32>
        %parallel_loop3A_2607 = arith.mulf %parallel_loop3A_2605, %parallel_loop3A_2605 : vector<16xf32>
        %parallel_loop3A_2608 = arith.addf %parallel_loop3A_2600, %parallel_loop3A_2607 : vector<16xf32>
        %parallel_loop3A_2609 = arith.constant 4 : i32
        %parallel_loop3A_2610 = arith.addi %parallel_loop3A_2580, %parallel_loop3A_2609 : i32
        %parallel_loop3A_2611 = arith.index_cast %parallel_loop3A_2610 : i32 to index
        %parallel_loop3A_2612 = arith.constant 0 : index
        %parallel_loop3A_2613 = tpu.vector_load %arg7[%parallel_loop3A_2611, %parallel_loop3A_2612] {strides = array<i32>} : memref<1664x16xf32, #tpu.memory_space<vmem>>, vector<16xf32>,
        %parallel_loop3A_2614 = arith.addf %parallel_loop3A_2606, %parallel_loop3A_2613 : vector<16xf32>
        %parallel_loop3A_2615 = arith.mulf %parallel_loop3A_2613, %parallel_loop3A_2613 : vector<16xf32>
        %parallel_loop3A_2616 = arith.addf %parallel_loop3A_2608, %parallel_loop3A_2615 : vector<16xf32>
        %parallel_loop3A_2617 = arith.constant 5 : i32
        %parallel_loop3A_2618 = arith.addi %parallel_loop3A_2580, %parallel_loop3A_2617 : i32
        %parallel_loop3A_2619 = arith.index_cast %parallel_loop3A_2618 : i32 to index
        %parallel_loop3A_2620 = arith.constant 0 : index
        %parallel_loop3A_2621 = tpu.vector_load %arg7[%parallel_loop3A_2619, %parallel_loop3A_2620] {strides = array<i32>} : memref<1664x16xf32, #tpu.memory_space<vmem>>, vector<16xf32>,
        %parallel_loop3A_2622 = arith.addf %parallel_loop3A_2614, %parallel_loop3A_2621 : vector<16xf32>
        %parallel_loop3A_2623 = arith.mulf %parallel_loop3A_2621, %parallel_loop3A_2621 : vector<16xf32>
        %parallel_loop3A_2624 = arith.addf %parallel_loop3A_2616, %parallel_loop3A_2623 : vector<16xf32>
        %parallel_loop3A_2625 = arith.constant 6 : i32
        %parallel_loop3A_2626 = arith.addi %parallel_loop3A_2580, %parallel_loop3A_2625 : i32
        %parallel_loop3A_2627 = arith.index_cast %parallel_loop3A_2626 : i32 to index
        %parallel_loop3A_2628 = arith.constant 0 : index
        %parallel_loop3A_2629 = tpu.vector_load %arg7[%parallel_loop3A_2627, %parallel_loop3A_2628] {strides = array<i32>} : memref<1664x16xf32, #tpu.memory_space<vmem>>, vector<16xf32>,
        %parallel_loop3A_2630 = arith.addf %parallel_loop3A_2622, %parallel_loop3A_2629 : vector<16xf32>
        %parallel_loop3A_2631 = arith.mulf %parallel_loop3A_2629, %parallel_loop3A_2629 : vector<16xf32>
        %parallel_loop3A_2632 = arith.addf %parallel_loop3A_2624, %parallel_loop3A_2631 : vector<16xf32>
        %parallel_loop3A_2633 = arith.constant 7 : i32
        %parallel_loop3A_2634 = arith.addi %parallel_loop3A_2580, %parallel_loop3A_2633 : i32
        %parallel_loop3A_2635 = arith.index_cast %parallel_loop3A_2634 : i32 to index
        %parallel_loop3A_2636 = arith.constant 0 : index
        %parallel_loop3A_2637 = tpu.vector_load %arg7[%parallel_loop3A_2635, %parallel_loop3A_2636] {strides = array<i32>} : memref<1664x16xf32, #tpu.memory_space<vmem>>, vector<16xf32>,
        %parallel_loop3A_2638 = arith.addf %parallel_loop3A_2630, %parallel_loop3A_2637 : vector<16xf32>
        %parallel_loop3A_2639 = arith.mulf %parallel_loop3A_2637, %parallel_loop3A_2637 : vector<16xf32>
        %parallel_loop3A_2640 = arith.addf %parallel_loop3A_2632, %parallel_loop3A_2639 : vector<16xf32>
        %parallel_loop3A_2641 = arith.constant 8 : i32
        %parallel_loop3A_2642 = arith.addi %parallel_loop3A_2580, %parallel_loop3A_2641 : i32
        %parallel_loop3A_2643 = arith.index_cast %parallel_loop3A_2642 : i32 to index
        %parallel_loop3A_2644 = arith.constant 0 : index
        %parallel_loop3A_2645 = tpu.vector_load %arg7[%parallel_loop3A_2643, %parallel_loop3A_2644] {strides = array<i32>} : memref<1664x16xf32, #tpu.memory_space<vmem>>, vector<16xf32>,
        %parallel_loop3A_2646 = arith.addf %parallel_loop3A_2638, %parallel_loop3A_2645 : vector<16xf32>
        %parallel_loop3A_2647 = arith.mulf %parallel_loop3A_2645, %parallel_loop3A_2645 : vector<16xf32>
        %parallel_loop3A_2648 = arith.addf %parallel_loop3A_2640, %parallel_loop3A_2647 : vector<16xf32>
        %parallel_loop3A_2649 = arith.constant 9 : i32
        %parallel_loop3A_2650 = arith.addi %parallel_loop3A_2580, %parallel_loop3A_2649 : i32
        %parallel_loop3A_2651 = arith.index_cast %parallel_loop3A_2650 : i32 to index
        %parallel_loop3A_2652 = arith.constant 0 : index
        %parallel_loop3A_2653 = tpu.vector_load %arg7[%parallel_loop3A_2651, %parallel_loop3A_2652] {strides = array<i32>} : memref<1664x16xf32, #tpu.memory_space<vmem>>, vector<16xf32>,
        %parallel_loop3A_2654 = arith.addf %parallel_loop3A_2646, %parallel_loop3A_2653 : vector<16xf32>
        %parallel_loop3A_2655 = arith.mulf %parallel_loop3A_2653, %parallel_loop3A_2653 : vector<16xf32>
        %parallel_loop3A_2656 = arith.addf %parallel_loop3A_2648, %parallel_loop3A_2655 : vector<16xf32>
        %parallel_loop3A_2657 = arith.constant 10 : i32
        %parallel_loop3A_2658 = arith.addi %parallel_loop3A_2580, %parallel_loop3A_2657 : i32
        %parallel_loop3A_2659 = arith.index_cast %parallel_loop3A_2658 : i32 to index
        %parallel_loop3A_2660 = arith.constant 0 : index
        %parallel_loop3A_2661 = tpu.vector_load %arg7[%parallel_loop3A_2659, %parallel_loop3A_2660] {strides = array<i32>} : memref<1664x16xf32, #tpu.memory_space<vmem>>, vector<16xf32>,
        %parallel_loop3A_2662 = arith.addf %parallel_loop3A_2654, %parallel_loop3A_2661 : vector<16xf32>
        %parallel_loop3A_2663 = arith.mulf %parallel_loop3A_2661, %parallel_loop3A_2661 : vector<16xf32>
        %parallel_loop3A_2664 = arith.addf %parallel_loop3A_2656, %parallel_loop3A_2663 : vector<16xf32>
        %parallel_loop3A_2665 = arith.constant 11 : i32
        %parallel_loop3A_2666 = arith.addi %parallel_loop3A_2580, %parallel_loop3A_2665 : i32
        %parallel_loop3A_2667 = arith.index_cast %parallel_loop3A_2666 : i32 to index
        %parallel_loop3A_2668 = arith.constant 0 : index
        %parallel_loop3A_2669 = tpu.vector_load %arg7[%parallel_loop3A_2667, %parallel_loop3A_2668] {strides = array<i32>} : memref<1664x16xf32, #tpu.memory_space<vmem>>, vector<16xf32>,
        %parallel_loop3A_2670 = arith.addf %parallel_loop3A_2662, %parallel_loop3A_2669 : vector<16xf32>
        %parallel_loop3A_2671 = arith.mulf %parallel_loop3A_2669, %parallel_loop3A_2669 : vector<16xf32>
        %parallel_loop3A_2672 = arith.addf %parallel_loop3A_2664, %parallel_loop3A_2671 : vector<16xf32>
        %parallel_loop3A_2673 = arith.constant 12 : i32
        %parallel_loop3A_2674 = arith.addi %parallel_loop3A_2580, %parallel_loop3A_2673 : i32
        %parallel_loop3A_2675 = arith.index_cast %parallel_loop3A_2674 : i32 to index
        %parallel_loop3A_2676 = arith.constant 0 : index
        %parallel_loop3A_2677 = tpu.vector_load %arg7[%parallel_loop3A_2675, %parallel_loop3A_2676] {strides = array<i32>} : memref<1664x16xf32, #tpu.memory_space<vmem>>, vector<16xf32>,
        %parallel_loop3A_2678 = arith.addf %parallel_loop3A_2670, %parallel_loop3A_2677 : vector<16xf32>
        %parallel_loop3A_2679 = arith.mulf %parallel_loop3A_2677, %parallel_loop3A_2677 : vector<16xf32>
        %parallel_loop3A_2680 = arith.addf %parallel_loop3A_2672, %parallel_loop3A_2679 : vector<16xf32>
        %parallel_loop3A_2681 = arith.constant 13 : i32
        %parallel_loop3A_2682 = arith.addi %parallel_loop3A_2580, %parallel_loop3A_2681 : i32
        %parallel_loop3A_2683 = arith.index_cast %parallel_loop3A_2682 : i32 to index
        %parallel_loop3A_2684 = arith.constant 0 : index
        %parallel_loop3A_2685 = tpu.vector_load %arg7[%parallel_loop3A_2683, %parallel_loop3A_2684] {strides = array<i32>} : memref<1664x16xf32, #tpu.memory_space<vmem>>, vector<16xf32>,
        %parallel_loop3A_2686 = arith.addf %parallel_loop3A_2678, %parallel_loop3A_2685 : vector<16xf32>
        %parallel_loop3A_2687 = arith.mulf %parallel_loop3A_2685, %parallel_loop3A_2685 : vector<16xf32>
        %parallel_loop3A_2688 = arith.addf %parallel_loop3A_2680, %parallel_loop3A_2687 : vector<16xf32>
        %parallel_loop3A_2689 = arith.constant 14 : i32
        %parallel_loop3A_2690 = arith.addi %parallel_loop3A_2580, %parallel_loop3A_2689 : i32
        %parallel_loop3A_2691 = arith.index_cast %parallel_loop3A_2690 : i32 to index
        %parallel_loop3A_2692 = arith.constant 0 : index
        %parallel_loop3A_2693 = tpu.vector_load %arg7[%parallel_loop3A_2691, %parallel_loop3A_2692] {strides = array<i32>} : memref<1664x16xf32, #tpu.memory_space<vmem>>, vector<16xf32>,
        %parallel_loop3A_2694 = arith.addf %parallel_loop3A_2686, %parallel_loop3A_2693 : vector<16xf32>
        %parallel_loop3A_2695 = arith.mulf %parallel_loop3A_2693, %parallel_loop3A_2693 : vector<16xf32>
        %parallel_loop3A_2696 = arith.addf %parallel_loop3A_2688, %parallel_loop3A_2695 : vector<16xf32>
        %parallel_loop3A_2697 = arith.constant 15 : i32
        %parallel_loop3A_2698 = arith.addi %parallel_loop3A_2580, %parallel_loop3A_2697 : i32
        %parallel_loop3A_2699 = arith.index_cast %parallel_loop3A_2698 : i32 to index
        %parallel_loop3A_2700 = arith.constant 0 : index
        %parallel_loop3A_2701 = tpu.vector_load %arg7[%parallel_loop3A_2699, %parallel_loop3A_2700] {strides = array<i32>} : memref<1664x16xf32, #tpu.memory_space<vmem>>, vector<16xf32>,
        %parallel_loop3A_2702 = arith.addf %parallel_loop3A_2694, %parallel_loop3A_2701 : vector<16xf32>
        %parallel_loop3A_2703 = arith.mulf %parallel_loop3A_2701, %parallel_loop3A_2701 : vector<16xf32>
        %parallel_loop3A_2704 = arith.addf %parallel_loop3A_2696, %parallel_loop3A_2703 : vector<16xf32>
        %parallel_loop3A_2705 = arith.constant 16 : i32
        %parallel_loop3A_2706 = arith.addi %parallel_loop3A_2580, %parallel_loop3A_2705 : i32
        %parallel_loop3A_2707 = arith.index_cast %parallel_loop3A_2706 : i32 to index
        %parallel_loop3A_2708 = arith.constant 0 : index
        %parallel_loop3A_2709 = tpu.vector_load %arg7[%parallel_loop3A_2707, %parallel_loop3A_2708] {strides = array<i32>} : memref<1664x16xf32, #tpu.memory_space<vmem>>, vector<16xf32>,
        %parallel_loop3A_2710 = arith.addf %parallel_loop3A_2702, %parallel_loop3A_2709 : vector<16xf32>
        %parallel_loop3A_2711 = arith.mulf %parallel_loop3A_2709, %parallel_loop3A_2709 : vector<16xf32>
        %parallel_loop3A_2712 = arith.addf %parallel_loop3A_2704, %parallel_loop3A_2711 : vector<16xf32>
        %parallel_loop3A_2713 = arith.constant 17 : i32
        %parallel_loop3A_2714 = arith.addi %parallel_loop3A_2580, %parallel_loop3A_2713 : i32
        %parallel_loop3A_2715 = arith.index_cast %parallel_loop3A_2714 : i32 to index
        %parallel_loop3A_2716 = arith.constant 0 : index
        %parallel_loop3A_2717 = tpu.vector_load %arg7[%parallel_loop3A_2715, %parallel_loop3A_2716] {strides = array<i32>} : memref<1664x16xf32, #tpu.memory_space<vmem>>, vector<16xf32>,
        %parallel_loop3A_2718 = arith.addf %parallel_loop3A_2710, %parallel_loop3A_2717 : vector<16xf32>
        %parallel_loop3A_2719 = arith.mulf %parallel_loop3A_2717, %parallel_loop3A_2717 : vector<16xf32>
        %parallel_loop3A_2720 = arith.addf %parallel_loop3A_2712, %parallel_loop3A_2719 : vector<16xf32>
        %parallel_loop3A_2721 = arith.constant 18 : i32
        %parallel_loop3A_2722 = arith.addi %parallel_loop3A_2580, %parallel_loop3A_2721 : i32
        %parallel_loop3A_2723 = arith.index_cast %parallel_loop3A_2722 : i32 to index
        %parallel_loop3A_2724 = arith.constant 0 : index
        %parallel_loop3A_2725 = tpu.vector_load %arg7[%parallel_loop3A_2723, %parallel_loop3A_2724] {strides = array<i32>} : memref<1664x16xf32, #tpu.memory_space<vmem>>, vector<16xf32>,
        %parallel_loop3A_2726 = arith.addf %parallel_loop3A_2718, %parallel_loop3A_2725 : vector<16xf32>
        %parallel_loop3A_2727 = arith.mulf %parallel_loop3A_2725, %parallel_loop3A_2725 : vector<16xf32>
        %parallel_loop3A_2728 = arith.addf %parallel_loop3A_2720, %parallel_loop3A_2727 : vector<16xf32>
        %parallel_loop3A_2729 = arith.constant 19 : i32
        %parallel_loop3A_2730 = arith.addi %parallel_loop3A_2580, %parallel_loop3A_2729 : i32
        %parallel_loop3A_2731 = arith.index_cast %parallel_loop3A_2730 : i32 to index
        %parallel_loop3A_2732 = arith.constant 0 : index
        %parallel_loop3A_2733 = tpu.vector_load %arg7[%parallel_loop3A_2731, %parallel_loop3A_2732] {strides = array<i32>} : memref<1664x16xf32, #tpu.memory_space<vmem>>, vector<16xf32>,
        %parallel_loop3A_2734 = arith.addf %parallel_loop3A_2726, %parallel_loop3A_2733 : vector<16xf32>
        %parallel_loop3A_2735 = arith.mulf %parallel_loop3A_2733, %parallel_loop3A_2733 : vector<16xf32>
        %parallel_loop3A_2736 = arith.addf %parallel_loop3A_2728, %parallel_loop3A_2735 : vector<16xf32>
        %parallel_loop3A_2737 = arith.constant 20 : i32
        %parallel_loop3A_2738 = arith.addi %parallel_loop3A_2580, %parallel_loop3A_2737 : i32
        %parallel_loop3A_2739 = arith.index_cast %parallel_loop3A_2738 : i32 to index
        %parallel_loop3A_2740 = arith.constant 0 : index
        %parallel_loop3A_2741 = tpu.vector_load %arg7[%parallel_loop3A_2739, %parallel_loop3A_2740] {strides = array<i32>} : memref<1664x16xf32, #tpu.memory_space<vmem>>, vector<16xf32>,
        %parallel_loop3A_2742 = arith.addf %parallel_loop3A_2734, %parallel_loop3A_2741 : vector<16xf32>
        %parallel_loop3A_2743 = arith.mulf %parallel_loop3A_2741, %parallel_loop3A_2741 : vector<16xf32>
        %parallel_loop3A_2744 = arith.addf %parallel_loop3A_2736, %parallel_loop3A_2743 : vector<16xf32>
        %parallel_loop3A_2745 = arith.constant 21 : i32
        %parallel_loop3A_2746 = arith.addi %parallel_loop3A_2580, %parallel_loop3A_2745 : i32
        %parallel_loop3A_2747 = arith.index_cast %parallel_loop3A_2746 : i32 to index
        %parallel_loop3A_2748 = arith.constant 0 : index
        %parallel_loop3A_2749 = tpu.vector_load %arg7[%parallel_loop3A_2747, %parallel_loop3A_2748] {strides = array<i32>} : memref<1664x16xf32, #tpu.memory_space<vmem>>, vector<16xf32>,
        %parallel_loop3A_2750 = arith.addf %parallel_loop3A_2742, %parallel_loop3A_2749 : vector<16xf32>
        %parallel_loop3A_2751 = arith.mulf %parallel_loop3A_2749, %parallel_loop3A_2749 : vector<16xf32>
        %parallel_loop3A_2752 = arith.addf %parallel_loop3A_2744, %parallel_loop3A_2751 : vector<16xf32>
        %parallel_loop3A_2753 = arith.constant 22 : i32
        %parallel_loop3A_2754 = arith.addi %parallel_loop3A_2580, %parallel_loop3A_2753 : i32
        %parallel_loop3A_2755 = arith.index_cast %parallel_loop3A_2754 : i32 to index
        %parallel_loop3A_2756 = arith.constant 0 : index
        %parallel_loop3A_2757 = tpu.vector_load %arg7[%parallel_loop3A_2755, %parallel_loop3A_2756] {strides = array<i32>} : memref<1664x16xf32, #tpu.memory_space<vmem>>, vector<16xf32>,
        %parallel_loop3A_2758 = arith.addf %parallel_loop3A_2750, %parallel_loop3A_2757 : vector<16xf32>
        %parallel_loop3A_2759 = arith.mulf %parallel_loop3A_2757, %parallel_loop3A_2757 : vector<16xf32>
        %parallel_loop3A_2760 = arith.addf %parallel_loop3A_2752, %parallel_loop3A_2759 : vector<16xf32>
        %parallel_loop3A_2761 = arith.constant 23 : i32
        %parallel_loop3A_2762 = arith.addi %parallel_loop3A_2580, %parallel_loop3A_2761 : i32
        %parallel_loop3A_2763 = arith.index_cast %parallel_loop3A_2762 : i32 to index
        %parallel_loop3A_2764 = arith.constant 0 : index
        %parallel_loop3A_2765 = tpu.vector_load %arg7[%parallel_loop3A_2763, %parallel_loop3A_2764] {strides = array<i32>} : memref<1664x16xf32, #tpu.memory_space<vmem>>, vector<16xf32>,
        %parallel_loop3A_2766 = arith.addf %parallel_loop3A_2758, %parallel_loop3A_2765 : vector<16xf32>
        %parallel_loop3A_2767 = arith.mulf %parallel_loop3A_2765, %parallel_loop3A_2765 : vector<16xf32>
        %parallel_loop3A_2768 = arith.addf %parallel_loop3A_2760, %parallel_loop3A_2767 : vector<16xf32>
        %parallel_loop3A_2769 = arith.constant 24 : i32
        %parallel_loop3A_2770 = arith.addi %parallel_loop3A_2580, %parallel_loop3A_2769 : i32
        %parallel_loop3A_2771 = arith.index_cast %parallel_loop3A_2770 : i32 to index
        %parallel_loop3A_2772 = arith.constant 0 : index
        %parallel_loop3A_2773 = tpu.vector_load %arg7[%parallel_loop3A_2771, %parallel_loop3A_2772] {strides = array<i32>} : memref<1664x16xf32, #tpu.memory_space<vmem>>, vector<16xf32>,
        %parallel_loop3A_2774 = arith.addf %parallel_loop3A_2766, %parallel_loop3A_2773 : vector<16xf32>
        %parallel_loop3A_2775 = arith.mulf %parallel_loop3A_2773, %parallel_loop3A_2773 : vector<16xf32>
        %parallel_loop3A_2776 = arith.addf %parallel_loop3A_2768, %parallel_loop3A_2775 : vector<16xf32>
        %parallel_loop3A_2777 = arith.constant 25 : i32
        %parallel_loop3A_2778 = arith.addi %parallel_loop3A_2580, %parallel_loop3A_2777 : i32
        %parallel_loop3A_2779 = arith.index_cast %parallel_loop3A_2778 : i32 to index
        %parallel_loop3A_2780 = arith.constant 0 : index
        %parallel_loop3A_2781 = tpu.vector_load %arg7[%parallel_loop3A_2779, %parallel_loop3A_2780] {strides = array<i32>} : memref<1664x16xf32, #tpu.memory_space<vmem>>, vector<16xf32>,
        %parallel_loop3A_2782 = arith.addf %parallel_loop3A_2774, %parallel_loop3A_2781 : vector<16xf32>
        %parallel_loop3A_2783 = arith.mulf %parallel_loop3A_2781, %parallel_loop3A_2781 : vector<16xf32>
        %parallel_loop3A_2784 = arith.addf %parallel_loop3A_2776, %parallel_loop3A_2783 : vector<16xf32>
        %parallel_loop3A_2785 = arith.index_cast %parallel_loop3A_2580 : i32 to index
        %parallel_loop3A_2786 = tpu.vector_load %arg8[%parallel_loop3A_2785] {strides = array<i32>} : memref<1680xf32, #tpu.memory_space<vmem>>, vector<16xf32>,
        %parallel_loop3A_2787 = arith.constant 16 : i32
        %parallel_loop3A_2788 = arith.addi %parallel_loop3A_2580, %parallel_loop3A_2787 : i32
        %parallel_loop3A_2789 = arith.index_cast %parallel_loop3A_2788 : i32 to index
        %parallel_loop3A_2790 = tpu.vector_load %arg8[%parallel_loop3A_2789] {strides = array<i32>} : memref<1680xf32, #tpu.memory_space<vmem>>, vector<16xf32>,
        %parallel_loop3A_2791 = arith.mulf %parallel_loop3A_2782, %parallel_loop3A_2782 : vector<16xf32>
        %parallel_loop3A_2792 = arith.subf %parallel_loop3A_2791, %parallel_loop3A_2784 : vector<16xf32>
        %parallel_loop3A_2793 = arith.constant 5.000000e-01 : f32
        %parallel_loop3A_2794 = vector.broadcast %parallel_loop3A_2793 : f32 to vector<16xf32>
        %parallel_loop3A_2795 = arith.mulf %parallel_loop3A_2794, %parallel_loop3A_2792 : vector<16xf32>
        %parallel_loop3A_2796 = arith.addf %parallel_loop3A_2795, %parallel_loop3A_2786 : vector<16xf32>
        %parallel_loop3A_2797 = arith.constant 0.000000e+00 : f32
        %parallel_loop3A_2798 = vector.broadcast %parallel_loop3A_2797 : f32 to vector<16xf32>
        %parallel_loop3A_2799 = arith.select %lt3A_4, %parallel_loop3A_2790, %parallel_loop3A_2798 : vector<16xi1>, vector<16xf32>
        %parallel_loop3A_2800 = arith.addf %parallel_loop3A_2796, %parallel_loop3A_2799 : vector<16xf32>
        %parallel_loop3A_2801 = vector.shape_cast %reshape3A : vector<16x1xi32> to vector<16xi32>
        %parallel_loop3A_2802 = tpu.dynamic_gather %parallel_loop3A_2800[%parallel_loop3A_2801] in [0] : vector<16xf32>, vector<16xi32> -> vector<16xf32>
        %parallel_loop3A_2803 = arith.addf %parallel_loop3A_2800, %parallel_loop3A_2802 : vector<16xf32>
        %parallel_loop3A_2804 = vector.shape_cast %reshape3A_10 : vector<16x1xi32> to vector<16xi32>
        %parallel_loop3A_2805 = tpu.dynamic_gather %parallel_loop3A_2803[%parallel_loop3A_2804] in [0] : vector<16xf32>, vector<16xi32> -> vector<16xf32>
        %parallel_loop3A_2806 = arith.addf %parallel_loop3A_2803, %parallel_loop3A_2805 : vector<16xf32>
        %parallel_loop3A_2807 = vector.shape_cast %reshape3A_14 : vector<16x1xi32> to vector<16xi32>
        %parallel_loop3A_2808 = tpu.dynamic_gather %parallel_loop3A_2806[%parallel_loop3A_2807] in [0] : vector<16xf32>, vector<16xi32> -> vector<16xf32>
        %parallel_loop3A_2809 = arith.addf %parallel_loop3A_2806, %parallel_loop3A_2808 : vector<16xf32>
        %parallel_loop3A_2810 = vector.shape_cast %reshape3A_18 : vector<16x1xi32> to vector<16xi32>
        %parallel_loop3A_2811 = tpu.dynamic_gather %parallel_loop3A_2809[%parallel_loop3A_2810] in [0] : vector<16xf32>, vector<16xi32> -> vector<16xf32>
        %parallel_loop3A_2812 = arith.addf %parallel_loop3A_2809, %parallel_loop3A_2811 : vector<16xf32>
        %parallel_loop3A_2813 = arith.constant 0 : i32
        %parallel_loop3A_2814 = vector.broadcast %parallel_loop3A_2813 : i32 to vector<16xi32>
        %parallel_loop3A_2815 = arith.muli %iota3A, %parallel_loop3A_2814 : vector<16xi32>
        %parallel_loop3A_2816 = arith.constant 64 : i32
        %parallel_loop3A_2817 = arith.muli %scan3A_24, %parallel_loop3A_2816 : i32
        %parallel_loop3A_2818 = arith.constant 16 : i32
        %parallel_loop3A_2819 = arith.muli %parallel_loop3A_44, %parallel_loop3A_2818 : i32
        %parallel_loop3A_2820 = arith.addi %parallel_loop3A_2817, %parallel_loop3A_2819 : i32
        %parallel_loop3A_2821 = arith.constant 10 : i32
        %parallel_loop3A_2822 = arith.addi %parallel_loop3A_2820, %parallel_loop3A_2821 : i32
        %parallel_loop3A_2823 = vector.broadcast %parallel_loop3A_2822 : i32 to vector<16xi32>
        %parallel_loop3A_2824 = arith.addi %parallel_loop3A_2815, %parallel_loop3A_2823 : vector<16xi32>
        %parallel_loop3A_2825 = arith.constant 10 : i32
        %parallel_loop3A_2826 = vector.broadcast %parallel_loop3A_2825 : i32 to vector<16xi32>
        %parallel_loop3A_2827 = arith.cmpi eq, %iota3A, %parallel_loop3A_2826 : vector<16xi32>
        tpu.vector_store_idx %arg9[%parallel_loop3A_2824], %parallel_loop3A_2812 masked %parallel_loop3A_2827 : memref<512xf32, #tpu.memory_space<vmem>>[vector<16xi32>], vector<16xf32>, vector<16xi1>
        %parallel_loop3A_2828 = arith.constant 16 : i32
        %parallel_loop3A_2829 = arith.muli %parallel_loop3A_44, %parallel_loop3A_2828 : i32
        %parallel_loop3A_2830 = arith.constant 11 : i32
        %parallel_loop3A_2831 = arith.addi %parallel_loop3A_2829, %parallel_loop3A_2830 : i32
        %parallel_loop3A_2832 = arith.constant 26 : i32
        %parallel_loop3A_2833 = arith.muli %parallel_loop3A_2831, %parallel_loop3A_2832 : i32
        %parallel_loop3A_2834 = arith.index_cast %parallel_loop3A_2833 : i32 to index
        %parallel_loop3A_2835 = arith.constant 0 : index
        %parallel_loop3A_2836 = tpu.vector_load %arg7[%parallel_loop3A_2834, %parallel_loop3A_2835] {strides = array<i32>} : memref<1664x16xf32, #tpu.memory_space<vmem>>, vector<16xf32>,
        %parallel_loop3A_2837 = arith.mulf %parallel_loop3A_2836, %parallel_loop3A_2836 : vector<16xf32>
        %parallel_loop3A_2838 = arith.constant 1 : i32
        %parallel_loop3A_2839 = arith.addi %parallel_loop3A_2833, %parallel_loop3A_2838 : i32
        %parallel_loop3A_2840 = arith.index_cast %parallel_loop3A_2839 : i32 to index
        %parallel_loop3A_2841 = arith.constant 0 : index
        %parallel_loop3A_2842 = tpu.vector_load %arg7[%parallel_loop3A_2840, %parallel_loop3A_2841] {strides = array<i32>} : memref<1664x16xf32, #tpu.memory_space<vmem>>, vector<16xf32>,
        %parallel_loop3A_2843 = arith.addf %parallel_loop3A_2836, %parallel_loop3A_2842 : vector<16xf32>
        %parallel_loop3A_2844 = arith.mulf %parallel_loop3A_2842, %parallel_loop3A_2842 : vector<16xf32>
        %parallel_loop3A_2845 = arith.addf %parallel_loop3A_2837, %parallel_loop3A_2844 : vector<16xf32>
        %parallel_loop3A_2846 = arith.constant 2 : i32
        %parallel_loop3A_2847 = arith.addi %parallel_loop3A_2833, %parallel_loop3A_2846 : i32
        %parallel_loop3A_2848 = arith.index_cast %parallel_loop3A_2847 : i32 to index
        %parallel_loop3A_2849 = arith.constant 0 : index
        %parallel_loop3A_2850 = tpu.vector_load %arg7[%parallel_loop3A_2848, %parallel_loop3A_2849] {strides = array<i32>} : memref<1664x16xf32, #tpu.memory_space<vmem>>, vector<16xf32>,
        %parallel_loop3A_2851 = arith.addf %parallel_loop3A_2843, %parallel_loop3A_2850 : vector<16xf32>
        %parallel_loop3A_2852 = arith.mulf %parallel_loop3A_2850, %parallel_loop3A_2850 : vector<16xf32>
        %parallel_loop3A_2853 = arith.addf %parallel_loop3A_2845, %parallel_loop3A_2852 : vector<16xf32>
        %parallel_loop3A_2854 = arith.constant 3 : i32
        %parallel_loop3A_2855 = arith.addi %parallel_loop3A_2833, %parallel_loop3A_2854 : i32
        %parallel_loop3A_2856 = arith.index_cast %parallel_loop3A_2855 : i32 to index
        %parallel_loop3A_2857 = arith.constant 0 : index
        %parallel_loop3A_2858 = tpu.vector_load %arg7[%parallel_loop3A_2856, %parallel_loop3A_2857] {strides = array<i32>} : memref<1664x16xf32, #tpu.memory_space<vmem>>, vector<16xf32>,
        %parallel_loop3A_2859 = arith.addf %parallel_loop3A_2851, %parallel_loop3A_2858 : vector<16xf32>
        %parallel_loop3A_2860 = arith.mulf %parallel_loop3A_2858, %parallel_loop3A_2858 : vector<16xf32>
        %parallel_loop3A_2861 = arith.addf %parallel_loop3A_2853, %parallel_loop3A_2860 : vector<16xf32>
        %parallel_loop3A_2862 = arith.constant 4 : i32
        %parallel_loop3A_2863 = arith.addi %parallel_loop3A_2833, %parallel_loop3A_2862 : i32
        %parallel_loop3A_2864 = arith.index_cast %parallel_loop3A_2863 : i32 to index
        %parallel_loop3A_2865 = arith.constant 0 : index
        %parallel_loop3A_2866 = tpu.vector_load %arg7[%parallel_loop3A_2864, %parallel_loop3A_2865] {strides = array<i32>} : memref<1664x16xf32, #tpu.memory_space<vmem>>, vector<16xf32>,
        %parallel_loop3A_2867 = arith.addf %parallel_loop3A_2859, %parallel_loop3A_2866 : vector<16xf32>
        %parallel_loop3A_2868 = arith.mulf %parallel_loop3A_2866, %parallel_loop3A_2866 : vector<16xf32>
        %parallel_loop3A_2869 = arith.addf %parallel_loop3A_2861, %parallel_loop3A_2868 : vector<16xf32>
        %parallel_loop3A_2870 = arith.constant 5 : i32
        %parallel_loop3A_2871 = arith.addi %parallel_loop3A_2833, %parallel_loop3A_2870 : i32
        %parallel_loop3A_2872 = arith.index_cast %parallel_loop3A_2871 : i32 to index
        %parallel_loop3A_2873 = arith.constant 0 : index
        %parallel_loop3A_2874 = tpu.vector_load %arg7[%parallel_loop3A_2872, %parallel_loop3A_2873] {strides = array<i32>} : memref<1664x16xf32, #tpu.memory_space<vmem>>, vector<16xf32>,
        %parallel_loop3A_2875 = arith.addf %parallel_loop3A_2867, %parallel_loop3A_2874 : vector<16xf32>
        %parallel_loop3A_2876 = arith.mulf %parallel_loop3A_2874, %parallel_loop3A_2874 : vector<16xf32>
        %parallel_loop3A_2877 = arith.addf %parallel_loop3A_2869, %parallel_loop3A_2876 : vector<16xf32>
        %parallel_loop3A_2878 = arith.constant 6 : i32
        %parallel_loop3A_2879 = arith.addi %parallel_loop3A_2833, %parallel_loop3A_2878 : i32
        %parallel_loop3A_2880 = arith.index_cast %parallel_loop3A_2879 : i32 to index
        %parallel_loop3A_2881 = arith.constant 0 : index
        %parallel_loop3A_2882 = tpu.vector_load %arg7[%parallel_loop3A_2880, %parallel_loop3A_2881] {strides = array<i32>} : memref<1664x16xf32, #tpu.memory_space<vmem>>, vector<16xf32>,
        %parallel_loop3A_2883 = arith.addf %parallel_loop3A_2875, %parallel_loop3A_2882 : vector<16xf32>
        %parallel_loop3A_2884 = arith.mulf %parallel_loop3A_2882, %parallel_loop3A_2882 : vector<16xf32>
        %parallel_loop3A_2885 = arith.addf %parallel_loop3A_2877, %parallel_loop3A_2884 : vector<16xf32>
        %parallel_loop3A_2886 = arith.constant 7 : i32
        %parallel_loop3A_2887 = arith.addi %parallel_loop3A_2833, %parallel_loop3A_2886 : i32
        %parallel_loop3A_2888 = arith.index_cast %parallel_loop3A_2887 : i32 to index
        %parallel_loop3A_2889 = arith.constant 0 : index
        %parallel_loop3A_2890 = tpu.vector_load %arg7[%parallel_loop3A_2888, %parallel_loop3A_2889] {strides = array<i32>} : memref<1664x16xf32, #tpu.memory_space<vmem>>, vector<16xf32>,
        %parallel_loop3A_2891 = arith.addf %parallel_loop3A_2883, %parallel_loop3A_2890 : vector<16xf32>
        %parallel_loop3A_2892 = arith.mulf %parallel_loop3A_2890, %parallel_loop3A_2890 : vector<16xf32>
        %parallel_loop3A_2893 = arith.addf %parallel_loop3A_2885, %parallel_loop3A_2892 : vector<16xf32>
        %parallel_loop3A_2894 = arith.constant 8 : i32
        %parallel_loop3A_2895 = arith.addi %parallel_loop3A_2833, %parallel_loop3A_2894 : i32
        %parallel_loop3A_2896 = arith.index_cast %parallel_loop3A_2895 : i32 to index
        %parallel_loop3A_2897 = arith.constant 0 : index
        %parallel_loop3A_2898 = tpu.vector_load %arg7[%parallel_loop3A_2896, %parallel_loop3A_2897] {strides = array<i32>} : memref<1664x16xf32, #tpu.memory_space<vmem>>, vector<16xf32>,
        %parallel_loop3A_2899 = arith.addf %parallel_loop3A_2891, %parallel_loop3A_2898 : vector<16xf32>
        %parallel_loop3A_2900 = arith.mulf %parallel_loop3A_2898, %parallel_loop3A_2898 : vector<16xf32>
        %parallel_loop3A_2901 = arith.addf %parallel_loop3A_2893, %parallel_loop3A_2900 : vector<16xf32>
        %parallel_loop3A_2902 = arith.constant 9 : i32
        %parallel_loop3A_2903 = arith.addi %parallel_loop3A_2833, %parallel_loop3A_2902 : i32
        %parallel_loop3A_2904 = arith.index_cast %parallel_loop3A_2903 : i32 to index
        %parallel_loop3A_2905 = arith.constant 0 : index
        %parallel_loop3A_2906 = tpu.vector_load %arg7[%parallel_loop3A_2904, %parallel_loop3A_2905] {strides = array<i32>} : memref<1664x16xf32, #tpu.memory_space<vmem>>, vector<16xf32>,
        %parallel_loop3A_2907 = arith.addf %parallel_loop3A_2899, %parallel_loop3A_2906 : vector<16xf32>
        %parallel_loop3A_2908 = arith.mulf %parallel_loop3A_2906, %parallel_loop3A_2906 : vector<16xf32>
        %parallel_loop3A_2909 = arith.addf %parallel_loop3A_2901, %parallel_loop3A_2908 : vector<16xf32>
        %parallel_loop3A_2910 = arith.constant 10 : i32
        %parallel_loop3A_2911 = arith.addi %parallel_loop3A_2833, %parallel_loop3A_2910 : i32
        %parallel_loop3A_2912 = arith.index_cast %parallel_loop3A_2911 : i32 to index
        %parallel_loop3A_2913 = arith.constant 0 : index
        %parallel_loop3A_2914 = tpu.vector_load %arg7[%parallel_loop3A_2912, %parallel_loop3A_2913] {strides = array<i32>} : memref<1664x16xf32, #tpu.memory_space<vmem>>, vector<16xf32>,
        %parallel_loop3A_2915 = arith.addf %parallel_loop3A_2907, %parallel_loop3A_2914 : vector<16xf32>
        %parallel_loop3A_2916 = arith.mulf %parallel_loop3A_2914, %parallel_loop3A_2914 : vector<16xf32>
        %parallel_loop3A_2917 = arith.addf %parallel_loop3A_2909, %parallel_loop3A_2916 : vector<16xf32>
        %parallel_loop3A_2918 = arith.constant 11 : i32
        %parallel_loop3A_2919 = arith.addi %parallel_loop3A_2833, %parallel_loop3A_2918 : i32
        %parallel_loop3A_2920 = arith.index_cast %parallel_loop3A_2919 : i32 to index
        %parallel_loop3A_2921 = arith.constant 0 : index
        %parallel_loop3A_2922 = tpu.vector_load %arg7[%parallel_loop3A_2920, %parallel_loop3A_2921] {strides = array<i32>} : memref<1664x16xf32, #tpu.memory_space<vmem>>, vector<16xf32>,
        %parallel_loop3A_2923 = arith.addf %parallel_loop3A_2915, %parallel_loop3A_2922 : vector<16xf32>
        %parallel_loop3A_2924 = arith.mulf %parallel_loop3A_2922, %parallel_loop3A_2922 : vector<16xf32>
        %parallel_loop3A_2925 = arith.addf %parallel_loop3A_2917, %parallel_loop3A_2924 : vector<16xf32>
        %parallel_loop3A_2926 = arith.constant 12 : i32
        %parallel_loop3A_2927 = arith.addi %parallel_loop3A_2833, %parallel_loop3A_2926 : i32
        %parallel_loop3A_2928 = arith.index_cast %parallel_loop3A_2927 : i32 to index
        %parallel_loop3A_2929 = arith.constant 0 : index
        %parallel_loop3A_2930 = tpu.vector_load %arg7[%parallel_loop3A_2928, %parallel_loop3A_2929] {strides = array<i32>} : memref<1664x16xf32, #tpu.memory_space<vmem>>, vector<16xf32>,
        %parallel_loop3A_2931 = arith.addf %parallel_loop3A_2923, %parallel_loop3A_2930 : vector<16xf32>
        %parallel_loop3A_2932 = arith.mulf %parallel_loop3A_2930, %parallel_loop3A_2930 : vector<16xf32>
        %parallel_loop3A_2933 = arith.addf %parallel_loop3A_2925, %parallel_loop3A_2932 : vector<16xf32>
        %parallel_loop3A_2934 = arith.constant 13 : i32
        %parallel_loop3A_2935 = arith.addi %parallel_loop3A_2833, %parallel_loop3A_2934 : i32
        %parallel_loop3A_2936 = arith.index_cast %parallel_loop3A_2935 : i32 to index
        %parallel_loop3A_2937 = arith.constant 0 : index
        %parallel_loop3A_2938 = tpu.vector_load %arg7[%parallel_loop3A_2936, %parallel_loop3A_2937] {strides = array<i32>} : memref<1664x16xf32, #tpu.memory_space<vmem>>, vector<16xf32>,
        %parallel_loop3A_2939 = arith.addf %parallel_loop3A_2931, %parallel_loop3A_2938 : vector<16xf32>
        %parallel_loop3A_2940 = arith.mulf %parallel_loop3A_2938, %parallel_loop3A_2938 : vector<16xf32>
        %parallel_loop3A_2941 = arith.addf %parallel_loop3A_2933, %parallel_loop3A_2940 : vector<16xf32>
        %parallel_loop3A_2942 = arith.constant 14 : i32
        %parallel_loop3A_2943 = arith.addi %parallel_loop3A_2833, %parallel_loop3A_2942 : i32
        %parallel_loop3A_2944 = arith.index_cast %parallel_loop3A_2943 : i32 to index
        %parallel_loop3A_2945 = arith.constant 0 : index
        %parallel_loop3A_2946 = tpu.vector_load %arg7[%parallel_loop3A_2944, %parallel_loop3A_2945] {strides = array<i32>} : memref<1664x16xf32, #tpu.memory_space<vmem>>, vector<16xf32>,
        %parallel_loop3A_2947 = arith.addf %parallel_loop3A_2939, %parallel_loop3A_2946 : vector<16xf32>
        %parallel_loop3A_2948 = arith.mulf %parallel_loop3A_2946, %parallel_loop3A_2946 : vector<16xf32>
        %parallel_loop3A_2949 = arith.addf %parallel_loop3A_2941, %parallel_loop3A_2948 : vector<16xf32>
        %parallel_loop3A_2950 = arith.constant 15 : i32
        %parallel_loop3A_2951 = arith.addi %parallel_loop3A_2833, %parallel_loop3A_2950 : i32
        %parallel_loop3A_2952 = arith.index_cast %parallel_loop3A_2951 : i32 to index
        %parallel_loop3A_2953 = arith.constant 0 : index
        %parallel_loop3A_2954 = tpu.vector_load %arg7[%parallel_loop3A_2952, %parallel_loop3A_2953] {strides = array<i32>} : memref<1664x16xf32, #tpu.memory_space<vmem>>, vector<16xf32>,
        %parallel_loop3A_2955 = arith.addf %parallel_loop3A_2947, %parallel_loop3A_2954 : vector<16xf32>
        %parallel_loop3A_2956 = arith.mulf %parallel_loop3A_2954, %parallel_loop3A_2954 : vector<16xf32>
        %parallel_loop3A_2957 = arith.addf %parallel_loop3A_2949, %parallel_loop3A_2956 : vector<16xf32>
        %parallel_loop3A_2958 = arith.constant 16 : i32
        %parallel_loop3A_2959 = arith.addi %parallel_loop3A_2833, %parallel_loop3A_2958 : i32
        %parallel_loop3A_2960 = arith.index_cast %parallel_loop3A_2959 : i32 to index
        %parallel_loop3A_2961 = arith.constant 0 : index
        %parallel_loop3A_2962 = tpu.vector_load %arg7[%parallel_loop3A_2960, %parallel_loop3A_2961] {strides = array<i32>} : memref<1664x16xf32, #tpu.memory_space<vmem>>, vector<16xf32>,
        %parallel_loop3A_2963 = arith.addf %parallel_loop3A_2955, %parallel_loop3A_2962 : vector<16xf32>
        %parallel_loop3A_2964 = arith.mulf %parallel_loop3A_2962, %parallel_loop3A_2962 : vector<16xf32>
        %parallel_loop3A_2965 = arith.addf %parallel_loop3A_2957, %parallel_loop3A_2964 : vector<16xf32>
        %parallel_loop3A_2966 = arith.constant 17 : i32
        %parallel_loop3A_2967 = arith.addi %parallel_loop3A_2833, %parallel_loop3A_2966 : i32
        %parallel_loop3A_2968 = arith.index_cast %parallel_loop3A_2967 : i32 to index
        %parallel_loop3A_2969 = arith.constant 0 : index
        %parallel_loop3A_2970 = tpu.vector_load %arg7[%parallel_loop3A_2968, %parallel_loop3A_2969] {strides = array<i32>} : memref<1664x16xf32, #tpu.memory_space<vmem>>, vector<16xf32>,
        %parallel_loop3A_2971 = arith.addf %parallel_loop3A_2963, %parallel_loop3A_2970 : vector<16xf32>
        %parallel_loop3A_2972 = arith.mulf %parallel_loop3A_2970, %parallel_loop3A_2970 : vector<16xf32>
        %parallel_loop3A_2973 = arith.addf %parallel_loop3A_2965, %parallel_loop3A_2972 : vector<16xf32>
        %parallel_loop3A_2974 = arith.constant 18 : i32
        %parallel_loop3A_2975 = arith.addi %parallel_loop3A_2833, %parallel_loop3A_2974 : i32
        %parallel_loop3A_2976 = arith.index_cast %parallel_loop3A_2975 : i32 to index
        %parallel_loop3A_2977 = arith.constant 0 : index
        %parallel_loop3A_2978 = tpu.vector_load %arg7[%parallel_loop3A_2976, %parallel_loop3A_2977] {strides = array<i32>} : memref<1664x16xf32, #tpu.memory_space<vmem>>, vector<16xf32>,
        %parallel_loop3A_2979 = arith.addf %parallel_loop3A_2971, %parallel_loop3A_2978 : vector<16xf32>
        %parallel_loop3A_2980 = arith.mulf %parallel_loop3A_2978, %parallel_loop3A_2978 : vector<16xf32>
        %parallel_loop3A_2981 = arith.addf %parallel_loop3A_2973, %parallel_loop3A_2980 : vector<16xf32>
        %parallel_loop3A_2982 = arith.constant 19 : i32
        %parallel_loop3A_2983 = arith.addi %parallel_loop3A_2833, %parallel_loop3A_2982 : i32
        %parallel_loop3A_2984 = arith.index_cast %parallel_loop3A_2983 : i32 to index
        %parallel_loop3A_2985 = arith.constant 0 : index
        %parallel_loop3A_2986 = tpu.vector_load %arg7[%parallel_loop3A_2984, %parallel_loop3A_2985] {strides = array<i32>} : memref<1664x16xf32, #tpu.memory_space<vmem>>, vector<16xf32>,
        %parallel_loop3A_2987 = arith.addf %parallel_loop3A_2979, %parallel_loop3A_2986 : vector<16xf32>
        %parallel_loop3A_2988 = arith.mulf %parallel_loop3A_2986, %parallel_loop3A_2986 : vector<16xf32>
        %parallel_loop3A_2989 = arith.addf %parallel_loop3A_2981, %parallel_loop3A_2988 : vector<16xf32>
        %parallel_loop3A_2990 = arith.constant 20 : i32
        %parallel_loop3A_2991 = arith.addi %parallel_loop3A_2833, %parallel_loop3A_2990 : i32
        %parallel_loop3A_2992 = arith.index_cast %parallel_loop3A_2991 : i32 to index
        %parallel_loop3A_2993 = arith.constant 0 : index
        %parallel_loop3A_2994 = tpu.vector_load %arg7[%parallel_loop3A_2992, %parallel_loop3A_2993] {strides = array<i32>} : memref<1664x16xf32, #tpu.memory_space<vmem>>, vector<16xf32>,
        %parallel_loop3A_2995 = arith.addf %parallel_loop3A_2987, %parallel_loop3A_2994 : vector<16xf32>
        %parallel_loop3A_2996 = arith.mulf %parallel_loop3A_2994, %parallel_loop3A_2994 : vector<16xf32>
        %parallel_loop3A_2997 = arith.addf %parallel_loop3A_2989, %parallel_loop3A_2996 : vector<16xf32>
        %parallel_loop3A_2998 = arith.constant 21 : i32
        %parallel_loop3A_2999 = arith.addi %parallel_loop3A_2833, %parallel_loop3A_2998 : i32
        %parallel_loop3A_3000 = arith.index_cast %parallel_loop3A_2999 : i32 to index
        %parallel_loop3A_3001 = arith.constant 0 : index
        %parallel_loop3A_3002 = tpu.vector_load %arg7[%parallel_loop3A_3000, %parallel_loop3A_3001] {strides = array<i32>} : memref<1664x16xf32, #tpu.memory_space<vmem>>, vector<16xf32>,
        %parallel_loop3A_3003 = arith.addf %parallel_loop3A_2995, %parallel_loop3A_3002 : vector<16xf32>
        %parallel_loop3A_3004 = arith.mulf %parallel_loop3A_3002, %parallel_loop3A_3002 : vector<16xf32>
        %parallel_loop3A_3005 = arith.addf %parallel_loop3A_2997, %parallel_loop3A_3004 : vector<16xf32>
        %parallel_loop3A_3006 = arith.constant 22 : i32
        %parallel_loop3A_3007 = arith.addi %parallel_loop3A_2833, %parallel_loop3A_3006 : i32
        %parallel_loop3A_3008 = arith.index_cast %parallel_loop3A_3007 : i32 to index
        %parallel_loop3A_3009 = arith.constant 0 : index
        %parallel_loop3A_3010 = tpu.vector_load %arg7[%parallel_loop3A_3008, %parallel_loop3A_3009] {strides = array<i32>} : memref<1664x16xf32, #tpu.memory_space<vmem>>, vector<16xf32>,
        %parallel_loop3A_3011 = arith.addf %parallel_loop3A_3003, %parallel_loop3A_3010 : vector<16xf32>
        %parallel_loop3A_3012 = arith.mulf %parallel_loop3A_3010, %parallel_loop3A_3010 : vector<16xf32>
        %parallel_loop3A_3013 = arith.addf %parallel_loop3A_3005, %parallel_loop3A_3012 : vector<16xf32>
        %parallel_loop3A_3014 = arith.constant 23 : i32
        %parallel_loop3A_3015 = arith.addi %parallel_loop3A_2833, %parallel_loop3A_3014 : i32
        %parallel_loop3A_3016 = arith.index_cast %parallel_loop3A_3015 : i32 to index
        %parallel_loop3A_3017 = arith.constant 0 : index
        %parallel_loop3A_3018 = tpu.vector_load %arg7[%parallel_loop3A_3016, %parallel_loop3A_3017] {strides = array<i32>} : memref<1664x16xf32, #tpu.memory_space<vmem>>, vector<16xf32>,
        %parallel_loop3A_3019 = arith.addf %parallel_loop3A_3011, %parallel_loop3A_3018 : vector<16xf32>
        %parallel_loop3A_3020 = arith.mulf %parallel_loop3A_3018, %parallel_loop3A_3018 : vector<16xf32>
        %parallel_loop3A_3021 = arith.addf %parallel_loop3A_3013, %parallel_loop3A_3020 : vector<16xf32>
        %parallel_loop3A_3022 = arith.constant 24 : i32
        %parallel_loop3A_3023 = arith.addi %parallel_loop3A_2833, %parallel_loop3A_3022 : i32
        %parallel_loop3A_3024 = arith.index_cast %parallel_loop3A_3023 : i32 to index
        %parallel_loop3A_3025 = arith.constant 0 : index
        %parallel_loop3A_3026 = tpu.vector_load %arg7[%parallel_loop3A_3024, %parallel_loop3A_3025] {strides = array<i32>} : memref<1664x16xf32, #tpu.memory_space<vmem>>, vector<16xf32>,
        %parallel_loop3A_3027 = arith.addf %parallel_loop3A_3019, %parallel_loop3A_3026 : vector<16xf32>
        %parallel_loop3A_3028 = arith.mulf %parallel_loop3A_3026, %parallel_loop3A_3026 : vector<16xf32>
        %parallel_loop3A_3029 = arith.addf %parallel_loop3A_3021, %parallel_loop3A_3028 : vector<16xf32>
        %parallel_loop3A_3030 = arith.constant 25 : i32
        %parallel_loop3A_3031 = arith.addi %parallel_loop3A_2833, %parallel_loop3A_3030 : i32
        %parallel_loop3A_3032 = arith.index_cast %parallel_loop3A_3031 : i32 to index
        %parallel_loop3A_3033 = arith.constant 0 : index
        %parallel_loop3A_3034 = tpu.vector_load %arg7[%parallel_loop3A_3032, %parallel_loop3A_3033] {strides = array<i32>} : memref<1664x16xf32, #tpu.memory_space<vmem>>, vector<16xf32>,
        %parallel_loop3A_3035 = arith.addf %parallel_loop3A_3027, %parallel_loop3A_3034 : vector<16xf32>
        %parallel_loop3A_3036 = arith.mulf %parallel_loop3A_3034, %parallel_loop3A_3034 : vector<16xf32>
        %parallel_loop3A_3037 = arith.addf %parallel_loop3A_3029, %parallel_loop3A_3036 : vector<16xf32>
        %parallel_loop3A_3038 = arith.index_cast %parallel_loop3A_2833 : i32 to index
        %parallel_loop3A_3039 = tpu.vector_load %arg8[%parallel_loop3A_3038] {strides = array<i32>} : memref<1680xf32, #tpu.memory_space<vmem>>, vector<16xf32>,
        %parallel_loop3A_3040 = arith.constant 16 : i32
        %parallel_loop3A_3041 = arith.addi %parallel_loop3A_2833, %parallel_loop3A_3040 : i32
        %parallel_loop3A_3042 = arith.index_cast %parallel_loop3A_3041 : i32 to index
        %parallel_loop3A_3043 = tpu.vector_load %arg8[%parallel_loop3A_3042] {strides = array<i32>} : memref<1680xf32, #tpu.memory_space<vmem>>, vector<16xf32>,
        %parallel_loop3A_3044 = arith.mulf %parallel_loop3A_3035, %parallel_loop3A_3035 : vector<16xf32>
        %parallel_loop3A_3045 = arith.subf %parallel_loop3A_3044, %parallel_loop3A_3037 : vector<16xf32>
        %parallel_loop3A_3046 = arith.constant 5.000000e-01 : f32
        %parallel_loop3A_3047 = vector.broadcast %parallel_loop3A_3046 : f32 to vector<16xf32>
        %parallel_loop3A_3048 = arith.mulf %parallel_loop3A_3047, %parallel_loop3A_3045 : vector<16xf32>
        %parallel_loop3A_3049 = arith.addf %parallel_loop3A_3048, %parallel_loop3A_3039 : vector<16xf32>
        %parallel_loop3A_3050 = arith.constant 0.000000e+00 : f32
        %parallel_loop3A_3051 = vector.broadcast %parallel_loop3A_3050 : f32 to vector<16xf32>
        %parallel_loop3A_3052 = arith.select %lt3A_4, %parallel_loop3A_3043, %parallel_loop3A_3051 : vector<16xi1>, vector<16xf32>
        %parallel_loop3A_3053 = arith.addf %parallel_loop3A_3049, %parallel_loop3A_3052 : vector<16xf32>
        %parallel_loop3A_3054 = vector.shape_cast %reshape3A : vector<16x1xi32> to vector<16xi32>
        %parallel_loop3A_3055 = tpu.dynamic_gather %parallel_loop3A_3053[%parallel_loop3A_3054] in [0] : vector<16xf32>, vector<16xi32> -> vector<16xf32>
        %parallel_loop3A_3056 = arith.addf %parallel_loop3A_3053, %parallel_loop3A_3055 : vector<16xf32>
        %parallel_loop3A_3057 = vector.shape_cast %reshape3A_10 : vector<16x1xi32> to vector<16xi32>
        %parallel_loop3A_3058 = tpu.dynamic_gather %parallel_loop3A_3056[%parallel_loop3A_3057] in [0] : vector<16xf32>, vector<16xi32> -> vector<16xf32>
        %parallel_loop3A_3059 = arith.addf %parallel_loop3A_3056, %parallel_loop3A_3058 : vector<16xf32>
        %parallel_loop3A_3060 = vector.shape_cast %reshape3A_14 : vector<16x1xi32> to vector<16xi32>
        %parallel_loop3A_3061 = tpu.dynamic_gather %parallel_loop3A_3059[%parallel_loop3A_3060] in [0] : vector<16xf32>, vector<16xi32> -> vector<16xf32>
        %parallel_loop3A_3062 = arith.addf %parallel_loop3A_3059, %parallel_loop3A_3061 : vector<16xf32>
        %parallel_loop3A_3063 = vector.shape_cast %reshape3A_18 : vector<16x1xi32> to vector<16xi32>
        %parallel_loop3A_3064 = tpu.dynamic_gather %parallel_loop3A_3062[%parallel_loop3A_3063] in [0] : vector<16xf32>, vector<16xi32> -> vector<16xf32>
        %parallel_loop3A_3065 = arith.addf %parallel_loop3A_3062, %parallel_loop3A_3064 : vector<16xf32>
        %parallel_loop3A_3066 = arith.constant 0 : i32
        %parallel_loop3A_3067 = vector.broadcast %parallel_loop3A_3066 : i32 to vector<16xi32>
        %parallel_loop3A_3068 = arith.muli %iota3A, %parallel_loop3A_3067 : vector<16xi32>
        %parallel_loop3A_3069 = arith.constant 64 : i32
        %parallel_loop3A_3070 = arith.muli %scan3A_24, %parallel_loop3A_3069 : i32
        %parallel_loop3A_3071 = arith.constant 16 : i32
        %parallel_loop3A_3072 = arith.muli %parallel_loop3A_44, %parallel_loop3A_3071 : i32
        %parallel_loop3A_3073 = arith.addi %parallel_loop3A_3070, %parallel_loop3A_3072 : i32
        %parallel_loop3A_3074 = arith.constant 11 : i32
        %parallel_loop3A_3075 = arith.addi %parallel_loop3A_3073, %parallel_loop3A_3074 : i32
        %parallel_loop3A_3076 = vector.broadcast %parallel_loop3A_3075 : i32 to vector<16xi32>
        %parallel_loop3A_3077 = arith.addi %parallel_loop3A_3068, %parallel_loop3A_3076 : vector<16xi32>
        %parallel_loop3A_3078 = arith.constant 11 : i32
        %parallel_loop3A_3079 = vector.broadcast %parallel_loop3A_3078 : i32 to vector<16xi32>
        %parallel_loop3A_3080 = arith.cmpi eq, %iota3A, %parallel_loop3A_3079 : vector<16xi32>
        tpu.vector_store_idx %arg9[%parallel_loop3A_3077], %parallel_loop3A_3065 masked %parallel_loop3A_3080 : memref<512xf32, #tpu.memory_space<vmem>>[vector<16xi32>], vector<16xf32>, vector<16xi1>
        %parallel_loop3A_3081 = arith.constant 16 : i32
        %parallel_loop3A_3082 = arith.muli %parallel_loop3A_44, %parallel_loop3A_3081 : i32
        %parallel_loop3A_3083 = arith.constant 12 : i32
        %parallel_loop3A_3084 = arith.addi %parallel_loop3A_3082, %parallel_loop3A_3083 : i32
        %parallel_loop3A_3085 = arith.constant 26 : i32
        %parallel_loop3A_3086 = arith.muli %parallel_loop3A_3084, %parallel_loop3A_3085 : i32
        %parallel_loop3A_3087 = arith.index_cast %parallel_loop3A_3086 : i32 to index
        %parallel_loop3A_3088 = arith.constant 0 : index
        %parallel_loop3A_3089 = tpu.vector_load %arg7[%parallel_loop3A_3087, %parallel_loop3A_3088] {strides = array<i32>} : memref<1664x16xf32, #tpu.memory_space<vmem>>, vector<16xf32>,
        %parallel_loop3A_3090 = arith.mulf %parallel_loop3A_3089, %parallel_loop3A_3089 : vector<16xf32>
        %parallel_loop3A_3091 = arith.constant 1 : i32
        %parallel_loop3A_3092 = arith.addi %parallel_loop3A_3086, %parallel_loop3A_3091 : i32
        %parallel_loop3A_3093 = arith.index_cast %parallel_loop3A_3092 : i32 to index
        %parallel_loop3A_3094 = arith.constant 0 : index
        %parallel_loop3A_3095 = tpu.vector_load %arg7[%parallel_loop3A_3093, %parallel_loop3A_3094] {strides = array<i32>} : memref<1664x16xf32, #tpu.memory_space<vmem>>, vector<16xf32>,
        %parallel_loop3A_3096 = arith.addf %parallel_loop3A_3089, %parallel_loop3A_3095 : vector<16xf32>
        %parallel_loop3A_3097 = arith.mulf %parallel_loop3A_3095, %parallel_loop3A_3095 : vector<16xf32>
        %parallel_loop3A_3098 = arith.addf %parallel_loop3A_3090, %parallel_loop3A_3097 : vector<16xf32>
        %parallel_loop3A_3099 = arith.constant 2 : i32
        %parallel_loop3A_3100 = arith.addi %parallel_loop3A_3086, %parallel_loop3A_3099 : i32
        %parallel_loop3A_3101 = arith.index_cast %parallel_loop3A_3100 : i32 to index
        %parallel_loop3A_3102 = arith.constant 0 : index
        %parallel_loop3A_3103 = tpu.vector_load %arg7[%parallel_loop3A_3101, %parallel_loop3A_3102] {strides = array<i32>} : memref<1664x16xf32, #tpu.memory_space<vmem>>, vector<16xf32>,
        %parallel_loop3A_3104 = arith.addf %parallel_loop3A_3096, %parallel_loop3A_3103 : vector<16xf32>
        %parallel_loop3A_3105 = arith.mulf %parallel_loop3A_3103, %parallel_loop3A_3103 : vector<16xf32>
        %parallel_loop3A_3106 = arith.addf %parallel_loop3A_3098, %parallel_loop3A_3105 : vector<16xf32>
        %parallel_loop3A_3107 = arith.constant 3 : i32
        %parallel_loop3A_3108 = arith.addi %parallel_loop3A_3086, %parallel_loop3A_3107 : i32
        %parallel_loop3A_3109 = arith.index_cast %parallel_loop3A_3108 : i32 to index
        %parallel_loop3A_3110 = arith.constant 0 : index
        %parallel_loop3A_3111 = tpu.vector_load %arg7[%parallel_loop3A_3109, %parallel_loop3A_3110] {strides = array<i32>} : memref<1664x16xf32, #tpu.memory_space<vmem>>, vector<16xf32>,
        %parallel_loop3A_3112 = arith.addf %parallel_loop3A_3104, %parallel_loop3A_3111 : vector<16xf32>
        %parallel_loop3A_3113 = arith.mulf %parallel_loop3A_3111, %parallel_loop3A_3111 : vector<16xf32>
        %parallel_loop3A_3114 = arith.addf %parallel_loop3A_3106, %parallel_loop3A_3113 : vector<16xf32>
        %parallel_loop3A_3115 = arith.constant 4 : i32
        %parallel_loop3A_3116 = arith.addi %parallel_loop3A_3086, %parallel_loop3A_3115 : i32
        %parallel_loop3A_3117 = arith.index_cast %parallel_loop3A_3116 : i32 to index
        %parallel_loop3A_3118 = arith.constant 0 : index
        %parallel_loop3A_3119 = tpu.vector_load %arg7[%parallel_loop3A_3117, %parallel_loop3A_3118] {strides = array<i32>} : memref<1664x16xf32, #tpu.memory_space<vmem>>, vector<16xf32>,
        %parallel_loop3A_3120 = arith.addf %parallel_loop3A_3112, %parallel_loop3A_3119 : vector<16xf32>
        %parallel_loop3A_3121 = arith.mulf %parallel_loop3A_3119, %parallel_loop3A_3119 : vector<16xf32>
        %parallel_loop3A_3122 = arith.addf %parallel_loop3A_3114, %parallel_loop3A_3121 : vector<16xf32>
        %parallel_loop3A_3123 = arith.constant 5 : i32
        %parallel_loop3A_3124 = arith.addi %parallel_loop3A_3086, %parallel_loop3A_3123 : i32
        %parallel_loop3A_3125 = arith.index_cast %parallel_loop3A_3124 : i32 to index
        %parallel_loop3A_3126 = arith.constant 0 : index
        %parallel_loop3A_3127 = tpu.vector_load %arg7[%parallel_loop3A_3125, %parallel_loop3A_3126] {strides = array<i32>} : memref<1664x16xf32, #tpu.memory_space<vmem>>, vector<16xf32>,
        %parallel_loop3A_3128 = arith.addf %parallel_loop3A_3120, %parallel_loop3A_3127 : vector<16xf32>
        %parallel_loop3A_3129 = arith.mulf %parallel_loop3A_3127, %parallel_loop3A_3127 : vector<16xf32>
        %parallel_loop3A_3130 = arith.addf %parallel_loop3A_3122, %parallel_loop3A_3129 : vector<16xf32>
        %parallel_loop3A_3131 = arith.constant 6 : i32
        %parallel_loop3A_3132 = arith.addi %parallel_loop3A_3086, %parallel_loop3A_3131 : i32
        %parallel_loop3A_3133 = arith.index_cast %parallel_loop3A_3132 : i32 to index
        %parallel_loop3A_3134 = arith.constant 0 : index
        %parallel_loop3A_3135 = tpu.vector_load %arg7[%parallel_loop3A_3133, %parallel_loop3A_3134] {strides = array<i32>} : memref<1664x16xf32, #tpu.memory_space<vmem>>, vector<16xf32>,
        %parallel_loop3A_3136 = arith.addf %parallel_loop3A_3128, %parallel_loop3A_3135 : vector<16xf32>
        %parallel_loop3A_3137 = arith.mulf %parallel_loop3A_3135, %parallel_loop3A_3135 : vector<16xf32>
        %parallel_loop3A_3138 = arith.addf %parallel_loop3A_3130, %parallel_loop3A_3137 : vector<16xf32>
        %parallel_loop3A_3139 = arith.constant 7 : i32
        %parallel_loop3A_3140 = arith.addi %parallel_loop3A_3086, %parallel_loop3A_3139 : i32
        %parallel_loop3A_3141 = arith.index_cast %parallel_loop3A_3140 : i32 to index
        %parallel_loop3A_3142 = arith.constant 0 : index
        %parallel_loop3A_3143 = tpu.vector_load %arg7[%parallel_loop3A_3141, %parallel_loop3A_3142] {strides = array<i32>} : memref<1664x16xf32, #tpu.memory_space<vmem>>, vector<16xf32>,
        %parallel_loop3A_3144 = arith.addf %parallel_loop3A_3136, %parallel_loop3A_3143 : vector<16xf32>
        %parallel_loop3A_3145 = arith.mulf %parallel_loop3A_3143, %parallel_loop3A_3143 : vector<16xf32>
        %parallel_loop3A_3146 = arith.addf %parallel_loop3A_3138, %parallel_loop3A_3145 : vector<16xf32>
        %parallel_loop3A_3147 = arith.constant 8 : i32
        %parallel_loop3A_3148 = arith.addi %parallel_loop3A_3086, %parallel_loop3A_3147 : i32
        %parallel_loop3A_3149 = arith.index_cast %parallel_loop3A_3148 : i32 to index
        %parallel_loop3A_3150 = arith.constant 0 : index
        %parallel_loop3A_3151 = tpu.vector_load %arg7[%parallel_loop3A_3149, %parallel_loop3A_3150] {strides = array<i32>} : memref<1664x16xf32, #tpu.memory_space<vmem>>, vector<16xf32>,
        %parallel_loop3A_3152 = arith.addf %parallel_loop3A_3144, %parallel_loop3A_3151 : vector<16xf32>
        %parallel_loop3A_3153 = arith.mulf %parallel_loop3A_3151, %parallel_loop3A_3151 : vector<16xf32>
        %parallel_loop3A_3154 = arith.addf %parallel_loop3A_3146, %parallel_loop3A_3153 : vector<16xf32>
        %parallel_loop3A_3155 = arith.constant 9 : i32
        %parallel_loop3A_3156 = arith.addi %parallel_loop3A_3086, %parallel_loop3A_3155 : i32
        %parallel_loop3A_3157 = arith.index_cast %parallel_loop3A_3156 : i32 to index
        %parallel_loop3A_3158 = arith.constant 0 : index
        %parallel_loop3A_3159 = tpu.vector_load %arg7[%parallel_loop3A_3157, %parallel_loop3A_3158] {strides = array<i32>} : memref<1664x16xf32, #tpu.memory_space<vmem>>, vector<16xf32>,
        %parallel_loop3A_3160 = arith.addf %parallel_loop3A_3152, %parallel_loop3A_3159 : vector<16xf32>
        %parallel_loop3A_3161 = arith.mulf %parallel_loop3A_3159, %parallel_loop3A_3159 : vector<16xf32>
        %parallel_loop3A_3162 = arith.addf %parallel_loop3A_3154, %parallel_loop3A_3161 : vector<16xf32>
        %parallel_loop3A_3163 = arith.constant 10 : i32
        %parallel_loop3A_3164 = arith.addi %parallel_loop3A_3086, %parallel_loop3A_3163 : i32
        %parallel_loop3A_3165 = arith.index_cast %parallel_loop3A_3164 : i32 to index
        %parallel_loop3A_3166 = arith.constant 0 : index
        %parallel_loop3A_3167 = tpu.vector_load %arg7[%parallel_loop3A_3165, %parallel_loop3A_3166] {strides = array<i32>} : memref<1664x16xf32, #tpu.memory_space<vmem>>, vector<16xf32>,
        %parallel_loop3A_3168 = arith.addf %parallel_loop3A_3160, %parallel_loop3A_3167 : vector<16xf32>
        %parallel_loop3A_3169 = arith.mulf %parallel_loop3A_3167, %parallel_loop3A_3167 : vector<16xf32>
        %parallel_loop3A_3170 = arith.addf %parallel_loop3A_3162, %parallel_loop3A_3169 : vector<16xf32>
        %parallel_loop3A_3171 = arith.constant 11 : i32
        %parallel_loop3A_3172 = arith.addi %parallel_loop3A_3086, %parallel_loop3A_3171 : i32
        %parallel_loop3A_3173 = arith.index_cast %parallel_loop3A_3172 : i32 to index
        %parallel_loop3A_3174 = arith.constant 0 : index
        %parallel_loop3A_3175 = tpu.vector_load %arg7[%parallel_loop3A_3173, %parallel_loop3A_3174] {strides = array<i32>} : memref<1664x16xf32, #tpu.memory_space<vmem>>, vector<16xf32>,
        %parallel_loop3A_3176 = arith.addf %parallel_loop3A_3168, %parallel_loop3A_3175 : vector<16xf32>
        %parallel_loop3A_3177 = arith.mulf %parallel_loop3A_3175, %parallel_loop3A_3175 : vector<16xf32>
        %parallel_loop3A_3178 = arith.addf %parallel_loop3A_3170, %parallel_loop3A_3177 : vector<16xf32>
        %parallel_loop3A_3179 = arith.constant 12 : i32
        %parallel_loop3A_3180 = arith.addi %parallel_loop3A_3086, %parallel_loop3A_3179 : i32
        %parallel_loop3A_3181 = arith.index_cast %parallel_loop3A_3180 : i32 to index
        %parallel_loop3A_3182 = arith.constant 0 : index
        %parallel_loop3A_3183 = tpu.vector_load %arg7[%parallel_loop3A_3181, %parallel_loop3A_3182] {strides = array<i32>} : memref<1664x16xf32, #tpu.memory_space<vmem>>, vector<16xf32>,
        %parallel_loop3A_3184 = arith.addf %parallel_loop3A_3176, %parallel_loop3A_3183 : vector<16xf32>
        %parallel_loop3A_3185 = arith.mulf %parallel_loop3A_3183, %parallel_loop3A_3183 : vector<16xf32>
        %parallel_loop3A_3186 = arith.addf %parallel_loop3A_3178, %parallel_loop3A_3185 : vector<16xf32>
        %parallel_loop3A_3187 = arith.constant 13 : i32
        %parallel_loop3A_3188 = arith.addi %parallel_loop3A_3086, %parallel_loop3A_3187 : i32
        %parallel_loop3A_3189 = arith.index_cast %parallel_loop3A_3188 : i32 to index
        %parallel_loop3A_3190 = arith.constant 0 : index
        %parallel_loop3A_3191 = tpu.vector_load %arg7[%parallel_loop3A_3189, %parallel_loop3A_3190] {strides = array<i32>} : memref<1664x16xf32, #tpu.memory_space<vmem>>, vector<16xf32>,
        %parallel_loop3A_3192 = arith.addf %parallel_loop3A_3184, %parallel_loop3A_3191 : vector<16xf32>
        %parallel_loop3A_3193 = arith.mulf %parallel_loop3A_3191, %parallel_loop3A_3191 : vector<16xf32>
        %parallel_loop3A_3194 = arith.addf %parallel_loop3A_3186, %parallel_loop3A_3193 : vector<16xf32>
        %parallel_loop3A_3195 = arith.constant 14 : i32
        %parallel_loop3A_3196 = arith.addi %parallel_loop3A_3086, %parallel_loop3A_3195 : i32
        %parallel_loop3A_3197 = arith.index_cast %parallel_loop3A_3196 : i32 to index
        %parallel_loop3A_3198 = arith.constant 0 : index
        %parallel_loop3A_3199 = tpu.vector_load %arg7[%parallel_loop3A_3197, %parallel_loop3A_3198] {strides = array<i32>} : memref<1664x16xf32, #tpu.memory_space<vmem>>, vector<16xf32>,
        %parallel_loop3A_3200 = arith.addf %parallel_loop3A_3192, %parallel_loop3A_3199 : vector<16xf32>
        %parallel_loop3A_3201 = arith.mulf %parallel_loop3A_3199, %parallel_loop3A_3199 : vector<16xf32>
        %parallel_loop3A_3202 = arith.addf %parallel_loop3A_3194, %parallel_loop3A_3201 : vector<16xf32>
        %parallel_loop3A_3203 = arith.constant 15 : i32
        %parallel_loop3A_3204 = arith.addi %parallel_loop3A_3086, %parallel_loop3A_3203 : i32
        %parallel_loop3A_3205 = arith.index_cast %parallel_loop3A_3204 : i32 to index
        %parallel_loop3A_3206 = arith.constant 0 : index
        %parallel_loop3A_3207 = tpu.vector_load %arg7[%parallel_loop3A_3205, %parallel_loop3A_3206] {strides = array<i32>} : memref<1664x16xf32, #tpu.memory_space<vmem>>, vector<16xf32>,
        %parallel_loop3A_3208 = arith.addf %parallel_loop3A_3200, %parallel_loop3A_3207 : vector<16xf32>
        %parallel_loop3A_3209 = arith.mulf %parallel_loop3A_3207, %parallel_loop3A_3207 : vector<16xf32>
        %parallel_loop3A_3210 = arith.addf %parallel_loop3A_3202, %parallel_loop3A_3209 : vector<16xf32>
        %parallel_loop3A_3211 = arith.constant 16 : i32
        %parallel_loop3A_3212 = arith.addi %parallel_loop3A_3086, %parallel_loop3A_3211 : i32
        %parallel_loop3A_3213 = arith.index_cast %parallel_loop3A_3212 : i32 to index
        %parallel_loop3A_3214 = arith.constant 0 : index
        %parallel_loop3A_3215 = tpu.vector_load %arg7[%parallel_loop3A_3213, %parallel_loop3A_3214] {strides = array<i32>} : memref<1664x16xf32, #tpu.memory_space<vmem>>, vector<16xf32>,
        %parallel_loop3A_3216 = arith.addf %parallel_loop3A_3208, %parallel_loop3A_3215 : vector<16xf32>
        %parallel_loop3A_3217 = arith.mulf %parallel_loop3A_3215, %parallel_loop3A_3215 : vector<16xf32>
        %parallel_loop3A_3218 = arith.addf %parallel_loop3A_3210, %parallel_loop3A_3217 : vector<16xf32>
        %parallel_loop3A_3219 = arith.constant 17 : i32
        %parallel_loop3A_3220 = arith.addi %parallel_loop3A_3086, %parallel_loop3A_3219 : i32
        %parallel_loop3A_3221 = arith.index_cast %parallel_loop3A_3220 : i32 to index
        %parallel_loop3A_3222 = arith.constant 0 : index
        %parallel_loop3A_3223 = tpu.vector_load %arg7[%parallel_loop3A_3221, %parallel_loop3A_3222] {strides = array<i32>} : memref<1664x16xf32, #tpu.memory_space<vmem>>, vector<16xf32>,
        %parallel_loop3A_3224 = arith.addf %parallel_loop3A_3216, %parallel_loop3A_3223 : vector<16xf32>
        %parallel_loop3A_3225 = arith.mulf %parallel_loop3A_3223, %parallel_loop3A_3223 : vector<16xf32>
        %parallel_loop3A_3226 = arith.addf %parallel_loop3A_3218, %parallel_loop3A_3225 : vector<16xf32>
        %parallel_loop3A_3227 = arith.constant 18 : i32
        %parallel_loop3A_3228 = arith.addi %parallel_loop3A_3086, %parallel_loop3A_3227 : i32
        %parallel_loop3A_3229 = arith.index_cast %parallel_loop3A_3228 : i32 to index
        %parallel_loop3A_3230 = arith.constant 0 : index
        %parallel_loop3A_3231 = tpu.vector_load %arg7[%parallel_loop3A_3229, %parallel_loop3A_3230] {strides = array<i32>} : memref<1664x16xf32, #tpu.memory_space<vmem>>, vector<16xf32>,
        %parallel_loop3A_3232 = arith.addf %parallel_loop3A_3224, %parallel_loop3A_3231 : vector<16xf32>
        %parallel_loop3A_3233 = arith.mulf %parallel_loop3A_3231, %parallel_loop3A_3231 : vector<16xf32>
        %parallel_loop3A_3234 = arith.addf %parallel_loop3A_3226, %parallel_loop3A_3233 : vector<16xf32>
        %parallel_loop3A_3235 = arith.constant 19 : i32
        %parallel_loop3A_3236 = arith.addi %parallel_loop3A_3086, %parallel_loop3A_3235 : i32
        %parallel_loop3A_3237 = arith.index_cast %parallel_loop3A_3236 : i32 to index
        %parallel_loop3A_3238 = arith.constant 0 : index
        %parallel_loop3A_3239 = tpu.vector_load %arg7[%parallel_loop3A_3237, %parallel_loop3A_3238] {strides = array<i32>} : memref<1664x16xf32, #tpu.memory_space<vmem>>, vector<16xf32>,
        %parallel_loop3A_3240 = arith.addf %parallel_loop3A_3232, %parallel_loop3A_3239 : vector<16xf32>
        %parallel_loop3A_3241 = arith.mulf %parallel_loop3A_3239, %parallel_loop3A_3239 : vector<16xf32>
        %parallel_loop3A_3242 = arith.addf %parallel_loop3A_3234, %parallel_loop3A_3241 : vector<16xf32>
        %parallel_loop3A_3243 = arith.constant 20 : i32
        %parallel_loop3A_3244 = arith.addi %parallel_loop3A_3086, %parallel_loop3A_3243 : i32
        %parallel_loop3A_3245 = arith.index_cast %parallel_loop3A_3244 : i32 to index
        %parallel_loop3A_3246 = arith.constant 0 : index
        %parallel_loop3A_3247 = tpu.vector_load %arg7[%parallel_loop3A_3245, %parallel_loop3A_3246] {strides = array<i32>} : memref<1664x16xf32, #tpu.memory_space<vmem>>, vector<16xf32>,
        %parallel_loop3A_3248 = arith.addf %parallel_loop3A_3240, %parallel_loop3A_3247 : vector<16xf32>
        %parallel_loop3A_3249 = arith.mulf %parallel_loop3A_3247, %parallel_loop3A_3247 : vector<16xf32>
        %parallel_loop3A_3250 = arith.addf %parallel_loop3A_3242, %parallel_loop3A_3249 : vector<16xf32>
        %parallel_loop3A_3251 = arith.constant 21 : i32
        %parallel_loop3A_3252 = arith.addi %parallel_loop3A_3086, %parallel_loop3A_3251 : i32
        %parallel_loop3A_3253 = arith.index_cast %parallel_loop3A_3252 : i32 to index
        %parallel_loop3A_3254 = arith.constant 0 : index
        %parallel_loop3A_3255 = tpu.vector_load %arg7[%parallel_loop3A_3253, %parallel_loop3A_3254] {strides = array<i32>} : memref<1664x16xf32, #tpu.memory_space<vmem>>, vector<16xf32>,
        %parallel_loop3A_3256 = arith.addf %parallel_loop3A_3248, %parallel_loop3A_3255 : vector<16xf32>
        %parallel_loop3A_3257 = arith.mulf %parallel_loop3A_3255, %parallel_loop3A_3255 : vector<16xf32>
        %parallel_loop3A_3258 = arith.addf %parallel_loop3A_3250, %parallel_loop3A_3257 : vector<16xf32>
        %parallel_loop3A_3259 = arith.constant 22 : i32
        %parallel_loop3A_3260 = arith.addi %parallel_loop3A_3086, %parallel_loop3A_3259 : i32
        %parallel_loop3A_3261 = arith.index_cast %parallel_loop3A_3260 : i32 to index
        %parallel_loop3A_3262 = arith.constant 0 : index
        %parallel_loop3A_3263 = tpu.vector_load %arg7[%parallel_loop3A_3261, %parallel_loop3A_3262] {strides = array<i32>} : memref<1664x16xf32, #tpu.memory_space<vmem>>, vector<16xf32>,
        %parallel_loop3A_3264 = arith.addf %parallel_loop3A_3256, %parallel_loop3A_3263 : vector<16xf32>
        %parallel_loop3A_3265 = arith.mulf %parallel_loop3A_3263, %parallel_loop3A_3263 : vector<16xf32>
        %parallel_loop3A_3266 = arith.addf %parallel_loop3A_3258, %parallel_loop3A_3265 : vector<16xf32>
        %parallel_loop3A_3267 = arith.constant 23 : i32
        %parallel_loop3A_3268 = arith.addi %parallel_loop3A_3086, %parallel_loop3A_3267 : i32
        %parallel_loop3A_3269 = arith.index_cast %parallel_loop3A_3268 : i32 to index
        %parallel_loop3A_3270 = arith.constant 0 : index
        %parallel_loop3A_3271 = tpu.vector_load %arg7[%parallel_loop3A_3269, %parallel_loop3A_3270] {strides = array<i32>} : memref<1664x16xf32, #tpu.memory_space<vmem>>, vector<16xf32>,
        %parallel_loop3A_3272 = arith.addf %parallel_loop3A_3264, %parallel_loop3A_3271 : vector<16xf32>
        %parallel_loop3A_3273 = arith.mulf %parallel_loop3A_3271, %parallel_loop3A_3271 : vector<16xf32>
        %parallel_loop3A_3274 = arith.addf %parallel_loop3A_3266, %parallel_loop3A_3273 : vector<16xf32>
        %parallel_loop3A_3275 = arith.constant 24 : i32
        %parallel_loop3A_3276 = arith.addi %parallel_loop3A_3086, %parallel_loop3A_3275 : i32
        %parallel_loop3A_3277 = arith.index_cast %parallel_loop3A_3276 : i32 to index
        %parallel_loop3A_3278 = arith.constant 0 : index
        %parallel_loop3A_3279 = tpu.vector_load %arg7[%parallel_loop3A_3277, %parallel_loop3A_3278] {strides = array<i32>} : memref<1664x16xf32, #tpu.memory_space<vmem>>, vector<16xf32>,
        %parallel_loop3A_3280 = arith.addf %parallel_loop3A_3272, %parallel_loop3A_3279 : vector<16xf32>
        %parallel_loop3A_3281 = arith.mulf %parallel_loop3A_3279, %parallel_loop3A_3279 : vector<16xf32>
        %parallel_loop3A_3282 = arith.addf %parallel_loop3A_3274, %parallel_loop3A_3281 : vector<16xf32>
        %parallel_loop3A_3283 = arith.constant 25 : i32
        %parallel_loop3A_3284 = arith.addi %parallel_loop3A_3086, %parallel_loop3A_3283 : i32
        %parallel_loop3A_3285 = arith.index_cast %parallel_loop3A_3284 : i32 to index
        %parallel_loop3A_3286 = arith.constant 0 : index
        %parallel_loop3A_3287 = tpu.vector_load %arg7[%parallel_loop3A_3285, %parallel_loop3A_3286] {strides = array<i32>} : memref<1664x16xf32, #tpu.memory_space<vmem>>, vector<16xf32>,
        %parallel_loop3A_3288 = arith.addf %parallel_loop3A_3280, %parallel_loop3A_3287 : vector<16xf32>
        %parallel_loop3A_3289 = arith.mulf %parallel_loop3A_3287, %parallel_loop3A_3287 : vector<16xf32>
        %parallel_loop3A_3290 = arith.addf %parallel_loop3A_3282, %parallel_loop3A_3289 : vector<16xf32>
        %parallel_loop3A_3291 = arith.index_cast %parallel_loop3A_3086 : i32 to index
        %parallel_loop3A_3292 = tpu.vector_load %arg8[%parallel_loop3A_3291] {strides = array<i32>} : memref<1680xf32, #tpu.memory_space<vmem>>, vector<16xf32>,
        %parallel_loop3A_3293 = arith.constant 16 : i32
        %parallel_loop3A_3294 = arith.addi %parallel_loop3A_3086, %parallel_loop3A_3293 : i32
        %parallel_loop3A_3295 = arith.index_cast %parallel_loop3A_3294 : i32 to index
        %parallel_loop3A_3296 = tpu.vector_load %arg8[%parallel_loop3A_3295] {strides = array<i32>} : memref<1680xf32, #tpu.memory_space<vmem>>, vector<16xf32>,
        %parallel_loop3A_3297 = arith.mulf %parallel_loop3A_3288, %parallel_loop3A_3288 : vector<16xf32>
        %parallel_loop3A_3298 = arith.subf %parallel_loop3A_3297, %parallel_loop3A_3290 : vector<16xf32>
        %parallel_loop3A_3299 = arith.constant 5.000000e-01 : f32
        %parallel_loop3A_3300 = vector.broadcast %parallel_loop3A_3299 : f32 to vector<16xf32>
        %parallel_loop3A_3301 = arith.mulf %parallel_loop3A_3300, %parallel_loop3A_3298 : vector<16xf32>
        %parallel_loop3A_3302 = arith.addf %parallel_loop3A_3301, %parallel_loop3A_3292 : vector<16xf32>
        %parallel_loop3A_3303 = arith.constant 0.000000e+00 : f32
        %parallel_loop3A_3304 = vector.broadcast %parallel_loop3A_3303 : f32 to vector<16xf32>
        %parallel_loop3A_3305 = arith.select %lt3A_4, %parallel_loop3A_3296, %parallel_loop3A_3304 : vector<16xi1>, vector<16xf32>
        %parallel_loop3A_3306 = arith.addf %parallel_loop3A_3302, %parallel_loop3A_3305 : vector<16xf32>
        %parallel_loop3A_3307 = vector.shape_cast %reshape3A : vector<16x1xi32> to vector<16xi32>
        %parallel_loop3A_3308 = tpu.dynamic_gather %parallel_loop3A_3306[%parallel_loop3A_3307] in [0] : vector<16xf32>, vector<16xi32> -> vector<16xf32>
        %parallel_loop3A_3309 = arith.addf %parallel_loop3A_3306, %parallel_loop3A_3308 : vector<16xf32>
        %parallel_loop3A_3310 = vector.shape_cast %reshape3A_10 : vector<16x1xi32> to vector<16xi32>
        %parallel_loop3A_3311 = tpu.dynamic_gather %parallel_loop3A_3309[%parallel_loop3A_3310] in [0] : vector<16xf32>, vector<16xi32> -> vector<16xf32>
        %parallel_loop3A_3312 = arith.addf %parallel_loop3A_3309, %parallel_loop3A_3311 : vector<16xf32>
        %parallel_loop3A_3313 = vector.shape_cast %reshape3A_14 : vector<16x1xi32> to vector<16xi32>
        %parallel_loop3A_3314 = tpu.dynamic_gather %parallel_loop3A_3312[%parallel_loop3A_3313] in [0] : vector<16xf32>, vector<16xi32> -> vector<16xf32>
        %parallel_loop3A_3315 = arith.addf %parallel_loop3A_3312, %parallel_loop3A_3314 : vector<16xf32>
        %parallel_loop3A_3316 = vector.shape_cast %reshape3A_18 : vector<16x1xi32> to vector<16xi32>
        %parallel_loop3A_3317 = tpu.dynamic_gather %parallel_loop3A_3315[%parallel_loop3A_3316] in [0] : vector<16xf32>, vector<16xi32> -> vector<16xf32>
        %parallel_loop3A_3318 = arith.addf %parallel_loop3A_3315, %parallel_loop3A_3317 : vector<16xf32>
        %parallel_loop3A_3319 = arith.constant 0 : i32
        %parallel_loop3A_3320 = vector.broadcast %parallel_loop3A_3319 : i32 to vector<16xi32>
        %parallel_loop3A_3321 = arith.muli %iota3A, %parallel_loop3A_3320 : vector<16xi32>
        %parallel_loop3A_3322 = arith.constant 64 : i32
        %parallel_loop3A_3323 = arith.muli %scan3A_24, %parallel_loop3A_3322 : i32
        %parallel_loop3A_3324 = arith.constant 16 : i32
        %parallel_loop3A_3325 = arith.muli %parallel_loop3A_44, %parallel_loop3A_3324 : i32
        %parallel_loop3A_3326 = arith.addi %parallel_loop3A_3323, %parallel_loop3A_3325 : i32
        %parallel_loop3A_3327 = arith.constant 12 : i32
        %parallel_loop3A_3328 = arith.addi %parallel_loop3A_3326, %parallel_loop3A_3327 : i32
        %parallel_loop3A_3329 = vector.broadcast %parallel_loop3A_3328 : i32 to vector<16xi32>
        %parallel_loop3A_3330 = arith.addi %parallel_loop3A_3321, %parallel_loop3A_3329 : vector<16xi32>
        %parallel_loop3A_3331 = arith.constant 12 : i32
        %parallel_loop3A_3332 = vector.broadcast %parallel_loop3A_3331 : i32 to vector<16xi32>
        %parallel_loop3A_3333 = arith.cmpi eq, %iota3A, %parallel_loop3A_3332 : vector<16xi32>
        tpu.vector_store_idx %arg9[%parallel_loop3A_3330], %parallel_loop3A_3318 masked %parallel_loop3A_3333 : memref<512xf32, #tpu.memory_space<vmem>>[vector<16xi32>], vector<16xf32>, vector<16xi1>
        %parallel_loop3A_3334 = arith.constant 16 : i32
        %parallel_loop3A_3335 = arith.muli %parallel_loop3A_44, %parallel_loop3A_3334 : i32
        %parallel_loop3A_3336 = arith.constant 13 : i32
        %parallel_loop3A_3337 = arith.addi %parallel_loop3A_3335, %parallel_loop3A_3336 : i32
        %parallel_loop3A_3338 = arith.constant 26 : i32
        %parallel_loop3A_3339 = arith.muli %parallel_loop3A_3337, %parallel_loop3A_3338 : i32
        %parallel_loop3A_3340 = arith.index_cast %parallel_loop3A_3339 : i32 to index
        %parallel_loop3A_3341 = arith.constant 0 : index
        %parallel_loop3A_3342 = tpu.vector_load %arg7[%parallel_loop3A_3340, %parallel_loop3A_3341] {strides = array<i32>} : memref<1664x16xf32, #tpu.memory_space<vmem>>, vector<16xf32>,
        %parallel_loop3A_3343 = arith.mulf %parallel_loop3A_3342, %parallel_loop3A_3342 : vector<16xf32>
        %parallel_loop3A_3344 = arith.constant 1 : i32
        %parallel_loop3A_3345 = arith.addi %parallel_loop3A_3339, %parallel_loop3A_3344 : i32
        %parallel_loop3A_3346 = arith.index_cast %parallel_loop3A_3345 : i32 to index
        %parallel_loop3A_3347 = arith.constant 0 : index
        %parallel_loop3A_3348 = tpu.vector_load %arg7[%parallel_loop3A_3346, %parallel_loop3A_3347] {strides = array<i32>} : memref<1664x16xf32, #tpu.memory_space<vmem>>, vector<16xf32>,
        %parallel_loop3A_3349 = arith.addf %parallel_loop3A_3342, %parallel_loop3A_3348 : vector<16xf32>
        %parallel_loop3A_3350 = arith.mulf %parallel_loop3A_3348, %parallel_loop3A_3348 : vector<16xf32>
        %parallel_loop3A_3351 = arith.addf %parallel_loop3A_3343, %parallel_loop3A_3350 : vector<16xf32>
        %parallel_loop3A_3352 = arith.constant 2 : i32
        %parallel_loop3A_3353 = arith.addi %parallel_loop3A_3339, %parallel_loop3A_3352 : i32
        %parallel_loop3A_3354 = arith.index_cast %parallel_loop3A_3353 : i32 to index
        %parallel_loop3A_3355 = arith.constant 0 : index
        %parallel_loop3A_3356 = tpu.vector_load %arg7[%parallel_loop3A_3354, %parallel_loop3A_3355] {strides = array<i32>} : memref<1664x16xf32, #tpu.memory_space<vmem>>, vector<16xf32>,
        %parallel_loop3A_3357 = arith.addf %parallel_loop3A_3349, %parallel_loop3A_3356 : vector<16xf32>
        %parallel_loop3A_3358 = arith.mulf %parallel_loop3A_3356, %parallel_loop3A_3356 : vector<16xf32>
        %parallel_loop3A_3359 = arith.addf %parallel_loop3A_3351, %parallel_loop3A_3358 : vector<16xf32>
        %parallel_loop3A_3360 = arith.constant 3 : i32
        %parallel_loop3A_3361 = arith.addi %parallel_loop3A_3339, %parallel_loop3A_3360 : i32
        %parallel_loop3A_3362 = arith.index_cast %parallel_loop3A_3361 : i32 to index
        %parallel_loop3A_3363 = arith.constant 0 : index
        %parallel_loop3A_3364 = tpu.vector_load %arg7[%parallel_loop3A_3362, %parallel_loop3A_3363] {strides = array<i32>} : memref<1664x16xf32, #tpu.memory_space<vmem>>, vector<16xf32>,
        %parallel_loop3A_3365 = arith.addf %parallel_loop3A_3357, %parallel_loop3A_3364 : vector<16xf32>
        %parallel_loop3A_3366 = arith.mulf %parallel_loop3A_3364, %parallel_loop3A_3364 : vector<16xf32>
        %parallel_loop3A_3367 = arith.addf %parallel_loop3A_3359, %parallel_loop3A_3366 : vector<16xf32>
        %parallel_loop3A_3368 = arith.constant 4 : i32
        %parallel_loop3A_3369 = arith.addi %parallel_loop3A_3339, %parallel_loop3A_3368 : i32
        %parallel_loop3A_3370 = arith.index_cast %parallel_loop3A_3369 : i32 to index
        %parallel_loop3A_3371 = arith.constant 0 : index
        %parallel_loop3A_3372 = tpu.vector_load %arg7[%parallel_loop3A_3370, %parallel_loop3A_3371] {strides = array<i32>} : memref<1664x16xf32, #tpu.memory_space<vmem>>, vector<16xf32>,
        %parallel_loop3A_3373 = arith.addf %parallel_loop3A_3365, %parallel_loop3A_3372 : vector<16xf32>
        %parallel_loop3A_3374 = arith.mulf %parallel_loop3A_3372, %parallel_loop3A_3372 : vector<16xf32>
        %parallel_loop3A_3375 = arith.addf %parallel_loop3A_3367, %parallel_loop3A_3374 : vector<16xf32>
        %parallel_loop3A_3376 = arith.constant 5 : i32
        %parallel_loop3A_3377 = arith.addi %parallel_loop3A_3339, %parallel_loop3A_3376 : i32
        %parallel_loop3A_3378 = arith.index_cast %parallel_loop3A_3377 : i32 to index
        %parallel_loop3A_3379 = arith.constant 0 : index
        %parallel_loop3A_3380 = tpu.vector_load %arg7[%parallel_loop3A_3378, %parallel_loop3A_3379] {strides = array<i32>} : memref<1664x16xf32, #tpu.memory_space<vmem>>, vector<16xf32>,
        %parallel_loop3A_3381 = arith.addf %parallel_loop3A_3373, %parallel_loop3A_3380 : vector<16xf32>
        %parallel_loop3A_3382 = arith.mulf %parallel_loop3A_3380, %parallel_loop3A_3380 : vector<16xf32>
        %parallel_loop3A_3383 = arith.addf %parallel_loop3A_3375, %parallel_loop3A_3382 : vector<16xf32>
        %parallel_loop3A_3384 = arith.constant 6 : i32
        %parallel_loop3A_3385 = arith.addi %parallel_loop3A_3339, %parallel_loop3A_3384 : i32
        %parallel_loop3A_3386 = arith.index_cast %parallel_loop3A_3385 : i32 to index
        %parallel_loop3A_3387 = arith.constant 0 : index
        %parallel_loop3A_3388 = tpu.vector_load %arg7[%parallel_loop3A_3386, %parallel_loop3A_3387] {strides = array<i32>} : memref<1664x16xf32, #tpu.memory_space<vmem>>, vector<16xf32>,
        %parallel_loop3A_3389 = arith.addf %parallel_loop3A_3381, %parallel_loop3A_3388 : vector<16xf32>
        %parallel_loop3A_3390 = arith.mulf %parallel_loop3A_3388, %parallel_loop3A_3388 : vector<16xf32>
        %parallel_loop3A_3391 = arith.addf %parallel_loop3A_3383, %parallel_loop3A_3390 : vector<16xf32>
        %parallel_loop3A_3392 = arith.constant 7 : i32
        %parallel_loop3A_3393 = arith.addi %parallel_loop3A_3339, %parallel_loop3A_3392 : i32
        %parallel_loop3A_3394 = arith.index_cast %parallel_loop3A_3393 : i32 to index
        %parallel_loop3A_3395 = arith.constant 0 : index
        %parallel_loop3A_3396 = tpu.vector_load %arg7[%parallel_loop3A_3394, %parallel_loop3A_3395] {strides = array<i32>} : memref<1664x16xf32, #tpu.memory_space<vmem>>, vector<16xf32>,
        %parallel_loop3A_3397 = arith.addf %parallel_loop3A_3389, %parallel_loop3A_3396 : vector<16xf32>
        %parallel_loop3A_3398 = arith.mulf %parallel_loop3A_3396, %parallel_loop3A_3396 : vector<16xf32>
        %parallel_loop3A_3399 = arith.addf %parallel_loop3A_3391, %parallel_loop3A_3398 : vector<16xf32>
        %parallel_loop3A_3400 = arith.constant 8 : i32
        %parallel_loop3A_3401 = arith.addi %parallel_loop3A_3339, %parallel_loop3A_3400 : i32
        %parallel_loop3A_3402 = arith.index_cast %parallel_loop3A_3401 : i32 to index
        %parallel_loop3A_3403 = arith.constant 0 : index
        %parallel_loop3A_3404 = tpu.vector_load %arg7[%parallel_loop3A_3402, %parallel_loop3A_3403] {strides = array<i32>} : memref<1664x16xf32, #tpu.memory_space<vmem>>, vector<16xf32>,
        %parallel_loop3A_3405 = arith.addf %parallel_loop3A_3397, %parallel_loop3A_3404 : vector<16xf32>
        %parallel_loop3A_3406 = arith.mulf %parallel_loop3A_3404, %parallel_loop3A_3404 : vector<16xf32>
        %parallel_loop3A_3407 = arith.addf %parallel_loop3A_3399, %parallel_loop3A_3406 : vector<16xf32>
        %parallel_loop3A_3408 = arith.constant 9 : i32
        %parallel_loop3A_3409 = arith.addi %parallel_loop3A_3339, %parallel_loop3A_3408 : i32
        %parallel_loop3A_3410 = arith.index_cast %parallel_loop3A_3409 : i32 to index
        %parallel_loop3A_3411 = arith.constant 0 : index
        %parallel_loop3A_3412 = tpu.vector_load %arg7[%parallel_loop3A_3410, %parallel_loop3A_3411] {strides = array<i32>} : memref<1664x16xf32, #tpu.memory_space<vmem>>, vector<16xf32>,
        %parallel_loop3A_3413 = arith.addf %parallel_loop3A_3405, %parallel_loop3A_3412 : vector<16xf32>
        %parallel_loop3A_3414 = arith.mulf %parallel_loop3A_3412, %parallel_loop3A_3412 : vector<16xf32>
        %parallel_loop3A_3415 = arith.addf %parallel_loop3A_3407, %parallel_loop3A_3414 : vector<16xf32>
        %parallel_loop3A_3416 = arith.constant 10 : i32
        %parallel_loop3A_3417 = arith.addi %parallel_loop3A_3339, %parallel_loop3A_3416 : i32
        %parallel_loop3A_3418 = arith.index_cast %parallel_loop3A_3417 : i32 to index
        %parallel_loop3A_3419 = arith.constant 0 : index
        %parallel_loop3A_3420 = tpu.vector_load %arg7[%parallel_loop3A_3418, %parallel_loop3A_3419] {strides = array<i32>} : memref<1664x16xf32, #tpu.memory_space<vmem>>, vector<16xf32>,
        %parallel_loop3A_3421 = arith.addf %parallel_loop3A_3413, %parallel_loop3A_3420 : vector<16xf32>
        %parallel_loop3A_3422 = arith.mulf %parallel_loop3A_3420, %parallel_loop3A_3420 : vector<16xf32>
        %parallel_loop3A_3423 = arith.addf %parallel_loop3A_3415, %parallel_loop3A_3422 : vector<16xf32>
        %parallel_loop3A_3424 = arith.constant 11 : i32
        %parallel_loop3A_3425 = arith.addi %parallel_loop3A_3339, %parallel_loop3A_3424 : i32
        %parallel_loop3A_3426 = arith.index_cast %parallel_loop3A_3425 : i32 to index
        %parallel_loop3A_3427 = arith.constant 0 : index
        %parallel_loop3A_3428 = tpu.vector_load %arg7[%parallel_loop3A_3426, %parallel_loop3A_3427] {strides = array<i32>} : memref<1664x16xf32, #tpu.memory_space<vmem>>, vector<16xf32>,
        %parallel_loop3A_3429 = arith.addf %parallel_loop3A_3421, %parallel_loop3A_3428 : vector<16xf32>
        %parallel_loop3A_3430 = arith.mulf %parallel_loop3A_3428, %parallel_loop3A_3428 : vector<16xf32>
        %parallel_loop3A_3431 = arith.addf %parallel_loop3A_3423, %parallel_loop3A_3430 : vector<16xf32>
        %parallel_loop3A_3432 = arith.constant 12 : i32
        %parallel_loop3A_3433 = arith.addi %parallel_loop3A_3339, %parallel_loop3A_3432 : i32
        %parallel_loop3A_3434 = arith.index_cast %parallel_loop3A_3433 : i32 to index
        %parallel_loop3A_3435 = arith.constant 0 : index
        %parallel_loop3A_3436 = tpu.vector_load %arg7[%parallel_loop3A_3434, %parallel_loop3A_3435] {strides = array<i32>} : memref<1664x16xf32, #tpu.memory_space<vmem>>, vector<16xf32>,
        %parallel_loop3A_3437 = arith.addf %parallel_loop3A_3429, %parallel_loop3A_3436 : vector<16xf32>
        %parallel_loop3A_3438 = arith.mulf %parallel_loop3A_3436, %parallel_loop3A_3436 : vector<16xf32>
        %parallel_loop3A_3439 = arith.addf %parallel_loop3A_3431, %parallel_loop3A_3438 : vector<16xf32>
        %parallel_loop3A_3440 = arith.constant 13 : i32
        %parallel_loop3A_3441 = arith.addi %parallel_loop3A_3339, %parallel_loop3A_3440 : i32
        %parallel_loop3A_3442 = arith.index_cast %parallel_loop3A_3441 : i32 to index
        %parallel_loop3A_3443 = arith.constant 0 : index
        %parallel_loop3A_3444 = tpu.vector_load %arg7[%parallel_loop3A_3442, %parallel_loop3A_3443] {strides = array<i32>} : memref<1664x16xf32, #tpu.memory_space<vmem>>, vector<16xf32>,
        %parallel_loop3A_3445 = arith.addf %parallel_loop3A_3437, %parallel_loop3A_3444 : vector<16xf32>
        %parallel_loop3A_3446 = arith.mulf %parallel_loop3A_3444, %parallel_loop3A_3444 : vector<16xf32>
        %parallel_loop3A_3447 = arith.addf %parallel_loop3A_3439, %parallel_loop3A_3446 : vector<16xf32>
        %parallel_loop3A_3448 = arith.constant 14 : i32
        %parallel_loop3A_3449 = arith.addi %parallel_loop3A_3339, %parallel_loop3A_3448 : i32
        %parallel_loop3A_3450 = arith.index_cast %parallel_loop3A_3449 : i32 to index
        %parallel_loop3A_3451 = arith.constant 0 : index
        %parallel_loop3A_3452 = tpu.vector_load %arg7[%parallel_loop3A_3450, %parallel_loop3A_3451] {strides = array<i32>} : memref<1664x16xf32, #tpu.memory_space<vmem>>, vector<16xf32>,
        %parallel_loop3A_3453 = arith.addf %parallel_loop3A_3445, %parallel_loop3A_3452 : vector<16xf32>
        %parallel_loop3A_3454 = arith.mulf %parallel_loop3A_3452, %parallel_loop3A_3452 : vector<16xf32>
        %parallel_loop3A_3455 = arith.addf %parallel_loop3A_3447, %parallel_loop3A_3454 : vector<16xf32>
        %parallel_loop3A_3456 = arith.constant 15 : i32
        %parallel_loop3A_3457 = arith.addi %parallel_loop3A_3339, %parallel_loop3A_3456 : i32
        %parallel_loop3A_3458 = arith.index_cast %parallel_loop3A_3457 : i32 to index
        %parallel_loop3A_3459 = arith.constant 0 : index
        %parallel_loop3A_3460 = tpu.vector_load %arg7[%parallel_loop3A_3458, %parallel_loop3A_3459] {strides = array<i32>} : memref<1664x16xf32, #tpu.memory_space<vmem>>, vector<16xf32>,
        %parallel_loop3A_3461 = arith.addf %parallel_loop3A_3453, %parallel_loop3A_3460 : vector<16xf32>
        %parallel_loop3A_3462 = arith.mulf %parallel_loop3A_3460, %parallel_loop3A_3460 : vector<16xf32>
        %parallel_loop3A_3463 = arith.addf %parallel_loop3A_3455, %parallel_loop3A_3462 : vector<16xf32>
        %parallel_loop3A_3464 = arith.constant 16 : i32
        %parallel_loop3A_3465 = arith.addi %parallel_loop3A_3339, %parallel_loop3A_3464 : i32
        %parallel_loop3A_3466 = arith.index_cast %parallel_loop3A_3465 : i32 to index
        %parallel_loop3A_3467 = arith.constant 0 : index
        %parallel_loop3A_3468 = tpu.vector_load %arg7[%parallel_loop3A_3466, %parallel_loop3A_3467] {strides = array<i32>} : memref<1664x16xf32, #tpu.memory_space<vmem>>, vector<16xf32>,
        %parallel_loop3A_3469 = arith.addf %parallel_loop3A_3461, %parallel_loop3A_3468 : vector<16xf32>
        %parallel_loop3A_3470 = arith.mulf %parallel_loop3A_3468, %parallel_loop3A_3468 : vector<16xf32>
        %parallel_loop3A_3471 = arith.addf %parallel_loop3A_3463, %parallel_loop3A_3470 : vector<16xf32>
        %parallel_loop3A_3472 = arith.constant 17 : i32
        %parallel_loop3A_3473 = arith.addi %parallel_loop3A_3339, %parallel_loop3A_3472 : i32
        %parallel_loop3A_3474 = arith.index_cast %parallel_loop3A_3473 : i32 to index
        %parallel_loop3A_3475 = arith.constant 0 : index
        %parallel_loop3A_3476 = tpu.vector_load %arg7[%parallel_loop3A_3474, %parallel_loop3A_3475] {strides = array<i32>} : memref<1664x16xf32, #tpu.memory_space<vmem>>, vector<16xf32>,
        %parallel_loop3A_3477 = arith.addf %parallel_loop3A_3469, %parallel_loop3A_3476 : vector<16xf32>
        %parallel_loop3A_3478 = arith.mulf %parallel_loop3A_3476, %parallel_loop3A_3476 : vector<16xf32>
        %parallel_loop3A_3479 = arith.addf %parallel_loop3A_3471, %parallel_loop3A_3478 : vector<16xf32>
        %parallel_loop3A_3480 = arith.constant 18 : i32
        %parallel_loop3A_3481 = arith.addi %parallel_loop3A_3339, %parallel_loop3A_3480 : i32
        %parallel_loop3A_3482 = arith.index_cast %parallel_loop3A_3481 : i32 to index
        %parallel_loop3A_3483 = arith.constant 0 : index
        %parallel_loop3A_3484 = tpu.vector_load %arg7[%parallel_loop3A_3482, %parallel_loop3A_3483] {strides = array<i32>} : memref<1664x16xf32, #tpu.memory_space<vmem>>, vector<16xf32>,
        %parallel_loop3A_3485 = arith.addf %parallel_loop3A_3477, %parallel_loop3A_3484 : vector<16xf32>
        %parallel_loop3A_3486 = arith.mulf %parallel_loop3A_3484, %parallel_loop3A_3484 : vector<16xf32>
        %parallel_loop3A_3487 = arith.addf %parallel_loop3A_3479, %parallel_loop3A_3486 : vector<16xf32>
        %parallel_loop3A_3488 = arith.constant 19 : i32
        %parallel_loop3A_3489 = arith.addi %parallel_loop3A_3339, %parallel_loop3A_3488 : i32
        %parallel_loop3A_3490 = arith.index_cast %parallel_loop3A_3489 : i32 to index
        %parallel_loop3A_3491 = arith.constant 0 : index
        %parallel_loop3A_3492 = tpu.vector_load %arg7[%parallel_loop3A_3490, %parallel_loop3A_3491] {strides = array<i32>} : memref<1664x16xf32, #tpu.memory_space<vmem>>, vector<16xf32>,
        %parallel_loop3A_3493 = arith.addf %parallel_loop3A_3485, %parallel_loop3A_3492 : vector<16xf32>
        %parallel_loop3A_3494 = arith.mulf %parallel_loop3A_3492, %parallel_loop3A_3492 : vector<16xf32>
        %parallel_loop3A_3495 = arith.addf %parallel_loop3A_3487, %parallel_loop3A_3494 : vector<16xf32>
        %parallel_loop3A_3496 = arith.constant 20 : i32
        %parallel_loop3A_3497 = arith.addi %parallel_loop3A_3339, %parallel_loop3A_3496 : i32
        %parallel_loop3A_3498 = arith.index_cast %parallel_loop3A_3497 : i32 to index
        %parallel_loop3A_3499 = arith.constant 0 : index
        %parallel_loop3A_3500 = tpu.vector_load %arg7[%parallel_loop3A_3498, %parallel_loop3A_3499] {strides = array<i32>} : memref<1664x16xf32, #tpu.memory_space<vmem>>, vector<16xf32>,
        %parallel_loop3A_3501 = arith.addf %parallel_loop3A_3493, %parallel_loop3A_3500 : vector<16xf32>
        %parallel_loop3A_3502 = arith.mulf %parallel_loop3A_3500, %parallel_loop3A_3500 : vector<16xf32>
        %parallel_loop3A_3503 = arith.addf %parallel_loop3A_3495, %parallel_loop3A_3502 : vector<16xf32>
        %parallel_loop3A_3504 = arith.constant 21 : i32
        %parallel_loop3A_3505 = arith.addi %parallel_loop3A_3339, %parallel_loop3A_3504 : i32
        %parallel_loop3A_3506 = arith.index_cast %parallel_loop3A_3505 : i32 to index
        %parallel_loop3A_3507 = arith.constant 0 : index
        %parallel_loop3A_3508 = tpu.vector_load %arg7[%parallel_loop3A_3506, %parallel_loop3A_3507] {strides = array<i32>} : memref<1664x16xf32, #tpu.memory_space<vmem>>, vector<16xf32>,
        %parallel_loop3A_3509 = arith.addf %parallel_loop3A_3501, %parallel_loop3A_3508 : vector<16xf32>
        %parallel_loop3A_3510 = arith.mulf %parallel_loop3A_3508, %parallel_loop3A_3508 : vector<16xf32>
        %parallel_loop3A_3511 = arith.addf %parallel_loop3A_3503, %parallel_loop3A_3510 : vector<16xf32>
        %parallel_loop3A_3512 = arith.constant 22 : i32
        %parallel_loop3A_3513 = arith.addi %parallel_loop3A_3339, %parallel_loop3A_3512 : i32
        %parallel_loop3A_3514 = arith.index_cast %parallel_loop3A_3513 : i32 to index
        %parallel_loop3A_3515 = arith.constant 0 : index
        %parallel_loop3A_3516 = tpu.vector_load %arg7[%parallel_loop3A_3514, %parallel_loop3A_3515] {strides = array<i32>} : memref<1664x16xf32, #tpu.memory_space<vmem>>, vector<16xf32>,
        %parallel_loop3A_3517 = arith.addf %parallel_loop3A_3509, %parallel_loop3A_3516 : vector<16xf32>
        %parallel_loop3A_3518 = arith.mulf %parallel_loop3A_3516, %parallel_loop3A_3516 : vector<16xf32>
        %parallel_loop3A_3519 = arith.addf %parallel_loop3A_3511, %parallel_loop3A_3518 : vector<16xf32>
        %parallel_loop3A_3520 = arith.constant 23 : i32
        %parallel_loop3A_3521 = arith.addi %parallel_loop3A_3339, %parallel_loop3A_3520 : i32
        %parallel_loop3A_3522 = arith.index_cast %parallel_loop3A_3521 : i32 to index
        %parallel_loop3A_3523 = arith.constant 0 : index
        %parallel_loop3A_3524 = tpu.vector_load %arg7[%parallel_loop3A_3522, %parallel_loop3A_3523] {strides = array<i32>} : memref<1664x16xf32, #tpu.memory_space<vmem>>, vector<16xf32>,
        %parallel_loop3A_3525 = arith.addf %parallel_loop3A_3517, %parallel_loop3A_3524 : vector<16xf32>
        %parallel_loop3A_3526 = arith.mulf %parallel_loop3A_3524, %parallel_loop3A_3524 : vector<16xf32>
        %parallel_loop3A_3527 = arith.addf %parallel_loop3A_3519, %parallel_loop3A_3526 : vector<16xf32>
        %parallel_loop3A_3528 = arith.constant 24 : i32
        %parallel_loop3A_3529 = arith.addi %parallel_loop3A_3339, %parallel_loop3A_3528 : i32
        %parallel_loop3A_3530 = arith.index_cast %parallel_loop3A_3529 : i32 to index
        %parallel_loop3A_3531 = arith.constant 0 : index
        %parallel_loop3A_3532 = tpu.vector_load %arg7[%parallel_loop3A_3530, %parallel_loop3A_3531] {strides = array<i32>} : memref<1664x16xf32, #tpu.memory_space<vmem>>, vector<16xf32>,
        %parallel_loop3A_3533 = arith.addf %parallel_loop3A_3525, %parallel_loop3A_3532 : vector<16xf32>
        %parallel_loop3A_3534 = arith.mulf %parallel_loop3A_3532, %parallel_loop3A_3532 : vector<16xf32>
        %parallel_loop3A_3535 = arith.addf %parallel_loop3A_3527, %parallel_loop3A_3534 : vector<16xf32>
        %parallel_loop3A_3536 = arith.constant 25 : i32
        %parallel_loop3A_3537 = arith.addi %parallel_loop3A_3339, %parallel_loop3A_3536 : i32
        %parallel_loop3A_3538 = arith.index_cast %parallel_loop3A_3537 : i32 to index
        %parallel_loop3A_3539 = arith.constant 0 : index
        %parallel_loop3A_3540 = tpu.vector_load %arg7[%parallel_loop3A_3538, %parallel_loop3A_3539] {strides = array<i32>} : memref<1664x16xf32, #tpu.memory_space<vmem>>, vector<16xf32>,
        %parallel_loop3A_3541 = arith.addf %parallel_loop3A_3533, %parallel_loop3A_3540 : vector<16xf32>
        %parallel_loop3A_3542 = arith.mulf %parallel_loop3A_3540, %parallel_loop3A_3540 : vector<16xf32>
        %parallel_loop3A_3543 = arith.addf %parallel_loop3A_3535, %parallel_loop3A_3542 : vector<16xf32>
        %parallel_loop3A_3544 = arith.index_cast %parallel_loop3A_3339 : i32 to index
        %parallel_loop3A_3545 = tpu.vector_load %arg8[%parallel_loop3A_3544] {strides = array<i32>} : memref<1680xf32, #tpu.memory_space<vmem>>, vector<16xf32>,
        %parallel_loop3A_3546 = arith.constant 16 : i32
        %parallel_loop3A_3547 = arith.addi %parallel_loop3A_3339, %parallel_loop3A_3546 : i32
        %parallel_loop3A_3548 = arith.index_cast %parallel_loop3A_3547 : i32 to index
        %parallel_loop3A_3549 = tpu.vector_load %arg8[%parallel_loop3A_3548] {strides = array<i32>} : memref<1680xf32, #tpu.memory_space<vmem>>, vector<16xf32>,
        %parallel_loop3A_3550 = arith.mulf %parallel_loop3A_3541, %parallel_loop3A_3541 : vector<16xf32>
        %parallel_loop3A_3551 = arith.subf %parallel_loop3A_3550, %parallel_loop3A_3543 : vector<16xf32>
        %parallel_loop3A_3552 = arith.constant 5.000000e-01 : f32
        %parallel_loop3A_3553 = vector.broadcast %parallel_loop3A_3552 : f32 to vector<16xf32>
        %parallel_loop3A_3554 = arith.mulf %parallel_loop3A_3553, %parallel_loop3A_3551 : vector<16xf32>
        %parallel_loop3A_3555 = arith.addf %parallel_loop3A_3554, %parallel_loop3A_3545 : vector<16xf32>
        %parallel_loop3A_3556 = arith.constant 0.000000e+00 : f32
        %parallel_loop3A_3557 = vector.broadcast %parallel_loop3A_3556 : f32 to vector<16xf32>
        %parallel_loop3A_3558 = arith.select %lt3A_4, %parallel_loop3A_3549, %parallel_loop3A_3557 : vector<16xi1>, vector<16xf32>
        %parallel_loop3A_3559 = arith.addf %parallel_loop3A_3555, %parallel_loop3A_3558 : vector<16xf32>
        %parallel_loop3A_3560 = vector.shape_cast %reshape3A : vector<16x1xi32> to vector<16xi32>
        %parallel_loop3A_3561 = tpu.dynamic_gather %parallel_loop3A_3559[%parallel_loop3A_3560] in [0] : vector<16xf32>, vector<16xi32> -> vector<16xf32>
        %parallel_loop3A_3562 = arith.addf %parallel_loop3A_3559, %parallel_loop3A_3561 : vector<16xf32>
        %parallel_loop3A_3563 = vector.shape_cast %reshape3A_10 : vector<16x1xi32> to vector<16xi32>
        %parallel_loop3A_3564 = tpu.dynamic_gather %parallel_loop3A_3562[%parallel_loop3A_3563] in [0] : vector<16xf32>, vector<16xi32> -> vector<16xf32>
        %parallel_loop3A_3565 = arith.addf %parallel_loop3A_3562, %parallel_loop3A_3564 : vector<16xf32>
        %parallel_loop3A_3566 = vector.shape_cast %reshape3A_14 : vector<16x1xi32> to vector<16xi32>
        %parallel_loop3A_3567 = tpu.dynamic_gather %parallel_loop3A_3565[%parallel_loop3A_3566] in [0] : vector<16xf32>, vector<16xi32> -> vector<16xf32>
        %parallel_loop3A_3568 = arith.addf %parallel_loop3A_3565, %parallel_loop3A_3567 : vector<16xf32>
        %parallel_loop3A_3569 = vector.shape_cast %reshape3A_18 : vector<16x1xi32> to vector<16xi32>
        %parallel_loop3A_3570 = tpu.dynamic_gather %parallel_loop3A_3568[%parallel_loop3A_3569] in [0] : vector<16xf32>, vector<16xi32> -> vector<16xf32>
        %parallel_loop3A_3571 = arith.addf %parallel_loop3A_3568, %parallel_loop3A_3570 : vector<16xf32>
        %parallel_loop3A_3572 = arith.constant 0 : i32
        %parallel_loop3A_3573 = vector.broadcast %parallel_loop3A_3572 : i32 to vector<16xi32>
        %parallel_loop3A_3574 = arith.muli %iota3A, %parallel_loop3A_3573 : vector<16xi32>
        %parallel_loop3A_3575 = arith.constant 64 : i32
        %parallel_loop3A_3576 = arith.muli %scan3A_24, %parallel_loop3A_3575 : i32
        %parallel_loop3A_3577 = arith.constant 16 : i32
        %parallel_loop3A_3578 = arith.muli %parallel_loop3A_44, %parallel_loop3A_3577 : i32
        %parallel_loop3A_3579 = arith.addi %parallel_loop3A_3576, %parallel_loop3A_3578 : i32
        %parallel_loop3A_3580 = arith.constant 13 : i32
        %parallel_loop3A_3581 = arith.addi %parallel_loop3A_3579, %parallel_loop3A_3580 : i32
        %parallel_loop3A_3582 = vector.broadcast %parallel_loop3A_3581 : i32 to vector<16xi32>
        %parallel_loop3A_3583 = arith.addi %parallel_loop3A_3574, %parallel_loop3A_3582 : vector<16xi32>
        %parallel_loop3A_3584 = arith.constant 13 : i32
        %parallel_loop3A_3585 = vector.broadcast %parallel_loop3A_3584 : i32 to vector<16xi32>
        %parallel_loop3A_3586 = arith.cmpi eq, %iota3A, %parallel_loop3A_3585 : vector<16xi32>
        tpu.vector_store_idx %arg9[%parallel_loop3A_3583], %parallel_loop3A_3571 masked %parallel_loop3A_3586 : memref<512xf32, #tpu.memory_space<vmem>>[vector<16xi32>], vector<16xf32>, vector<16xi1>
        %parallel_loop3A_3587 = arith.constant 16 : i32
        %parallel_loop3A_3588 = arith.muli %parallel_loop3A_44, %parallel_loop3A_3587 : i32
        %parallel_loop3A_3589 = arith.constant 14 : i32
        %parallel_loop3A_3590 = arith.addi %parallel_loop3A_3588, %parallel_loop3A_3589 : i32
        %parallel_loop3A_3591 = arith.constant 26 : i32
        %parallel_loop3A_3592 = arith.muli %parallel_loop3A_3590, %parallel_loop3A_3591 : i32
        %parallel_loop3A_3593 = arith.index_cast %parallel_loop3A_3592 : i32 to index
        %parallel_loop3A_3594 = arith.constant 0 : index
        %parallel_loop3A_3595 = tpu.vector_load %arg7[%parallel_loop3A_3593, %parallel_loop3A_3594] {strides = array<i32>} : memref<1664x16xf32, #tpu.memory_space<vmem>>, vector<16xf32>,
        %parallel_loop3A_3596 = arith.mulf %parallel_loop3A_3595, %parallel_loop3A_3595 : vector<16xf32>
        %parallel_loop3A_3597 = arith.constant 1 : i32
        %parallel_loop3A_3598 = arith.addi %parallel_loop3A_3592, %parallel_loop3A_3597 : i32
        %parallel_loop3A_3599 = arith.index_cast %parallel_loop3A_3598 : i32 to index
        %parallel_loop3A_3600 = arith.constant 0 : index
        %parallel_loop3A_3601 = tpu.vector_load %arg7[%parallel_loop3A_3599, %parallel_loop3A_3600] {strides = array<i32>} : memref<1664x16xf32, #tpu.memory_space<vmem>>, vector<16xf32>,
        %parallel_loop3A_3602 = arith.addf %parallel_loop3A_3595, %parallel_loop3A_3601 : vector<16xf32>
        %parallel_loop3A_3603 = arith.mulf %parallel_loop3A_3601, %parallel_loop3A_3601 : vector<16xf32>
        %parallel_loop3A_3604 = arith.addf %parallel_loop3A_3596, %parallel_loop3A_3603 : vector<16xf32>
        %parallel_loop3A_3605 = arith.constant 2 : i32
        %parallel_loop3A_3606 = arith.addi %parallel_loop3A_3592, %parallel_loop3A_3605 : i32
        %parallel_loop3A_3607 = arith.index_cast %parallel_loop3A_3606 : i32 to index
        %parallel_loop3A_3608 = arith.constant 0 : index
        %parallel_loop3A_3609 = tpu.vector_load %arg7[%parallel_loop3A_3607, %parallel_loop3A_3608] {strides = array<i32>} : memref<1664x16xf32, #tpu.memory_space<vmem>>, vector<16xf32>,
        %parallel_loop3A_3610 = arith.addf %parallel_loop3A_3602, %parallel_loop3A_3609 : vector<16xf32>
        %parallel_loop3A_3611 = arith.mulf %parallel_loop3A_3609, %parallel_loop3A_3609 : vector<16xf32>
        %parallel_loop3A_3612 = arith.addf %parallel_loop3A_3604, %parallel_loop3A_3611 : vector<16xf32>
        %parallel_loop3A_3613 = arith.constant 3 : i32
        %parallel_loop3A_3614 = arith.addi %parallel_loop3A_3592, %parallel_loop3A_3613 : i32
        %parallel_loop3A_3615 = arith.index_cast %parallel_loop3A_3614 : i32 to index
        %parallel_loop3A_3616 = arith.constant 0 : index
        %parallel_loop3A_3617 = tpu.vector_load %arg7[%parallel_loop3A_3615, %parallel_loop3A_3616] {strides = array<i32>} : memref<1664x16xf32, #tpu.memory_space<vmem>>, vector<16xf32>,
        %parallel_loop3A_3618 = arith.addf %parallel_loop3A_3610, %parallel_loop3A_3617 : vector<16xf32>
        %parallel_loop3A_3619 = arith.mulf %parallel_loop3A_3617, %parallel_loop3A_3617 : vector<16xf32>
        %parallel_loop3A_3620 = arith.addf %parallel_loop3A_3612, %parallel_loop3A_3619 : vector<16xf32>
        %parallel_loop3A_3621 = arith.constant 4 : i32
        %parallel_loop3A_3622 = arith.addi %parallel_loop3A_3592, %parallel_loop3A_3621 : i32
        %parallel_loop3A_3623 = arith.index_cast %parallel_loop3A_3622 : i32 to index
        %parallel_loop3A_3624 = arith.constant 0 : index
        %parallel_loop3A_3625 = tpu.vector_load %arg7[%parallel_loop3A_3623, %parallel_loop3A_3624] {strides = array<i32>} : memref<1664x16xf32, #tpu.memory_space<vmem>>, vector<16xf32>,
        %parallel_loop3A_3626 = arith.addf %parallel_loop3A_3618, %parallel_loop3A_3625 : vector<16xf32>
        %parallel_loop3A_3627 = arith.mulf %parallel_loop3A_3625, %parallel_loop3A_3625 : vector<16xf32>
        %parallel_loop3A_3628 = arith.addf %parallel_loop3A_3620, %parallel_loop3A_3627 : vector<16xf32>
        %parallel_loop3A_3629 = arith.constant 5 : i32
        %parallel_loop3A_3630 = arith.addi %parallel_loop3A_3592, %parallel_loop3A_3629 : i32
        %parallel_loop3A_3631 = arith.index_cast %parallel_loop3A_3630 : i32 to index
        %parallel_loop3A_3632 = arith.constant 0 : index
        %parallel_loop3A_3633 = tpu.vector_load %arg7[%parallel_loop3A_3631, %parallel_loop3A_3632] {strides = array<i32>} : memref<1664x16xf32, #tpu.memory_space<vmem>>, vector<16xf32>,
        %parallel_loop3A_3634 = arith.addf %parallel_loop3A_3626, %parallel_loop3A_3633 : vector<16xf32>
        %parallel_loop3A_3635 = arith.mulf %parallel_loop3A_3633, %parallel_loop3A_3633 : vector<16xf32>
        %parallel_loop3A_3636 = arith.addf %parallel_loop3A_3628, %parallel_loop3A_3635 : vector<16xf32>
        %parallel_loop3A_3637 = arith.constant 6 : i32
        %parallel_loop3A_3638 = arith.addi %parallel_loop3A_3592, %parallel_loop3A_3637 : i32
        %parallel_loop3A_3639 = arith.index_cast %parallel_loop3A_3638 : i32 to index
        %parallel_loop3A_3640 = arith.constant 0 : index
        %parallel_loop3A_3641 = tpu.vector_load %arg7[%parallel_loop3A_3639, %parallel_loop3A_3640] {strides = array<i32>} : memref<1664x16xf32, #tpu.memory_space<vmem>>, vector<16xf32>,
        %parallel_loop3A_3642 = arith.addf %parallel_loop3A_3634, %parallel_loop3A_3641 : vector<16xf32>
        %parallel_loop3A_3643 = arith.mulf %parallel_loop3A_3641, %parallel_loop3A_3641 : vector<16xf32>
        %parallel_loop3A_3644 = arith.addf %parallel_loop3A_3636, %parallel_loop3A_3643 : vector<16xf32>
        %parallel_loop3A_3645 = arith.constant 7 : i32
        %parallel_loop3A_3646 = arith.addi %parallel_loop3A_3592, %parallel_loop3A_3645 : i32
        %parallel_loop3A_3647 = arith.index_cast %parallel_loop3A_3646 : i32 to index
        %parallel_loop3A_3648 = arith.constant 0 : index
        %parallel_loop3A_3649 = tpu.vector_load %arg7[%parallel_loop3A_3647, %parallel_loop3A_3648] {strides = array<i32>} : memref<1664x16xf32, #tpu.memory_space<vmem>>, vector<16xf32>,
        %parallel_loop3A_3650 = arith.addf %parallel_loop3A_3642, %parallel_loop3A_3649 : vector<16xf32>
        %parallel_loop3A_3651 = arith.mulf %parallel_loop3A_3649, %parallel_loop3A_3649 : vector<16xf32>
        %parallel_loop3A_3652 = arith.addf %parallel_loop3A_3644, %parallel_loop3A_3651 : vector<16xf32>
        %parallel_loop3A_3653 = arith.constant 8 : i32
        %parallel_loop3A_3654 = arith.addi %parallel_loop3A_3592, %parallel_loop3A_3653 : i32
        %parallel_loop3A_3655 = arith.index_cast %parallel_loop3A_3654 : i32 to index
        %parallel_loop3A_3656 = arith.constant 0 : index
        %parallel_loop3A_3657 = tpu.vector_load %arg7[%parallel_loop3A_3655, %parallel_loop3A_3656] {strides = array<i32>} : memref<1664x16xf32, #tpu.memory_space<vmem>>, vector<16xf32>,
        %parallel_loop3A_3658 = arith.addf %parallel_loop3A_3650, %parallel_loop3A_3657 : vector<16xf32>
        %parallel_loop3A_3659 = arith.mulf %parallel_loop3A_3657, %parallel_loop3A_3657 : vector<16xf32>
        %parallel_loop3A_3660 = arith.addf %parallel_loop3A_3652, %parallel_loop3A_3659 : vector<16xf32>
        %parallel_loop3A_3661 = arith.constant 9 : i32
        %parallel_loop3A_3662 = arith.addi %parallel_loop3A_3592, %parallel_loop3A_3661 : i32
        %parallel_loop3A_3663 = arith.index_cast %parallel_loop3A_3662 : i32 to index
        %parallel_loop3A_3664 = arith.constant 0 : index
        %parallel_loop3A_3665 = tpu.vector_load %arg7[%parallel_loop3A_3663, %parallel_loop3A_3664] {strides = array<i32>} : memref<1664x16xf32, #tpu.memory_space<vmem>>, vector<16xf32>,
        %parallel_loop3A_3666 = arith.addf %parallel_loop3A_3658, %parallel_loop3A_3665 : vector<16xf32>
        %parallel_loop3A_3667 = arith.mulf %parallel_loop3A_3665, %parallel_loop3A_3665 : vector<16xf32>
        %parallel_loop3A_3668 = arith.addf %parallel_loop3A_3660, %parallel_loop3A_3667 : vector<16xf32>
        %parallel_loop3A_3669 = arith.constant 10 : i32
        %parallel_loop3A_3670 = arith.addi %parallel_loop3A_3592, %parallel_loop3A_3669 : i32
        %parallel_loop3A_3671 = arith.index_cast %parallel_loop3A_3670 : i32 to index
        %parallel_loop3A_3672 = arith.constant 0 : index
        %parallel_loop3A_3673 = tpu.vector_load %arg7[%parallel_loop3A_3671, %parallel_loop3A_3672] {strides = array<i32>} : memref<1664x16xf32, #tpu.memory_space<vmem>>, vector<16xf32>,
        %parallel_loop3A_3674 = arith.addf %parallel_loop3A_3666, %parallel_loop3A_3673 : vector<16xf32>
        %parallel_loop3A_3675 = arith.mulf %parallel_loop3A_3673, %parallel_loop3A_3673 : vector<16xf32>
        %parallel_loop3A_3676 = arith.addf %parallel_loop3A_3668, %parallel_loop3A_3675 : vector<16xf32>
        %parallel_loop3A_3677 = arith.constant 11 : i32
        %parallel_loop3A_3678 = arith.addi %parallel_loop3A_3592, %parallel_loop3A_3677 : i32
        %parallel_loop3A_3679 = arith.index_cast %parallel_loop3A_3678 : i32 to index
        %parallel_loop3A_3680 = arith.constant 0 : index
        %parallel_loop3A_3681 = tpu.vector_load %arg7[%parallel_loop3A_3679, %parallel_loop3A_3680] {strides = array<i32>} : memref<1664x16xf32, #tpu.memory_space<vmem>>, vector<16xf32>,
        %parallel_loop3A_3682 = arith.addf %parallel_loop3A_3674, %parallel_loop3A_3681 : vector<16xf32>
        %parallel_loop3A_3683 = arith.mulf %parallel_loop3A_3681, %parallel_loop3A_3681 : vector<16xf32>
        %parallel_loop3A_3684 = arith.addf %parallel_loop3A_3676, %parallel_loop3A_3683 : vector<16xf32>
        %parallel_loop3A_3685 = arith.constant 12 : i32
        %parallel_loop3A_3686 = arith.addi %parallel_loop3A_3592, %parallel_loop3A_3685 : i32
        %parallel_loop3A_3687 = arith.index_cast %parallel_loop3A_3686 : i32 to index
        %parallel_loop3A_3688 = arith.constant 0 : index
        %parallel_loop3A_3689 = tpu.vector_load %arg7[%parallel_loop3A_3687, %parallel_loop3A_3688] {strides = array<i32>} : memref<1664x16xf32, #tpu.memory_space<vmem>>, vector<16xf32>,
        %parallel_loop3A_3690 = arith.addf %parallel_loop3A_3682, %parallel_loop3A_3689 : vector<16xf32>
        %parallel_loop3A_3691 = arith.mulf %parallel_loop3A_3689, %parallel_loop3A_3689 : vector<16xf32>
        %parallel_loop3A_3692 = arith.addf %parallel_loop3A_3684, %parallel_loop3A_3691 : vector<16xf32>
        %parallel_loop3A_3693 = arith.constant 13 : i32
        %parallel_loop3A_3694 = arith.addi %parallel_loop3A_3592, %parallel_loop3A_3693 : i32
        %parallel_loop3A_3695 = arith.index_cast %parallel_loop3A_3694 : i32 to index
        %parallel_loop3A_3696 = arith.constant 0 : index
        %parallel_loop3A_3697 = tpu.vector_load %arg7[%parallel_loop3A_3695, %parallel_loop3A_3696] {strides = array<i32>} : memref<1664x16xf32, #tpu.memory_space<vmem>>, vector<16xf32>,
        %parallel_loop3A_3698 = arith.addf %parallel_loop3A_3690, %parallel_loop3A_3697 : vector<16xf32>
        %parallel_loop3A_3699 = arith.mulf %parallel_loop3A_3697, %parallel_loop3A_3697 : vector<16xf32>
        %parallel_loop3A_3700 = arith.addf %parallel_loop3A_3692, %parallel_loop3A_3699 : vector<16xf32>
        %parallel_loop3A_3701 = arith.constant 14 : i32
        %parallel_loop3A_3702 = arith.addi %parallel_loop3A_3592, %parallel_loop3A_3701 : i32
        %parallel_loop3A_3703 = arith.index_cast %parallel_loop3A_3702 : i32 to index
        %parallel_loop3A_3704 = arith.constant 0 : index
        %parallel_loop3A_3705 = tpu.vector_load %arg7[%parallel_loop3A_3703, %parallel_loop3A_3704] {strides = array<i32>} : memref<1664x16xf32, #tpu.memory_space<vmem>>, vector<16xf32>,
        %parallel_loop3A_3706 = arith.addf %parallel_loop3A_3698, %parallel_loop3A_3705 : vector<16xf32>
        %parallel_loop3A_3707 = arith.mulf %parallel_loop3A_3705, %parallel_loop3A_3705 : vector<16xf32>
        %parallel_loop3A_3708 = arith.addf %parallel_loop3A_3700, %parallel_loop3A_3707 : vector<16xf32>
        %parallel_loop3A_3709 = arith.constant 15 : i32
        %parallel_loop3A_3710 = arith.addi %parallel_loop3A_3592, %parallel_loop3A_3709 : i32
        %parallel_loop3A_3711 = arith.index_cast %parallel_loop3A_3710 : i32 to index
        %parallel_loop3A_3712 = arith.constant 0 : index
        %parallel_loop3A_3713 = tpu.vector_load %arg7[%parallel_loop3A_3711, %parallel_loop3A_3712] {strides = array<i32>} : memref<1664x16xf32, #tpu.memory_space<vmem>>, vector<16xf32>,
        %parallel_loop3A_3714 = arith.addf %parallel_loop3A_3706, %parallel_loop3A_3713 : vector<16xf32>
        %parallel_loop3A_3715 = arith.mulf %parallel_loop3A_3713, %parallel_loop3A_3713 : vector<16xf32>
        %parallel_loop3A_3716 = arith.addf %parallel_loop3A_3708, %parallel_loop3A_3715 : vector<16xf32>
        %parallel_loop3A_3717 = arith.constant 16 : i32
        %parallel_loop3A_3718 = arith.addi %parallel_loop3A_3592, %parallel_loop3A_3717 : i32
        %parallel_loop3A_3719 = arith.index_cast %parallel_loop3A_3718 : i32 to index
        %parallel_loop3A_3720 = arith.constant 0 : index
        %parallel_loop3A_3721 = tpu.vector_load %arg7[%parallel_loop3A_3719, %parallel_loop3A_3720] {strides = array<i32>} : memref<1664x16xf32, #tpu.memory_space<vmem>>, vector<16xf32>,
        %parallel_loop3A_3722 = arith.addf %parallel_loop3A_3714, %parallel_loop3A_3721 : vector<16xf32>
        %parallel_loop3A_3723 = arith.mulf %parallel_loop3A_3721, %parallel_loop3A_3721 : vector<16xf32>
        %parallel_loop3A_3724 = arith.addf %parallel_loop3A_3716, %parallel_loop3A_3723 : vector<16xf32>
        %parallel_loop3A_3725 = arith.constant 17 : i32
        %parallel_loop3A_3726 = arith.addi %parallel_loop3A_3592, %parallel_loop3A_3725 : i32
        %parallel_loop3A_3727 = arith.index_cast %parallel_loop3A_3726 : i32 to index
        %parallel_loop3A_3728 = arith.constant 0 : index
        %parallel_loop3A_3729 = tpu.vector_load %arg7[%parallel_loop3A_3727, %parallel_loop3A_3728] {strides = array<i32>} : memref<1664x16xf32, #tpu.memory_space<vmem>>, vector<16xf32>,
        %parallel_loop3A_3730 = arith.addf %parallel_loop3A_3722, %parallel_loop3A_3729 : vector<16xf32>
        %parallel_loop3A_3731 = arith.mulf %parallel_loop3A_3729, %parallel_loop3A_3729 : vector<16xf32>
        %parallel_loop3A_3732 = arith.addf %parallel_loop3A_3724, %parallel_loop3A_3731 : vector<16xf32>
        %parallel_loop3A_3733 = arith.constant 18 : i32
        %parallel_loop3A_3734 = arith.addi %parallel_loop3A_3592, %parallel_loop3A_3733 : i32
        %parallel_loop3A_3735 = arith.index_cast %parallel_loop3A_3734 : i32 to index
        %parallel_loop3A_3736 = arith.constant 0 : index
        %parallel_loop3A_3737 = tpu.vector_load %arg7[%parallel_loop3A_3735, %parallel_loop3A_3736] {strides = array<i32>} : memref<1664x16xf32, #tpu.memory_space<vmem>>, vector<16xf32>,
        %parallel_loop3A_3738 = arith.addf %parallel_loop3A_3730, %parallel_loop3A_3737 : vector<16xf32>
        %parallel_loop3A_3739 = arith.mulf %parallel_loop3A_3737, %parallel_loop3A_3737 : vector<16xf32>
        %parallel_loop3A_3740 = arith.addf %parallel_loop3A_3732, %parallel_loop3A_3739 : vector<16xf32>
        %parallel_loop3A_3741 = arith.constant 19 : i32
        %parallel_loop3A_3742 = arith.addi %parallel_loop3A_3592, %parallel_loop3A_3741 : i32
        %parallel_loop3A_3743 = arith.index_cast %parallel_loop3A_3742 : i32 to index
        %parallel_loop3A_3744 = arith.constant 0 : index
        %parallel_loop3A_3745 = tpu.vector_load %arg7[%parallel_loop3A_3743, %parallel_loop3A_3744] {strides = array<i32>} : memref<1664x16xf32, #tpu.memory_space<vmem>>, vector<16xf32>,
        %parallel_loop3A_3746 = arith.addf %parallel_loop3A_3738, %parallel_loop3A_3745 : vector<16xf32>
        %parallel_loop3A_3747 = arith.mulf %parallel_loop3A_3745, %parallel_loop3A_3745 : vector<16xf32>
        %parallel_loop3A_3748 = arith.addf %parallel_loop3A_3740, %parallel_loop3A_3747 : vector<16xf32>
        %parallel_loop3A_3749 = arith.constant 20 : i32
        %parallel_loop3A_3750 = arith.addi %parallel_loop3A_3592, %parallel_loop3A_3749 : i32
        %parallel_loop3A_3751 = arith.index_cast %parallel_loop3A_3750 : i32 to index
        %parallel_loop3A_3752 = arith.constant 0 : index
        %parallel_loop3A_3753 = tpu.vector_load %arg7[%parallel_loop3A_3751, %parallel_loop3A_3752] {strides = array<i32>} : memref<1664x16xf32, #tpu.memory_space<vmem>>, vector<16xf32>,
        %parallel_loop3A_3754 = arith.addf %parallel_loop3A_3746, %parallel_loop3A_3753 : vector<16xf32>
        %parallel_loop3A_3755 = arith.mulf %parallel_loop3A_3753, %parallel_loop3A_3753 : vector<16xf32>
        %parallel_loop3A_3756 = arith.addf %parallel_loop3A_3748, %parallel_loop3A_3755 : vector<16xf32>
        %parallel_loop3A_3757 = arith.constant 21 : i32
        %parallel_loop3A_3758 = arith.addi %parallel_loop3A_3592, %parallel_loop3A_3757 : i32
        %parallel_loop3A_3759 = arith.index_cast %parallel_loop3A_3758 : i32 to index
        %parallel_loop3A_3760 = arith.constant 0 : index
        %parallel_loop3A_3761 = tpu.vector_load %arg7[%parallel_loop3A_3759, %parallel_loop3A_3760] {strides = array<i32>} : memref<1664x16xf32, #tpu.memory_space<vmem>>, vector<16xf32>,
        %parallel_loop3A_3762 = arith.addf %parallel_loop3A_3754, %parallel_loop3A_3761 : vector<16xf32>
        %parallel_loop3A_3763 = arith.mulf %parallel_loop3A_3761, %parallel_loop3A_3761 : vector<16xf32>
        %parallel_loop3A_3764 = arith.addf %parallel_loop3A_3756, %parallel_loop3A_3763 : vector<16xf32>
        %parallel_loop3A_3765 = arith.constant 22 : i32
        %parallel_loop3A_3766 = arith.addi %parallel_loop3A_3592, %parallel_loop3A_3765 : i32
        %parallel_loop3A_3767 = arith.index_cast %parallel_loop3A_3766 : i32 to index
        %parallel_loop3A_3768 = arith.constant 0 : index
        %parallel_loop3A_3769 = tpu.vector_load %arg7[%parallel_loop3A_3767, %parallel_loop3A_3768] {strides = array<i32>} : memref<1664x16xf32, #tpu.memory_space<vmem>>, vector<16xf32>,
        %parallel_loop3A_3770 = arith.addf %parallel_loop3A_3762, %parallel_loop3A_3769 : vector<16xf32>
        %parallel_loop3A_3771 = arith.mulf %parallel_loop3A_3769, %parallel_loop3A_3769 : vector<16xf32>
        %parallel_loop3A_3772 = arith.addf %parallel_loop3A_3764, %parallel_loop3A_3771 : vector<16xf32>
        %parallel_loop3A_3773 = arith.constant 23 : i32
        %parallel_loop3A_3774 = arith.addi %parallel_loop3A_3592, %parallel_loop3A_3773 : i32
        %parallel_loop3A_3775 = arith.index_cast %parallel_loop3A_3774 : i32 to index
        %parallel_loop3A_3776 = arith.constant 0 : index
        %parallel_loop3A_3777 = tpu.vector_load %arg7[%parallel_loop3A_3775, %parallel_loop3A_3776] {strides = array<i32>} : memref<1664x16xf32, #tpu.memory_space<vmem>>, vector<16xf32>,
        %parallel_loop3A_3778 = arith.addf %parallel_loop3A_3770, %parallel_loop3A_3777 : vector<16xf32>
        %parallel_loop3A_3779 = arith.mulf %parallel_loop3A_3777, %parallel_loop3A_3777 : vector<16xf32>
        %parallel_loop3A_3780 = arith.addf %parallel_loop3A_3772, %parallel_loop3A_3779 : vector<16xf32>
        %parallel_loop3A_3781 = arith.constant 24 : i32
        %parallel_loop3A_3782 = arith.addi %parallel_loop3A_3592, %parallel_loop3A_3781 : i32
        %parallel_loop3A_3783 = arith.index_cast %parallel_loop3A_3782 : i32 to index
        %parallel_loop3A_3784 = arith.constant 0 : index
        %parallel_loop3A_3785 = tpu.vector_load %arg7[%parallel_loop3A_3783, %parallel_loop3A_3784] {strides = array<i32>} : memref<1664x16xf32, #tpu.memory_space<vmem>>, vector<16xf32>,
        %parallel_loop3A_3786 = arith.addf %parallel_loop3A_3778, %parallel_loop3A_3785 : vector<16xf32>
        %parallel_loop3A_3787 = arith.mulf %parallel_loop3A_3785, %parallel_loop3A_3785 : vector<16xf32>
        %parallel_loop3A_3788 = arith.addf %parallel_loop3A_3780, %parallel_loop3A_3787 : vector<16xf32>
        %parallel_loop3A_3789 = arith.constant 25 : i32
        %parallel_loop3A_3790 = arith.addi %parallel_loop3A_3592, %parallel_loop3A_3789 : i32
        %parallel_loop3A_3791 = arith.index_cast %parallel_loop3A_3790 : i32 to index
        %parallel_loop3A_3792 = arith.constant 0 : index
        %parallel_loop3A_3793 = tpu.vector_load %arg7[%parallel_loop3A_3791, %parallel_loop3A_3792] {strides = array<i32>} : memref<1664x16xf32, #tpu.memory_space<vmem>>, vector<16xf32>,
        %parallel_loop3A_3794 = arith.addf %parallel_loop3A_3786, %parallel_loop3A_3793 : vector<16xf32>
        %parallel_loop3A_3795 = arith.mulf %parallel_loop3A_3793, %parallel_loop3A_3793 : vector<16xf32>
        %parallel_loop3A_3796 = arith.addf %parallel_loop3A_3788, %parallel_loop3A_3795 : vector<16xf32>
        %parallel_loop3A_3797 = arith.index_cast %parallel_loop3A_3592 : i32 to index
        %parallel_loop3A_3798 = tpu.vector_load %arg8[%parallel_loop3A_3797] {strides = array<i32>} : memref<1680xf32, #tpu.memory_space<vmem>>, vector<16xf32>,
        %parallel_loop3A_3799 = arith.constant 16 : i32
        %parallel_loop3A_3800 = arith.addi %parallel_loop3A_3592, %parallel_loop3A_3799 : i32
        %parallel_loop3A_3801 = arith.index_cast %parallel_loop3A_3800 : i32 to index
        %parallel_loop3A_3802 = tpu.vector_load %arg8[%parallel_loop3A_3801] {strides = array<i32>} : memref<1680xf32, #tpu.memory_space<vmem>>, vector<16xf32>,
        %parallel_loop3A_3803 = arith.mulf %parallel_loop3A_3794, %parallel_loop3A_3794 : vector<16xf32>
        %parallel_loop3A_3804 = arith.subf %parallel_loop3A_3803, %parallel_loop3A_3796 : vector<16xf32>
        %parallel_loop3A_3805 = arith.constant 5.000000e-01 : f32
        %parallel_loop3A_3806 = vector.broadcast %parallel_loop3A_3805 : f32 to vector<16xf32>
        %parallel_loop3A_3807 = arith.mulf %parallel_loop3A_3806, %parallel_loop3A_3804 : vector<16xf32>
        %parallel_loop3A_3808 = arith.addf %parallel_loop3A_3807, %parallel_loop3A_3798 : vector<16xf32>
        %parallel_loop3A_3809 = arith.constant 0.000000e+00 : f32
        %parallel_loop3A_3810 = vector.broadcast %parallel_loop3A_3809 : f32 to vector<16xf32>
        %parallel_loop3A_3811 = arith.select %lt3A_4, %parallel_loop3A_3802, %parallel_loop3A_3810 : vector<16xi1>, vector<16xf32>
        %parallel_loop3A_3812 = arith.addf %parallel_loop3A_3808, %parallel_loop3A_3811 : vector<16xf32>
        %parallel_loop3A_3813 = vector.shape_cast %reshape3A : vector<16x1xi32> to vector<16xi32>
        %parallel_loop3A_3814 = tpu.dynamic_gather %parallel_loop3A_3812[%parallel_loop3A_3813] in [0] : vector<16xf32>, vector<16xi32> -> vector<16xf32>
        %parallel_loop3A_3815 = arith.addf %parallel_loop3A_3812, %parallel_loop3A_3814 : vector<16xf32>
        %parallel_loop3A_3816 = vector.shape_cast %reshape3A_10 : vector<16x1xi32> to vector<16xi32>
        %parallel_loop3A_3817 = tpu.dynamic_gather %parallel_loop3A_3815[%parallel_loop3A_3816] in [0] : vector<16xf32>, vector<16xi32> -> vector<16xf32>
        %parallel_loop3A_3818 = arith.addf %parallel_loop3A_3815, %parallel_loop3A_3817 : vector<16xf32>
        %parallel_loop3A_3819 = vector.shape_cast %reshape3A_14 : vector<16x1xi32> to vector<16xi32>
        %parallel_loop3A_3820 = tpu.dynamic_gather %parallel_loop3A_3818[%parallel_loop3A_3819] in [0] : vector<16xf32>, vector<16xi32> -> vector<16xf32>
        %parallel_loop3A_3821 = arith.addf %parallel_loop3A_3818, %parallel_loop3A_3820 : vector<16xf32>
        %parallel_loop3A_3822 = vector.shape_cast %reshape3A_18 : vector<16x1xi32> to vector<16xi32>
        %parallel_loop3A_3823 = tpu.dynamic_gather %parallel_loop3A_3821[%parallel_loop3A_3822] in [0] : vector<16xf32>, vector<16xi32> -> vector<16xf32>
        %parallel_loop3A_3824 = arith.addf %parallel_loop3A_3821, %parallel_loop3A_3823 : vector<16xf32>
        %parallel_loop3A_3825 = arith.constant 0 : i32
        %parallel_loop3A_3826 = vector.broadcast %parallel_loop3A_3825 : i32 to vector<16xi32>
        %parallel_loop3A_3827 = arith.muli %iota3A, %parallel_loop3A_3826 : vector<16xi32>
        %parallel_loop3A_3828 = arith.constant 64 : i32
        %parallel_loop3A_3829 = arith.muli %scan3A_24, %parallel_loop3A_3828 : i32
        %parallel_loop3A_3830 = arith.constant 16 : i32
        %parallel_loop3A_3831 = arith.muli %parallel_loop3A_44, %parallel_loop3A_3830 : i32
        %parallel_loop3A_3832 = arith.addi %parallel_loop3A_3829, %parallel_loop3A_3831 : i32
        %parallel_loop3A_3833 = arith.constant 14 : i32
        %parallel_loop3A_3834 = arith.addi %parallel_loop3A_3832, %parallel_loop3A_3833 : i32
        %parallel_loop3A_3835 = vector.broadcast %parallel_loop3A_3834 : i32 to vector<16xi32>
        %parallel_loop3A_3836 = arith.addi %parallel_loop3A_3827, %parallel_loop3A_3835 : vector<16xi32>
        %parallel_loop3A_3837 = arith.constant 14 : i32
        %parallel_loop3A_3838 = vector.broadcast %parallel_loop3A_3837 : i32 to vector<16xi32>
        %parallel_loop3A_3839 = arith.cmpi eq, %iota3A, %parallel_loop3A_3838 : vector<16xi32>
        tpu.vector_store_idx %arg9[%parallel_loop3A_3836], %parallel_loop3A_3824 masked %parallel_loop3A_3839 : memref<512xf32, #tpu.memory_space<vmem>>[vector<16xi32>], vector<16xf32>, vector<16xi1>
        %parallel_loop3A_3840 = arith.constant 16 : i32
        %parallel_loop3A_3841 = arith.muli %parallel_loop3A_44, %parallel_loop3A_3840 : i32
        %parallel_loop3A_3842 = arith.constant 15 : i32
        %parallel_loop3A_3843 = arith.addi %parallel_loop3A_3841, %parallel_loop3A_3842 : i32
        %parallel_loop3A_3844 = arith.constant 26 : i32
        %parallel_loop3A_3845 = arith.muli %parallel_loop3A_3843, %parallel_loop3A_3844 : i32
        %parallel_loop3A_3846 = arith.index_cast %parallel_loop3A_3845 : i32 to index
        %parallel_loop3A_3847 = arith.constant 0 : index
        %parallel_loop3A_3848 = tpu.vector_load %arg7[%parallel_loop3A_3846, %parallel_loop3A_3847] {strides = array<i32>} : memref<1664x16xf32, #tpu.memory_space<vmem>>, vector<16xf32>,
        %parallel_loop3A_3849 = arith.mulf %parallel_loop3A_3848, %parallel_loop3A_3848 : vector<16xf32>
        %parallel_loop3A_3850 = arith.constant 1 : i32
        %parallel_loop3A_3851 = arith.addi %parallel_loop3A_3845, %parallel_loop3A_3850 : i32
        %parallel_loop3A_3852 = arith.index_cast %parallel_loop3A_3851 : i32 to index
        %parallel_loop3A_3853 = arith.constant 0 : index
        %parallel_loop3A_3854 = tpu.vector_load %arg7[%parallel_loop3A_3852, %parallel_loop3A_3853] {strides = array<i32>} : memref<1664x16xf32, #tpu.memory_space<vmem>>, vector<16xf32>,
        %parallel_loop3A_3855 = arith.addf %parallel_loop3A_3848, %parallel_loop3A_3854 : vector<16xf32>
        %parallel_loop3A_3856 = arith.mulf %parallel_loop3A_3854, %parallel_loop3A_3854 : vector<16xf32>
        %parallel_loop3A_3857 = arith.addf %parallel_loop3A_3849, %parallel_loop3A_3856 : vector<16xf32>
        %parallel_loop3A_3858 = arith.constant 2 : i32
        %parallel_loop3A_3859 = arith.addi %parallel_loop3A_3845, %parallel_loop3A_3858 : i32
        %parallel_loop3A_3860 = arith.index_cast %parallel_loop3A_3859 : i32 to index
        %parallel_loop3A_3861 = arith.constant 0 : index
        %parallel_loop3A_3862 = tpu.vector_load %arg7[%parallel_loop3A_3860, %parallel_loop3A_3861] {strides = array<i32>} : memref<1664x16xf32, #tpu.memory_space<vmem>>, vector<16xf32>,
        %parallel_loop3A_3863 = arith.addf %parallel_loop3A_3855, %parallel_loop3A_3862 : vector<16xf32>
        %parallel_loop3A_3864 = arith.mulf %parallel_loop3A_3862, %parallel_loop3A_3862 : vector<16xf32>
        %parallel_loop3A_3865 = arith.addf %parallel_loop3A_3857, %parallel_loop3A_3864 : vector<16xf32>
        %parallel_loop3A_3866 = arith.constant 3 : i32
        %parallel_loop3A_3867 = arith.addi %parallel_loop3A_3845, %parallel_loop3A_3866 : i32
        %parallel_loop3A_3868 = arith.index_cast %parallel_loop3A_3867 : i32 to index
        %parallel_loop3A_3869 = arith.constant 0 : index
        %parallel_loop3A_3870 = tpu.vector_load %arg7[%parallel_loop3A_3868, %parallel_loop3A_3869] {strides = array<i32>} : memref<1664x16xf32, #tpu.memory_space<vmem>>, vector<16xf32>,
        %parallel_loop3A_3871 = arith.addf %parallel_loop3A_3863, %parallel_loop3A_3870 : vector<16xf32>
        %parallel_loop3A_3872 = arith.mulf %parallel_loop3A_3870, %parallel_loop3A_3870 : vector<16xf32>
        %parallel_loop3A_3873 = arith.addf %parallel_loop3A_3865, %parallel_loop3A_3872 : vector<16xf32>
        %parallel_loop3A_3874 = arith.constant 4 : i32
        %parallel_loop3A_3875 = arith.addi %parallel_loop3A_3845, %parallel_loop3A_3874 : i32
        %parallel_loop3A_3876 = arith.index_cast %parallel_loop3A_3875 : i32 to index
        %parallel_loop3A_3877 = arith.constant 0 : index
        %parallel_loop3A_3878 = tpu.vector_load %arg7[%parallel_loop3A_3876, %parallel_loop3A_3877] {strides = array<i32>} : memref<1664x16xf32, #tpu.memory_space<vmem>>, vector<16xf32>,
        %parallel_loop3A_3879 = arith.addf %parallel_loop3A_3871, %parallel_loop3A_3878 : vector<16xf32>
        %parallel_loop3A_3880 = arith.mulf %parallel_loop3A_3878, %parallel_loop3A_3878 : vector<16xf32>
        %parallel_loop3A_3881 = arith.addf %parallel_loop3A_3873, %parallel_loop3A_3880 : vector<16xf32>
        %parallel_loop3A_3882 = arith.constant 5 : i32
        %parallel_loop3A_3883 = arith.addi %parallel_loop3A_3845, %parallel_loop3A_3882 : i32
        %parallel_loop3A_3884 = arith.index_cast %parallel_loop3A_3883 : i32 to index
        %parallel_loop3A_3885 = arith.constant 0 : index
        %parallel_loop3A_3886 = tpu.vector_load %arg7[%parallel_loop3A_3884, %parallel_loop3A_3885] {strides = array<i32>} : memref<1664x16xf32, #tpu.memory_space<vmem>>, vector<16xf32>,
        %parallel_loop3A_3887 = arith.addf %parallel_loop3A_3879, %parallel_loop3A_3886 : vector<16xf32>
        %parallel_loop3A_3888 = arith.mulf %parallel_loop3A_3886, %parallel_loop3A_3886 : vector<16xf32>
        %parallel_loop3A_3889 = arith.addf %parallel_loop3A_3881, %parallel_loop3A_3888 : vector<16xf32>
        %parallel_loop3A_3890 = arith.constant 6 : i32
        %parallel_loop3A_3891 = arith.addi %parallel_loop3A_3845, %parallel_loop3A_3890 : i32
        %parallel_loop3A_3892 = arith.index_cast %parallel_loop3A_3891 : i32 to index
        %parallel_loop3A_3893 = arith.constant 0 : index
        %parallel_loop3A_3894 = tpu.vector_load %arg7[%parallel_loop3A_3892, %parallel_loop3A_3893] {strides = array<i32>} : memref<1664x16xf32, #tpu.memory_space<vmem>>, vector<16xf32>,
        %parallel_loop3A_3895 = arith.addf %parallel_loop3A_3887, %parallel_loop3A_3894 : vector<16xf32>
        %parallel_loop3A_3896 = arith.mulf %parallel_loop3A_3894, %parallel_loop3A_3894 : vector<16xf32>
        %parallel_loop3A_3897 = arith.addf %parallel_loop3A_3889, %parallel_loop3A_3896 : vector<16xf32>
        %parallel_loop3A_3898 = arith.constant 7 : i32
        %parallel_loop3A_3899 = arith.addi %parallel_loop3A_3845, %parallel_loop3A_3898 : i32
        %parallel_loop3A_3900 = arith.index_cast %parallel_loop3A_3899 : i32 to index
        %parallel_loop3A_3901 = arith.constant 0 : index
        %parallel_loop3A_3902 = tpu.vector_load %arg7[%parallel_loop3A_3900, %parallel_loop3A_3901] {strides = array<i32>} : memref<1664x16xf32, #tpu.memory_space<vmem>>, vector<16xf32>,
        %parallel_loop3A_3903 = arith.addf %parallel_loop3A_3895, %parallel_loop3A_3902 : vector<16xf32>
        %parallel_loop3A_3904 = arith.mulf %parallel_loop3A_3902, %parallel_loop3A_3902 : vector<16xf32>
        %parallel_loop3A_3905 = arith.addf %parallel_loop3A_3897, %parallel_loop3A_3904 : vector<16xf32>
        %parallel_loop3A_3906 = arith.constant 8 : i32
        %parallel_loop3A_3907 = arith.addi %parallel_loop3A_3845, %parallel_loop3A_3906 : i32
        %parallel_loop3A_3908 = arith.index_cast %parallel_loop3A_3907 : i32 to index
        %parallel_loop3A_3909 = arith.constant 0 : index
        %parallel_loop3A_3910 = tpu.vector_load %arg7[%parallel_loop3A_3908, %parallel_loop3A_3909] {strides = array<i32>} : memref<1664x16xf32, #tpu.memory_space<vmem>>, vector<16xf32>,
        %parallel_loop3A_3911 = arith.addf %parallel_loop3A_3903, %parallel_loop3A_3910 : vector<16xf32>
        %parallel_loop3A_3912 = arith.mulf %parallel_loop3A_3910, %parallel_loop3A_3910 : vector<16xf32>
        %parallel_loop3A_3913 = arith.addf %parallel_loop3A_3905, %parallel_loop3A_3912 : vector<16xf32>
        %parallel_loop3A_3914 = arith.constant 9 : i32
        %parallel_loop3A_3915 = arith.addi %parallel_loop3A_3845, %parallel_loop3A_3914 : i32
        %parallel_loop3A_3916 = arith.index_cast %parallel_loop3A_3915 : i32 to index
        %parallel_loop3A_3917 = arith.constant 0 : index
        %parallel_loop3A_3918 = tpu.vector_load %arg7[%parallel_loop3A_3916, %parallel_loop3A_3917] {strides = array<i32>} : memref<1664x16xf32, #tpu.memory_space<vmem>>, vector<16xf32>,
        %parallel_loop3A_3919 = arith.addf %parallel_loop3A_3911, %parallel_loop3A_3918 : vector<16xf32>
        %parallel_loop3A_3920 = arith.mulf %parallel_loop3A_3918, %parallel_loop3A_3918 : vector<16xf32>
        %parallel_loop3A_3921 = arith.addf %parallel_loop3A_3913, %parallel_loop3A_3920 : vector<16xf32>
        %parallel_loop3A_3922 = arith.constant 10 : i32
        %parallel_loop3A_3923 = arith.addi %parallel_loop3A_3845, %parallel_loop3A_3922 : i32
        %parallel_loop3A_3924 = arith.index_cast %parallel_loop3A_3923 : i32 to index
        %parallel_loop3A_3925 = arith.constant 0 : index
        %parallel_loop3A_3926 = tpu.vector_load %arg7[%parallel_loop3A_3924, %parallel_loop3A_3925] {strides = array<i32>} : memref<1664x16xf32, #tpu.memory_space<vmem>>, vector<16xf32>,
        %parallel_loop3A_3927 = arith.addf %parallel_loop3A_3919, %parallel_loop3A_3926 : vector<16xf32>
        %parallel_loop3A_3928 = arith.mulf %parallel_loop3A_3926, %parallel_loop3A_3926 : vector<16xf32>
        %parallel_loop3A_3929 = arith.addf %parallel_loop3A_3921, %parallel_loop3A_3928 : vector<16xf32>
        %parallel_loop3A_3930 = arith.constant 11 : i32
        %parallel_loop3A_3931 = arith.addi %parallel_loop3A_3845, %parallel_loop3A_3930 : i32
        %parallel_loop3A_3932 = arith.index_cast %parallel_loop3A_3931 : i32 to index
        %parallel_loop3A_3933 = arith.constant 0 : index
        %parallel_loop3A_3934 = tpu.vector_load %arg7[%parallel_loop3A_3932, %parallel_loop3A_3933] {strides = array<i32>} : memref<1664x16xf32, #tpu.memory_space<vmem>>, vector<16xf32>,
        %parallel_loop3A_3935 = arith.addf %parallel_loop3A_3927, %parallel_loop3A_3934 : vector<16xf32>
        %parallel_loop3A_3936 = arith.mulf %parallel_loop3A_3934, %parallel_loop3A_3934 : vector<16xf32>
        %parallel_loop3A_3937 = arith.addf %parallel_loop3A_3929, %parallel_loop3A_3936 : vector<16xf32>
        %parallel_loop3A_3938 = arith.constant 12 : i32
        %parallel_loop3A_3939 = arith.addi %parallel_loop3A_3845, %parallel_loop3A_3938 : i32
        %parallel_loop3A_3940 = arith.index_cast %parallel_loop3A_3939 : i32 to index
        %parallel_loop3A_3941 = arith.constant 0 : index
        %parallel_loop3A_3942 = tpu.vector_load %arg7[%parallel_loop3A_3940, %parallel_loop3A_3941] {strides = array<i32>} : memref<1664x16xf32, #tpu.memory_space<vmem>>, vector<16xf32>,
        %parallel_loop3A_3943 = arith.addf %parallel_loop3A_3935, %parallel_loop3A_3942 : vector<16xf32>
        %parallel_loop3A_3944 = arith.mulf %parallel_loop3A_3942, %parallel_loop3A_3942 : vector<16xf32>
        %parallel_loop3A_3945 = arith.addf %parallel_loop3A_3937, %parallel_loop3A_3944 : vector<16xf32>
        %parallel_loop3A_3946 = arith.constant 13 : i32
        %parallel_loop3A_3947 = arith.addi %parallel_loop3A_3845, %parallel_loop3A_3946 : i32
        %parallel_loop3A_3948 = arith.index_cast %parallel_loop3A_3947 : i32 to index
        %parallel_loop3A_3949 = arith.constant 0 : index
        %parallel_loop3A_3950 = tpu.vector_load %arg7[%parallel_loop3A_3948, %parallel_loop3A_3949] {strides = array<i32>} : memref<1664x16xf32, #tpu.memory_space<vmem>>, vector<16xf32>,
        %parallel_loop3A_3951 = arith.addf %parallel_loop3A_3943, %parallel_loop3A_3950 : vector<16xf32>
        %parallel_loop3A_3952 = arith.mulf %parallel_loop3A_3950, %parallel_loop3A_3950 : vector<16xf32>
        %parallel_loop3A_3953 = arith.addf %parallel_loop3A_3945, %parallel_loop3A_3952 : vector<16xf32>
        %parallel_loop3A_3954 = arith.constant 14 : i32
        %parallel_loop3A_3955 = arith.addi %parallel_loop3A_3845, %parallel_loop3A_3954 : i32
        %parallel_loop3A_3956 = arith.index_cast %parallel_loop3A_3955 : i32 to index
        %parallel_loop3A_3957 = arith.constant 0 : index
        %parallel_loop3A_3958 = tpu.vector_load %arg7[%parallel_loop3A_3956, %parallel_loop3A_3957] {strides = array<i32>} : memref<1664x16xf32, #tpu.memory_space<vmem>>, vector<16xf32>,
        %parallel_loop3A_3959 = arith.addf %parallel_loop3A_3951, %parallel_loop3A_3958 : vector<16xf32>
        %parallel_loop3A_3960 = arith.mulf %parallel_loop3A_3958, %parallel_loop3A_3958 : vector<16xf32>
        %parallel_loop3A_3961 = arith.addf %parallel_loop3A_3953, %parallel_loop3A_3960 : vector<16xf32>
        %parallel_loop3A_3962 = arith.constant 15 : i32
        %parallel_loop3A_3963 = arith.addi %parallel_loop3A_3845, %parallel_loop3A_3962 : i32
        %parallel_loop3A_3964 = arith.index_cast %parallel_loop3A_3963 : i32 to index
        %parallel_loop3A_3965 = arith.constant 0 : index
        %parallel_loop3A_3966 = tpu.vector_load %arg7[%parallel_loop3A_3964, %parallel_loop3A_3965] {strides = array<i32>} : memref<1664x16xf32, #tpu.memory_space<vmem>>, vector<16xf32>,
        %parallel_loop3A_3967 = arith.addf %parallel_loop3A_3959, %parallel_loop3A_3966 : vector<16xf32>
        %parallel_loop3A_3968 = arith.mulf %parallel_loop3A_3966, %parallel_loop3A_3966 : vector<16xf32>
        %parallel_loop3A_3969 = arith.addf %parallel_loop3A_3961, %parallel_loop3A_3968 : vector<16xf32>
        %parallel_loop3A_3970 = arith.constant 16 : i32
        %parallel_loop3A_3971 = arith.addi %parallel_loop3A_3845, %parallel_loop3A_3970 : i32
        %parallel_loop3A_3972 = arith.index_cast %parallel_loop3A_3971 : i32 to index
        %parallel_loop3A_3973 = arith.constant 0 : index
        %parallel_loop3A_3974 = tpu.vector_load %arg7[%parallel_loop3A_3972, %parallel_loop3A_3973] {strides = array<i32>} : memref<1664x16xf32, #tpu.memory_space<vmem>>, vector<16xf32>,
        %parallel_loop3A_3975 = arith.addf %parallel_loop3A_3967, %parallel_loop3A_3974 : vector<16xf32>
        %parallel_loop3A_3976 = arith.mulf %parallel_loop3A_3974, %parallel_loop3A_3974 : vector<16xf32>
        %parallel_loop3A_3977 = arith.addf %parallel_loop3A_3969, %parallel_loop3A_3976 : vector<16xf32>
        %parallel_loop3A_3978 = arith.constant 17 : i32
        %parallel_loop3A_3979 = arith.addi %parallel_loop3A_3845, %parallel_loop3A_3978 : i32
        %parallel_loop3A_3980 = arith.index_cast %parallel_loop3A_3979 : i32 to index
        %parallel_loop3A_3981 = arith.constant 0 : index
        %parallel_loop3A_3982 = tpu.vector_load %arg7[%parallel_loop3A_3980, %parallel_loop3A_3981] {strides = array<i32>} : memref<1664x16xf32, #tpu.memory_space<vmem>>, vector<16xf32>,
        %parallel_loop3A_3983 = arith.addf %parallel_loop3A_3975, %parallel_loop3A_3982 : vector<16xf32>
        %parallel_loop3A_3984 = arith.mulf %parallel_loop3A_3982, %parallel_loop3A_3982 : vector<16xf32>
        %parallel_loop3A_3985 = arith.addf %parallel_loop3A_3977, %parallel_loop3A_3984 : vector<16xf32>
        %parallel_loop3A_3986 = arith.constant 18 : i32
        %parallel_loop3A_3987 = arith.addi %parallel_loop3A_3845, %parallel_loop3A_3986 : i32
        %parallel_loop3A_3988 = arith.index_cast %parallel_loop3A_3987 : i32 to index
        %parallel_loop3A_3989 = arith.constant 0 : index
        %parallel_loop3A_3990 = tpu.vector_load %arg7[%parallel_loop3A_3988, %parallel_loop3A_3989] {strides = array<i32>} : memref<1664x16xf32, #tpu.memory_space<vmem>>, vector<16xf32>,
        %parallel_loop3A_3991 = arith.addf %parallel_loop3A_3983, %parallel_loop3A_3990 : vector<16xf32>
        %parallel_loop3A_3992 = arith.mulf %parallel_loop3A_3990, %parallel_loop3A_3990 : vector<16xf32>
        %parallel_loop3A_3993 = arith.addf %parallel_loop3A_3985, %parallel_loop3A_3992 : vector<16xf32>
        %parallel_loop3A_3994 = arith.constant 19 : i32
        %parallel_loop3A_3995 = arith.addi %parallel_loop3A_3845, %parallel_loop3A_3994 : i32
        %parallel_loop3A_3996 = arith.index_cast %parallel_loop3A_3995 : i32 to index
        %parallel_loop3A_3997 = arith.constant 0 : index
        %parallel_loop3A_3998 = tpu.vector_load %arg7[%parallel_loop3A_3996, %parallel_loop3A_3997] {strides = array<i32>} : memref<1664x16xf32, #tpu.memory_space<vmem>>, vector<16xf32>,
        %parallel_loop3A_3999 = arith.addf %parallel_loop3A_3991, %parallel_loop3A_3998 : vector<16xf32>
        %parallel_loop3A_4000 = arith.mulf %parallel_loop3A_3998, %parallel_loop3A_3998 : vector<16xf32>
        %parallel_loop3A_4001 = arith.addf %parallel_loop3A_3993, %parallel_loop3A_4000 : vector<16xf32>
        %parallel_loop3A_4002 = arith.constant 20 : i32
        %parallel_loop3A_4003 = arith.addi %parallel_loop3A_3845, %parallel_loop3A_4002 : i32
        %parallel_loop3A_4004 = arith.index_cast %parallel_loop3A_4003 : i32 to index
        %parallel_loop3A_4005 = arith.constant 0 : index
        %parallel_loop3A_4006 = tpu.vector_load %arg7[%parallel_loop3A_4004, %parallel_loop3A_4005] {strides = array<i32>} : memref<1664x16xf32, #tpu.memory_space<vmem>>, vector<16xf32>,
        %parallel_loop3A_4007 = arith.addf %parallel_loop3A_3999, %parallel_loop3A_4006 : vector<16xf32>
        %parallel_loop3A_4008 = arith.mulf %parallel_loop3A_4006, %parallel_loop3A_4006 : vector<16xf32>
        %parallel_loop3A_4009 = arith.addf %parallel_loop3A_4001, %parallel_loop3A_4008 : vector<16xf32>
        %parallel_loop3A_4010 = arith.constant 21 : i32
        %parallel_loop3A_4011 = arith.addi %parallel_loop3A_3845, %parallel_loop3A_4010 : i32
        %parallel_loop3A_4012 = arith.index_cast %parallel_loop3A_4011 : i32 to index
        %parallel_loop3A_4013 = arith.constant 0 : index
        %parallel_loop3A_4014 = tpu.vector_load %arg7[%parallel_loop3A_4012, %parallel_loop3A_4013] {strides = array<i32>} : memref<1664x16xf32, #tpu.memory_space<vmem>>, vector<16xf32>,
        %parallel_loop3A_4015 = arith.addf %parallel_loop3A_4007, %parallel_loop3A_4014 : vector<16xf32>
        %parallel_loop3A_4016 = arith.mulf %parallel_loop3A_4014, %parallel_loop3A_4014 : vector<16xf32>
        %parallel_loop3A_4017 = arith.addf %parallel_loop3A_4009, %parallel_loop3A_4016 : vector<16xf32>
        %parallel_loop3A_4018 = arith.constant 22 : i32
        %parallel_loop3A_4019 = arith.addi %parallel_loop3A_3845, %parallel_loop3A_4018 : i32
        %parallel_loop3A_4020 = arith.index_cast %parallel_loop3A_4019 : i32 to index
        %parallel_loop3A_4021 = arith.constant 0 : index
        %parallel_loop3A_4022 = tpu.vector_load %arg7[%parallel_loop3A_4020, %parallel_loop3A_4021] {strides = array<i32>} : memref<1664x16xf32, #tpu.memory_space<vmem>>, vector<16xf32>,
        %parallel_loop3A_4023 = arith.addf %parallel_loop3A_4015, %parallel_loop3A_4022 : vector<16xf32>
        %parallel_loop3A_4024 = arith.mulf %parallel_loop3A_4022, %parallel_loop3A_4022 : vector<16xf32>
        %parallel_loop3A_4025 = arith.addf %parallel_loop3A_4017, %parallel_loop3A_4024 : vector<16xf32>
        %parallel_loop3A_4026 = arith.constant 23 : i32
        %parallel_loop3A_4027 = arith.addi %parallel_loop3A_3845, %parallel_loop3A_4026 : i32
        %parallel_loop3A_4028 = arith.index_cast %parallel_loop3A_4027 : i32 to index
        %parallel_loop3A_4029 = arith.constant 0 : index
        %parallel_loop3A_4030 = tpu.vector_load %arg7[%parallel_loop3A_4028, %parallel_loop3A_4029] {strides = array<i32>} : memref<1664x16xf32, #tpu.memory_space<vmem>>, vector<16xf32>,
        %parallel_loop3A_4031 = arith.addf %parallel_loop3A_4023, %parallel_loop3A_4030 : vector<16xf32>
        %parallel_loop3A_4032 = arith.mulf %parallel_loop3A_4030, %parallel_loop3A_4030 : vector<16xf32>
        %parallel_loop3A_4033 = arith.addf %parallel_loop3A_4025, %parallel_loop3A_4032 : vector<16xf32>
        %parallel_loop3A_4034 = arith.constant 24 : i32
        %parallel_loop3A_4035 = arith.addi %parallel_loop3A_3845, %parallel_loop3A_4034 : i32
        %parallel_loop3A_4036 = arith.index_cast %parallel_loop3A_4035 : i32 to index
        %parallel_loop3A_4037 = arith.constant 0 : index
        %parallel_loop3A_4038 = tpu.vector_load %arg7[%parallel_loop3A_4036, %parallel_loop3A_4037] {strides = array<i32>} : memref<1664x16xf32, #tpu.memory_space<vmem>>, vector<16xf32>,
        %parallel_loop3A_4039 = arith.addf %parallel_loop3A_4031, %parallel_loop3A_4038 : vector<16xf32>
        %parallel_loop3A_4040 = arith.mulf %parallel_loop3A_4038, %parallel_loop3A_4038 : vector<16xf32>
        %parallel_loop3A_4041 = arith.addf %parallel_loop3A_4033, %parallel_loop3A_4040 : vector<16xf32>
        %parallel_loop3A_4042 = arith.constant 25 : i32
        %parallel_loop3A_4043 = arith.addi %parallel_loop3A_3845, %parallel_loop3A_4042 : i32
        %parallel_loop3A_4044 = arith.index_cast %parallel_loop3A_4043 : i32 to index
        %parallel_loop3A_4045 = arith.constant 0 : index
        %parallel_loop3A_4046 = tpu.vector_load %arg7[%parallel_loop3A_4044, %parallel_loop3A_4045] {strides = array<i32>} : memref<1664x16xf32, #tpu.memory_space<vmem>>, vector<16xf32>,
        %parallel_loop3A_4047 = arith.addf %parallel_loop3A_4039, %parallel_loop3A_4046 : vector<16xf32>
        %parallel_loop3A_4048 = arith.mulf %parallel_loop3A_4046, %parallel_loop3A_4046 : vector<16xf32>
        %parallel_loop3A_4049 = arith.addf %parallel_loop3A_4041, %parallel_loop3A_4048 : vector<16xf32>
        %parallel_loop3A_4050 = arith.index_cast %parallel_loop3A_3845 : i32 to index
        %parallel_loop3A_4051 = tpu.vector_load %arg8[%parallel_loop3A_4050] {strides = array<i32>} : memref<1680xf32, #tpu.memory_space<vmem>>, vector<16xf32>,
        %parallel_loop3A_4052 = arith.constant 16 : i32
        %parallel_loop3A_4053 = arith.addi %parallel_loop3A_3845, %parallel_loop3A_4052 : i32
        %parallel_loop3A_4054 = arith.index_cast %parallel_loop3A_4053 : i32 to index
        %parallel_loop3A_4055 = tpu.vector_load %arg8[%parallel_loop3A_4054] {strides = array<i32>} : memref<1680xf32, #tpu.memory_space<vmem>>, vector<16xf32>,
        %parallel_loop3A_4056 = arith.mulf %parallel_loop3A_4047, %parallel_loop3A_4047 : vector<16xf32>
        %parallel_loop3A_4057 = arith.subf %parallel_loop3A_4056, %parallel_loop3A_4049 : vector<16xf32>
        %parallel_loop3A_4058 = arith.constant 5.000000e-01 : f32
        %parallel_loop3A_4059 = vector.broadcast %parallel_loop3A_4058 : f32 to vector<16xf32>
        %parallel_loop3A_4060 = arith.mulf %parallel_loop3A_4059, %parallel_loop3A_4057 : vector<16xf32>
        %parallel_loop3A_4061 = arith.addf %parallel_loop3A_4060, %parallel_loop3A_4051 : vector<16xf32>
        %parallel_loop3A_4062 = arith.constant 0.000000e+00 : f32
        %parallel_loop3A_4063 = vector.broadcast %parallel_loop3A_4062 : f32 to vector<16xf32>
        %parallel_loop3A_4064 = arith.select %lt3A_4, %parallel_loop3A_4055, %parallel_loop3A_4063 : vector<16xi1>, vector<16xf32>
        %parallel_loop3A_4065 = arith.addf %parallel_loop3A_4061, %parallel_loop3A_4064 : vector<16xf32>
        %parallel_loop3A_4066 = vector.shape_cast %reshape3A : vector<16x1xi32> to vector<16xi32>
        %parallel_loop3A_4067 = tpu.dynamic_gather %parallel_loop3A_4065[%parallel_loop3A_4066] in [0] : vector<16xf32>, vector<16xi32> -> vector<16xf32>
        %parallel_loop3A_4068 = arith.addf %parallel_loop3A_4065, %parallel_loop3A_4067 : vector<16xf32>
        %parallel_loop3A_4069 = vector.shape_cast %reshape3A_10 : vector<16x1xi32> to vector<16xi32>
        %parallel_loop3A_4070 = tpu.dynamic_gather %parallel_loop3A_4068[%parallel_loop3A_4069] in [0] : vector<16xf32>, vector<16xi32> -> vector<16xf32>
        %parallel_loop3A_4071 = arith.addf %parallel_loop3A_4068, %parallel_loop3A_4070 : vector<16xf32>
        %parallel_loop3A_4072 = vector.shape_cast %reshape3A_14 : vector<16x1xi32> to vector<16xi32>
        %parallel_loop3A_4073 = tpu.dynamic_gather %parallel_loop3A_4071[%parallel_loop3A_4072] in [0] : vector<16xf32>, vector<16xi32> -> vector<16xf32>
        %parallel_loop3A_4074 = arith.addf %parallel_loop3A_4071, %parallel_loop3A_4073 : vector<16xf32>
        %parallel_loop3A_4075 = vector.shape_cast %reshape3A_18 : vector<16x1xi32> to vector<16xi32>
        %parallel_loop3A_4076 = tpu.dynamic_gather %parallel_loop3A_4074[%parallel_loop3A_4075] in [0] : vector<16xf32>, vector<16xi32> -> vector<16xf32>
        %parallel_loop3A_4077 = arith.addf %parallel_loop3A_4074, %parallel_loop3A_4076 : vector<16xf32>
        %parallel_loop3A_4078 = arith.constant 0 : i32
        %parallel_loop3A_4079 = vector.broadcast %parallel_loop3A_4078 : i32 to vector<16xi32>
        %parallel_loop3A_4080 = arith.muli %iota3A, %parallel_loop3A_4079 : vector<16xi32>
        %parallel_loop3A_4081 = arith.constant 64 : i32
        %parallel_loop3A_4082 = arith.muli %scan3A_24, %parallel_loop3A_4081 : i32
        %parallel_loop3A_4083 = arith.constant 16 : i32
        %parallel_loop3A_4084 = arith.muli %parallel_loop3A_44, %parallel_loop3A_4083 : i32
        %parallel_loop3A_4085 = arith.addi %parallel_loop3A_4082, %parallel_loop3A_4084 : i32
        %parallel_loop3A_4086 = arith.constant 15 : i32
        %parallel_loop3A_4087 = arith.addi %parallel_loop3A_4085, %parallel_loop3A_4086 : i32
        %parallel_loop3A_4088 = vector.broadcast %parallel_loop3A_4087 : i32 to vector<16xi32>
        %parallel_loop3A_4089 = arith.addi %parallel_loop3A_4080, %parallel_loop3A_4088 : vector<16xi32>
        %parallel_loop3A_4090 = arith.constant 15 : i32
        %parallel_loop3A_4091 = vector.broadcast %parallel_loop3A_4090 : i32 to vector<16xi32>
        %parallel_loop3A_4092 = arith.cmpi eq, %iota3A, %parallel_loop3A_4091 : vector<16xi32>
        tpu.vector_store_idx %arg9[%parallel_loop3A_4089], %parallel_loop3A_4077 masked %parallel_loop3A_4092 : memref<512xf32, #tpu.memory_space<vmem>>[vector<16xi32>], vector<16xf32>, vector<16xi1>
      } {sc.loop_unroll_factor = 1 : i64, sc.parallel_access}
    }
    %scan3A_23 = arith.constant 8 : i32
    "tpu.region"() ({
      %run_scoped3A = tpu.sem_alloc : memref<!tpu.dma_semaphore, #tpu.memory_space<semaphore_mem>>
      %dma_start3A = tpu.memref_slice %arg5[%mul3A_2] : memref<16384xf32, #tpu.memory_space<hbm>> -> memref<512xf32, #tpu.memory_space<hbm>>
      %dma_start3A_24 = tpu.memref_slice %arg5[%mul3A_2] : memref<16384xf32, #tpu.memory_space<hbm>> -> memref<512xf32, #tpu.memory_space<hbm>>
      tpu.enqueue_dma source(%arg9 : memref<512xf32, #tpu.memory_space<vmem>>) target(%dma_start3A_24 : memref<512xf32, #tpu.memory_space<hbm>>) target_semaphore(%run_scoped3A : memref<!tpu.dma_semaphore, #tpu.memory_space<semaphore_mem>>)
      %dma_wait3A = tpu.memref_slice %arg5[%mul3A_2] : memref<16384xf32, #tpu.memory_space<hbm>> -> memref<512xf32, #tpu.memory_space<hbm>>
      %dma_wait3A_25 = tpu.memref_slice %arg5[%mul3A_2] : memref<16384xf32, #tpu.memory_space<hbm>> -> memref<512xf32, #tpu.memory_space<hbm>>
      tpu.wait_dma2 semaphore(%run_scoped3A : memref<!tpu.dma_semaphore, #tpu.memory_space<semaphore_mem>>) src(%arg9 : memref<512xf32, #tpu.memory_space<vmem>>) dst(%dma_wait3A_25 : memref<512xf32, #tpu.memory_space<hbm>>)
      tpu.yield
    }) : () -> ()
    return
  }
}

</mosaic_0001>

<sc_bundles>
// kernel: _fm_call.3.cloned.1.call-start
scs
__scs_entry_jumppad:
0x0: {  	(pc) =	sbr.rel $0x88, $3  }
0x1: {  	(tag) =	ssettag $0x0;
	lr =	simm.s32 $0x1  }
0x2: {  	[smem:$0x3F9E] =	sst lr;
	_ =	strace $0xD0000000  }
0x3: {  	_ = 	snop  }
0x4: {  	_ = 	snop  }
0x5: {  	_ = 	snop  }
0x6: {  	_ = 	snop  }
0x7: {  	_ = 	snop  }
__scs_overlays_trampoline_lowered:
0x8: {  	[smem:$0x3FAD] =	sst s0  }
0x9: {  	[smem:$0x3FAE] =	sst s1  }
0xa: {  	[smem:$0x3FAF] =	sst s2  }
0xb: {  	[smem:$0x3FB0] =	sst s3  }
0xc: {  	[smem:$0x3FB1] =	sst s4  }
0xd: {  	[smem:$0x3FB2] =	sst s5  }
0xe: {  	[smem:$0x3FB3] =	sst s6  }
0xf: {  	[smem:$0x3FB4] =	sst s7  }
0x10: {  	[smem:$0x3FB5] =	sst s8  }
0x11: {  	[smem:$0x3FB6] =	sst s9;
	s0 =	simm.s32 @!p0 $0x0  }
0x12: {  	s1 =	sld [smem:$0x3F9C];
	s0 =	simm.s32 @p0 $0x1  }
0x13: {  	[smem:$0x3FB7] =	sst s0;
	s0 =	simm.s32 @!p1 $0x0  }
0x14: {  	s2 =	sld [smem:$0x3F9B];
	s0 =	simm.s32 @p1 $0x1  }
0x15: {  	[smem:$0x3FB8] =	sst s0;
	s0 =	simm.s32 @!p2 $0x0  }
0x16: {  	s3 =	sld [smem:$0x3FDB];
	s0 =	simm.s32 @p2 $0x1  }
0x17: {  	s4 =	simm.s32 $0x1BF5;
	[smem:$0x3FBA] =	sst s0  }
0x18: {  	s0 =	sld [smem:$0x3F9D];
	_ =	swait.ge [sflag:s4], $0x0  }
0x19: {  	s7 =	sld [smem:$0x3F9E]  }
0x1a: {  	s8 =	sadd.s32 $0xFFFFE003, lr  }
0x1b: {  	s9 =	sadd.s32 $0xFFFFFEF7, lr;
	s5 =	simm.s32 $0xFFFFFFFF;
	p2 =	slt.u32 s8, $0xFFFFF086  }
0x1c: {  	p1 =	slt.u32 s9, $0xF7A;
	s5 =	simm.s32 @!p2 $0x0  }
0x1d: {  	s5 =	simm.s32 @p1 $0x1;
	p0 =	seq.s32 s7, s2  }
0x1e: {  	s7 =	smul.u32 @!p0 $0xF7A, s2;
	p2 =	seq.s32 @!p0 s5, $0x0  }
0x1f: {  	s9 =	smul.u32 $0xF7A, s1;
	s8 =	simm.s32 @!p0 $0x1BF5;
	p2 =	por !p2, p0  }
0x20: {  	[sflag:s8] =	ssyncset.s32 @!p0 $0xFFFFF086;
	s6 =	sadd.s32 @!p0 s3, s7;
	s7 =	simm.s32 @!p0 $0x108  }
0x21: {  	s3 =	sadd.s32 s3, s9;
	s6 =	sadd.s32 @!p0 $0x88, s6;
	s7 =	simm.s32 @p2 $0x1082  }
0x22: {  	[simem:s7], [sflag:s8] =	dma.local @!p0 [hbm:s6], $0xF7A  }
0x23: {  	s9 =	sor.u32 $0xD0000000, s2;
	s6 =	simm.s32 $0x108;
	_ =	swait.ge @!p0 [sflag:s8], $0x0  }
0x24: {  	s3 =	sadd.s32 $0x88, s3;
	s6 =	simm.s32 @!p1 $0x1082;
	[sflag:s4] =	ssyncset.s32 $0xFFFFF086  }
0x25: {  	[simem:s6], [sflag:s4] =	dma.local [hbm:s3], $0xF7A  }
0x26: {  	[smem:$0x3F9E] =	sst s1;
	(tag) =	ssettag s2;
	_ =	strace s9  }
0x27: {  	s1 =	sld [smem:$0x3FAE]  }
0x28: {  	s2 =	sld [smem:$0x3FAF]  }
0x29: {  	s4 =	sld [smem:$0x3FB1]  }
0x2a: {  	p0 =	seq.s32 s5, $0x0;
	s5 =	sld [smem:$0x3FB2]  }
0x2b: {  	s6 =	sld [smem:$0x3FB3]  }
0x2c: {  	s7 =	sld [smem:$0x3FB4]  }
0x2d: {  	s3 =	simm.s32 $0x108;
	s8 =	sld [smem:$0x3FB5]  }
0x2e: {  	s3 =	simm.s32 @!p0 $0x1082;
	s9 =	sld [smem:$0x3FB6]  }
0x2f: {  	lr =	sadd.s32 s0, s3;
	s0 =	sld [smem:$0x3FAD]  }
0x30: {  	s3 =	sld [smem:$0x3FB0]  }
0x31: {  	[smem:$0x3FB9] =	sst s10  }
0x32: {  	s10 =	sld [smem:$0x3FB7];
	_ =	sdelay $0x3  }
0x33: {  	p0 =	seq.s32 s10, $0x1;
	s10 =	sld [smem:$0x3FB9];
	_ =	sdelay $0x3  }
0x34: {  	[smem:$0x3FB9] =	sst s10  }
0x35: {  	s10 =	sld [smem:$0x3FB8];
	_ =	sdelay $0x3  }
0x36: {  	p1 =	seq.s32 s10, $0x1;
	s10 =	sld [smem:$0x3FB9];
	_ =	sdelay $0x3  }
0x37: {  	[smem:$0x3FB9] =	sst s10  }
0x38: {  	s10 =	sld [smem:$0x3FBA]  }
0x39: {  	_ = 	snop;
	(pc) =	sbr.ind lr, $3  }
0x3a: {  	_ = 	snop  }
0x3b: {  	_ = 	snop  }
0x3c: {  	p2 =	seq.s32 s10, $0x1;
	s10 =	sld [smem:$0x3FB9]  }
0x3d: {  	_ =	shalt  }
0x3e: {  	_ =	shalt  }
0x3f: {  	_ =	shalt  }
0x40: {  	_ =	shalt  }
0x41: {  	_ =	shalt  }
0x42: {  	_ =	shalt  }
0x43: {  	_ =	shalt  }
0x44: {  	_ =	shalt  }
0x45: {  	_ =	shalt  }
0x46: {  	_ =	shalt  }
0x47: {  	_ =	shalt  }
0x48: {  	_ =	shalt  }
0x49: {  	_ =	shalt  }
0x4a: {  	_ =	shalt  }
0x4b: {  	_ =	shalt  }
0x4c: {  	_ =	shalt  }
0x4d: {  	_ =	shalt  }
0x4e: {  	_ =	shalt  }
0x4f: {  	_ =	shalt  }
0x50: {  	_ =	shalt  }
0x51: {  	_ =	shalt  }
0x52: {  	_ =	shalt  }
0x53: {  	_ =	shalt  }
0x54: {  	_ =	shalt  }
0x55: {  	_ =	shalt  }
0x56: {  	_ =	shalt  }
0x57: {  	_ =	shalt  }
0x58: {  	_ =	shalt  }
0x59: {  	_ =	shalt  }
0x5a: {  	_ =	shalt  }
0x5b: {  	_ =	shalt  }
0x5c: {  	_ =	shalt  }
0x5d: {  	_ =	shalt  }
0x5e: {  	_ =	shalt  }
0x5f: {  	_ =	shalt  }
0x60: {  	_ =	shalt  }
0x61: {  	_ =	shalt  }
0x62: {  	_ =	shalt  }
0x63: {  	_ =	shalt  }
0x64: {  	_ =	shalt  }
0x65: {  	_ =	shalt  }
0x66: {  	_ =	shalt  }
0x67: {  	_ =	shalt  }
0x68: {  	_ =	shalt  }
0x69: {  	_ =	shalt  }
0x6a: {  	_ =	shalt  }
0x6b: {  	_ =	shalt  }
0x6c: {  	_ =	shalt  }
0x6d: {  	_ =	shalt  }
0x6e: {  	_ =	shalt  }
0x6f: {  	_ =	shalt  }
0x70: {  	_ =	shalt  }
0x71: {  	_ =	shalt  }
0x72: {  	_ =	shalt  }
0x73: {  	_ =	shalt  }
0x74: {  	_ =	shalt  }
0x75: {  	_ =	shalt  }
0x76: {  	_ =	shalt  }
0x77: {  	_ =	shalt  }
0x78: {  	_ =	shalt  }
0x79: {  	_ =	shalt  }
0x7a: {  	_ =	shalt  }
0x7b: {  	_ =	shalt  }
0x7c: {  	_ =	shalt  }
0x7d: {  	_ =	shalt  }
0x7e: {  	_ =	shalt  }
0x7f: {  	_ =	shalt  }
0x80: {  	_ =	shalt  }
0x81: {  	_ =	shalt  }
0x82: {  	_ =	shalt  }
0x83: {  	_ =	shalt  }
0x84: {  	_ =	shalt  }
0x85: {  	_ =	shalt  }
0x86: {  	_ =	shalt  }
0x87: {  	_ =	shalt  }
.Lfunc_end0:
.L_simem_size_0:
called_computation_lowered:
.L_overlay_start_0:
0x88: {  	s2 =	sld [smem:$0x3FD9]  }
0x89: {  	s3 =	sld [smem:$0x3FFE];
	_ =	sdelay $0x1  }
0x8a: {  	s1 =	srdreg.scid  }
0x8b: {  	s0 =	sand.u32 $0x1, s1  }
0x8c: {  	s17 =	sshll.u32 s0, $0xA;
	s2 =	sadd.s32 s3, s2  }
0x8d: {  	s2 =	sadd.s32 s2, s17  }
0x8e: {  	[smem:$0x3FC5] =	sst s2  }
0x8f: {  	_ = 	snop  }
0x90: {  	s2 =	sld [smem:$0x3FC9]  }
0x91: {  	s18 =	sld [smem:$0x3FC7]  }
0x92: {  	s4 =	sld [smem:$0x3FD0];
	(tm) =	ssettm $0x1  }
0x93: {  	s5 =	sld [smem:$0x3FFB];
	_ =	sdelay $0x3  }
0x94: {  	_ =	strace s5  }
0x95: {  	s5 =	sld [smem:$0x3FFC];
	_ =	sdelay $0x3  }
0x96: {  	_ =	strace s5  }
0x97: {  	s5 =	sld [smem:$0x3FFD];
	_ =	sdelay $0x3  }
0x98: {  	_ =	strace s5  }
0x99: {  	_ =	strace $0x8FFFFFFF  }
0x9a: {  	s19 =	sld [smem:$0x3FDB];
	_ =	sdelay $0x1  }
0x9b: {  	s6 =	simm.s32 $_scs_section_size  }
0x9c: {  	s7 =	simm.s32 $_size__tile_overlayer_lowered;
	s8 =	simm.s32 $_tile_overlayer_lowered  }
0x9d: {  	s22 =	simm.s32 $0x1BFF;
	s21 =	sshll.u32 s8, $0x1;
	s5 =	sadd.s32 s6, s19  }
0x9e: {  	s9 =	simm.s32 $0x0;
	s20 =	sshll.u32 s7, $0x1;
	s7 =	sadd.s32 s21, s5  }
0x9f: {  	[timem:s9], [sflag:s22] =	dma.local [hbm:s7], s20  }
0xa0: {  	_ =	swait.ge [sflag:s22], s20  }
0xa1: {  	s6 =	ssub.s32 $0x0, s20;
	[sflag:s22] =	ssyncset.done $0x0  }
0xa2: {  	[sflag:s22] =	ssyncadd.s32 s6;
	_ =	sdelay $0x1  }
0xa3: {  	s23 =	simm.s32 $0x1B8B  }
0xa4: {  	_ =	swait.ge [sflag:s23], $0x1  }
0xa5: {  	[sflag:s23] =	ssyncset.done $0x0  }
0xa6: {  	s25 =	simm.s32 $0x1B8E;
	s24 =	sld [smem:$0x3FFE];
	[sflag:s23] =	ssyncadd.s32 $0xFFFFFFFF  }
0xa7: {  	s26 =	simm.s32 $execute0_lowered;
	[smem:$0x3FD2] =	sst s25  }
0xa8: {  	s7 =	sshll.u32 s26, $0x1;
	_ =	strace $0x80000046;
	[dreg:$0x1] =	wrdreg $0xFFFFFFFF  }
0xa9: {  	s28 =	simm.s32 $_size_execute0_lowered;
	s5 =	sadd.s32 s5, s7;
	[dreg:$0x0] =	wrdreg $0x0  }
0xaa: {  	s7 =	sshll.u32 s28, $0x1;
	[dreg:$0x2] =	wrdreg s5  }
0xab: {  	[dreg:$0x3] =	wrdreg s7  }
0xac: {  	[dreg:$0x4] =	wrdreg $0xC0  }
0xad: {  	_ =	task [dreg:s9], $0x5FFFF  }
0xae: {  	[dreg:$0x1] =	wrdreg $0xFFFFFFFF  }
0xaf: {  	[dreg:$0x0] =	wrdreg $0x60  }
0xb0: {  	[dreg:$0x2] =	wrdreg s2  }
0xb1: {  	[dreg:$0x3] =	wrdreg s24  }
0xb2: {  	[dreg:$0x4] =	wrdreg s18  }
0xb3: {  	[dreg:$0x5] =	wrdreg s4  }
0xb4: {  	[dreg:$0x6] =	wrdreg $0x9  }
0xb5: {  	_ =	task.clear_ibuf [dreg:s9], $0x7FFFF;
	_ =	strace $0x90000046  }
0xb6: {  	s29 =	simm.s32 $0x9;
	_ =	strace $0x80000048  }
0xb7: {  	_ =	swait.ge [sflag:s29], $0x1  }
0xb8: {  	[sflag:s29] =	ssyncadd.s32 $0xFFFFFFFF  }
0xb9: {  	_ =	strace $0x90000048  }
0xba: {  	_ =	sfence  }
0xbb: {  	s30 =	sld [smem:$0x0];
	_ =	sdelay $0x2  }
0xbc: {  	s31 =	sshll.u32 s1, $0xD;
	s1 =	sshrl.u32 s1, $0x2  }
0xbd: {  	s3 =	sand.u32 $0x4000, s31;
	s1 =	sadd.s32 s1, s30  }
0xbe: {  	s0 =	sor.u32 s3, s0;
	s1 =	sshll.u32 s1, $0x11  }
0xbf: {  	s0 =	sor.u32 s1, s0  }
0xc0: {  	s0 =	sadd.s32 $0x8F2B, s0  }
0xc1: {  	[sflag:s0] =	ssyncadd.remote.s32 $0x1  }
0xc2: {  	_ =	sfence.sel $0xFFFF  }
0xc3: {  	[dreg:$0x0] =	wrdreg $0xFFFFFFFF;
	(pc) =	sbr.abs _section_cstart, $3  }
0xc4: {  	[dreg:$0x1] =	wrdreg $0xFFFFFFFF  }
0xc5: {  	_ =	task.clear_ibuf [dreg:s9], $0x2FFFF;
	_ =	strace $0x9FFFFFFF  }
0xc6: {  	(tm) =	ssettm $0x7FFFFFFF  }
0xc7: {  	_ =	shalt  }
tec
execute0_lowered:
.L_overlay_start_1:
0x0: {  	(tag) =	ssettag $0x1  }
0x1: {  	v0 =	vimm.s32 $0xEFCDAB89;
	v1 =	vimm.s32 $0x67452301;
	v2 =	vimm.s32 $0xDCFE98BA  }
0x2: {  	v3 =	vimm.s32 $0x54761032;
	v4 =	vimm.s32 $0xBA98FEDC;
	v5 =	vimm.s32 $0x32107654  }
0x3: {  	v6 =	vimm.s32 $0xFEDCBA98;
	v7 =	vimm.s32 $0x76543210;
	vm0 =	vmmov $0x3ff  }
0x4: {  	vm1 =	vcmask $0x300;
	vm2 =	vcmask $0xB08;
	vm3 =	vcmask $0xF0C  }
0x5: {  	vm4 =	vcmask $0x1310;
	vm5 =	vcmask $0x1714;
	vm6 =	vcmask $0x1B18  }
0x6: {  	s0 =	rddreg [dreg:$0x0];
	vm7 =	vcmask $0x1F1C;
	vm8 =	vcmask $0x2320;
	vm9 =	vcmask $0x2724  }
0x7: {  	s6 =	rddreg [dreg:$0x1];
	vm10 =	vcmask $0x2B28;
	vm11 =	vcmask $0x2F2C;
	vm12 =	vcmask $0x3330  }
0x8: {  	s2 =	rddreg [dreg:$0x2];
	vm13 =	vcmask $0x3734;
	v0 =	vunpack.c.l.s4.s8 v0;
	v1 =	vunpack.c.l.s4.s8 v1  }
0x9: {  	s7 =	rddreg [dreg:$0x3];
	v2 =	vunpack.c.l.s4.s8 v2;
	v3 =	vunpack.c.l.s4.s8 v3;
	v4 =	vunpack.c.l.s4.s8 v4  }
0xa: {  	s1 =	rddreg [dreg:$0x4];
	s3 =	simm.s32 $0x0;
	s5 =	srdreg.scid;
	v5 =	vunpack.c.l.s4.s8 v5;
	v6 =	vunpack.c.l.s4.s8 v6;
	v7 =	vunpack.c.l.s4.s8 v7  }
0xb: {  	s4 =	stileid.u32;
	s11 =	simm.s32 $0x6E80;
	s12 =	simm.s32 $0x1;
	v0 =	vunpack.c.0.s8.s32 v0;
	v1 =	vunpack.c.0.s8.s32 v1;
	v2 =	vunpack.c.0.s8.s32 v2  }
0xc: {  	s13 =	simm.s32 $0x2;
	s14 =	simm.s32 $0x7510;
	s15 =	simm.s32 $0x0;
	v3 =	vunpack.c.0.s8.s32 v3;
	v4 =	vunpack.c.0.s8.s32 v4;
	v5 =	vunpack.c.0.s8.s32 v5  }
0xd: {  	vm14 =	vcmask $0x3B38;
	[smem:$0x7FF] =	sst s3;
	s5 =	sand.u32 $0x1, s5;
	s9 =	sshll.u32 s4, $0xA;
	v0 =	vcombine.low v1, v0;
	v1 =	vunpack.c.0.s8.s32 v6  }
0xe: {  	s6 =	sadd.s32 $0x27AC800, s6;
	s8 =	ssub.s32 $0x2, s5;
	s5 =	sshll.u32 s5, $0x9;
	v2 =	vcombine.low v3, v2;
	v3 =	vcombine.low v5, v4;
	v4 =	vunpack.c.0.s8.s32 v7  }
0xf: {  	vm15 =	vcmask $0x3F3C;
	_ =	strace $0x80000047;
	s10 =	sshrl.u32 s8, $0x1;
	s5 =	sor.u32 s5, s9;
	v0 =	vand.u32 $0xF, v0;
	v1 =	vand.u32 $0xF, v1  }
0x10: {  	s8 =	ssub.s32 s8, s10;
	s9 =	sshrl.u32 s5, $0x3;
	s10 =	simm.s32 $0x680;
	v2 =	vand.u32 $0xF, v2;
	v1 =	vcombine.low v1, v4;
	v4 =	vimm.s32 $0x0  }
0x11: {  	s7 =	sadd.s32 s7, s9;
	s8 =	smax.u32 s8, $0x1;
	s9 =	simm.s32 $0x3;
	v3 =	vand.u32 $0xF, v3;
	v4 =	vsel vm1, $0x3, v4;
	vm1 =	vcmask $0x704  }
.LBB2_1:
0x12: {  	s16 =	simm.s32 $0x0  }
.LBB2_2:
0x13: {  	s17 =	sshll.u32 s16, $0x6  }
0x14: {  	s18 =	sadd.s32 s5, s17  }
0x15: {  	s18 =	smul.u32 $0x1A, s18;
	_ =	sdelay $0x1  }
0x16: {  	s18 =	sshrl.u32 s18, $0x3  }
0x17: {  	s19 =	sadd.s32 s0, s18;
	s18 =	simm.s32 $0x0  }
0x18: {  	[tilespmem:s18], [sflag:$0x3] =	stream.linear.gather [hbm4b:s19+s18], $0x680, $0x38;
	[tilespmem:$0x7710] =	vst v63  }
0x19: {  	_ =	swait.ge [sflag:s9], $0x680  }
0x1a: {  	[sflag:s9] =	ssyncset.done $0x0  }
0x1b: {  	[sflag:s9] =	ssyncadd.s32 $0xFFFFF980  }
0x1c: {  	[tilespmem:s10], [sflag:$0x1] =	stream.indirect.gather [hbm4b:s6+s10], $0x10, s18, s10, $0xb8;
	[tilespmem:$0x7710] =	vst v63  }
0x1d: {  	_ = 	snop  }
0x1e: {  	[tilespmem:s11], [sflag:$0x2] =	stream.indirect.gather [hbm4b:s2+s10], $0x1, s18, s10, $0xb8;
	[tilespmem:$0x7710] =	vst v63  }
0x1f: {  	_ =	swait.ge [sflag:s12], $0x6800  }
0x20: {  	[sflag:s12] =	ssyncset.done $0x0  }
0x21: {  	[sflag:s12] =	ssyncadd.s32 $0xFFFF9800  }
0x22: {  	_ =	swait.ge [sflag:s13], $0x680  }
0x23: {  	[sflag:s13] =	ssyncset.done $0x0  }
0x24: {  	[sflag:s13] =	ssyncadd.s32 $0xFFFFF980  }
.LBB2_3:
0x25: {  	s19 =	smul.u32 $0x6800, s18;
	_ =	sdelay $0x1  }
0x26: {  	s19 =	sshra.s32 s19, $0x2  }
0x27: {  	v5 =	vld [tilespmem:s19+$0x680]  }
0x28: {  	v6 =	vld [tilespmem:s19+$0x690];
	_ =	sdelay $0x1  }
0x29: {  	v7 =	vld [tilespmem:s19+$0x6A0];
	_ =	sdelay $0x1  }
0x2a: {  	v8 =	vld [tilespmem:s19+$0x6B0]  }
0x2b: {  	v9 =	vmul.f32 v5, v5;
	v5 =	vadd.f32 v6, v5;
	v6 =	vmul.f32 v6, v6  }
0x2c: {  	v10 =	vld [tilespmem:s19+$0x6C0]  }
0x2d: {  	v6 =	vadd.f32 v6, v9;
	v5 =	vadd.f32 v7, v5;
	v7 =	vmul.f32 v7, v7  }
0x2e: {  	v52 =	vld [tilespmem:s19+$0x6D0]  }
0x2f: {  	v6 =	vadd.f32 v7, v6;
	v5 =	vadd.f32 v8, v5;
	v7 =	vmul.f32 v8, v8  }
0x30: {  	v53 =	vld [tilespmem:s19+$0x6E0]  }
0x31: {  	v6 =	vadd.f32 v7, v6;
	v5 =	vadd.f32 v10, v5;
	v7 =	vmul.f32 v10, v10  }
0x32: {  	v54 =	vld [tilespmem:s19+$0x6F0]  }
0x33: {  	v6 =	vadd.f32 v7, v6;
	v5 =	vadd.f32 v52, v5;
	v7 =	vmul.f32 v52, v52  }
0x34: {  	v55 =	vld [tilespmem:s19+$0x700]  }
0x35: {  	v6 =	vadd.f32 v7, v6;
	v5 =	vadd.f32 v53, v5;
	v7 =	vmul.f32 v53, v53  }
0x36: {  	v56 =	vld [tilespmem:s19+$0x710]  }
0x37: {  	v6 =	vadd.f32 v7, v6;
	v5 =	vadd.f32 v54, v5;
	v7 =	vmul.f32 v54, v54  }
0x38: {  	v57 =	vld [tilespmem:s19+$0x720]  }
0x39: {  	v6 =	vadd.f32 v7, v6;
	v5 =	vadd.f32 v55, v5;
	v7 =	vmul.f32 v55, v55  }
0x3a: {  	v58 =	vld [tilespmem:s19+$0x730]  }
0x3b: {  	v6 =	vadd.f32 v7, v6;
	v5 =	vadd.f32 v56, v5;
	v7 =	vmul.f32 v56, v56  }
0x3c: {  	v59 =	vld [tilespmem:s19+$0x740]  }
0x3d: {  	v6 =	vadd.f32 v7, v6;
	v5 =	vadd.f32 v57, v5;
	v7 =	vmul.f32 v57, v57  }
0x3e: {  	v60 =	vld [tilespmem:s19+$0x750]  }
0x3f: {  	s20 =	smul.u32 $0x1A0, s18;
	v6 =	vadd.f32 v7, v6;
	v5 =	vadd.f32 v58, v5;
	v7 =	vmul.f32 v58, v58  }
0x40: {  	v61 =	vld [tilespmem:s19+$0x760]  }
0x41: {  	s21 =	sshll.u32 s20, $0x4;
	v6 =	vadd.f32 v7, v6;
	v5 =	vadd.f32 v59, v5;
	v7 =	vmul.f32 v59, v59  }
0x42: {  	v62 =	vld [tilespmem:s19+$0x770];
	s22 =	sor.u32 $0x100, s21  }
0x43: {  	s22 =	sand.u32 $0x3FFFFF00, s22;
	v6 =	vadd.f32 v7, v6;
	v5 =	vadd.f32 v60, v5;
	v7 =	vmul.f32 v60, v60  }
0x44: {  	v63 =	vld [tilespmem:s22+$0x680]  }
0x45: {  	v6 =	vadd.f32 v7, v6;
	v5 =	vadd.f32 v61, v5;
	v7 =	vmul.f32 v61, v61  }
0x46: {  	v12 =	vld [tilespmem:s19+$0x790]  }
0x47: {  	v6 =	vadd.f32 v7, v6;
	v5 =	vadd.f32 v62, v5;
	v7 =	vmul.f32 v62, v62  }
0x48: {  	v13 =	vld [tilespmem:s19+$0x7A0]  }
0x49: {  	v6 =	vadd.f32 v7, v6;
	v5 =	vadd.f32 v63, v5;
	v7 =	vmul.f32 v63, v63  }
0x4a: {  	v14 =	vld [tilespmem:s19+$0x7B0]  }
0x4b: {  	v6 =	vadd.f32 v7, v6;
	v5 =	vadd.f32 v12, v5;
	v7 =	vmul.f32 v12, v12  }
0x4c: {  	v15 =	vld [tilespmem:s19+$0x7C0]  }
0x4d: {  	v6 =	vadd.f32 v7, v6;
	v5 =	vadd.f32 v13, v5;
	v7 =	vmul.f32 v13, v13  }
0x4e: {  	v16 =	vld [tilespmem:s19+$0x7D0]  }
0x4f: {  	v6 =	vadd.f32 v7, v6;
	v5 =	vadd.f32 v14, v5;
	v7 =	vmul.f32 v14, v14  }
0x50: {  	v17 =	vld [tilespmem:s19+$0x7E0]  }
0x51: {  	v6 =	vadd.f32 v7, v6;
	v5 =	vadd.f32 v15, v5;
	v7 =	vmul.f32 v15, v15  }
0x52: {  	v18 =	vld [tilespmem:s19+$0x7F0]  }
0x53: {  	v6 =	vadd.f32 v7, v6;
	v5 =	vadd.f32 v16, v5;
	v7 =	vmul.f32 v16, v16  }
0x54: {  	v19 =	vld [tilespmem:s19+$0x800]  }
0x55: {  	v6 =	vadd.f32 v7, v6;
	v5 =	vadd.f32 v17, v5;
	v7 =	vmul.f32 v17, v17  }
0x56: {  	v20 =	vld [tilespmem:s19+$0x810]  }
0x57: {  	v6 =	vadd.f32 v7, v6;
	v5 =	vadd.f32 v18, v5;
	v7 =	vmul.f32 v18, v18;
	_ =	sdelay $0x1  }
0x58: {  	v6 =	vadd.f32 v7, v6;
	v5 =	vadd.f32 v19, v5;
	v7 =	vmul.f32 v19, v19;
	_ =	sdelay $0x1  }
0x59: {  	v6 =	vadd.f32 v7, v6;
	v5 =	vadd.f32 v20, v5;
	v7 =	vmul.f32 v20, v20;
	_ =	sdelay $0x1  }
0x5a: {  	v6 =	vadd.f32 v7, v6;
	v5 =	vmul.f32 v5, v5  }
0x5b: {  	v7 =	vld [tilespmem:s20+$0x6E80]  }
0x5c: {  	v21 =	vld [tilespmem:s20+$0x6E90];
	v5 =	vsub.f32 v5, v6;
	_ =	sdelay $0x1  }
0x5d: {  	v5 =	vmul.f32 $5.000000000e-01, v5;
	_ =	sdelay $0x1  }
0x5e: {  	v5 =	vadd.f32 v5, v7  }
0x5f: {  	v6 =	vnsel vm0, $0x0, v21  }
0x60: {  	v5 =	vadd.f32 v5, v6;
	_ =	sdelay $0x1  }
0x61: {  	v6 =	vperm.xlane v5, v0;
	_ =	sdelay $0x1  }
0x62: {  	v5 =	vadd.f32 v5, v6;
	_ =	sdelay $0x1  }
0x63: {  	v6 =	vperm.xlane v5, v2  }
0x64: {  	s30 =	sshll.u32 s18, $0x4  }
0x65: {  	s22 =	sadd.s32 s17, s30;
	v6 =	vadd.f32 v5, v6  }
0x66: {  	v5 =	vmov s22  }
0x67: {  	v5 =	vshrl.u32 v5, $0x3;
	v7 =	vperm.xlane v6, v3  }
0x68: {  	v5 =	vshll.u32 v5, v4  }
0x69: {  	v6 =	vadd.f32 v6, v7;
	v7 =	vbroadcast v5, $0x0;
	_ =	sdelay $0x1  }
0x6a: {  	v22 =	vperm.xlane v6, v1;
	_ =	sdelay $0x1  }
0x6b: {  	v6 =	vadd.f32 v6, v22  }
0x6c: {  	s23 =	sor.u32 $0x1A0, s21  }
0x6d: {  	s23 =	sand.u32 $0x3FFFFFA0, s23;
	[tilespmem:v7+s14+$0x0] =	vst.idx.msk $0x1, v6  }
0x6e: {  	v6 =	vld [tilespmem:s23+$0x680]  }
0x6f: {  	v7 =	vld [tilespmem:s19+$0x830];
	_ =	sdelay $0x1  }
0x70: {  	v23 =	vld [tilespmem:s19+$0x840];
	_ =	sdelay $0x1  }
0x71: {  	v24 =	vld [tilespmem:s19+$0x850]  }
0x72: {  	v25 =	vmul.f32 v6, v6;
	v6 =	vadd.f32 v7, v6;
	v7 =	vmul.f32 v7, v7  }
0x73: {  	v11 =	vld [tilespmem:s19+$0x860]  }
0x74: {  	v8 =	vmul.f32 v23, v23;
	v7 =	vadd.f32 v7, v25;
	v6 =	vadd.f32 v23, v6  }
0x75: {  	v26 =	vld [tilespmem:s19+$0x870]  }
0x76: {  	v27 =	vmul.f32 v24, v24;
	v7 =	vadd.f32 v8, v7;
	v6 =	vadd.f32 v24, v6  }
0x77: {  	v28 =	vld [tilespmem:s19+$0x880]  }
0x78: {  	v29 =	vmul.f32 v11, v11;
	v7 =	vadd.f32 v27, v7;
	v6 =	vadd.f32 v11, v6  }
0x79: {  	v30 =	vld [tilespmem:s19+$0x890]  }
0x7a: {  	v31 =	vmul.f32 v26, v26;
	v7 =	vadd.f32 v29, v7;
	v6 =	vadd.f32 v26, v6  }
0x7b: {  	v32 =	vld [tilespmem:s19+$0x8A0]  }
0x7c: {  	v33 =	vmul.f32 v28, v28;
	v7 =	vadd.f32 v31, v7;
	v6 =	vadd.f32 v28, v6  }
0x7d: {  	v34 =	vld [tilespmem:s19+$0x8B0]  }
0x7e: {  	v35 =	vmul.f32 v30, v30;
	v7 =	vadd.f32 v33, v7;
	v6 =	vadd.f32 v30, v6  }
0x7f: {  	v36 =	vld [tilespmem:s19+$0x8C0]  }
0x80: {  	v37 =	vmul.f32 v32, v32;
	v7 =	vadd.f32 v35, v7;
	v6 =	vadd.f32 v32, v6  }
0x81: {  	v38 =	vld [tilespmem:s19+$0x8D0]  }
0x82: {  	v39 =	vmul.f32 v34, v34;
	v7 =	vadd.f32 v37, v7;
	v6 =	vadd.f32 v34, v6  }
0x83: {  	v40 =	vld [tilespmem:s19+$0x8E0]  }
0x84: {  	v41 =	vmul.f32 v36, v36;
	v7 =	vadd.f32 v39, v7;
	v6 =	vadd.f32 v36, v6  }
0x85: {  	v42 =	vld [tilespmem:s19+$0x8F0]  }
0x86: {  	v43 =	vmul.f32 v38, v38;
	v7 =	vadd.f32 v41, v7;
	v6 =	vadd.f32 v38, v6  }
0x87: {  	v44 =	vld [tilespmem:s19+$0x900]  }
0x88: {  	v45 =	vmul.f32 v40, v40;
	v7 =	vadd.f32 v43, v7;
	v6 =	vadd.f32 v40, v6  }
0x89: {  	s31 =	sadd.s32 $0x2A0, s21;
	v46 =	vld [tilespmem:s19+$0x910]  }
0x8a: {  	s23 =	sand.u32 $0x3FFFFEA0, s31;
	v47 =	vmul.f32 v42, v42;
	v7 =	vadd.f32 v45, v7;
	v6 =	vadd.f32 v42, v6  }
0x8b: {  	v48 =	vld [tilespmem:s23+$0x680]  }
0x8c: {  	v49 =	vmul.f32 v44, v44;
	v7 =	vadd.f32 v47, v7;
	v6 =	vadd.f32 v44, v6  }
0x8d: {  	v50 =	vld [tilespmem:s19+$0x930]  }
0x8e: {  	v51 =	vmul.f32 v46, v46;
	v7 =	vadd.f32 v49, v7;
	v6 =	vadd.f32 v46, v6  }
0x8f: {  	v52 =	vld [tilespmem:s19+$0x940]  }
0x90: {  	v53 =	vmul.f32 v48, v48;
	v7 =	vadd.f32 v51, v7;
	v6 =	vadd.f32 v48, v6  }
0x91: {  	v54 =	vld [tilespmem:s19+$0x950]  }
0x92: {  	v55 =	vmul.f32 v50, v50;
	v7 =	vadd.f32 v53, v7;
	v6 =	vadd.f32 v50, v6  }
0x93: {  	v56 =	vld [tilespmem:s19+$0x960]  }
0x94: {  	v57 =	vmul.f32 v52, v52;
	v7 =	vadd.f32 v55, v7;
	v6 =	vadd.f32 v52, v6  }
0x95: {  	v58 =	vld [tilespmem:s19+$0x970]  }
0x96: {  	v59 =	vmul.f32 v54, v54;
	v7 =	vadd.f32 v57, v7;
	v6 =	vadd.f32 v54, v6  }
0x97: {  	v60 =	vld [tilespmem:s19+$0x980]  }
0x98: {  	v61 =	vmul.f32 v56, v56;
	v7 =	vadd.f32 v59, v7;
	v6 =	vadd.f32 v56, v6  }
0x99: {  	v62 =	vld [tilespmem:s19+$0x990]  }
0x9a: {  	v63 =	vmul.f32 v58, v58;
	v7 =	vadd.f32 v61, v7;
	v6 =	vadd.f32 v58, v6  }
0x9b: {  	v12 =	vld [tilespmem:s19+$0x9A0]  }
0x9c: {  	v13 =	vmul.f32 v60, v60;
	v7 =	vadd.f32 v63, v7;
	v6 =	vadd.f32 v60, v6  }
0x9d: {  	v14 =	vld [tilespmem:s19+$0x9B0]  }
0x9e: {  	v15 =	vmul.f32 v62, v62;
	v7 =	vadd.f32 v13, v7;
	v6 =	vadd.f32 v62, v6;
	_ =	sdelay $0x1  }
0x9f: {  	v16 =	vmul.f32 v12, v12;
	v7 =	vadd.f32 v15, v7;
	v6 =	vadd.f32 v12, v6;
	_ =	sdelay $0x1  }
0xa0: {  	v17 =	vmul.f32 v14, v14;
	v7 =	vadd.f32 v16, v7;
	v6 =	vadd.f32 v14, v6;
	_ =	sdelay $0x1  }
0xa1: {  	v7 =	vadd.f32 v17, v7;
	v6 =	vmul.f32 v6, v6  }
0xa2: {  	v18 =	vld [tilespmem:s20+$0x6E9A]  }
0xa3: {  	v19 =	vld [tilespmem:s20+$0x6EAA];
	v6 =	vsub.f32 v6, v7;
	_ =	sdelay $0x1  }
0xa4: {  	v6 =	vmul.f32 $5.000000000e-01, v6;
	_ =	sdelay $0x1  }
0xa5: {  	v6 =	vadd.f32 v6, v18  }
0xa6: {  	v7 =	vnsel vm0, $0x0, v19  }
0xa7: {  	v6 =	vadd.f32 v6, v7;
	_ =	sdelay $0x1  }
0xa8: {  	v7 =	vperm.xlane v6, v0;
	_ =	sdelay $0x1  }
0xa9: {  	v6 =	vadd.f32 v6, v7;
	_ =	sdelay $0x1  }
0xaa: {  	v7 =	vperm.xlane v6, v2;
	_ =	sdelay $0x1  }
0xab: {  	v6 =	vadd.f32 v6, v7;
	_ =	sdelay $0x1  }
0xac: {  	v7 =	vperm.xlane v6, v3  }
0xad: {  	v20 =	vadd.s32 $0x1, v5  }
0xae: {  	v6 =	vadd.f32 v6, v7;
	v7 =	vbroadcast v20, $0x0;
	_ =	sdelay $0x1  }
0xaf: {  	v21 =	vperm.xlane v6, v1;
	_ =	sdelay $0x1  }
0xb0: {  	v6 =	vadd.f32 v6, v21  }
0xb1: {  	s24 =	sadd.s32 $0x340, s21  }
0xb2: {  	s23 =	sand.u32 $0x3FFFFF40, s24;
	[tilespmem:v7+s14+$0x0] =	vst.idx.msk vm1, v6  }
0xb3: {  	v6 =	vld [tilespmem:s23+$0x680]  }
0xb4: {  	v7 =	vld [tilespmem:s19+$0x9D0];
	_ =	sdelay $0x1  }
0xb5: {  	v22 =	vld [tilespmem:s19+$0x9E0];
	_ =	sdelay $0x1  }
0xb6: {  	v23 =	vld [tilespmem:s19+$0x9F0]  }
0xb7: {  	v24 =	vmul.f32 v6, v6;
	v6 =	vadd.f32 v7, v6;
	v7 =	vmul.f32 v7, v7  }
0xb8: {  	v25 =	vld [tilespmem:s19+$0xA00]  }
0xb9: {  	v8 =	vmul.f32 v22, v22;
	v7 =	vadd.f32 v7, v24;
	v6 =	vadd.f32 v22, v6  }
0xba: {  	v26 =	vld [tilespmem:s19+$0xA10]  }
0xbb: {  	v27 =	vmul.f32 v23, v23;
	v7 =	vadd.f32 v8, v7;
	v6 =	vadd.f32 v23, v6  }
0xbc: {  	v28 =	vld [tilespmem:s19+$0xA20]  }
0xbd: {  	v29 =	vmul.f32 v25, v25;
	v7 =	vadd.f32 v27, v7;
	v6 =	vadd.f32 v25, v6  }
0xbe: {  	v30 =	vld [tilespmem:s19+$0xA30]  }
0xbf: {  	v31 =	vmul.f32 v26, v26;
	v7 =	vadd.f32 v29, v7;
	v6 =	vadd.f32 v26, v6  }
0xc0: {  	v32 =	vld [tilespmem:s19+$0xA40]  }
0xc1: {  	v33 =	vmul.f32 v28, v28;
	v7 =	vadd.f32 v31, v7;
	v6 =	vadd.f32 v28, v6  }
0xc2: {  	v34 =	vld [tilespmem:s19+$0xA50]  }
0xc3: {  	v35 =	vmul.f32 v30, v30;
	v7 =	vadd.f32 v33, v7;
	v6 =	vadd.f32 v30, v6  }
0xc4: {  	v36 =	vld [tilespmem:s19+$0xA60]  }
0xc5: {  	v37 =	vmul.f32 v32, v32;
	v7 =	vadd.f32 v35, v7;
	v6 =	vadd.f32 v32, v6  }
0xc6: {  	v38 =	vld [tilespmem:s19+$0xA70]  }
0xc7: {  	v39 =	vmul.f32 v34, v34;
	v7 =	vadd.f32 v37, v7;
	v6 =	vadd.f32 v34, v6  }
0xc8: {  	v40 =	vld [tilespmem:s19+$0xA80]  }
0xc9: {  	v41 =	vmul.f32 v36, v36;
	v7 =	vadd.f32 v39, v7;
	v6 =	vadd.f32 v36, v6  }
0xca: {  	v42 =	vld [tilespmem:s19+$0xA90]  }
0xcb: {  	v43 =	vmul.f32 v38, v38;
	v7 =	vadd.f32 v41, v7;
	v6 =	vadd.f32 v38, v6  }
0xcc: {  	v44 =	vld [tilespmem:s19+$0xAA0]  }
0xcd: {  	v45 =	vmul.f32 v40, v40;
	v7 =	vadd.f32 v43, v7;
	v6 =	vadd.f32 v40, v6  }
0xce: {  	s25 =	sadd.s32 $0x440, s21;
	v46 =	vld [tilespmem:s19+$0xAB0]  }
0xcf: {  	s23 =	sand.u32 $0x3FFFFE40, s25;
	v47 =	vmul.f32 v42, v42;
	v7 =	vadd.f32 v45, v7;
	v6 =	vadd.f32 v42, v6  }
0xd0: {  	v48 =	vld [tilespmem:s23+$0x680]  }
0xd1: {  	v49 =	vmul.f32 v44, v44;
	v7 =	vadd.f32 v47, v7;
	v6 =	vadd.f32 v44, v6  }
0xd2: {  	v50 =	vld [tilespmem:s19+$0xAD0]  }
0xd3: {  	v51 =	vmul.f32 v46, v46;
	v7 =	vadd.f32 v49, v7;
	v6 =	vadd.f32 v46, v6  }
0xd4: {  	v52 =	vld [tilespmem:s19+$0xAE0]  }
0xd5: {  	v53 =	vmul.f32 v48, v48;
	v7 =	vadd.f32 v51, v7;
	v6 =	vadd.f32 v48, v6  }
0xd6: {  	v54 =	vld [tilespmem:s19+$0xAF0]  }
0xd7: {  	v55 =	vmul.f32 v50, v50;
	v7 =	vadd.f32 v53, v7;
	v6 =	vadd.f32 v50, v6  }
0xd8: {  	v56 =	vld [tilespmem:s19+$0xB00]  }
0xd9: {  	v57 =	vmul.f32 v52, v52;
	v7 =	vadd.f32 v55, v7;
	v6 =	vadd.f32 v52, v6  }
0xda: {  	v58 =	vld [tilespmem:s19+$0xB10]  }
0xdb: {  	v59 =	vmul.f32 v54, v54;
	v7 =	vadd.f32 v57, v7;
	v6 =	vadd.f32 v54, v6  }
0xdc: {  	v60 =	vld [tilespmem:s19+$0xB20]  }
0xdd: {  	v61 =	vmul.f32 v56, v56;
	v7 =	vadd.f32 v59, v7;
	v6 =	vadd.f32 v56, v6  }
0xde: {  	v62 =	vld [tilespmem:s19+$0xB30]  }
0xdf: {  	v63 =	vmul.f32 v58, v58;
	v7 =	vadd.f32 v61, v7;
	v6 =	vadd.f32 v58, v6  }
0xe0: {  	v12 =	vld [tilespmem:s19+$0xB40]  }
0xe1: {  	v13 =	vmul.f32 v60, v60;
	v7 =	vadd.f32 v63, v7;
	v6 =	vadd.f32 v60, v6  }
0xe2: {  	v14 =	vld [tilespmem:s19+$0xB50]  }
0xe3: {  	v15 =	vmul.f32 v62, v62;
	v7 =	vadd.f32 v13, v7;
	v6 =	vadd.f32 v62, v6;
	_ =	sdelay $0x1  }
0xe4: {  	v16 =	vmul.f32 v12, v12;
	v7 =	vadd.f32 v15, v7;
	v6 =	vadd.f32 v12, v6;
	_ =	sdelay $0x1  }
0xe5: {  	v17 =	vmul.f32 v14, v14;
	v7 =	vadd.f32 v16, v7;
	v6 =	vadd.f32 v14, v6;
	_ =	sdelay $0x1  }
0xe6: {  	v7 =	vadd.f32 v17, v7;
	v6 =	vmul.f32 v6, v6  }
0xe7: {  	v18 =	vld [tilespmem:s20+$0x6EB4]  }
0xe8: {  	v19 =	vld [tilespmem:s20+$0x6EC4];
	v6 =	vsub.f32 v6, v7;
	_ =	sdelay $0x1  }
0xe9: {  	v6 =	vmul.f32 $5.000000000e-01, v6;
	_ =	sdelay $0x1  }
0xea: {  	v6 =	vadd.f32 v6, v18  }
0xeb: {  	v7 =	vnsel vm0, $0x0, v19  }
0xec: {  	v6 =	vadd.f32 v6, v7;
	_ =	sdelay $0x1  }
0xed: {  	v7 =	vperm.xlane v6, v0;
	_ =	sdelay $0x1  }
0xee: {  	v6 =	vadd.f32 v6, v7;
	_ =	sdelay $0x1  }
0xef: {  	v7 =	vperm.xlane v6, v2;
	_ =	sdelay $0x1  }
0xf0: {  	v6 =	vadd.f32 v6, v7;
	_ =	sdelay $0x1  }
0xf1: {  	v7 =	vperm.xlane v6, v3  }
0xf2: {  	v20 =	vadd.s32 $0x2, v5  }
0xf3: {  	v6 =	vadd.f32 v6, v7;
	v7 =	vbroadcast v20, $0x0;
	_ =	sdelay $0x1  }
0xf4: {  	v21 =	vperm.xlane v6, v1;
	_ =	sdelay $0x1  }
0xf5: {  	v6 =	vadd.f32 v6, v21  }
0xf6: {  	s26 =	sadd.s32 $0x4E0, s21  }
0xf7: {  	s23 =	sand.u32 $0x3FFFFEE0, s26;
	[tilespmem:v7+s14+$0x0] =	vst.idx.msk vm2, v6  }
0xf8: {  	v6 =	vld [tilespmem:s23+$0x680]  }
0xf9: {  	v7 =	vld [tilespmem:s19+$0xB70];
	_ =	sdelay $0x1  }
0xfa: {  	v22 =	vld [tilespmem:s19+$0xB80];
	_ =	sdelay $0x1  }
0xfb: {  	v23 =	vld [tilespmem:s19+$0xB90]  }
0xfc: {  	v24 =	vmul.f32 v6, v6;
	v6 =	vadd.f32 v7, v6;
	v7 =	vmul.f32 v7, v7  }
0xfd: {  	v25 =	vld [tilespmem:s19+$0xBA0]  }
0xfe: {  	v8 =	vmul.f32 v22, v22;
	v7 =	vadd.f32 v7, v24;
	v6 =	vadd.f32 v22, v6  }
0xff: {  	v26 =	vld [tilespmem:s19+$0xBB0]  }
0x100: {  	v27 =	vmul.f32 v23, v23;
	v7 =	vadd.f32 v8, v7;
	v6 =	vadd.f32 v23, v6  }
0x101: {  	v28 =	vld [tilespmem:s19+$0xBC0]  }
0x102: {  	v29 =	vmul.f32 v25, v25;
	v7 =	vadd.f32 v27, v7;
	v6 =	vadd.f32 v25, v6  }
0x103: {  	v30 =	vld [tilespmem:s19+$0xBD0]  }
0x104: {  	v31 =	vmul.f32 v26, v26;
	v7 =	vadd.f32 v29, v7;
	v6 =	vadd.f32 v26, v6  }
0x105: {  	v32 =	vld [tilespmem:s19+$0xBE0]  }
0x106: {  	v33 =	vmul.f32 v28, v28;
	v7 =	vadd.f32 v31, v7;
	v6 =	vadd.f32 v28, v6  }
0x107: {  	v34 =	vld [tilespmem:s19+$0xBF0]  }
0x108: {  	v35 =	vmul.f32 v30, v30;
	v7 =	vadd.f32 v33, v7;
	v6 =	vadd.f32 v30, v6  }
0x109: {  	v36 =	vld [tilespmem:s19+$0xC00]  }
0x10a: {  	v37 =	vmul.f32 v32, v32;
	v7 =	vadd.f32 v35, v7;
	v6 =	vadd.f32 v32, v6  }
0x10b: {  	v38 =	vld [tilespmem:s19+$0xC10]  }
0x10c: {  	v39 =	vmul.f32 v34, v34;
	v7 =	vadd.f32 v37, v7;
	v6 =	vadd.f32 v34, v6  }
0x10d: {  	v40 =	vld [tilespmem:s19+$0xC20]  }
0x10e: {  	v41 =	vmul.f32 v36, v36;
	v7 =	vadd.f32 v39, v7;
	v6 =	vadd.f32 v36, v6  }
0x10f: {  	v42 =	vld [tilespmem:s19+$0xC30]  }
0x110: {  	v43 =	vmul.f32 v38, v38;
	v7 =	vadd.f32 v41, v7;
	v6 =	vadd.f32 v38, v6  }
0x111: {  	v44 =	vld [tilespmem:s19+$0xC40]  }
0x112: {  	v45 =	vmul.f32 v40, v40;
	v7 =	vadd.f32 v43, v7;
	v6 =	vadd.f32 v40, v6  }
0x113: {  	s28 =	sadd.s32 $0x5E0, s21;
	v46 =	vld [tilespmem:s19+$0xC50]  }
0x114: {  	s23 =	sand.u32 $0x3FFFFFE0, s28;
	v47 =	vmul.f32 v42, v42;
	v7 =	vadd.f32 v45, v7;
	v6 =	vadd.f32 v42, v6  }
0x115: {  	v48 =	vld [tilespmem:s23+$0x680]  }
0x116: {  	v49 =	vmul.f32 v44, v44;
	v7 =	vadd.f32 v47, v7;
	v6 =	vadd.f32 v44, v6  }
0x117: {  	v50 =	vld [tilespmem:s19+$0xC70]  }
0x118: {  	v51 =	vmul.f32 v46, v46;
	v7 =	vadd.f32 v49, v7;
	v6 =	vadd.f32 v46, v6  }
0x119: {  	v52 =	vld [tilespmem:s19+$0xC80]  }
0x11a: {  	v53 =	vmul.f32 v48, v48;
	v7 =	vadd.f32 v51, v7;
	v6 =	vadd.f32 v48, v6  }
0x11b: {  	v54 =	vld [tilespmem:s19+$0xC90]  }
0x11c: {  	v55 =	vmul.f32 v50, v50;
	v7 =	vadd.f32 v53, v7;
	v6 =	vadd.f32 v50, v6  }
0x11d: {  	v56 =	vld [tilespmem:s19+$0xCA0]  }
0x11e: {  	v57 =	vmul.f32 v52, v52;
	v7 =	vadd.f32 v55, v7;
	v6 =	vadd.f32 v52, v6  }
0x11f: {  	v58 =	vld [tilespmem:s19+$0xCB0]  }
0x120: {  	v59 =	vmul.f32 v54, v54;
	v7 =	vadd.f32 v57, v7;
	v6 =	vadd.f32 v54, v6  }
0x121: {  	v60 =	vld [tilespmem:s19+$0xCC0]  }
0x122: {  	v61 =	vmul.f32 v56, v56;
	v7 =	vadd.f32 v59, v7;
	v6 =	vadd.f32 v56, v6  }
0x123: {  	v62 =	vld [tilespmem:s19+$0xCD0]  }
0x124: {  	v63 =	vmul.f32 v58, v58;
	v7 =	vadd.f32 v61, v7;
	v6 =	vadd.f32 v58, v6  }
0x125: {  	v12 =	vld [tilespmem:s19+$0xCE0]  }
0x126: {  	v13 =	vmul.f32 v60, v60;
	v7 =	vadd.f32 v63, v7;
	v6 =	vadd.f32 v60, v6  }
0x127: {  	v14 =	vld [tilespmem:s19+$0xCF0]  }
0x128: {  	v15 =	vmul.f32 v62, v62;
	v7 =	vadd.f32 v13, v7;
	v6 =	vadd.f32 v62, v6;
	_ =	sdelay $0x1  }
0x129: {  	v16 =	vmul.f32 v12, v12;
	v7 =	vadd.f32 v15, v7;
	v6 =	vadd.f32 v12, v6;
	_ =	sdelay $0x1  }
0x12a: {  	v17 =	vmul.f32 v14, v14;
	v7 =	vadd.f32 v16, v7;
	v6 =	vadd.f32 v14, v6;
	_ =	sdelay $0x1  }
0x12b: {  	v7 =	vadd.f32 v17, v7;
	v6 =	vmul.f32 v6, v6  }
0x12c: {  	v18 =	vld [tilespmem:s20+$0x6ECE]  }
0x12d: {  	v19 =	vld [tilespmem:s20+$0x6EDE];
	v6 =	vsub.f32 v6, v7;
	_ =	sdelay $0x1  }
0x12e: {  	v6 =	vmul.f32 $5.000000000e-01, v6;
	_ =	sdelay $0x1  }
0x12f: {  	v6 =	vadd.f32 v6, v18  }
0x130: {  	v7 =	vnsel vm0, $0x0, v19  }
0x131: {  	v6 =	vadd.f32 v6, v7;
	_ =	sdelay $0x1  }
0x132: {  	v7 =	vperm.xlane v6, v0;
	_ =	sdelay $0x1  }
0x133: {  	v6 =	vadd.f32 v6, v7;
	_ =	sdelay $0x1  }
0x134: {  	v7 =	vperm.xlane v6, v2;
	_ =	sdelay $0x1  }
0x135: {  	v6 =	vadd.f32 v6, v7;
	_ =	sdelay $0x1  }
0x136: {  	v7 =	vperm.xlane v6, v3  }
0x137: {  	v20 =	vadd.s32 $0x3, v5  }
0x138: {  	v6 =	vadd.f32 v6, v7;
	v7 =	vbroadcast v20, $0x0;
	_ =	sdelay $0x1  }
0x139: {  	v21 =	vperm.xlane v6, v1;
	_ =	sdelay $0x1  }
0x13a: {  	v6 =	vadd.f32 v6, v21  }
0x13b: {  	s29 =	sadd.s32 $0x680, s21  }
0x13c: {  	s23 =	sand.u32 $0x3FFFFE80, s29;
	[tilespmem:v7+s14+$0x0] =	vst.idx.msk vm3, v6  }
0x13d: {  	v6 =	vld [tilespmem:s23+$0x680]  }
0x13e: {  	v7 =	vld [tilespmem:s19+$0xD10];
	_ =	sdelay $0x1  }
0x13f: {  	v22 =	vld [tilespmem:s19+$0xD20];
	_ =	sdelay $0x1  }
0x140: {  	v23 =	vld [tilespmem:s19+$0xD30]  }
0x141: {  	v24 =	vmul.f32 v6, v6;
	v6 =	vadd.f32 v7, v6;
	v7 =	vmul.f32 v7, v7  }
0x142: {  	v25 =	vld [tilespmem:s19+$0xD40]  }
0x143: {  	v8 =	vmul.f32 v22, v22;
	v7 =	vadd.f32 v7, v24;
	v6 =	vadd.f32 v22, v6  }
0x144: {  	v26 =	vld [tilespmem:s19+$0xD50]  }
0x145: {  	v27 =	vmul.f32 v23, v23;
	v7 =	vadd.f32 v8, v7;
	v6 =	vadd.f32 v23, v6  }
0x146: {  	v28 =	vld [tilespmem:s19+$0xD60]  }
0x147: {  	v29 =	vmul.f32 v25, v25;
	v7 =	vadd.f32 v27, v7;
	v6 =	vadd.f32 v25, v6  }
0x148: {  	v30 =	vld [tilespmem:s19+$0xD70]  }
0x149: {  	v31 =	vmul.f32 v26, v26;
	v7 =	vadd.f32 v29, v7;
	v6 =	vadd.f32 v26, v6  }
0x14a: {  	v32 =	vld [tilespmem:s19+$0xD80]  }
0x14b: {  	v33 =	vmul.f32 v28, v28;
	v7 =	vadd.f32 v31, v7;
	v6 =	vadd.f32 v28, v6  }
0x14c: {  	v34 =	vld [tilespmem:s19+$0xD90]  }
0x14d: {  	v35 =	vmul.f32 v30, v30;
	v7 =	vadd.f32 v33, v7;
	v6 =	vadd.f32 v30, v6  }
0x14e: {  	v36 =	vld [tilespmem:s19+$0xDA0]  }
0x14f: {  	v37 =	vmul.f32 v32, v32;
	v7 =	vadd.f32 v35, v7;
	v6 =	vadd.f32 v32, v6  }
0x150: {  	v38 =	vld [tilespmem:s19+$0xDB0]  }
0x151: {  	v39 =	vmul.f32 v34, v34;
	v7 =	vadd.f32 v37, v7;
	v6 =	vadd.f32 v34, v6  }
0x152: {  	v40 =	vld [tilespmem:s19+$0xDC0]  }
0x153: {  	v41 =	vmul.f32 v36, v36;
	v7 =	vadd.f32 v39, v7;
	v6 =	vadd.f32 v36, v6  }
0x154: {  	v42 =	vld [tilespmem:s19+$0xDD0]  }
0x155: {  	v43 =	vmul.f32 v38, v38;
	v7 =	vadd.f32 v41, v7;
	v6 =	vadd.f32 v38, v6  }
0x156: {  	v44 =	vld [tilespmem:s19+$0xDE0]  }
0x157: {  	v45 =	vmul.f32 v40, v40;
	v7 =	vadd.f32 v43, v7;
	v6 =	vadd.f32 v40, v6  }
0x158: {  	s30 =	sadd.s32 $0x780, s21;
	v46 =	vld [tilespmem:s19+$0xDF0]  }
0x159: {  	s23 =	sand.u32 $0x3FFFFF80, s30;
	v47 =	vmul.f32 v42, v42;
	v7 =	vadd.f32 v45, v7;
	v6 =	vadd.f32 v42, v6  }
0x15a: {  	v48 =	vld [tilespmem:s23+$0x680]  }
0x15b: {  	v49 =	vmul.f32 v44, v44;
	v7 =	vadd.f32 v47, v7;
	v6 =	vadd.f32 v44, v6  }
0x15c: {  	v50 =	vld [tilespmem:s19+$0xE10]  }
0x15d: {  	v51 =	vmul.f32 v46, v46;
	v7 =	vadd.f32 v49, v7;
	v6 =	vadd.f32 v46, v6  }
0x15e: {  	v52 =	vld [tilespmem:s19+$0xE20]  }
0x15f: {  	v53 =	vmul.f32 v48, v48;
	v7 =	vadd.f32 v51, v7;
	v6 =	vadd.f32 v48, v6  }
0x160: {  	v54 =	vld [tilespmem:s19+$0xE30]  }
0x161: {  	v55 =	vmul.f32 v50, v50;
	v7 =	vadd.f32 v53, v7;
	v6 =	vadd.f32 v50, v6  }
0x162: {  	v56 =	vld [tilespmem:s19+$0xE40]  }
0x163: {  	v57 =	vmul.f32 v52, v52;
	v7 =	vadd.f32 v55, v7;
	v6 =	vadd.f32 v52, v6  }
0x164: {  	v58 =	vld [tilespmem:s19+$0xE50]  }
0x165: {  	v59 =	vmul.f32 v54, v54;
	v7 =	vadd.f32 v57, v7;
	v6 =	vadd.f32 v54, v6  }
0x166: {  	v60 =	vld [tilespmem:s19+$0xE60]  }
0x167: {  	v61 =	vmul.f32 v56, v56;
	v7 =	vadd.f32 v59, v7;
	v6 =	vadd.f32 v56, v6  }
0x168: {  	v62 =	vld [tilespmem:s19+$0xE70]  }
0x169: {  	v63 =	vmul.f32 v58, v58;
	v7 =	vadd.f32 v61, v7;
	v6 =	vadd.f32 v58, v6  }
0x16a: {  	v12 =	vld [tilespmem:s19+$0xE80]  }
0x16b: {  	v13 =	vmul.f32 v60, v60;
	v7 =	vadd.f32 v63, v7;
	v6 =	vadd.f32 v60, v6  }
0x16c: {  	v14 =	vld [tilespmem:s19+$0xE90]  }
0x16d: {  	v15 =	vmul.f32 v62, v62;
	v7 =	vadd.f32 v13, v7;
	v6 =	vadd.f32 v62, v6;
	_ =	sdelay $0x1  }
0x16e: {  	v16 =	vmul.f32 v12, v12;
	v7 =	vadd.f32 v15, v7;
	v6 =	vadd.f32 v12, v6;
	_ =	sdelay $0x1  }
0x16f: {  	v17 =	vmul.f32 v14, v14;
	v7 =	vadd.f32 v16, v7;
	v6 =	vadd.f32 v14, v6;
	_ =	sdelay $0x1  }
0x170: {  	v7 =	vadd.f32 v17, v7;
	v6 =	vmul.f32 v6, v6  }
0x171: {  	v18 =	vld [tilespmem:s20+$0x6EE8]  }
0x172: {  	v19 =	vld [tilespmem:s20+$0x6EF8];
	v6 =	vsub.f32 v6, v7;
	_ =	sdelay $0x1  }
0x173: {  	v6 =	vmul.f32 $5.000000000e-01, v6;
	_ =	sdelay $0x1  }
0x174: {  	v6 =	vadd.f32 v6, v18  }
0x175: {  	v7 =	vnsel vm0, $0x0, v19  }
0x176: {  	v6 =	vadd.f32 v6, v7;
	_ =	sdelay $0x1  }
0x177: {  	v7 =	vperm.xlane v6, v0;
	_ =	sdelay $0x1  }
0x178: {  	v6 =	vadd.f32 v6, v7;
	_ =	sdelay $0x1  }
0x179: {  	v7 =	vperm.xlane v6, v2;
	_ =	sdelay $0x1  }
0x17a: {  	v6 =	vadd.f32 v6, v7;
	_ =	sdelay $0x1  }
0x17b: {  	v7 =	vperm.xlane v6, v3  }
0x17c: {  	v20 =	vadd.s32 $0x4, v5  }
0x17d: {  	v6 =	vadd.f32 v6, v7;
	v7 =	vbroadcast v20, $0x0;
	_ =	sdelay $0x1  }
0x17e: {  	v21 =	vperm.xlane v6, v1;
	_ =	sdelay $0x1  }
0x17f: {  	v6 =	vadd.f32 v6, v21  }
0x180: {  	s31 =	sadd.s32 $0x820, s21  }
0x181: {  	s23 =	sand.u32 $0x3FFFFE20, s31;
	[tilespmem:v7+s14+$0x0] =	vst.idx.msk vm4, v6  }
0x182: {  	v6 =	vld [tilespmem:s23+$0x680]  }
0x183: {  	v7 =	vld [tilespmem:s19+$0xEB0];
	_ =	sdelay $0x1  }
0x184: {  	v22 =	vld [tilespmem:s19+$0xEC0];
	_ =	sdelay $0x1  }
0x185: {  	v23 =	vld [tilespmem:s19+$0xED0]  }
0x186: {  	v24 =	vmul.f32 v6, v6;
	v6 =	vadd.f32 v7, v6;
	v7 =	vmul.f32 v7, v7  }
0x187: {  	v25 =	vld [tilespmem:s19+$0xEE0]  }
0x188: {  	v8 =	vmul.f32 v22, v22;
	v7 =	vadd.f32 v7, v24;
	v6 =	vadd.f32 v22, v6  }
0x189: {  	v26 =	vld [tilespmem:s19+$0xEF0]  }
0x18a: {  	v27 =	vmul.f32 v23, v23;
	v7 =	vadd.f32 v8, v7;
	v6 =	vadd.f32 v23, v6  }
0x18b: {  	v28 =	vld [tilespmem:s19+$0xF00]  }
0x18c: {  	v29 =	vmul.f32 v25, v25;
	v7 =	vadd.f32 v27, v7;
	v6 =	vadd.f32 v25, v6  }
0x18d: {  	v30 =	vld [tilespmem:s19+$0xF10]  }
0x18e: {  	v31 =	vmul.f32 v26, v26;
	v7 =	vadd.f32 v29, v7;
	v6 =	vadd.f32 v26, v6  }
0x18f: {  	v32 =	vld [tilespmem:s19+$0xF20]  }
0x190: {  	v33 =	vmul.f32 v28, v28;
	v7 =	vadd.f32 v31, v7;
	v6 =	vadd.f32 v28, v6  }
0x191: {  	v34 =	vld [tilespmem:s19+$0xF30]  }
0x192: {  	v35 =	vmul.f32 v30, v30;
	v7 =	vadd.f32 v33, v7;
	v6 =	vadd.f32 v30, v6  }
0x193: {  	v36 =	vld [tilespmem:s19+$0xF40]  }
0x194: {  	v37 =	vmul.f32 v32, v32;
	v7 =	vadd.f32 v35, v7;
	v6 =	vadd.f32 v32, v6  }
0x195: {  	v38 =	vld [tilespmem:s19+$0xF50]  }
0x196: {  	v39 =	vmul.f32 v34, v34;
	v7 =	vadd.f32 v37, v7;
	v6 =	vadd.f32 v34, v6  }
0x197: {  	v40 =	vld [tilespmem:s19+$0xF60]  }
0x198: {  	v41 =	vmul.f32 v36, v36;
	v7 =	vadd.f32 v39, v7;
	v6 =	vadd.f32 v36, v6  }
0x199: {  	v42 =	vld [tilespmem:s19+$0xF70]  }
0x19a: {  	v43 =	vmul.f32 v38, v38;
	v7 =	vadd.f32 v41, v7;
	v6 =	vadd.f32 v38, v6  }
0x19b: {  	v44 =	vld [tilespmem:s19+$0xF80]  }
0x19c: {  	v45 =	vmul.f32 v40, v40;
	v7 =	vadd.f32 v43, v7;
	v6 =	vadd.f32 v40, v6  }
0x19d: {  	s24 =	sadd.s32 $0x920, s21;
	v46 =	vld [tilespmem:s19+$0xF90]  }
0x19e: {  	s23 =	sand.u32 $0x3FFFFF20, s24;
	v47 =	vmul.f32 v42, v42;
	v7 =	vadd.f32 v45, v7;
	v6 =	vadd.f32 v42, v6  }
0x19f: {  	v48 =	vld [tilespmem:s23+$0x680]  }
0x1a0: {  	v49 =	vmul.f32 v44, v44;
	v7 =	vadd.f32 v47, v7;
	v6 =	vadd.f32 v44, v6  }
0x1a1: {  	v50 =	vld [tilespmem:s19+$0xFB0]  }
0x1a2: {  	v51 =	vmul.f32 v46, v46;
	v7 =	vadd.f32 v49, v7;
	v6 =	vadd.f32 v46, v6  }
0x1a3: {  	v52 =	vld [tilespmem:s19+$0xFC0]  }
0x1a4: {  	v53 =	vmul.f32 v48, v48;
	v7 =	vadd.f32 v51, v7;
	v6 =	vadd.f32 v48, v6  }
0x1a5: {  	v54 =	vld [tilespmem:s19+$0xFD0]  }
0x1a6: {  	v55 =	vmul.f32 v50, v50;
	v7 =	vadd.f32 v53, v7;
	v6 =	vadd.f32 v50, v6  }
0x1a7: {  	v56 =	vld [tilespmem:s19+$0xFE0]  }
0x1a8: {  	v57 =	vmul.f32 v52, v52;
	v7 =	vadd.f32 v55, v7;
	v6 =	vadd.f32 v52, v6  }
0x1a9: {  	v58 =	vld [tilespmem:s19+$0xFF0]  }
0x1aa: {  	v59 =	vmul.f32 v54, v54;
	v7 =	vadd.f32 v57, v7;
	v6 =	vadd.f32 v54, v6  }
0x1ab: {  	v60 =	vld [tilespmem:s19+$0x1000]  }
0x1ac: {  	v61 =	vmul.f32 v56, v56;
	v7 =	vadd.f32 v59, v7;
	v6 =	vadd.f32 v56, v6  }
0x1ad: {  	v62 =	vld [tilespmem:s19+$0x1010]  }
0x1ae: {  	v63 =	vmul.f32 v58, v58;
	v7 =	vadd.f32 v61, v7;
	v6 =	vadd.f32 v58, v6  }
0x1af: {  	v12 =	vld [tilespmem:s19+$0x1020]  }
0x1b0: {  	v13 =	vmul.f32 v60, v60;
	v7 =	vadd.f32 v63, v7;
	v6 =	vadd.f32 v60, v6  }
0x1b1: {  	v14 =	vld [tilespmem:s19+$0x1030]  }
0x1b2: {  	v15 =	vmul.f32 v62, v62;
	v7 =	vadd.f32 v13, v7;
	v6 =	vadd.f32 v62, v6;
	_ =	sdelay $0x1  }
0x1b3: {  	v16 =	vmul.f32 v12, v12;
	v7 =	vadd.f32 v15, v7;
	v6 =	vadd.f32 v12, v6;
	_ =	sdelay $0x1  }
0x1b4: {  	v17 =	vmul.f32 v14, v14;
	v7 =	vadd.f32 v16, v7;
	v6 =	vadd.f32 v14, v6;
	_ =	sdelay $0x1  }
0x1b5: {  	v7 =	vadd.f32 v17, v7;
	v6 =	vmul.f32 v6, v6  }
0x1b6: {  	v18 =	vld [tilespmem:s20+$0x6F02]  }
0x1b7: {  	v19 =	vld [tilespmem:s20+$0x6F12];
	v6 =	vsub.f32 v6, v7;
	_ =	sdelay $0x1  }
0x1b8: {  	v6 =	vmul.f32 $5.000000000e-01, v6;
	_ =	sdelay $0x1  }
0x1b9: {  	v6 =	vadd.f32 v6, v18  }
0x1ba: {  	v7 =	vnsel vm0, $0x0, v19  }
0x1bb: {  	v6 =	vadd.f32 v6, v7;
	_ =	sdelay $0x1  }
0x1bc: {  	v7 =	vperm.xlane v6, v0;
	_ =	sdelay $0x1  }
0x1bd: {  	v6 =	vadd.f32 v6, v7;
	_ =	sdelay $0x1  }
0x1be: {  	v7 =	vperm.xlane v6, v2;
	_ =	sdelay $0x1  }
0x1bf: {  	v6 =	vadd.f32 v6, v7;
	_ =	sdelay $0x1  }
0x1c0: {  	v7 =	vperm.xlane v6, v3  }
0x1c1: {  	v20 =	vadd.s32 $0x5, v5  }
0x1c2: {  	v6 =	vadd.f32 v6, v7;
	v7 =	vbroadcast v20, $0x0;
	_ =	sdelay $0x1  }
0x1c3: {  	v21 =	vperm.xlane v6, v1;
	_ =	sdelay $0x1  }
0x1c4: {  	v6 =	vadd.f32 v6, v21  }
0x1c5: {  	s25 =	sadd.s32 $0x9C0, s21  }
0x1c6: {  	s23 =	sand.u32 $0x3FFFFFC0, s25;
	[tilespmem:v7+s14+$0x0] =	vst.idx.msk vm5, v6  }
0x1c7: {  	v6 =	vld [tilespmem:s23+$0x680]  }
0x1c8: {  	v7 =	vld [tilespmem:s19+$0x1050];
	_ =	sdelay $0x1  }
0x1c9: {  	v22 =	vld [tilespmem:s19+$0x1060];
	_ =	sdelay $0x1  }
0x1ca: {  	v23 =	vld [tilespmem:s19+$0x1070]  }
0x1cb: {  	v24 =	vmul.f32 v6, v6;
	v6 =	vadd.f32 v7, v6;
	v7 =	vmul.f32 v7, v7  }
0x1cc: {  	v25 =	vld [tilespmem:s19+$0x1080]  }
0x1cd: {  	v8 =	vmul.f32 v22, v22;
	v7 =	vadd.f32 v7, v24;
	v6 =	vadd.f32 v22, v6  }
0x1ce: {  	v26 =	vld [tilespmem:s19+$0x1090]  }
0x1cf: {  	v27 =	vmul.f32 v23, v23;
	v7 =	vadd.f32 v8, v7;
	v6 =	vadd.f32 v23, v6  }
0x1d0: {  	v28 =	vld [tilespmem:s19+$0x10A0]  }
0x1d1: {  	v29 =	vmul.f32 v25, v25;
	v7 =	vadd.f32 v27, v7;
	v6 =	vadd.f32 v25, v6  }
0x1d2: {  	v30 =	vld [tilespmem:s19+$0x10B0]  }
0x1d3: {  	v31 =	vmul.f32 v26, v26;
	v7 =	vadd.f32 v29, v7;
	v6 =	vadd.f32 v26, v6  }
0x1d4: {  	v32 =	vld [tilespmem:s19+$0x10C0]  }
0x1d5: {  	v33 =	vmul.f32 v28, v28;
	v7 =	vadd.f32 v31, v7;
	v6 =	vadd.f32 v28, v6  }
0x1d6: {  	v34 =	vld [tilespmem:s19+$0x10D0]  }
0x1d7: {  	v35 =	vmul.f32 v30, v30;
	v7 =	vadd.f32 v33, v7;
	v6 =	vadd.f32 v30, v6  }
0x1d8: {  	v36 =	vld [tilespmem:s19+$0x10E0]  }
0x1d9: {  	v37 =	vmul.f32 v32, v32;
	v7 =	vadd.f32 v35, v7;
	v6 =	vadd.f32 v32, v6  }
0x1da: {  	v38 =	vld [tilespmem:s19+$0x10F0]  }
0x1db: {  	v39 =	vmul.f32 v34, v34;
	v7 =	vadd.f32 v37, v7;
	v6 =	vadd.f32 v34, v6  }
0x1dc: {  	v40 =	vld [tilespmem:s19+$0x1100]  }
0x1dd: {  	v41 =	vmul.f32 v36, v36;
	v7 =	vadd.f32 v39, v7;
	v6 =	vadd.f32 v36, v6  }
0x1de: {  	v42 =	vld [tilespmem:s19+$0x1110]  }
0x1df: {  	v43 =	vmul.f32 v38, v38;
	v7 =	vadd.f32 v41, v7;
	v6 =	vadd.f32 v38, v6  }
0x1e0: {  	v44 =	vld [tilespmem:s19+$0x1120]  }
0x1e1: {  	v45 =	vmul.f32 v40, v40;
	v7 =	vadd.f32 v43, v7;
	v6 =	vadd.f32 v40, v6  }
0x1e2: {  	s26 =	sadd.s32 $0xAC0, s21;
	v46 =	vld [tilespmem:s19+$0x1130]  }
0x1e3: {  	s23 =	sand.u32 $0x3FFFFEC0, s26;
	v47 =	vmul.f32 v42, v42;
	v7 =	vadd.f32 v45, v7;
	v6 =	vadd.f32 v42, v6  }
0x1e4: {  	v48 =	vld [tilespmem:s23+$0x680]  }
0x1e5: {  	v49 =	vmul.f32 v44, v44;
	v7 =	vadd.f32 v47, v7;
	v6 =	vadd.f32 v44, v6  }
0x1e6: {  	v50 =	vld [tilespmem:s19+$0x1150]  }
0x1e7: {  	v51 =	vmul.f32 v46, v46;
	v7 =	vadd.f32 v49, v7;
	v6 =	vadd.f32 v46, v6  }
0x1e8: {  	v52 =	vld [tilespmem:s19+$0x1160]  }
0x1e9: {  	v53 =	vmul.f32 v48, v48;
	v7 =	vadd.f32 v51, v7;
	v6 =	vadd.f32 v48, v6  }
0x1ea: {  	v54 =	vld [tilespmem:s19+$0x1170]  }
0x1eb: {  	v55 =	vmul.f32 v50, v50;
	v7 =	vadd.f32 v53, v7;
	v6 =	vadd.f32 v50, v6  }
0x1ec: {  	v56 =	vld [tilespmem:s19+$0x1180]  }
0x1ed: {  	v57 =	vmul.f32 v52, v52;
	v7 =	vadd.f32 v55, v7;
	v6 =	vadd.f32 v52, v6  }
0x1ee: {  	v58 =	vld [tilespmem:s19+$0x1190]  }
0x1ef: {  	v59 =	vmul.f32 v54, v54;
	v7 =	vadd.f32 v57, v7;
	v6 =	vadd.f32 v54, v6  }
0x1f0: {  	v60 =	vld [tilespmem:s19+$0x11A0]  }
0x1f1: {  	v61 =	vmul.f32 v56, v56;
	v7 =	vadd.f32 v59, v7;
	v6 =	vadd.f32 v56, v6  }
0x1f2: {  	v62 =	vld [tilespmem:s19+$0x11B0]  }
0x1f3: {  	v63 =	vmul.f32 v58, v58;
	v7 =	vadd.f32 v61, v7;
	v6 =	vadd.f32 v58, v6  }
0x1f4: {  	v12 =	vld [tilespmem:s19+$0x11C0]  }
0x1f5: {  	v13 =	vmul.f32 v60, v60;
	v7 =	vadd.f32 v63, v7;
	v6 =	vadd.f32 v60, v6  }
0x1f6: {  	v14 =	vld [tilespmem:s19+$0x11D0]  }
0x1f7: {  	v15 =	vmul.f32 v62, v62;
	v7 =	vadd.f32 v13, v7;
	v6 =	vadd.f32 v62, v6;
	_ =	sdelay $0x1  }
0x1f8: {  	v16 =	vmul.f32 v12, v12;
	v7 =	vadd.f32 v15, v7;
	v6 =	vadd.f32 v12, v6;
	_ =	sdelay $0x1  }
0x1f9: {  	v17 =	vmul.f32 v14, v14;
	v7 =	vadd.f32 v16, v7;
	v6 =	vadd.f32 v14, v6;
	_ =	sdelay $0x1  }
0x1fa: {  	v7 =	vadd.f32 v17, v7;
	v6 =	vmul.f32 v6, v6  }
0x1fb: {  	v18 =	vld [tilespmem:s20+$0x6F1C]  }
0x1fc: {  	v19 =	vld [tilespmem:s20+$0x6F2C];
	v6 =	vsub.f32 v6, v7;
	_ =	sdelay $0x1  }
0x1fd: {  	v6 =	vmul.f32 $5.000000000e-01, v6;
	_ =	sdelay $0x1  }
0x1fe: {  	v6 =	vadd.f32 v6, v18  }
0x1ff: {  	v7 =	vnsel vm0, $0x0, v19  }
0x200: {  	v6 =	vadd.f32 v6, v7;
	_ =	sdelay $0x1  }
0x201: {  	v7 =	vperm.xlane v6, v0;
	_ =	sdelay $0x1  }
0x202: {  	v6 =	vadd.f32 v6, v7;
	_ =	sdelay $0x1  }
0x203: {  	v7 =	vperm.xlane v6, v2;
	_ =	sdelay $0x1  }
0x204: {  	v6 =	vadd.f32 v6, v7;
	_ =	sdelay $0x1  }
0x205: {  	v7 =	vperm.xlane v6, v3  }
0x206: {  	v20 =	vadd.s32 $0x6, v5  }
0x207: {  	v6 =	vadd.f32 v6, v7;
	v7 =	vbroadcast v20, $0x0;
	_ =	sdelay $0x1  }
0x208: {  	v21 =	vperm.xlane v6, v1;
	_ =	sdelay $0x1  }
0x209: {  	v6 =	vadd.f32 v6, v21  }
0x20a: {  	s28 =	sadd.s32 $0xB60, s21  }
0x20b: {  	s23 =	sand.u32 $0x3FFFFF60, s28;
	[tilespmem:v7+s14+$0x0] =	vst.idx.msk vm6, v6  }
0x20c: {  	v6 =	vld [tilespmem:s23+$0x680]  }
0x20d: {  	v7 =	vld [tilespmem:s19+$0x11F0];
	_ =	sdelay $0x1  }
0x20e: {  	v22 =	vld [tilespmem:s19+$0x1200];
	_ =	sdelay $0x1  }
0x20f: {  	v23 =	vld [tilespmem:s19+$0x1210]  }
0x210: {  	v24 =	vmul.f32 v6, v6;
	v6 =	vadd.f32 v7, v6;
	v7 =	vmul.f32 v7, v7  }
0x211: {  	v25 =	vld [tilespmem:s19+$0x1220]  }
0x212: {  	v8 =	vmul.f32 v22, v22;
	v7 =	vadd.f32 v7, v24;
	v6 =	vadd.f32 v22, v6  }
0x213: {  	v26 =	vld [tilespmem:s19+$0x1230]  }
0x214: {  	v27 =	vmul.f32 v23, v23;
	v7 =	vadd.f32 v8, v7;
	v6 =	vadd.f32 v23, v6  }
0x215: {  	v28 =	vld [tilespmem:s19+$0x1240]  }
0x216: {  	v29 =	vmul.f32 v25, v25;
	v7 =	vadd.f32 v27, v7;
	v6 =	vadd.f32 v25, v6  }
0x217: {  	v30 =	vld [tilespmem:s19+$0x1250]  }
0x218: {  	v31 =	vmul.f32 v26, v26;
	v7 =	vadd.f32 v29, v7;
	v6 =	vadd.f32 v26, v6  }
0x219: {  	v32 =	vld [tilespmem:s19+$0x1260]  }
0x21a: {  	v33 =	vmul.f32 v28, v28;
	v7 =	vadd.f32 v31, v7;
	v6 =	vadd.f32 v28, v6  }
0x21b: {  	v34 =	vld [tilespmem:s19+$0x1270]  }
0x21c: {  	v35 =	vmul.f32 v30, v30;
	v7 =	vadd.f32 v33, v7;
	v6 =	vadd.f32 v30, v6  }
0x21d: {  	v36 =	vld [tilespmem:s19+$0x1280]  }
0x21e: {  	v37 =	vmul.f32 v32, v32;
	v7 =	vadd.f32 v35, v7;
	v6 =	vadd.f32 v32, v6  }
0x21f: {  	v38 =	vld [tilespmem:s19+$0x1290]  }
0x220: {  	v39 =	vmul.f32 v34, v34;
	v7 =	vadd.f32 v37, v7;
	v6 =	vadd.f32 v34, v6  }
0x221: {  	v40 =	vld [tilespmem:s19+$0x12A0]  }
0x222: {  	v41 =	vmul.f32 v36, v36;
	v7 =	vadd.f32 v39, v7;
	v6 =	vadd.f32 v36, v6  }
0x223: {  	v42 =	vld [tilespmem:s19+$0x12B0]  }
0x224: {  	v43 =	vmul.f32 v38, v38;
	v7 =	vadd.f32 v41, v7;
	v6 =	vadd.f32 v38, v6  }
0x225: {  	v44 =	vld [tilespmem:s19+$0x12C0]  }
0x226: {  	v45 =	vmul.f32 v40, v40;
	v7 =	vadd.f32 v43, v7;
	v6 =	vadd.f32 v40, v6  }
0x227: {  	s29 =	sadd.s32 $0xC60, s21;
	v46 =	vld [tilespmem:s19+$0x12D0]  }
0x228: {  	s23 =	sand.u32 $0x3FFFFE60, s29;
	v47 =	vmul.f32 v42, v42;
	v7 =	vadd.f32 v45, v7;
	v6 =	vadd.f32 v42, v6  }
0x229: {  	v48 =	vld [tilespmem:s23+$0x680]  }
0x22a: {  	v49 =	vmul.f32 v44, v44;
	v7 =	vadd.f32 v47, v7;
	v6 =	vadd.f32 v44, v6  }
0x22b: {  	v50 =	vld [tilespmem:s19+$0x12F0]  }
0x22c: {  	v51 =	vmul.f32 v46, v46;
	v7 =	vadd.f32 v49, v7;
	v6 =	vadd.f32 v46, v6  }
0x22d: {  	v52 =	vld [tilespmem:s19+$0x1300]  }
0x22e: {  	v53 =	vmul.f32 v48, v48;
	v7 =	vadd.f32 v51, v7;
	v6 =	vadd.f32 v48, v6  }
0x22f: {  	v54 =	vld [tilespmem:s19+$0x1310]  }
0x230: {  	v55 =	vmul.f32 v50, v50;
	v7 =	vadd.f32 v53, v7;
	v6 =	vadd.f32 v50, v6  }
0x231: {  	v56 =	vld [tilespmem:s19+$0x1320]  }
0x232: {  	v57 =	vmul.f32 v52, v52;
	v7 =	vadd.f32 v55, v7;
	v6 =	vadd.f32 v52, v6  }
0x233: {  	v58 =	vld [tilespmem:s19+$0x1330]  }
0x234: {  	v59 =	vmul.f32 v54, v54;
	v7 =	vadd.f32 v57, v7;
	v6 =	vadd.f32 v54, v6  }
0x235: {  	v60 =	vld [tilespmem:s19+$0x1340]  }
0x236: {  	v61 =	vmul.f32 v56, v56;
	v7 =	vadd.f32 v59, v7;
	v6 =	vadd.f32 v56, v6  }
0x237: {  	v62 =	vld [tilespmem:s19+$0x1350]  }
0x238: {  	v63 =	vmul.f32 v58, v58;
	v7 =	vadd.f32 v61, v7;
	v6 =	vadd.f32 v58, v6  }
0x239: {  	v12 =	vld [tilespmem:s19+$0x1360]  }
0x23a: {  	v13 =	vmul.f32 v60, v60;
	v7 =	vadd.f32 v63, v7;
	v6 =	vadd.f32 v60, v6  }
0x23b: {  	v14 =	vld [tilespmem:s19+$0x1370]  }
0x23c: {  	v15 =	vmul.f32 v62, v62;
	v7 =	vadd.f32 v13, v7;
	v6 =	vadd.f32 v62, v6;
	_ =	sdelay $0x1  }
0x23d: {  	v16 =	vmul.f32 v12, v12;
	v7 =	vadd.f32 v15, v7;
	v6 =	vadd.f32 v12, v6;
	_ =	sdelay $0x1  }
0x23e: {  	v17 =	vmul.f32 v14, v14;
	v7 =	vadd.f32 v16, v7;
	v6 =	vadd.f32 v14, v6;
	_ =	sdelay $0x1  }
0x23f: {  	v7 =	vadd.f32 v17, v7;
	v6 =	vmul.f32 v6, v6  }
0x240: {  	v18 =	vld [tilespmem:s20+$0x6F36]  }
0x241: {  	v19 =	vld [tilespmem:s20+$0x6F46];
	v6 =	vsub.f32 v6, v7;
	_ =	sdelay $0x1  }
0x242: {  	v6 =	vmul.f32 $5.000000000e-01, v6;
	_ =	sdelay $0x1  }
0x243: {  	v6 =	vadd.f32 v6, v18  }
0x244: {  	v7 =	vnsel vm0, $0x0, v19  }
0x245: {  	v6 =	vadd.f32 v6, v7;
	_ =	sdelay $0x1  }
0x246: {  	v7 =	vperm.xlane v6, v0;
	_ =	sdelay $0x1  }
0x247: {  	v6 =	vadd.f32 v6, v7;
	_ =	sdelay $0x1  }
0x248: {  	v7 =	vperm.xlane v6, v2;
	_ =	sdelay $0x1  }
0x249: {  	v6 =	vadd.f32 v6, v7;
	_ =	sdelay $0x1  }
0x24a: {  	v7 =	vperm.xlane v6, v3  }
0x24b: {  	v5 =	vadd.s32 $0x7, v5  }
0x24c: {  	v5 =	vbroadcast v5, $0x0;
	v6 =	vadd.f32 v6, v7;
	_ =	sdelay $0x1  }
0x24d: {  	v7 =	vperm.xlane v6, v1;
	_ =	sdelay $0x1  }
0x24e: {  	v6 =	vadd.f32 v6, v7  }
0x24f: {  	s30 =	sadd.s32 $0xD00, s21  }
0x250: {  	s23 =	sand.u32 $0x3FFFFF00, s30;
	[tilespmem:v5+s14+$0x0] =	vst.idx.msk vm7, v6  }
0x251: {  	v5 =	vld [tilespmem:s23+$0x680]  }
0x252: {  	v6 =	vld [tilespmem:s19+$0x1390];
	_ =	sdelay $0x1  }
0x253: {  	v7 =	vld [tilespmem:s19+$0x13A0];
	_ =	sdelay $0x1  }
0x254: {  	v20 =	vld [tilespmem:s19+$0x13B0]  }
0x255: {  	v21 =	vmul.f32 v5, v5;
	v5 =	vadd.f32 v6, v5;
	v6 =	vmul.f32 v6, v6  }
0x256: {  	v22 =	vld [tilespmem:s19+$0x13C0]  }
0x257: {  	v6 =	vadd.f32 v6, v21;
	v5 =	vadd.f32 v7, v5;
	v7 =	vmul.f32 v7, v7  }
0x258: {  	v23 =	vld [tilespmem:s19+$0x13D0]  }
0x259: {  	v6 =	vadd.f32 v7, v6;
	v5 =	vadd.f32 v20, v5;
	v7 =	vmul.f32 v20, v20  }
0x25a: {  	v24 =	vld [tilespmem:s19+$0x13E0]  }
0x25b: {  	v6 =	vadd.f32 v7, v6;
	v5 =	vadd.f32 v22, v5;
	v7 =	vmul.f32 v22, v22  }
0x25c: {  	v25 =	vld [tilespmem:s19+$0x13F0]  }
0x25d: {  	v6 =	vadd.f32 v7, v6;
	v5 =	vadd.f32 v23, v5;
	v7 =	vmul.f32 v23, v23  }
0x25e: {  	v26 =	vld [tilespmem:s19+$0x1400]  }
0x25f: {  	v6 =	vadd.f32 v7, v6;
	v5 =	vadd.f32 v24, v5;
	v7 =	vmul.f32 v24, v24  }
0x260: {  	v27 =	vld [tilespmem:s19+$0x1410]  }
0x261: {  	v6 =	vadd.f32 v7, v6;
	v5 =	vadd.f32 v25, v5;
	v7 =	vmul.f32 v25, v25  }
0x262: {  	v28 =	vld [tilespmem:s19+$0x1420]  }
0x263: {  	v6 =	vadd.f32 v7, v6;
	v5 =	vadd.f32 v26, v5;
	v7 =	vmul.f32 v26, v26  }
0x264: {  	v29 =	vld [tilespmem:s19+$0x1430]  }
0x265: {  	v6 =	vadd.f32 v7, v6;
	v5 =	vadd.f32 v27, v5;
	v7 =	vmul.f32 v27, v27  }
0x266: {  	v30 =	vld [tilespmem:s19+$0x1440]  }
0x267: {  	v6 =	vadd.f32 v7, v6;
	v5 =	vadd.f32 v28, v5;
	v7 =	vmul.f32 v28, v28  }
0x268: {  	v31 =	vld [tilespmem:s19+$0x1450]  }
0x269: {  	v6 =	vadd.f32 v7, v6;
	v5 =	vadd.f32 v29, v5;
	v7 =	vmul.f32 v29, v29  }
0x26a: {  	v32 =	vld [tilespmem:s19+$0x1460]  }
0x26b: {  	v6 =	vadd.f32 v7, v6;
	v5 =	vadd.f32 v30, v5;
	v7 =	vmul.f32 v30, v30  }
0x26c: {  	s31 =	sadd.s32 $0xE00, s21;
	v33 =	vld [tilespmem:s19+$0x1470]  }
0x26d: {  	s23 =	sand.u32 $0x3FFFFE00, s31;
	v6 =	vadd.f32 v7, v6;
	v5 =	vadd.f32 v31, v5;
	v7 =	vmul.f32 v31, v31  }
0x26e: {  	v34 =	vld [tilespmem:s23+$0x680]  }
0x26f: {  	v6 =	vadd.f32 v7, v6;
	v5 =	vadd.f32 v32, v5;
	v7 =	vmul.f32 v32, v32  }
0x270: {  	v35 =	vld [tilespmem:s19+$0x1490]  }
0x271: {  	v6 =	vadd.f32 v7, v6;
	v5 =	vadd.f32 v33, v5;
	v7 =	vmul.f32 v33, v33  }
0x272: {  	v36 =	vld [tilespmem:s19+$0x14A0]  }
0x273: {  	v6 =	vadd.f32 v7, v6;
	v5 =	vadd.f32 v34, v5;
	v7 =	vmul.f32 v34, v34  }
0x274: {  	v37 =	vld [tilespmem:s19+$0x14B0]  }
0x275: {  	v6 =	vadd.f32 v7, v6;
	v5 =	vadd.f32 v35, v5;
	v7 =	vmul.f32 v35, v35  }
0x276: {  	v38 =	vld [tilespmem:s19+$0x14C0]  }
0x277: {  	v6 =	vadd.f32 v7, v6;
	v5 =	vadd.f32 v36, v5;
	v7 =	vmul.f32 v36, v36  }
0x278: {  	v39 =	vld [tilespmem:s19+$0x14D0]  }
0x279: {  	v6 =	vadd.f32 v7, v6;
	v5 =	vadd.f32 v37, v5;
	v7 =	vmul.f32 v37, v37  }
0x27a: {  	v40 =	vld [tilespmem:s19+$0x14E0]  }
0x27b: {  	v6 =	vadd.f32 v7, v6;
	v5 =	vadd.f32 v38, v5;
	v7 =	vmul.f32 v38, v38  }
0x27c: {  	v41 =	vld [tilespmem:s19+$0x14F0]  }
0x27d: {  	v6 =	vadd.f32 v7, v6;
	v5 =	vadd.f32 v39, v5;
	v7 =	vmul.f32 v39, v39  }
0x27e: {  	v42 =	vld [tilespmem:s19+$0x1500]  }
0x27f: {  	v6 =	vadd.f32 v7, v6;
	v5 =	vadd.f32 v40, v5;
	v7 =	vmul.f32 v40, v40  }
0x280: {  	v43 =	vld [tilespmem:s19+$0x1510]  }
0x281: {  	v6 =	vadd.f32 v7, v6;
	v5 =	vadd.f32 v41, v5;
	v7 =	vmul.f32 v41, v41;
	_ =	sdelay $0x1  }
0x282: {  	v6 =	vadd.f32 v7, v6;
	v5 =	vadd.f32 v42, v5;
	v7 =	vmul.f32 v42, v42;
	_ =	sdelay $0x1  }
0x283: {  	v6 =	vadd.f32 v7, v6;
	v5 =	vadd.f32 v43, v5;
	v7 =	vmul.f32 v43, v43;
	_ =	sdelay $0x1  }
0x284: {  	v6 =	vadd.f32 v7, v6;
	v5 =	vmul.f32 v5, v5  }
0x285: {  	v7 =	vld [tilespmem:s20+$0x6F50]  }
0x286: {  	v44 =	vld [tilespmem:s20+$0x6F60];
	v5 =	vsub.f32 v5, v6;
	_ =	sdelay $0x1  }
0x287: {  	v5 =	vmul.f32 $5.000000000e-01, v5;
	_ =	sdelay $0x1  }
0x288: {  	v5 =	vadd.f32 v5, v7  }
0x289: {  	v6 =	vnsel vm0, $0x0, v44  }
0x28a: {  	v5 =	vadd.f32 v5, v6;
	_ =	sdelay $0x1  }
0x28b: {  	v6 =	vperm.xlane v5, v0;
	_ =	sdelay $0x1  }
0x28c: {  	v5 =	vadd.f32 v5, v6;
	_ =	sdelay $0x1  }
0x28d: {  	v6 =	vperm.xlane v5, v2;
	_ =	sdelay $0x1  }
0x28e: {  	s24 =	sor.u32 $0x8, s22;
	v5 =	vadd.f32 v5, v6  }
0x28f: {  	v6 =	vmov s24  }
0x290: {  	v6 =	vshrl.u32 v6, $0x3;
	v7 =	vperm.xlane v5, v3  }
0x291: {  	v6 =	vshll.u32 v6, v4  }
0x292: {  	v6 =	vbroadcast v6, $0x0;
	v5 =	vadd.f32 v5, v7;
	_ =	sdelay $0x1  }
0x293: {  	v7 =	vperm.xlane v5, v1;
	_ =	sdelay $0x1  }
0x294: {  	v5 =	vadd.f32 v5, v7  }
0x295: {  	s25 =	sadd.s32 $0xEA0, s21  }
0x296: {  	s23 =	sand.u32 $0x3FFFFEA0, s25;
	[tilespmem:v6+s14+$0x0] =	vst.idx.msk vm8, v5  }
0x297: {  	v5 =	vld [tilespmem:s23+$0x680]  }
0x298: {  	v6 =	vld [tilespmem:s19+$0x1530];
	_ =	sdelay $0x1  }
0x299: {  	v7 =	vld [tilespmem:s19+$0x1540];
	_ =	sdelay $0x1  }
0x29a: {  	v45 =	vld [tilespmem:s19+$0x1550]  }
0x29b: {  	v46 =	vmul.f32 v5, v5;
	v5 =	vadd.f32 v6, v5;
	v6 =	vmul.f32 v6, v6  }
0x29c: {  	v47 =	vld [tilespmem:s19+$0x1560]  }
0x29d: {  	v6 =	vadd.f32 v6, v46;
	v5 =	vadd.f32 v7, v5;
	v7 =	vmul.f32 v7, v7  }
0x29e: {  	v48 =	vld [tilespmem:s19+$0x1570]  }
0x29f: {  	v6 =	vadd.f32 v7, v6;
	v5 =	vadd.f32 v45, v5;
	v7 =	vmul.f32 v45, v45  }
0x2a0: {  	v49 =	vld [tilespmem:s19+$0x1580]  }
0x2a1: {  	v6 =	vadd.f32 v7, v6;
	v5 =	vadd.f32 v47, v5;
	v7 =	vmul.f32 v47, v47  }
0x2a2: {  	v50 =	vld [tilespmem:s19+$0x1590]  }
0x2a3: {  	v6 =	vadd.f32 v7, v6;
	v5 =	vadd.f32 v48, v5;
	v7 =	vmul.f32 v48, v48  }
0x2a4: {  	v51 =	vld [tilespmem:s19+$0x15A0]  }
0x2a5: {  	v6 =	vadd.f32 v7, v6;
	v5 =	vadd.f32 v49, v5;
	v7 =	vmul.f32 v49, v49  }
0x2a6: {  	v52 =	vld [tilespmem:s19+$0x15B0]  }
0x2a7: {  	v6 =	vadd.f32 v7, v6;
	v5 =	vadd.f32 v50, v5;
	v7 =	vmul.f32 v50, v50  }
0x2a8: {  	v53 =	vld [tilespmem:s19+$0x15C0]  }
0x2a9: {  	v6 =	vadd.f32 v7, v6;
	v5 =	vadd.f32 v51, v5;
	v7 =	vmul.f32 v51, v51  }
0x2aa: {  	v54 =	vld [tilespmem:s19+$0x15D0]  }
0x2ab: {  	v6 =	vadd.f32 v7, v6;
	v5 =	vadd.f32 v52, v5;
	v7 =	vmul.f32 v52, v52  }
0x2ac: {  	v55 =	vld [tilespmem:s19+$0x15E0]  }
0x2ad: {  	v6 =	vadd.f32 v7, v6;
	v5 =	vadd.f32 v53, v5;
	v7 =	vmul.f32 v53, v53  }
0x2ae: {  	v56 =	vld [tilespmem:s19+$0x15F0]  }
0x2af: {  	v6 =	vadd.f32 v7, v6;
	v5 =	vadd.f32 v54, v5;
	v7 =	vmul.f32 v54, v54  }
0x2b0: {  	v57 =	vld [tilespmem:s19+$0x1600]  }
0x2b1: {  	v6 =	vadd.f32 v7, v6;
	v5 =	vadd.f32 v55, v5;
	v7 =	vmul.f32 v55, v55  }
0x2b2: {  	s26 =	sadd.s32 $0xFA0, s21;
	v58 =	vld [tilespmem:s19+$0x1610]  }
0x2b3: {  	s23 =	sand.u32 $0x3FFFFFA0, s26;
	v6 =	vadd.f32 v7, v6;
	v5 =	vadd.f32 v56, v5;
	v7 =	vmul.f32 v56, v56  }
0x2b4: {  	v59 =	vld [tilespmem:s23+$0x680]  }
0x2b5: {  	v6 =	vadd.f32 v7, v6;
	v5 =	vadd.f32 v57, v5;
	v7 =	vmul.f32 v57, v57  }
0x2b6: {  	v60 =	vld [tilespmem:s19+$0x1630]  }
0x2b7: {  	v6 =	vadd.f32 v7, v6;
	v5 =	vadd.f32 v58, v5;
	v7 =	vmul.f32 v58, v58  }
0x2b8: {  	v61 =	vld [tilespmem:s19+$0x1640]  }
0x2b9: {  	v6 =	vadd.f32 v7, v6;
	v5 =	vadd.f32 v59, v5;
	v7 =	vmul.f32 v59, v59  }
0x2ba: {  	v62 =	vld [tilespmem:s19+$0x1650]  }
0x2bb: {  	v6 =	vadd.f32 v7, v6;
	v5 =	vadd.f32 v60, v5;
	v7 =	vmul.f32 v60, v60  }
0x2bc: {  	v63 =	vld [tilespmem:s19+$0x1660]  }
0x2bd: {  	v6 =	vadd.f32 v7, v6;
	v5 =	vadd.f32 v61, v5;
	v7 =	vmul.f32 v61, v61  }
0x2be: {  	v12 =	vld [tilespmem:s19+$0x1670]  }
0x2bf: {  	v6 =	vadd.f32 v7, v6;
	v5 =	vadd.f32 v62, v5;
	v7 =	vmul.f32 v62, v62  }
0x2c0: {  	v13 =	vld [tilespmem:s19+$0x1680]  }
0x2c1: {  	v6 =	vadd.f32 v7, v6;
	v5 =	vadd.f32 v63, v5;
	v7 =	vmul.f32 v63, v63  }
0x2c2: {  	v14 =	vld [tilespmem:s19+$0x1690]  }
0x2c3: {  	v6 =	vadd.f32 v7, v6;
	v5 =	vadd.f32 v12, v5;
	v7 =	vmul.f32 v12, v12  }
0x2c4: {  	v15 =	vld [tilespmem:s19+$0x16A0]  }
0x2c5: {  	v6 =	vadd.f32 v7, v6;
	v5 =	vadd.f32 v13, v5;
	v7 =	vmul.f32 v13, v13  }
0x2c6: {  	v16 =	vld [tilespmem:s19+$0x16B0]  }
0x2c7: {  	v6 =	vadd.f32 v7, v6;
	v5 =	vadd.f32 v14, v5;
	v7 =	vmul.f32 v14, v14;
	_ =	sdelay $0x1  }
0x2c8: {  	v6 =	vadd.f32 v7, v6;
	v5 =	vadd.f32 v15, v5;
	v7 =	vmul.f32 v15, v15;
	_ =	sdelay $0x1  }
0x2c9: {  	v6 =	vadd.f32 v7, v6;
	v5 =	vadd.f32 v16, v5;
	v7 =	vmul.f32 v16, v16;
	_ =	sdelay $0x1  }
0x2ca: {  	v6 =	vadd.f32 v7, v6;
	v5 =	vmul.f32 v5, v5  }
0x2cb: {  	v7 =	vld [tilespmem:s20+$0x6F6A]  }
0x2cc: {  	v17 =	vld [tilespmem:s20+$0x6F7A];
	v5 =	vsub.f32 v5, v6;
	_ =	sdelay $0x1  }
0x2cd: {  	v5 =	vmul.f32 $5.000000000e-01, v5;
	_ =	sdelay $0x1  }
0x2ce: {  	v5 =	vadd.f32 v5, v7  }
0x2cf: {  	v6 =	vnsel vm0, $0x0, v17  }
0x2d0: {  	v5 =	vadd.f32 v5, v6;
	_ =	sdelay $0x1  }
0x2d1: {  	v6 =	vperm.xlane v5, v0;
	_ =	sdelay $0x1  }
0x2d2: {  	v5 =	vadd.f32 v5, v6;
	_ =	sdelay $0x1  }
0x2d3: {  	v6 =	vperm.xlane v5, v2  }
0x2d4: {  	s28 =	sor.u32 $0x9, s22  }
0x2d5: {  	v5 =	vadd.f32 v5, v6;
	v6 =	vmov s28  }
0x2d6: {  	v6 =	vshrl.u32 v6, $0x3  }
0x2d7: {  	v7 =	vperm.xlane v5, v3;
	v6 =	vshll.u32 v6, v4  }
0x2d8: {  	v6 =	vadd.s32 $0x1, v6  }
0x2d9: {  	v5 =	vadd.f32 v5, v7;
	v6 =	vbroadcast v6, $0x0;
	_ =	sdelay $0x1  }
0x2da: {  	v7 =	vperm.xlane v5, v1;
	_ =	sdelay $0x1  }
0x2db: {  	v5 =	vadd.f32 v5, v7  }
0x2dc: {  	s29 =	sadd.s32 $0x1040, s21  }
0x2dd: {  	s23 =	sand.u32 $0x3FFFFE40, s29;
	[tilespmem:v6+s14+$0x0] =	vst.idx.msk vm9, v5  }
0x2de: {  	v5 =	vld [tilespmem:s23+$0x680]  }
0x2df: {  	v6 =	vld [tilespmem:s19+$0x16D0];
	_ =	sdelay $0x1  }
0x2e0: {  	v7 =	vld [tilespmem:s19+$0x16E0];
	_ =	sdelay $0x1  }
0x2e1: {  	v18 =	vld [tilespmem:s19+$0x16F0]  }
0x2e2: {  	v19 =	vmul.f32 v5, v5;
	v5 =	vadd.f32 v6, v5;
	v6 =	vmul.f32 v6, v6  }
0x2e3: {  	v20 =	vld [tilespmem:s19+$0x1700]  }
0x2e4: {  	v6 =	vadd.f32 v6, v19;
	v5 =	vadd.f32 v7, v5;
	v7 =	vmul.f32 v7, v7  }
0x2e5: {  	v21 =	vld [tilespmem:s19+$0x1710]  }
0x2e6: {  	v6 =	vadd.f32 v7, v6;
	v5 =	vadd.f32 v18, v5;
	v7 =	vmul.f32 v18, v18  }
0x2e7: {  	v22 =	vld [tilespmem:s19+$0x1720]  }
0x2e8: {  	v6 =	vadd.f32 v7, v6;
	v5 =	vadd.f32 v20, v5;
	v7 =	vmul.f32 v20, v20  }
0x2e9: {  	v23 =	vld [tilespmem:s19+$0x1730]  }
0x2ea: {  	v6 =	vadd.f32 v7, v6;
	v5 =	vadd.f32 v21, v5;
	v7 =	vmul.f32 v21, v21  }
0x2eb: {  	v24 =	vld [tilespmem:s19+$0x1740]  }
0x2ec: {  	v6 =	vadd.f32 v7, v6;
	v5 =	vadd.f32 v22, v5;
	v7 =	vmul.f32 v22, v22  }
0x2ed: {  	v25 =	vld [tilespmem:s19+$0x1750]  }
0x2ee: {  	v6 =	vadd.f32 v7, v6;
	v5 =	vadd.f32 v23, v5;
	v7 =	vmul.f32 v23, v23  }
0x2ef: {  	v26 =	vld [tilespmem:s19+$0x1760]  }
0x2f0: {  	v6 =	vadd.f32 v7, v6;
	v5 =	vadd.f32 v24, v5;
	v7 =	vmul.f32 v24, v24  }
0x2f1: {  	v27 =	vld [tilespmem:s19+$0x1770]  }
0x2f2: {  	v6 =	vadd.f32 v7, v6;
	v5 =	vadd.f32 v25, v5;
	v7 =	vmul.f32 v25, v25  }
0x2f3: {  	v28 =	vld [tilespmem:s19+$0x1780]  }
0x2f4: {  	v6 =	vadd.f32 v7, v6;
	v5 =	vadd.f32 v26, v5;
	v7 =	vmul.f32 v26, v26  }
0x2f5: {  	v29 =	vld [tilespmem:s19+$0x1790]  }
0x2f6: {  	v6 =	vadd.f32 v7, v6;
	v5 =	vadd.f32 v27, v5;
	v7 =	vmul.f32 v27, v27  }
0x2f7: {  	v30 =	vld [tilespmem:s19+$0x17A0]  }
0x2f8: {  	v6 =	vadd.f32 v7, v6;
	v5 =	vadd.f32 v28, v5;
	v7 =	vmul.f32 v28, v28  }
0x2f9: {  	s30 =	sadd.s32 $0x1140, s21;
	v31 =	vld [tilespmem:s19+$0x17B0]  }
0x2fa: {  	s23 =	sand.u32 $0x3FFFFF40, s30;
	v6 =	vadd.f32 v7, v6;
	v5 =	vadd.f32 v29, v5;
	v7 =	vmul.f32 v29, v29  }
0x2fb: {  	v32 =	vld [tilespmem:s23+$0x680]  }
0x2fc: {  	v6 =	vadd.f32 v7, v6;
	v5 =	vadd.f32 v30, v5;
	v7 =	vmul.f32 v30, v30  }
0x2fd: {  	v33 =	vld [tilespmem:s19+$0x17D0]  }
0x2fe: {  	v6 =	vadd.f32 v7, v6;
	v5 =	vadd.f32 v31, v5;
	v7 =	vmul.f32 v31, v31  }
0x2ff: {  	v34 =	vld [tilespmem:s19+$0x17E0]  }
0x300: {  	v6 =	vadd.f32 v7, v6;
	v5 =	vadd.f32 v32, v5;
	v7 =	vmul.f32 v32, v32  }
0x301: {  	v35 =	vld [tilespmem:s19+$0x17F0]  }
0x302: {  	v6 =	vadd.f32 v7, v6;
	v5 =	vadd.f32 v33, v5;
	v7 =	vmul.f32 v33, v33  }
0x303: {  	v36 =	vld [tilespmem:s19+$0x1800]  }
0x304: {  	v6 =	vadd.f32 v7, v6;
	v5 =	vadd.f32 v34, v5;
	v7 =	vmul.f32 v34, v34  }
0x305: {  	v37 =	vld [tilespmem:s19+$0x1810]  }
0x306: {  	v6 =	vadd.f32 v7, v6;
	v5 =	vadd.f32 v35, v5;
	v7 =	vmul.f32 v35, v35  }
0x307: {  	v38 =	vld [tilespmem:s19+$0x1820]  }
0x308: {  	v6 =	vadd.f32 v7, v6;
	v5 =	vadd.f32 v36, v5;
	v7 =	vmul.f32 v36, v36  }
0x309: {  	v39 =	vld [tilespmem:s19+$0x1830]  }
0x30a: {  	v6 =	vadd.f32 v7, v6;
	v5 =	vadd.f32 v37, v5;
	v7 =	vmul.f32 v37, v37  }
0x30b: {  	v40 =	vld [tilespmem:s19+$0x1840]  }
0x30c: {  	v6 =	vadd.f32 v7, v6;
	v5 =	vadd.f32 v38, v5;
	v7 =	vmul.f32 v38, v38  }
0x30d: {  	v41 =	vld [tilespmem:s19+$0x1850]  }
0x30e: {  	v6 =	vadd.f32 v7, v6;
	v5 =	vadd.f32 v39, v5;
	v7 =	vmul.f32 v39, v39;
	_ =	sdelay $0x1  }
0x30f: {  	v6 =	vadd.f32 v7, v6;
	v5 =	vadd.f32 v40, v5;
	v7 =	vmul.f32 v40, v40;
	_ =	sdelay $0x1  }
0x310: {  	v6 =	vadd.f32 v7, v6;
	v5 =	vadd.f32 v41, v5;
	v7 =	vmul.f32 v41, v41;
	_ =	sdelay $0x1  }
0x311: {  	v6 =	vadd.f32 v7, v6;
	v5 =	vmul.f32 v5, v5  }
0x312: {  	v7 =	vld [tilespmem:s20+$0x6F84]  }
0x313: {  	v42 =	vld [tilespmem:s20+$0x6F94];
	v5 =	vsub.f32 v5, v6;
	_ =	sdelay $0x1  }
0x314: {  	v5 =	vmul.f32 $5.000000000e-01, v5;
	_ =	sdelay $0x1  }
0x315: {  	v5 =	vadd.f32 v5, v7  }
0x316: {  	v6 =	vnsel vm0, $0x0, v42  }
0x317: {  	v5 =	vadd.f32 v5, v6;
	_ =	sdelay $0x1  }
0x318: {  	v6 =	vperm.xlane v5, v0;
	_ =	sdelay $0x1  }
0x319: {  	v5 =	vadd.f32 v5, v6;
	_ =	sdelay $0x1  }
0x31a: {  	v6 =	vperm.xlane v5, v2  }
0x31b: {  	s31 =	sor.u32 $0xA, s22  }
0x31c: {  	v5 =	vadd.f32 v5, v6;
	v6 =	vmov s31  }
0x31d: {  	v6 =	vshrl.u32 v6, $0x3  }
0x31e: {  	v7 =	vperm.xlane v5, v3;
	v6 =	vshll.u32 v6, v4  }
0x31f: {  	v6 =	vadd.s32 $0x2, v6  }
0x320: {  	v5 =	vadd.f32 v5, v7;
	v6 =	vbroadcast v6, $0x0;
	_ =	sdelay $0x1  }
0x321: {  	v7 =	vperm.xlane v5, v1;
	_ =	sdelay $0x1  }
0x322: {  	v5 =	vadd.f32 v5, v7  }
0x323: {  	s24 =	sadd.s32 $0x11E0, s21  }
0x324: {  	s23 =	sand.u32 $0x3FFFFFE0, s24;
	[tilespmem:v6+s14+$0x0] =	vst.idx.msk vm10, v5  }
0x325: {  	v5 =	vld [tilespmem:s23+$0x680]  }
0x326: {  	v6 =	vld [tilespmem:s19+$0x1870];
	_ =	sdelay $0x1  }
0x327: {  	v7 =	vld [tilespmem:s19+$0x1880];
	_ =	sdelay $0x1  }
0x328: {  	v43 =	vld [tilespmem:s19+$0x1890]  }
0x329: {  	v44 =	vmul.f32 v5, v5;
	v5 =	vadd.f32 v6, v5;
	v6 =	vmul.f32 v6, v6  }
0x32a: {  	v45 =	vld [tilespmem:s19+$0x18A0]  }
0x32b: {  	v6 =	vadd.f32 v6, v44;
	v5 =	vadd.f32 v7, v5;
	v7 =	vmul.f32 v7, v7  }
0x32c: {  	v46 =	vld [tilespmem:s19+$0x18B0]  }
0x32d: {  	v6 =	vadd.f32 v7, v6;
	v5 =	vadd.f32 v43, v5;
	v7 =	vmul.f32 v43, v43  }
0x32e: {  	v47 =	vld [tilespmem:s19+$0x18C0]  }
0x32f: {  	v6 =	vadd.f32 v7, v6;
	v5 =	vadd.f32 v45, v5;
	v7 =	vmul.f32 v45, v45  }
0x330: {  	v48 =	vld [tilespmem:s19+$0x18D0]  }
0x331: {  	v6 =	vadd.f32 v7, v6;
	v5 =	vadd.f32 v46, v5;
	v7 =	vmul.f32 v46, v46  }
0x332: {  	v49 =	vld [tilespmem:s19+$0x18E0]  }
0x333: {  	v6 =	vadd.f32 v7, v6;
	v5 =	vadd.f32 v47, v5;
	v7 =	vmul.f32 v47, v47  }
0x334: {  	v50 =	vld [tilespmem:s19+$0x18F0]  }
0x335: {  	v6 =	vadd.f32 v7, v6;
	v5 =	vadd.f32 v48, v5;
	v7 =	vmul.f32 v48, v48  }
0x336: {  	v51 =	vld [tilespmem:s19+$0x1900]  }
0x337: {  	v6 =	vadd.f32 v7, v6;
	v5 =	vadd.f32 v49, v5;
	v7 =	vmul.f32 v49, v49  }
0x338: {  	v52 =	vld [tilespmem:s19+$0x1910]  }
0x339: {  	v6 =	vadd.f32 v7, v6;
	v5 =	vadd.f32 v50, v5;
	v7 =	vmul.f32 v50, v50  }
0x33a: {  	v53 =	vld [tilespmem:s19+$0x1920]  }
0x33b: {  	v6 =	vadd.f32 v7, v6;
	v5 =	vadd.f32 v51, v5;
	v7 =	vmul.f32 v51, v51  }
0x33c: {  	v54 =	vld [tilespmem:s19+$0x1930]  }
0x33d: {  	v6 =	vadd.f32 v7, v6;
	v5 =	vadd.f32 v52, v5;
	v7 =	vmul.f32 v52, v52  }
0x33e: {  	v55 =	vld [tilespmem:s19+$0x1940]  }
0x33f: {  	v6 =	vadd.f32 v7, v6;
	v5 =	vadd.f32 v53, v5;
	v7 =	vmul.f32 v53, v53  }
0x340: {  	s25 =	sadd.s32 $0x12E0, s21;
	v56 =	vld [tilespmem:s19+$0x1950]  }
0x341: {  	s23 =	sand.u32 $0x3FFFFEE0, s25;
	v6 =	vadd.f32 v7, v6;
	v5 =	vadd.f32 v54, v5;
	v7 =	vmul.f32 v54, v54  }
0x342: {  	v57 =	vld [tilespmem:s23+$0x680]  }
0x343: {  	v6 =	vadd.f32 v7, v6;
	v5 =	vadd.f32 v55, v5;
	v7 =	vmul.f32 v55, v55  }
0x344: {  	v58 =	vld [tilespmem:s19+$0x1970]  }
0x345: {  	v6 =	vadd.f32 v7, v6;
	v5 =	vadd.f32 v56, v5;
	v7 =	vmul.f32 v56, v56  }
0x346: {  	v59 =	vld [tilespmem:s19+$0x1980]  }
0x347: {  	v6 =	vadd.f32 v7, v6;
	v5 =	vadd.f32 v57, v5;
	v7 =	vmul.f32 v57, v57  }
0x348: {  	v60 =	vld [tilespmem:s19+$0x1990]  }
0x349: {  	v6 =	vadd.f32 v7, v6;
	v5 =	vadd.f32 v58, v5;
	v7 =	vmul.f32 v58, v58  }
0x34a: {  	v61 =	vld [tilespmem:s19+$0x19A0]  }
0x34b: {  	v6 =	vadd.f32 v7, v6;
	v5 =	vadd.f32 v59, v5;
	v7 =	vmul.f32 v59, v59  }
0x34c: {  	v62 =	vld [tilespmem:s19+$0x19B0]  }
0x34d: {  	v6 =	vadd.f32 v7, v6;
	v5 =	vadd.f32 v60, v5;
	v7 =	vmul.f32 v60, v60  }
0x34e: {  	v63 =	vld [tilespmem:s19+$0x19C0]  }
0x34f: {  	v6 =	vadd.f32 v7, v6;
	v5 =	vadd.f32 v61, v5;
	v7 =	vmul.f32 v61, v61  }
0x350: {  	v12 =	vld [tilespmem:s19+$0x19D0]  }
0x351: {  	v6 =	vadd.f32 v7, v6;
	v5 =	vadd.f32 v62, v5;
	v7 =	vmul.f32 v62, v62  }
0x352: {  	v13 =	vld [tilespmem:s19+$0x19E0]  }
0x353: {  	v6 =	vadd.f32 v7, v6;
	v5 =	vadd.f32 v63, v5;
	v7 =	vmul.f32 v63, v63  }
0x354: {  	v14 =	vld [tilespmem:s19+$0x19F0]  }
0x355: {  	v6 =	vadd.f32 v7, v6;
	v5 =	vadd.f32 v12, v5;
	v7 =	vmul.f32 v12, v12;
	_ =	sdelay $0x1  }
0x356: {  	v6 =	vadd.f32 v7, v6;
	v5 =	vadd.f32 v13, v5;
	v7 =	vmul.f32 v13, v13;
	_ =	sdelay $0x1  }
0x357: {  	v6 =	vadd.f32 v7, v6;
	v5 =	vadd.f32 v14, v5;
	v7 =	vmul.f32 v14, v14;
	_ =	sdelay $0x1  }
0x358: {  	v6 =	vadd.f32 v7, v6;
	v5 =	vmul.f32 v5, v5  }
0x359: {  	v7 =	vld [tilespmem:s20+$0x6F9E]  }
0x35a: {  	v15 =	vld [tilespmem:s20+$0x6FAE];
	v5 =	vsub.f32 v5, v6;
	_ =	sdelay $0x1  }
0x35b: {  	v5 =	vmul.f32 $5.000000000e-01, v5;
	_ =	sdelay $0x1  }
0x35c: {  	v5 =	vadd.f32 v5, v7  }
0x35d: {  	v6 =	vnsel vm0, $0x0, v15  }
0x35e: {  	v5 =	vadd.f32 v5, v6;
	_ =	sdelay $0x1  }
0x35f: {  	v6 =	vperm.xlane v5, v0;
	_ =	sdelay $0x1  }
0x360: {  	v5 =	vadd.f32 v5, v6;
	_ =	sdelay $0x1  }
0x361: {  	v6 =	vperm.xlane v5, v2  }
0x362: {  	s26 =	sor.u32 $0xB, s22  }
0x363: {  	v5 =	vadd.f32 v5, v6;
	v6 =	vmov s26  }
0x364: {  	v6 =	vshrl.u32 v6, $0x3  }
0x365: {  	v7 =	vperm.xlane v5, v3;
	v6 =	vshll.u32 v6, v4  }
0x366: {  	v6 =	vadd.s32 $0x3, v6  }
0x367: {  	v5 =	vadd.f32 v5, v7;
	v6 =	vbroadcast v6, $0x0;
	_ =	sdelay $0x1  }
0x368: {  	v7 =	vperm.xlane v5, v1;
	_ =	sdelay $0x1  }
0x369: {  	v5 =	vadd.f32 v5, v7  }
0x36a: {  	s28 =	sadd.s32 $0x1380, s21  }
0x36b: {  	s23 =	sand.u32 $0x3FFFFF80, s28;
	[tilespmem:v6+s14+$0x0] =	vst.idx.msk vm11, v5  }
0x36c: {  	v5 =	vld [tilespmem:s23+$0x680]  }
0x36d: {  	v6 =	vld [tilespmem:s19+$0x1A10];
	_ =	sdelay $0x1  }
0x36e: {  	v7 =	vld [tilespmem:s19+$0x1A20];
	_ =	sdelay $0x1  }
0x36f: {  	v16 =	vld [tilespmem:s19+$0x1A30]  }
0x370: {  	v17 =	vmul.f32 v5, v5;
	v5 =	vadd.f32 v6, v5;
	v6 =	vmul.f32 v6, v6  }
0x371: {  	v18 =	vld [tilespmem:s19+$0x1A40]  }
0x372: {  	v6 =	vadd.f32 v6, v17;
	v5 =	vadd.f32 v7, v5;
	v7 =	vmul.f32 v7, v7  }
0x373: {  	v19 =	vld [tilespmem:s19+$0x1A50]  }
0x374: {  	v6 =	vadd.f32 v7, v6;
	v5 =	vadd.f32 v16, v5;
	v7 =	vmul.f32 v16, v16  }
0x375: {  	v20 =	vld [tilespmem:s19+$0x1A60]  }
0x376: {  	v6 =	vadd.f32 v7, v6;
	v5 =	vadd.f32 v18, v5;
	v7 =	vmul.f32 v18, v18  }
0x377: {  	v21 =	vld [tilespmem:s19+$0x1A70]  }
0x378: {  	v6 =	vadd.f32 v7, v6;
	v5 =	vadd.f32 v19, v5;
	v7 =	vmul.f32 v19, v19  }
0x379: {  	v22 =	vld [tilespmem:s19+$0x1A80]  }
0x37a: {  	v6 =	vadd.f32 v7, v6;
	v5 =	vadd.f32 v20, v5;
	v7 =	vmul.f32 v20, v20  }
0x37b: {  	v23 =	vld [tilespmem:s19+$0x1A90]  }
0x37c: {  	v6 =	vadd.f32 v7, v6;
	v5 =	vadd.f32 v21, v5;
	v7 =	vmul.f32 v21, v21  }
0x37d: {  	v24 =	vld [tilespmem:s19+$0x1AA0]  }
0x37e: {  	v6 =	vadd.f32 v7, v6;
	v5 =	vadd.f32 v22, v5;
	v7 =	vmul.f32 v22, v22  }
0x37f: {  	v25 =	vld [tilespmem:s19+$0x1AB0]  }
0x380: {  	v6 =	vadd.f32 v7, v6;
	v5 =	vadd.f32 v23, v5;
	v7 =	vmul.f32 v23, v23  }
0x381: {  	v26 =	vld [tilespmem:s19+$0x1AC0]  }
0x382: {  	v6 =	vadd.f32 v7, v6;
	v5 =	vadd.f32 v24, v5;
	v7 =	vmul.f32 v24, v24  }
0x383: {  	v27 =	vld [tilespmem:s19+$0x1AD0]  }
0x384: {  	v6 =	vadd.f32 v7, v6;
	v5 =	vadd.f32 v25, v5;
	v7 =	vmul.f32 v25, v25  }
0x385: {  	v28 =	vld [tilespmem:s19+$0x1AE0]  }
0x386: {  	v6 =	vadd.f32 v7, v6;
	v5 =	vadd.f32 v26, v5;
	v7 =	vmul.f32 v26, v26  }
0x387: {  	s29 =	sadd.s32 $0x1480, s21;
	v29 =	vld [tilespmem:s19+$0x1AF0]  }
0x388: {  	s23 =	sand.u32 $0x3FFFFE80, s29;
	v6 =	vadd.f32 v7, v6;
	v5 =	vadd.f32 v27, v5;
	v7 =	vmul.f32 v27, v27  }
0x389: {  	v30 =	vld [tilespmem:s23+$0x680]  }
0x38a: {  	v6 =	vadd.f32 v7, v6;
	v5 =	vadd.f32 v28, v5;
	v7 =	vmul.f32 v28, v28  }
0x38b: {  	v31 =	vld [tilespmem:s19+$0x1B10]  }
0x38c: {  	v6 =	vadd.f32 v7, v6;
	v5 =	vadd.f32 v29, v5;
	v7 =	vmul.f32 v29, v29  }
0x38d: {  	v32 =	vld [tilespmem:s19+$0x1B20]  }
0x38e: {  	v6 =	vadd.f32 v7, v6;
	v5 =	vadd.f32 v30, v5;
	v7 =	vmul.f32 v30, v30  }
0x38f: {  	v33 =	vld [tilespmem:s19+$0x1B30]  }
0x390: {  	v6 =	vadd.f32 v7, v6;
	v5 =	vadd.f32 v31, v5;
	v7 =	vmul.f32 v31, v31  }
0x391: {  	v34 =	vld [tilespmem:s19+$0x1B40]  }
0x392: {  	v6 =	vadd.f32 v7, v6;
	v5 =	vadd.f32 v32, v5;
	v7 =	vmul.f32 v32, v32  }
0x393: {  	v35 =	vld [tilespmem:s19+$0x1B50]  }
0x394: {  	v6 =	vadd.f32 v7, v6;
	v5 =	vadd.f32 v33, v5;
	v7 =	vmul.f32 v33, v33  }
0x395: {  	v36 =	vld [tilespmem:s19+$0x1B60]  }
0x396: {  	v6 =	vadd.f32 v7, v6;
	v5 =	vadd.f32 v34, v5;
	v7 =	vmul.f32 v34, v34  }
0x397: {  	v37 =	vld [tilespmem:s19+$0x1B70]  }
0x398: {  	v6 =	vadd.f32 v7, v6;
	v5 =	vadd.f32 v35, v5;
	v7 =	vmul.f32 v35, v35  }
0x399: {  	v38 =	vld [tilespmem:s19+$0x1B80]  }
0x39a: {  	v6 =	vadd.f32 v7, v6;
	v5 =	vadd.f32 v36, v5;
	v7 =	vmul.f32 v36, v36  }
0x39b: {  	v39 =	vld [tilespmem:s19+$0x1B90]  }
0x39c: {  	v6 =	vadd.f32 v7, v6;
	v5 =	vadd.f32 v37, v5;
	v7 =	vmul.f32 v37, v37;
	_ =	sdelay $0x1  }
0x39d: {  	v6 =	vadd.f32 v7, v6;
	v5 =	vadd.f32 v38, v5;
	v7 =	vmul.f32 v38, v38;
	_ =	sdelay $0x1  }
0x39e: {  	v6 =	vadd.f32 v7, v6;
	v5 =	vadd.f32 v39, v5;
	v7 =	vmul.f32 v39, v39;
	_ =	sdelay $0x1  }
0x39f: {  	v6 =	vadd.f32 v7, v6;
	v5 =	vmul.f32 v5, v5  }
0x3a0: {  	v7 =	vld [tilespmem:s20+$0x6FB8]  }
0x3a1: {  	v40 =	vld [tilespmem:s20+$0x6FC8];
	v5 =	vsub.f32 v5, v6;
	_ =	sdelay $0x1  }
0x3a2: {  	v5 =	vmul.f32 $5.000000000e-01, v5;
	_ =	sdelay $0x1  }
0x3a3: {  	v5 =	vadd.f32 v5, v7  }
0x3a4: {  	v6 =	vnsel vm0, $0x0, v40  }
0x3a5: {  	v5 =	vadd.f32 v5, v6;
	_ =	sdelay $0x1  }
0x3a6: {  	v6 =	vperm.xlane v5, v0;
	_ =	sdelay $0x1  }
0x3a7: {  	v5 =	vadd.f32 v5, v6;
	_ =	sdelay $0x1  }
0x3a8: {  	v6 =	vperm.xlane v5, v2  }
0x3a9: {  	s30 =	sor.u32 $0xC, s22  }
0x3aa: {  	v5 =	vadd.f32 v5, v6;
	v6 =	vmov s30  }
0x3ab: {  	v6 =	vshrl.u32 v6, $0x3  }
0x3ac: {  	v7 =	vperm.xlane v5, v3;
	v6 =	vshll.u32 v6, v4  }
0x3ad: {  	v6 =	vadd.s32 $0x4, v6  }
0x3ae: {  	v5 =	vadd.f32 v5, v7;
	v6 =	vbroadcast v6, $0x0;
	_ =	sdelay $0x1  }
0x3af: {  	v7 =	vperm.xlane v5, v1;
	_ =	sdelay $0x1  }
0x3b0: {  	v5 =	vadd.f32 v5, v7  }
0x3b1: {  	s31 =	sadd.s32 $0x1520, s21  }
0x3b2: {  	s23 =	sand.u32 $0x3FFFFF20, s31;
	[tilespmem:v6+s14+$0x0] =	vst.idx.msk vm12, v5  }
0x3b3: {  	v5 =	vld [tilespmem:s23+$0x680]  }
0x3b4: {  	v6 =	vld [tilespmem:s19+$0x1BB0];
	_ =	sdelay $0x1  }
0x3b5: {  	v7 =	vld [tilespmem:s19+$0x1BC0];
	_ =	sdelay $0x1  }
0x3b6: {  	v41 =	vld [tilespmem:s19+$0x1BD0]  }
0x3b7: {  	v42 =	vmul.f32 v5, v5;
	v5 =	vadd.f32 v6, v5;
	v6 =	vmul.f32 v6, v6  }
0x3b8: {  	v43 =	vld [tilespmem:s19+$0x1BE0]  }
0x3b9: {  	v6 =	vadd.f32 v6, v42;
	v5 =	vadd.f32 v7, v5;
	v7 =	vmul.f32 v7, v7  }
0x3ba: {  	v44 =	vld [tilespmem:s19+$0x1BF0]  }
0x3bb: {  	v6 =	vadd.f32 v7, v6;
	v5 =	vadd.f32 v41, v5;
	v7 =	vmul.f32 v41, v41  }
0x3bc: {  	v45 =	vld [tilespmem:s19+$0x1C00]  }
0x3bd: {  	v6 =	vadd.f32 v7, v6;
	v5 =	vadd.f32 v43, v5;
	v7 =	vmul.f32 v43, v43  }
0x3be: {  	v46 =	vld [tilespmem:s19+$0x1C10]  }
0x3bf: {  	v6 =	vadd.f32 v7, v6;
	v5 =	vadd.f32 v44, v5;
	v7 =	vmul.f32 v44, v44  }
0x3c0: {  	v47 =	vld [tilespmem:s19+$0x1C20]  }
0x3c1: {  	v6 =	vadd.f32 v7, v6;
	v5 =	vadd.f32 v45, v5;
	v7 =	vmul.f32 v45, v45  }
0x3c2: {  	v48 =	vld [tilespmem:s19+$0x1C30]  }
0x3c3: {  	v6 =	vadd.f32 v7, v6;
	v5 =	vadd.f32 v46, v5;
	v7 =	vmul.f32 v46, v46  }
0x3c4: {  	v49 =	vld [tilespmem:s19+$0x1C40]  }
0x3c5: {  	v6 =	vadd.f32 v7, v6;
	v5 =	vadd.f32 v47, v5;
	v7 =	vmul.f32 v47, v47  }
0x3c6: {  	v50 =	vld [tilespmem:s19+$0x1C50]  }
0x3c7: {  	v6 =	vadd.f32 v7, v6;
	v5 =	vadd.f32 v48, v5;
	v7 =	vmul.f32 v48, v48  }
0x3c8: {  	v51 =	vld [tilespmem:s19+$0x1C60]  }
0x3c9: {  	v6 =	vadd.f32 v7, v6;
	v5 =	vadd.f32 v49, v5;
	v7 =	vmul.f32 v49, v49  }
0x3ca: {  	v52 =	vld [tilespmem:s19+$0x1C70]  }
0x3cb: {  	v6 =	vadd.f32 v7, v6;
	v5 =	vadd.f32 v50, v5;
	v7 =	vmul.f32 v50, v50  }
0x3cc: {  	v53 =	vld [tilespmem:s19+$0x1C80]  }
0x3cd: {  	v6 =	vadd.f32 v7, v6;
	v5 =	vadd.f32 v51, v5;
	v7 =	vmul.f32 v51, v51  }
0x3ce: {  	s24 =	sadd.s32 $0x1620, s21;
	v54 =	vld [tilespmem:s19+$0x1C90]  }
0x3cf: {  	s23 =	sand.u32 $0x3FFFFE20, s24;
	v6 =	vadd.f32 v7, v6;
	v5 =	vadd.f32 v52, v5;
	v7 =	vmul.f32 v52, v52  }
0x3d0: {  	v55 =	vld [tilespmem:s23+$0x680]  }
0x3d1: {  	v6 =	vadd.f32 v7, v6;
	v5 =	vadd.f32 v53, v5;
	v7 =	vmul.f32 v53, v53  }
0x3d2: {  	v56 =	vld [tilespmem:s19+$0x1CB0]  }
0x3d3: {  	v6 =	vadd.f32 v7, v6;
	v5 =	vadd.f32 v54, v5;
	v7 =	vmul.f32 v54, v54  }
0x3d4: {  	v57 =	vld [tilespmem:s19+$0x1CC0]  }
0x3d5: {  	v6 =	vadd.f32 v7, v6;
	v5 =	vadd.f32 v55, v5;
	v7 =	vmul.f32 v55, v55  }
0x3d6: {  	v58 =	vld [tilespmem:s19+$0x1CD0]  }
0x3d7: {  	v6 =	vadd.f32 v7, v6;
	v5 =	vadd.f32 v56, v5;
	v7 =	vmul.f32 v56, v56  }
0x3d8: {  	v59 =	vld [tilespmem:s19+$0x1CE0]  }
0x3d9: {  	v6 =	vadd.f32 v7, v6;
	v5 =	vadd.f32 v57, v5;
	v7 =	vmul.f32 v57, v57  }
0x3da: {  	v60 =	vld [tilespmem:s19+$0x1CF0]  }
0x3db: {  	v6 =	vadd.f32 v7, v6;
	v5 =	vadd.f32 v58, v5;
	v7 =	vmul.f32 v58, v58  }
0x3dc: {  	v61 =	vld [tilespmem:s19+$0x1D00]  }
0x3dd: {  	v6 =	vadd.f32 v7, v6;
	v5 =	vadd.f32 v59, v5;
	v7 =	vmul.f32 v59, v59  }
0x3de: {  	v62 =	vld [tilespmem:s19+$0x1D10]  }
0x3df: {  	v6 =	vadd.f32 v7, v6;
	v5 =	vadd.f32 v60, v5;
	v7 =	vmul.f32 v60, v60  }
0x3e0: {  	v63 =	vld [tilespmem:s19+$0x1D20]  }
0x3e1: {  	v6 =	vadd.f32 v7, v6;
	v5 =	vadd.f32 v61, v5;
	v7 =	vmul.f32 v61, v61  }
0x3e2: {  	v12 =	vld [tilespmem:s19+$0x1D30]  }
0x3e3: {  	v6 =	vadd.f32 v7, v6;
	v5 =	vadd.f32 v62, v5;
	v7 =	vmul.f32 v62, v62;
	_ =	sdelay $0x1  }
0x3e4: {  	v6 =	vadd.f32 v7, v6;
	v5 =	vadd.f32 v63, v5;
	v7 =	vmul.f32 v63, v63;
	_ =	sdelay $0x1  }
0x3e5: {  	v6 =	vadd.f32 v7, v6;
	v5 =	vadd.f32 v12, v5;
	v7 =	vmul.f32 v12, v12;
	_ =	sdelay $0x1  }
0x3e6: {  	v6 =	vadd.f32 v7, v6;
	v5 =	vmul.f32 v5, v5  }
0x3e7: {  	v7 =	vld [tilespmem:s20+$0x6FD2]  }
0x3e8: {  	v13 =	vld [tilespmem:s20+$0x6FE2];
	v5 =	vsub.f32 v5, v6;
	_ =	sdelay $0x1  }
0x3e9: {  	v5 =	vmul.f32 $5.000000000e-01, v5;
	_ =	sdelay $0x1  }
0x3ea: {  	v5 =	vadd.f32 v5, v7  }
0x3eb: {  	v6 =	vnsel vm0, $0x0, v13  }
0x3ec: {  	v5 =	vadd.f32 v5, v6;
	_ =	sdelay $0x1  }
0x3ed: {  	v6 =	vperm.xlane v5, v0;
	_ =	sdelay $0x1  }
0x3ee: {  	v5 =	vadd.f32 v5, v6;
	_ =	sdelay $0x1  }
0x3ef: {  	v6 =	vperm.xlane v5, v2  }
0x3f0: {  	s25 =	sor.u32 $0xD, s22  }
0x3f1: {  	v5 =	vadd.f32 v5, v6;
	v6 =	vmov s25  }
0x3f2: {  	v6 =	vshrl.u32 v6, $0x3  }
0x3f3: {  	v7 =	vperm.xlane v5, v3;
	v6 =	vshll.u32 v6, v4  }
0x3f4: {  	v6 =	vadd.s32 $0x5, v6  }
0x3f5: {  	v5 =	vadd.f32 v5, v7;
	v6 =	vbroadcast v6, $0x0;
	_ =	sdelay $0x1  }
0x3f6: {  	v7 =	vperm.xlane v5, v1;
	_ =	sdelay $0x1  }
0x3f7: {  	v5 =	vadd.f32 v5, v7  }
0x3f8: {  	s26 =	sadd.s32 $0x16C0, s21  }
0x3f9: {  	s23 =	sand.u32 $0x3FFFFEC0, s26;
	[tilespmem:v6+s14+$0x0] =	vst.idx.msk vm13, v5  }
0x3fa: {  	v5 =	vld [tilespmem:s23+$0x680]  }
0x3fb: {  	v6 =	vld [tilespmem:s19+$0x1D50];
	_ =	sdelay $0x1  }
0x3fc: {  	v7 =	vld [tilespmem:s19+$0x1D60];
	_ =	sdelay $0x1  }
0x3fd: {  	v14 =	vld [tilespmem:s19+$0x1D70]  }
0x3fe: {  	v15 =	vmul.f32 v5, v5;
	v5 =	vadd.f32 v6, v5;
	v6 =	vmul.f32 v6, v6  }
0x3ff: {  	v16 =	vld [tilespmem:s19+$0x1D80]  }
0x400: {  	v6 =	vadd.f32 v6, v15;
	v5 =	vadd.f32 v7, v5;
	v7 =	vmul.f32 v7, v7  }
0x401: {  	v17 =	vld [tilespmem:s19+$0x1D90]  }
0x402: {  	v6 =	vadd.f32 v7, v6;
	v5 =	vadd.f32 v14, v5;
	v7 =	vmul.f32 v14, v14  }
0x403: {  	v18 =	vld [tilespmem:s19+$0x1DA0]  }
0x404: {  	v6 =	vadd.f32 v7, v6;
	v5 =	vadd.f32 v16, v5;
	v7 =	vmul.f32 v16, v16  }
0x405: {  	v19 =	vld [tilespmem:s19+$0x1DB0]  }
0x406: {  	v6 =	vadd.f32 v7, v6;
	v5 =	vadd.f32 v17, v5;
	v7 =	vmul.f32 v17, v17  }
0x407: {  	v20 =	vld [tilespmem:s19+$0x1DC0]  }
0x408: {  	v6 =	vadd.f32 v7, v6;
	v5 =	vadd.f32 v18, v5;
	v7 =	vmul.f32 v18, v18  }
0x409: {  	v21 =	vld [tilespmem:s19+$0x1DD0]  }
0x40a: {  	v6 =	vadd.f32 v7, v6;
	v5 =	vadd.f32 v19, v5;
	v7 =	vmul.f32 v19, v19  }
0x40b: {  	v22 =	vld [tilespmem:s19+$0x1DE0]  }
0x40c: {  	v6 =	vadd.f32 v7, v6;
	v5 =	vadd.f32 v20, v5;
	v7 =	vmul.f32 v20, v20  }
0x40d: {  	v23 =	vld [tilespmem:s19+$0x1DF0]  }
0x40e: {  	v6 =	vadd.f32 v7, v6;
	v5 =	vadd.f32 v21, v5;
	v7 =	vmul.f32 v21, v21  }
0x40f: {  	v24 =	vld [tilespmem:s19+$0x1E00]  }
0x410: {  	v6 =	vadd.f32 v7, v6;
	v5 =	vadd.f32 v22, v5;
	v7 =	vmul.f32 v22, v22  }
0x411: {  	v25 =	vld [tilespmem:s19+$0x1E10]  }
0x412: {  	v6 =	vadd.f32 v7, v6;
	v5 =	vadd.f32 v23, v5;
	v7 =	vmul.f32 v23, v23  }
0x413: {  	v26 =	vld [tilespmem:s19+$0x1E20]  }
0x414: {  	v6 =	vadd.f32 v7, v6;
	v5 =	vadd.f32 v24, v5;
	v7 =	vmul.f32 v24, v24  }
0x415: {  	s28 =	sadd.s32 $0x17C0, s21;
	v27 =	vld [tilespmem:s19+$0x1E30]  }
0x416: {  	s23 =	sand.u32 $0x3FFFFFC0, s28;
	v6 =	vadd.f32 v7, v6;
	v5 =	vadd.f32 v25, v5;
	v7 =	vmul.f32 v25, v25  }
0x417: {  	v28 =	vld [tilespmem:s23+$0x680]  }
0x418: {  	v6 =	vadd.f32 v7, v6;
	v5 =	vadd.f32 v26, v5;
	v7 =	vmul.f32 v26, v26  }
0x419: {  	v29 =	vld [tilespmem:s19+$0x1E50]  }
0x41a: {  	v6 =	vadd.f32 v7, v6;
	v5 =	vadd.f32 v27, v5;
	v7 =	vmul.f32 v27, v27  }
0x41b: {  	v30 =	vld [tilespmem:s19+$0x1E60]  }
0x41c: {  	v6 =	vadd.f32 v7, v6;
	v5 =	vadd.f32 v28, v5;
	v7 =	vmul.f32 v28, v28  }
0x41d: {  	v31 =	vld [tilespmem:s19+$0x1E70]  }
0x41e: {  	v6 =	vadd.f32 v7, v6;
	v5 =	vadd.f32 v29, v5;
	v7 =	vmul.f32 v29, v29  }
0x41f: {  	v32 =	vld [tilespmem:s19+$0x1E80]  }
0x420: {  	v6 =	vadd.f32 v7, v6;
	v5 =	vadd.f32 v30, v5;
	v7 =	vmul.f32 v30, v30  }
0x421: {  	v33 =	vld [tilespmem:s19+$0x1E90]  }
0x422: {  	v6 =	vadd.f32 v7, v6;
	v5 =	vadd.f32 v31, v5;
	v7 =	vmul.f32 v31, v31  }
0x423: {  	v34 =	vld [tilespmem:s19+$0x1EA0]  }
0x424: {  	v6 =	vadd.f32 v7, v6;
	v5 =	vadd.f32 v32, v5;
	v7 =	vmul.f32 v32, v32  }
0x425: {  	v35 =	vld [tilespmem:s19+$0x1EB0]  }
0x426: {  	v6 =	vadd.f32 v7, v6;
	v5 =	vadd.f32 v33, v5;
	v7 =	vmul.f32 v33, v33  }
0x427: {  	v36 =	vld [tilespmem:s19+$0x1EC0]  }
0x428: {  	v6 =	vadd.f32 v7, v6;
	v5 =	vadd.f32 v34, v5;
	v7 =	vmul.f32 v34, v34  }
0x429: {  	v37 =	vld [tilespmem:s19+$0x1ED0]  }
0x42a: {  	v6 =	vadd.f32 v7, v6;
	v5 =	vadd.f32 v35, v5;
	v7 =	vmul.f32 v35, v35;
	_ =	sdelay $0x1  }
0x42b: {  	v6 =	vadd.f32 v7, v6;
	v5 =	vadd.f32 v36, v5;
	v7 =	vmul.f32 v36, v36;
	_ =	sdelay $0x1  }
0x42c: {  	v6 =	vadd.f32 v7, v6;
	v5 =	vadd.f32 v37, v5;
	v7 =	vmul.f32 v37, v37;
	_ =	sdelay $0x1  }
0x42d: {  	v6 =	vadd.f32 v7, v6;
	v5 =	vmul.f32 v5, v5  }
0x42e: {  	v7 =	vld [tilespmem:s20+$0x6FEC]  }
0x42f: {  	v38 =	vld [tilespmem:s20+$0x6FFC];
	v5 =	vsub.f32 v5, v6;
	_ =	sdelay $0x1  }
0x430: {  	v5 =	vmul.f32 $5.000000000e-01, v5;
	_ =	sdelay $0x1  }
0x431: {  	v5 =	vadd.f32 v5, v7  }
0x432: {  	v6 =	vnsel vm0, $0x0, v38  }
0x433: {  	v5 =	vadd.f32 v5, v6;
	_ =	sdelay $0x1  }
0x434: {  	v6 =	vperm.xlane v5, v0;
	_ =	sdelay $0x1  }
0x435: {  	v5 =	vadd.f32 v5, v6;
	_ =	sdelay $0x1  }
0x436: {  	v6 =	vperm.xlane v5, v2  }
0x437: {  	s29 =	sor.u32 $0xE, s22  }
0x438: {  	v5 =	vadd.f32 v5, v6;
	v6 =	vmov s29  }
0x439: {  	v6 =	vshrl.u32 v6, $0x3  }
0x43a: {  	v7 =	vperm.xlane v5, v3;
	v6 =	vshll.u32 v6, v4  }
0x43b: {  	v6 =	vadd.s32 $0x6, v6  }
0x43c: {  	v5 =	vadd.f32 v5, v7;
	v6 =	vbroadcast v6, $0x0;
	_ =	sdelay $0x1  }
0x43d: {  	v7 =	vperm.xlane v5, v1;
	_ =	sdelay $0x1  }
0x43e: {  	v5 =	vadd.f32 v5, v7  }
0x43f: {  	s30 =	sadd.s32 $0x1860, s21  }
0x440: {  	s23 =	sand.u32 $0x3FFFFE60, s30;
	[tilespmem:v6+s14+$0x0] =	vst.idx.msk vm14, v5  }
0x441: {  	v5 =	vld [tilespmem:s23+$0x680]  }
0x442: {  	v6 =	vld [tilespmem:s19+$0x1EF0];
	_ =	sdelay $0x1  }
0x443: {  	v7 =	vld [tilespmem:s19+$0x1F00];
	_ =	sdelay $0x1  }
0x444: {  	v39 =	vld [tilespmem:s19+$0x1F10]  }
0x445: {  	v40 =	vmul.f32 v5, v5;
	v5 =	vadd.f32 v6, v5;
	v6 =	vmul.f32 v6, v6  }
0x446: {  	v41 =	vld [tilespmem:s19+$0x1F20]  }
0x447: {  	v6 =	vadd.f32 v6, v40;
	v5 =	vadd.f32 v7, v5;
	v7 =	vmul.f32 v7, v7  }
0x448: {  	v42 =	vld [tilespmem:s19+$0x1F30]  }
0x449: {  	v6 =	vadd.f32 v7, v6;
	v5 =	vadd.f32 v39, v5;
	v7 =	vmul.f32 v39, v39  }
0x44a: {  	v43 =	vld [tilespmem:s19+$0x1F40]  }
0x44b: {  	v6 =	vadd.f32 v7, v6;
	v5 =	vadd.f32 v41, v5;
	v7 =	vmul.f32 v41, v41  }
0x44c: {  	v44 =	vld [tilespmem:s19+$0x1F50]  }
0x44d: {  	v6 =	vadd.f32 v7, v6;
	v5 =	vadd.f32 v42, v5;
	v7 =	vmul.f32 v42, v42  }
0x44e: {  	v45 =	vld [tilespmem:s19+$0x1F60]  }
0x44f: {  	v6 =	vadd.f32 v7, v6;
	v5 =	vadd.f32 v43, v5;
	v7 =	vmul.f32 v43, v43  }
0x450: {  	v46 =	vld [tilespmem:s19+$0x1F70]  }
0x451: {  	v6 =	vadd.f32 v7, v6;
	v5 =	vadd.f32 v44, v5;
	v7 =	vmul.f32 v44, v44  }
0x452: {  	v47 =	vld [tilespmem:s19+$0x1F80]  }
0x453: {  	v6 =	vadd.f32 v7, v6;
	v5 =	vadd.f32 v45, v5;
	v7 =	vmul.f32 v45, v45  }
0x454: {  	v48 =	vld [tilespmem:s19+$0x1F90]  }
0x455: {  	v6 =	vadd.f32 v7, v6;
	v5 =	vadd.f32 v46, v5;
	v7 =	vmul.f32 v46, v46  }
0x456: {  	v49 =	vld [tilespmem:s19+$0x1FA0]  }
0x457: {  	v6 =	vadd.f32 v7, v6;
	v5 =	vadd.f32 v47, v5;
	v7 =	vmul.f32 v47, v47  }
0x458: {  	v50 =	vld [tilespmem:s19+$0x1FB0]  }
0x459: {  	v6 =	vadd.f32 v7, v6;
	v5 =	vadd.f32 v48, v5;
	v7 =	vmul.f32 v48, v48  }
0x45a: {  	v51 =	vld [tilespmem:s19+$0x1FC0]  }
0x45b: {  	v6 =	vadd.f32 v7, v6;
	v5 =	vadd.f32 v49, v5;
	v7 =	vmul.f32 v49, v49  }
0x45c: {  	s21 =	sadd.s32 $0x1960, s21;
	v52 =	vld [tilespmem:s19+$0x1FD0]  }
0x45d: {  	s21 =	sand.u32 $0x3FFFFF60, s21;
	v6 =	vadd.f32 v7, v6;
	v5 =	vadd.f32 v50, v5;
	v7 =	vmul.f32 v50, v50  }
0x45e: {  	v53 =	vld [tilespmem:s21+$0x680]  }
0x45f: {  	v6 =	vadd.f32 v7, v6;
	v5 =	vadd.f32 v51, v5;
	v7 =	vmul.f32 v51, v51  }
0x460: {  	v54 =	vld [tilespmem:s19+$0x1FF0]  }
0x461: {  	v6 =	vadd.f32 v7, v6;
	v5 =	vadd.f32 v52, v5;
	v7 =	vmul.f32 v52, v52  }
0x462: {  	v55 =	vld [tilespmem:s19+$0x2000]  }
0x463: {  	v6 =	vadd.f32 v7, v6;
	v5 =	vadd.f32 v53, v5;
	v7 =	vmul.f32 v53, v53  }
0x464: {  	v56 =	vld [tilespmem:s19+$0x2010]  }
0x465: {  	v6 =	vadd.f32 v7, v6;
	v5 =	vadd.f32 v54, v5;
	v7 =	vmul.f32 v54, v54  }
0x466: {  	v57 =	vld [tilespmem:s19+$0x2020]  }
0x467: {  	v6 =	vadd.f32 v7, v6;
	v5 =	vadd.f32 v55, v5;
	v7 =	vmul.f32 v55, v55  }
0x468: {  	v58 =	vld [tilespmem:s19+$0x2030]  }
0x469: {  	v6 =	vadd.f32 v7, v6;
	v5 =	vadd.f32 v56, v5;
	v7 =	vmul.f32 v56, v56  }
0x46a: {  	v59 =	vld [tilespmem:s19+$0x2040]  }
0x46b: {  	v6 =	vadd.f32 v7, v6;
	v5 =	vadd.f32 v57, v5;
	v7 =	vmul.f32 v57, v57  }
0x46c: {  	v60 =	vld [tilespmem:s19+$0x2050]  }
0x46d: {  	v6 =	vadd.f32 v7, v6;
	v5 =	vadd.f32 v58, v5;
	v7 =	vmul.f32 v58, v58  }
0x46e: {  	v61 =	vld [tilespmem:s19+$0x2060]  }
0x46f: {  	v6 =	vadd.f32 v7, v6;
	v5 =	vadd.f32 v59, v5;
	v7 =	vmul.f32 v59, v59  }
0x470: {  	v62 =	vld [tilespmem:s19+$0x2070]  }
0x471: {  	v6 =	vadd.f32 v7, v6;
	v5 =	vadd.f32 v60, v5;
	v7 =	vmul.f32 v60, v60;
	_ =	sdelay $0x1  }
0x472: {  	v6 =	vadd.f32 v7, v6;
	v5 =	vadd.f32 v61, v5;
	v7 =	vmul.f32 v61, v61;
	_ =	sdelay $0x1  }
0x473: {  	v6 =	vadd.f32 v7, v6;
	v5 =	vadd.f32 v62, v5;
	v7 =	vmul.f32 v62, v62;
	_ =	sdelay $0x1  }
0x474: {  	v6 =	vadd.f32 v7, v6;
	v5 =	vmul.f32 v5, v5  }
0x475: {  	v7 =	vld [tilespmem:s20+$0x7006]  }
0x476: {  	v63 =	vld [tilespmem:s20+$0x7016];
	v5 =	vsub.f32 v5, v6;
	_ =	sdelay $0x1  }
0x477: {  	v5 =	vmul.f32 $5.000000000e-01, v5;
	_ =	sdelay $0x1  }
0x478: {  	v5 =	vadd.f32 v5, v7  }
0x479: {  	v6 =	vnsel vm0, $0x0, v63  }
0x47a: {  	v5 =	vadd.f32 v5, v6;
	_ =	sdelay $0x1  }
0x47b: {  	v6 =	vperm.xlane v5, v0;
	_ =	sdelay $0x1  }
0x47c: {  	v5 =	vadd.f32 v5, v6;
	_ =	sdelay $0x1  }
0x47d: {  	v6 =	vperm.xlane v5, v2  }
0x47e: {  	s31 =	sor.u32 $0xF, s22  }
0x47f: {  	v5 =	vadd.f32 v5, v6;
	v6 =	vmov s31  }
0x480: {  	v6 =	vshrl.u32 v6, $0x3  }
0x481: {  	v7 =	vperm.xlane v5, v3;
	v6 =	vshll.u32 v6, v4  }
0x482: {  	v6 =	vadd.s32 $0x7, v6  }
0x483: {  	v5 =	vadd.f32 v5, v7;
	v6 =	vbroadcast v6, $0x0  }
0x484: {  	p0 =	sne.s32 s18, $0x3  }
.Ltmp0:
0x485: {  	v7 =	vperm.xlane v5, v1;
	(pc) =	sbr.rel @p0 .LBB2_3-.Ltmp0, $3  }
0x486: {  	_ = 	snop  }
0x487: {  	v5 =	vadd.f32 v5, v7;
	_ =	sdelay $0x1  }
0x488: {  	s18 =	sadd.s32 $0x1, s18;
	[tilespmem:v6+s14+$0x0] =	vst.idx.msk vm15, v5  }
0x489: {  	s16 =	sadd.s32 $0x1, s16  }
0x48a: {  	p0 =	sne.s32 s16, $0x8  }
.Ltmp1:
0x48b: {  	_ = 	snop;
	(pc) =	sbr.rel @p0 .LBB2_2-.Ltmp1, $1  }
0x48c: {  	_ =	sdelay $0x3  }
0x48d: {  	s15 =	sadd.s32 $0x1, s15  }
0x48e: {  	p0 =	sne.s32 s15, s8  }
.Ltmp2:
0x48f: {  	_ = 	snop;
	(pc) =	sbr.rel @p0 .LBB2_1-.Ltmp2, $4  }
0x490: {  	[hbm4b:s7+s3] =	stream.linear.scatter [tilespmem:s14], [sflag:$0x3], $0x200, $0x38;
	[tilespmem:$0x7710] =	vst v63  }
0x491: {  	_ =	swait.ge [sflag:s9], $0x200  }
0x492: {  	[sflag:s9] =	ssyncset.done $0x0  }
0x493: {  	[sflag:s9] =	ssyncadd.s32 $0xFFFFFE00  }
0x494: {  	_ =	sfence.sel $0x180000  }
0x495: {  	[bflag:$0x0] =	sbarrier.arrive $0xFFFF  }
0x496: {  	p0 =	sne.s32 s4, $0x0;
	_ =	strace $0x90000047  }
0x497: {  	s0 =	sadd.s32 @!p0 $0x100000, s1;
	[bflag:$0x2] =	sbarrier.arrive $0xFFFF  }
0x498: {  	[sflag:s0] =	ssyncadd.tile.s32 @!p0 $0x1;
	_ =	shalt  }
.Lfunc_end2:
_tile_overlayer_lowered:
.L_overlay_start_2:
0x499: {  	(tag) =	ssettag $0x2  }
0x49a: {  	s0 =	rddreg [dreg:$0x0];
	s2 =	stileid.u32  }
0x49b: {  	s1 =	rddreg [dreg:$0x1];
	p0 =	sne.s32 s2, $0x0  }
0x49c: {  	s3 =	rddreg [dreg:$0x2];
	[bflag:$0x3] =	sbarrier.arrive $0xFFFF;
	s2 =	simm.s32 @!p0 $0x1C03  }
0x49d: {  	[timem:s3], [sflag:s2] =	dma.local @!p0 [hbm:s0], s1  }
0x49e: {  	s0 =	simm.s32 @!p0 $0x3  }
0x49f: {  	_ =	swait.ge @!p0 [sflag:s0], s1  }
0x4a0: {  	s1 =	ssub.s32 @!p0 $0x0, s1;
	[sflag:s0] =	ssyncset.done @!p0 $0x0  }
0x4a1: {  	[sflag:s0] =	ssyncadd.s32 @!p0 s1  }
0x4a2: {  	[bflag:$0x3] =	sbarrier.arrive $0xFFFF  }
0x4a3: {  	_ =	shalt  }

</sc_bundles>
